<compile_context>
chip_gen: v7x
topology: tpu7x:2x2x1
jax: 0.10.2.dev20260603
libtpu: 0.0.44.dev20260713+nightly
codegen_flags: <defaults>
</compile_context>

<pallas_src>
import functools

import numpy as np

import jax
import jax.numpy as jnp
from jax import lax
from jax.experimental import pallas as pl
from jax.experimental.pallas import tpu as pltpu
from jax.experimental.pallas import tpu_sc as plsc

N_NODES = 10000
N_EDGES = 320000
D = 128
AD = 16
EPS = 1e-5

NC = 2
NS = 16
NW = NC * NS
CHUNK = 128

_HI = -65536


def _pack_tc(lo, hi):
    lo16 = jax.lax.bitcast_convert_type(lo.astype(jnp.bfloat16),
                                        jnp.uint16).astype(jnp.uint32)
    hi16 = jax.lax.bitcast_convert_type(hi.astype(jnp.bfloat16),
                                        jnp.uint16).astype(jnp.uint32)
    return jax.lax.bitcast_convert_type(lo16 | (hi16 << 16), jnp.int32)


def _unpack_tc(w):
    lo = jax.lax.bitcast_convert_type(w << 16, jnp.float32)
    hi = jax.lax.bitcast_convert_type(w & _HI, jnp.float32)
    return lo, hi


_DNUM = (((1,), (1,)), ((), ()))


def _proj_body(x_ref, w_ref, td_ref, ts_ref):
    xv = x_ref[...]
    wv = w_ref[...]
    fd = jax.lax.dot_general(xv, wv[:D, :D], _DNUM,
                             preferred_element_type=jnp.float32)
    cd = jax.lax.dot_general(xv, wv[D:, :D], _DNUM,
                             preferred_element_type=jnp.float32)
    fs = jax.lax.dot_general(xv, wv[:D, D:2 * D], _DNUM,
                             preferred_element_type=jnp.float32)
    cs = jax.lax.dot_general(xv, wv[D:, D:2 * D], _DNUM,
                             preferred_element_type=jnp.float32)
    td_ref[...] = _pack_tc(fd, cd)
    ts_ref[...] = _pack_tc(fs, cs)


def _project(x, W):
    blk = 1000
    o_spec = pl.BlockSpec((blk, D), lambda i: (i, 0))
    o_shape = jax.ShapeDtypeStruct((N_NODES, D), jnp.int32)
    return pl.pallas_call(
        _proj_body,
        grid=(N_NODES // blk,),
        in_specs=[pl.BlockSpec((blk, D), lambda i: (i, 0)),
                  pl.BlockSpec((2 * D, 2 * D + AD), lambda i: (0, 0))],
        out_specs=[o_spec, o_spec],
        out_shape=[o_shape, o_shape],
    )(x, W)


CH_B = 40


@functools.cache
def _build_sc_gather_u(base, ne):
  epw = ne // NW
  nch = epw // CH_B
  mesh = plsc.VectorSubcoreMesh(core_axis_name="c", subcore_axis_name="s")

  @functools.partial(
      pl.kernel,
      mesh=mesh,
      out_type=jax.ShapeDtypeStruct((ne, D), jnp.int32),
      scratch_types=[
          pltpu.VMEM((epw,), jnp.int32),
          pltpu.VMEM((epw,), jnp.int32),
          pltpu.VMEM((2, CH_B, D), jnp.int32),
          pltpu.VMEM((2, CH_B, D), jnp.int32),
          pltpu.VMEM((2, CH_B, D), jnp.int32),
          pltpu.SemaphoreType.DMA,
          pltpu.SemaphoreType.DMA,
          pltpu.SemaphoreType.DMA,
          pltpu.SemaphoreType.DMA,
      ],
  )
  def _sc_gather_u(dst_h, src_h, td_h, ts_h,
                   u_h,
                   dix_v, six_v, btd_v, bts_v,
                   ou_v, sg0, sg1, so0, so1):
    cid = lax.axis_index("c")
    sid = lax.axis_index("s")
    w = sid * NC + cid
    e_base = w * epw
    pltpu.sync_copy(dst_h.at[pl.ds(base + e_base, epw)], dix_v)
    pltpu.sync_copy(src_h.at[pl.ds(base + e_base, epw)], six_v)
    sems = (sg0, sg1)
    osems = (so0, so1)

    def gather_copies(b, c):
        ids_d = dix_v.at[pl.ds(c * CH_B, CH_B)]
        ids_s = six_v.at[pl.ds(c * CH_B, CH_B)]
        sem = sems[b]
        return (pltpu.make_async_copy(td_h.at[ids_d], btd_v.at[b], sem),
                pltpu.make_async_copy(ts_h.at[ids_s], bts_v.at[b], sem))

    def issue_g(b, c):
        for cp in gather_copies(b, c):
            cp.start()

    def wait_g(b, c):
        for cp in gather_copies(b, c):
            cp.wait()

    rnd = np.uint32(0x8000)
    himask = np.uint32(0xFFFF0000)

    def add_chunk(b):
        def rbody(r, carry):
            for cc in range(D // 16):
                sl = pl.ds(cc * 16, 16)
                wd = btd_v[b, r, sl]
                ws = bts_v[b, r, sl]
                uf = (jax.lax.bitcast_convert_type(wd << 16, jnp.float32)
                      + jax.lax.bitcast_convert_type(ws << 16, jnp.float32))
                uc = (jax.lax.bitcast_convert_type(wd & _HI, jnp.float32)
                      + jax.lax.bitcast_convert_type(ws & _HI, jnp.float32))
                au = jax.lax.bitcast_convert_type(uf, jnp.uint32) + rnd
                bu = jax.lax.bitcast_convert_type(uc, jnp.uint32) + rnd
                wo = (au >> 16) | (bu & himask)
                ou_v[b, r, sl] = jax.lax.bitcast_convert_type(wo, jnp.int32)
            return carry
        lax.fori_loop(0, CH_B, rbody, 0)

    def out_copies(b, c):
        e0 = e_base + c * CH_B
        return (pltpu.make_async_copy(ou_v.at[b], u_h.at[pl.ds(e0, CH_B)],
                                      osems[b]),)

    issue_g(0, 0)
    issue_g(1, 1)

    def body(j, carry):
        for b in (0, 1):
            c = 2 * j + b

            @pl.when(c < nch)
            def _():
                wait_g(b, c)

                @pl.when(c >= 2)
                def _():
                    for cp in out_copies(b, c - 2):
                        cp.wait()

                add_chunk(b)
                for cp in out_copies(b, c):
                    cp.start()

                @pl.when(c + 2 < nch)
                def _():
                    issue_g(b, c + 2)
        return carry

    lax.fori_loop(0, (nch + 1) // 2, body, 0)
    last0 = nch - 1 if (nch - 1) % 2 == 0 else nch - 2
    last1 = nch - 1 if (nch - 1) % 2 == 1 else nch - 2
    for b, lc in ((0, last0), (1, last1)):
        for cp in out_copies(b, lc):
            cp.wait()

  return _sc_gather_u


def _stats_body(u_ref, a_ref, w_ref, sf_ref, qf_ref, sc_ref, qc_ref):
    i = pl.program_id(0)

    @pl.when(i == 0)
    def _():
        sf_ref[...] = jnp.zeros_like(sf_ref)
        qf_ref[...] = jnp.zeros_like(qf_ref)
        sc_ref[...] = jnp.zeros_like(sc_ref)
        qc_ref[...] = jnp.zeros_like(qc_ref)

    uf, uc = _unpack_tc(u_ref[...])
    av = a_ref[...]
    wv = w_ref[...]
    hf = uf + jax.lax.dot_general(av, wv[:D, 2 * D:], _DNUM,
                                  preferred_element_type=jnp.float32)
    hc = uc + jax.lax.dot_general(av, wv[D:, 2 * D:], _DNUM,
                                  preferred_element_type=jnp.float32)
    sf_ref[...] += jnp.sum(hf, axis=0, keepdims=True)
    qf_ref[...] += jnp.sum(hf * hf, axis=0, keepdims=True)
    sc_ref[...] += jnp.sum(hc, axis=0, keepdims=True)
    qc_ref[...] += jnp.sum(hc * hc, axis=0, keepdims=True)


def _stats(u, edge_attr, W, goff):
    blk = 2000
    ne = u.shape[0]
    r_spec = pl.BlockSpec((1, D), lambda i: (0, 0))
    r_shape = jax.ShapeDtypeStruct((1, D), jnp.float32)
    return pl.pallas_call(
        _stats_body,
        grid=(ne // blk,),
        in_specs=[pl.BlockSpec((blk, D), lambda i: (i, 0)),
                  pl.BlockSpec((blk, AD), lambda i: (i + goff, 0)),
                  pl.BlockSpec((2 * D, 2 * D + AD), lambda i: (0, 0))],
        out_specs=[r_spec, r_spec, r_spec, r_spec],
        out_shape=[r_shape, r_shape, r_shape, r_shape],
    )(u, edge_attr, W)


def _msg_body(u_ref, a_ref, w_ref, sf_ref, qf_ref, sc_ref, qc_ref,
              g1_ref, b1_ref, m_ref):
    n = jnp.float32(N_EDGES)
    g1 = g1_ref[...]
    b1 = b1_ref[...]
    mf = sf_ref[...] / n
    mc = sc_ref[...] / n
    vf = qf_ref[...] / n - mf * mf
    vc = qc_ref[...] / n - mc * mc
    scf = g1[:, :D] * lax.rsqrt(vf + EPS)
    scc = g1[:, D:] * lax.rsqrt(vc + EPS)
    shf = b1[:, :D] - mf * scf
    shc = b1[:, D:] - mc * scc

    uf, uc = _unpack_tc(u_ref[...])
    av = a_ref[...]
    wv = w_ref[...]
    hf = (uf + jax.lax.dot_general(av, wv[:D, 2 * D:], _DNUM,
                                   preferred_element_type=jnp.float32)
          ) * scf + shf
    hc = (uc + jax.lax.dot_general(av, wv[D:, 2 * D:], _DNUM,
                                   preferred_element_type=jnp.float32)
          ) * scc + shc
    m_ref[...] = jax.nn.sigmoid(hf) * jax.nn.softplus(hc)


def _msg(u, edge_attr, W, sf, qf, sc_, qc, gamma1, beta1, goff):
    blk = 2000
    ne = u.shape[0]
    r_spec = pl.BlockSpec((1, D), lambda i: (0, 0))
    v_spec = pl.BlockSpec((1, 2 * D), lambda i: (0, 0))
    return pl.pallas_call(
        _msg_body,
        grid=(ne // blk,),
        in_specs=[pl.BlockSpec((blk, D), lambda i: (i, 0)),
                  pl.BlockSpec((blk, AD), lambda i: (i + goff, 0)),
                  pl.BlockSpec((2 * D, 2 * D + AD), lambda i: (0, 0)),
                  r_spec, r_spec, r_spec, r_spec, v_spec, v_spec],
        out_specs=pl.BlockSpec((blk, D), lambda i: (i, 0)),
        out_shape=jax.ShapeDtypeStruct((ne, D), jnp.float32),
    )(u, edge_attr, W, sf, qf, sc_, qc, gamma1, beta1)


_ROWBLK = 1000


@functools.cache
def _build_sc_scatter(base, ne):
  cps = ne // CHUNK // NC
  iters = -(-cps // NS)
  mesh = plsc.VectorSubcoreMesh(core_axis_name="c", subcore_axis_name="s")

  @functools.partial(
      pl.kernel,
      mesh=mesh,
      out_type=jax.ShapeDtypeStruct((NC * N_NODES, D), jnp.float32),
      scratch_types=[
          pltpu.VMEM((2, CHUNK), jnp.int32),
          pltpu.VMEM((2, CHUNK, D), jnp.float32),
          pltpu.VMEM_SHARED((N_NODES, D), jnp.float32),
          pltpu.SemaphoreType.DMA,
          pltpu.SemaphoreType.DMA,
      ],
  )
  def _sc_scatter(dst_h, msg_h, zeros_h, part_h, idx_v, buf_v, acc_s,
                  sl0, sl1):
    cid = lax.axis_index("c")
    sid = lax.axis_index("s")

    @pl.when(sid < N_NODES // _ROWBLK)
    def _():
        r0 = sid * _ROWBLK
        pltpu.sync_copy(zeros_h.at[pl.ds(r0, _ROWBLK)],
                        acc_s.at[pl.ds(r0, _ROWBLK)])

    plsc.subcore_barrier()
    lo = cid * cps
    hi = lo + cps
    sems = (sl0, sl1)

    def load_copies(b, ch):
        e0 = ch * CHUNK
        return (pltpu.make_async_copy(dst_h.at[pl.ds(base + e0, CHUNK)],
                                      idx_v.at[b], sems[b]),
                pltpu.make_async_copy(msg_h.at[pl.ds(e0, CHUNK)],
                                      buf_v.at[b], sems[b]))

    def guarded_issue(b, ch):
        @pl.when(ch < hi)
        def _():
            for cp in load_copies(b, ch):
                cp.start()

    guarded_issue(0, lo + sid)
    guarded_issue(1, lo + sid + NS)

    def body(j, carry):
        for b in (0, 1):
            ch = lo + sid + (2 * j + b) * NS

            @pl.when(ch < hi)
            def _():
                for cp in load_copies(b, ch):
                    cp.wait()
                pltpu.sync_copy(buf_v.at[b], acc_s.at[idx_v.at[b]], add=True)
                guarded_issue(b, ch + 2 * NS)
        return carry

    lax.fori_loop(0, (iters + 1) // 2, body, 0)
    plsc.subcore_barrier()

    @pl.when(sid < N_NODES // _ROWBLK)
    def _():
        r0 = sid * _ROWBLK
        pltpu.sync_copy(acc_s.at[pl.ds(r0, _ROWBLK)],
                        part_h.at[pl.ds(cid * N_NODES + r0, _ROWBLK)])

  return _sc_scatter


def _final_body(p_ref, q_ref, x_ref, g2_ref, b2_ref, o_ref):
    nf = (p_ref[:N_NODES, :] + p_ref[N_NODES:, :]
          + q_ref[:N_NODES, :] + q_ref[N_NODES:, :])
    mu = jnp.mean(nf, axis=0, keepdims=True)
    cent = nf - mu
    var = jnp.mean(cent * cent, axis=0, keepdims=True)
    hn = cent * lax.rsqrt(var + EPS) * g2_ref[...] + b2_ref[...]
    o_ref[...] = jax.nn.softplus(hn + x_ref[...])


def _final(parts0, parts1, x, g2, b2):
    return pl.pallas_call(
        _final_body,
        out_shape=jax.ShapeDtypeStruct((N_NODES, D), jnp.float32),
    )(parts0, parts1, x, g2, b2)


def kernel(x, edge_index, edge_attr, W, b, gamma1, beta1, gamma2, beta2):
    src = edge_index[0]
    dst = edge_index[1]

    td, ts = _project(x, W)

    hne = N_EDGES // 2
    gather0 = _build_sc_gather_u(0, hne)
    gather1 = _build_sc_gather_u(hne, hne)
    u0 = gather0(dst, src, td, ts)
    u1 = gather1(dst, src, td, ts)

    s0 = _stats(u0, edge_attr, W, 0)
    s1 = _stats(u1, edge_attr, W, hne // 2000)
    sf, qf, sc_, qc = (a + b for a, b in zip(s0, s1))

    g1 = gamma1[None, :]
    b1 = beta1[None, :]
    msg0 = _msg(u0, edge_attr, W, sf, qf, sc_, qc, g1, b1, 0)
    msg1 = _msg(u1, edge_attr, W, sf, qf, sc_, qc, g1, b1, hne // 2000)

    zeros = jnp.zeros((N_NODES, D), jnp.float32)
    parts0 = _build_sc_scatter(0, hne)(dst, msg0, zeros)
    parts1 = _build_sc_scatter(hne, hne)(dst, msg1, zeros)

    return _final(parts0, parts1, x, gamma2[None, :], beta2[None, :])

# --- scband reference (transcript-rebuilt; emitter-appended) ---
"""Pipeline reference for scband-substrate-conv-layer-37941741093155 (READ-ONLY COPY).

The authoritative reference and input builder live on the scoring server;
editing this copy changes nothing except your own understanding.
"""

import jax, jax.numpy as jnp
import numpy as np

O_DIM = 128
E_DIM = 16
N_NODES = 10000
N_EDGES = 320000
EPS = 1e-5


def setup_inputs(seed: int = 0) -> dict:
    key = jax.random.key(seed)
    ks = jax.random.split(key, 8)
    x = jax.random.normal(ks[0], (N_NODES, O_DIM), dtype=jnp.float32)
    edge_index = jax.random.randint(ks[1], (2, N_EDGES), 0, N_NODES, dtype=jnp.int32)
    edge_attr = jax.random.normal(ks[2], (N_EDGES, E_DIM), dtype=jnp.float32)
    fan_in = 2 * O_DIM + E_DIM
    fan_out = 2 * O_DIM
    std = np.sqrt(2.0 / (fan_in + fan_out))
    W = jax.random.normal(ks[3], (fan_out, fan_in), dtype=jnp.float32) * std
    b = jnp.zeros((fan_out,), dtype=jnp.float32)
    gamma1 = jnp.ones((fan_out,), dtype=jnp.float32)
    beta1 = jnp.zeros((fan_out,), dtype=jnp.float32)
    gamma2 = jnp.ones((O_DIM,), dtype=jnp.float32)
    beta2 = jnp.zeros((O_DIM,), dtype=jnp.float32)
    return {"x": x, "edge_index": edge_index, "edge_attr": edge_attr,
            "W": W, "b": b, "gamma1": gamma1, "beta1": beta1,
            "gamma2": gamma2, "beta2": beta2}


def _batchnorm(h, gamma, beta):
    mean = jnp.mean(h, axis=0)
    var = jnp.var(h, axis=0)  # biased, matches torch BN training normalization
    return (h - mean) / jnp.sqrt(var + EPS) * gamma + beta


def reference(x, edge_index, edge_attr, W, b, gamma1, beta1, gamma2, beta2):
    src = edge_index[0]
    dst = edge_index[1]
    # edge_convolution: cat([dst_feat, src_feat, edge_feat])
    cat_feat = jnp.concatenate([jnp.take(x, dst, axis=0),
                                jnp.take(x, src, axis=0),
                                edge_attr], axis=1)
    # self.conv (Linear)
    h = cat_feat @ W.T + b
    # bn1 (training-mode batch stats)
    h = _batchnorm(h, gamma1, beta1)
    # mul_reduction: chunk -> sigmoid(filter) * softplus(core), sum over incoming edges
    conv_filter, conv_core = jnp.split(h, 2, axis=-1)
    msg = jax.nn.sigmoid(conv_filter) * jax.nn.softplus(conv_core)
    node_feat = jax.ops.segment_sum(msg, dst, num_segments=x.shape[0])
    # bn2 + residual + softplus
    node_feat = _batchnorm(node_feat, gamma2, beta2)
    return jax.nn.softplus(node_feat + x)

if __name__ == "__main__":
    import jax
    _d = setup_inputs()
    print(jax.jit(kernel)(*tuple(_d.values())))

</pallas_src>

<mosaic_0001>
#map = affine_map<(d0, d1) -> (0)>
#map1 = affine_map<(d0, d1) -> (0, 0)>
module attributes {stable_mosaic.version = 14 : i64} {
  func.func @_sc_gather_u(%arg0: i32, %arg1: i32, %arg2: memref<320000xi32, #tpu.memory_space<hbm>>, %arg3: memref<320000xi32, #tpu.memory_space<hbm>>, %arg4: memref<10000x128xi32, #tpu.memory_space<hbm>>, %arg5: memref<10000x128xi32, #tpu.memory_space<hbm>>, %arg6: memref<160000x128xi32, #tpu.memory_space<hbm>>, %arg7: memref<5000xi32, #tpu.memory_space<vmem>>, %arg8: memref<5000xi32, #tpu.memory_space<vmem>>, %arg9: memref<2x40x128xi32, #tpu.memory_space<vmem>>, %arg10: memref<2x40x128xi32, #tpu.memory_space<vmem>>, %arg11: memref<2x40x128xi32, #tpu.memory_space<vmem>>, %arg12: memref<!tpu.dma_semaphore, #tpu.memory_space<semaphore_mem>>, %arg13: memref<!tpu.dma_semaphore, #tpu.memory_space<semaphore_mem>>, %arg14: memref<!tpu.dma_semaphore, #tpu.memory_space<semaphore_mem>>, %arg15: memref<!tpu.dma_semaphore, #tpu.memory_space<semaphore_mem>>) attributes {dimension_semantics = [#tpu.dimension_semantics<core_parallel>, #tpu.dimension_semantics<subcore_parallel>], iteration_bounds = array<i64: 2, 16>, scalar_prefetch = 0 : i64, scratch_operands = 9 : i64, tpu.core_type = #tpu.core_type<sc_vector_subcore>, window_params = [{transform_indices = #map}, {transform_indices = #map}, {transform_indices = #map1}, {transform_indices = #map1}, {transform_indices = #map1}]} {
    %mul3A = arith.constant 2 : i32
    %mul3A_0 = arith.muli %arg1, %mul3A : i32
    %add3A = arith.addi %mul3A_0, %arg0 : i32
    %mul3A_1 = arith.constant 5000 : i32
    %mul3A_2 = arith.muli %add3A, %mul3A_1 : i32
    %add3A_3 = arith.constant 160000 : i32
    %add3A_4 = arith.addi %add3A_3, %mul3A_2 : i32
    "tpu.region"() ({
      %run_scoped3A = tpu.sem_alloc : memref<!tpu.dma_semaphore, #tpu.memory_space<semaphore_mem>>
      %dma_start3A_80 = tpu.memref_slice %arg2[%add3A_4] : memref<320000xi32, #tpu.memory_space<hbm>> -> memref<5000xi32, #tpu.memory_space<hbm>>
      %dma_start3A_81 = tpu.memref_slice %arg2[%add3A_4] : memref<320000xi32, #tpu.memory_space<hbm>> -> memref<5000xi32, #tpu.memory_space<hbm>>
      tpu.enqueue_dma source(%dma_start3A_81 : memref<5000xi32, #tpu.memory_space<hbm>>) target(%arg7 : memref<5000xi32, #tpu.memory_space<vmem>>) target_semaphore(%run_scoped3A : memref<!tpu.dma_semaphore, #tpu.memory_space<semaphore_mem>>)
      %dma_wait3A_82 = tpu.memref_slice %arg2[%add3A_4] : memref<320000xi32, #tpu.memory_space<hbm>> -> memref<5000xi32, #tpu.memory_space<hbm>>
      %dma_wait3A_83 = tpu.memref_slice %arg2[%add3A_4] : memref<320000xi32, #tpu.memory_space<hbm>> -> memref<5000xi32, #tpu.memory_space<hbm>>
      tpu.wait_dma2 semaphore(%run_scoped3A : memref<!tpu.dma_semaphore, #tpu.memory_space<semaphore_mem>>) src(%dma_wait3A_83 : memref<5000xi32, #tpu.memory_space<hbm>>) dst(%arg7 : memref<5000xi32, #tpu.memory_space<vmem>>)
      tpu.yield
    }) : () -> ()
    %add3A_5 = arith.constant 160000 : i32
    %add3A_6 = arith.addi %add3A_5, %mul3A_2 : i32
    "tpu.region"() ({
      %run_scoped3A = tpu.sem_alloc : memref<!tpu.dma_semaphore, #tpu.memory_space<semaphore_mem>>
      %dma_start3A_80 = tpu.memref_slice %arg3[%add3A_6] : memref<320000xi32, #tpu.memory_space<hbm>> -> memref<5000xi32, #tpu.memory_space<hbm>>
      %dma_start3A_81 = tpu.memref_slice %arg3[%add3A_6] : memref<320000xi32, #tpu.memory_space<hbm>> -> memref<5000xi32, #tpu.memory_space<hbm>>
      tpu.enqueue_dma source(%dma_start3A_81 : memref<5000xi32, #tpu.memory_space<hbm>>) target(%arg8 : memref<5000xi32, #tpu.memory_space<vmem>>) target_semaphore(%run_scoped3A : memref<!tpu.dma_semaphore, #tpu.memory_space<semaphore_mem>>)
      %dma_wait3A_82 = tpu.memref_slice %arg3[%add3A_6] : memref<320000xi32, #tpu.memory_space<hbm>> -> memref<5000xi32, #tpu.memory_space<hbm>>
      %dma_wait3A_83 = tpu.memref_slice %arg3[%add3A_6] : memref<320000xi32, #tpu.memory_space<hbm>> -> memref<5000xi32, #tpu.memory_space<hbm>>
      tpu.wait_dma2 semaphore(%run_scoped3A : memref<!tpu.dma_semaphore, #tpu.memory_space<semaphore_mem>>) src(%dma_wait3A_83 : memref<5000xi32, #tpu.memory_space<hbm>>) dst(%arg8 : memref<5000xi32, #tpu.memory_space<vmem>>)
      tpu.yield
    }) : () -> ()
    %dma_start3A = arith.constant 0 : i32
    %dma_start3A_7 = arith.constant 0 : i32
    %dma_start3A_8 = arith.constant 0 : i32
    %dma_start3A_9 = tpu.memref_slice %arg9[%dma_start3A, %dma_start3A_7, %dma_start3A_8] : memref<2x40x128xi32, #tpu.memory_space<vmem>> -> memref<1x40x128xi32, #tpu.memory_space<vmem>>
    %dma_start3A_10 = tpu.memref_squeeze %dma_start3A_9 : memref<1x40x128xi32, #tpu.memory_space<vmem>> -> memref<40x128xi32, #tpu.memory_space<vmem>>
    %dma_start3A_11 = arith.constant 0 : i32
    %dma_start3A_12 = tpu.memref_slice %arg7[%dma_start3A_11] : memref<5000xi32, #tpu.memory_space<vmem>> -> memref<40xi32, #tpu.memory_space<vmem>>
    %dma_start3A_13 = arith.constant 0 : i32
    %dma_start3A_14 = arith.constant 0 : i32
    %dma_start3A_15 = tpu.memref_slice %arg4[%dma_start3A_13, %dma_start3A_14] : memref<10000x128xi32, #tpu.memory_space<hbm>> -> memref<10000x128xi32, #tpu.memory_space<hbm>>
    tpu.enqueue_indirect_dma source(%dma_start3A_15 : memref<10000x128xi32, #tpu.memory_space<hbm>>) target(%dma_start3A_10 : memref<40x128xi32, #tpu.memory_space<vmem>>) offsets(%dma_start3A_12 : memref<40xi32, #tpu.memory_space<vmem>>) semaphore(%arg12 : memref<!tpu.dma_semaphore, #tpu.memory_space<semaphore_mem>>)
    %dma_start3A_16 = arith.constant 0 : i32
    %dma_start3A_17 = arith.constant 0 : i32
    %dma_start3A_18 = arith.constant 0 : i32
    %dma_start3A_19 = tpu.memref_slice %arg10[%dma_start3A_16, %dma_start3A_17, %dma_start3A_18] : memref<2x40x128xi32, #tpu.memory_space<vmem>> -> memref<1x40x128xi32, #tpu.memory_space<vmem>>
    %dma_start3A_20 = tpu.memref_squeeze %dma_start3A_19 : memref<1x40x128xi32, #tpu.memory_space<vmem>> -> memref<40x128xi32, #tpu.memory_space<vmem>>
    %dma_start3A_21 = arith.constant 0 : i32
    %dma_start3A_22 = tpu.memref_slice %arg8[%dma_start3A_21] : memref<5000xi32, #tpu.memory_space<vmem>> -> memref<40xi32, #tpu.memory_space<vmem>>
    %dma_start3A_23 = arith.constant 0 : i32
    %dma_start3A_24 = arith.constant 0 : i32
    %dma_start3A_25 = tpu.memref_slice %arg5[%dma_start3A_23, %dma_start3A_24] : memref<10000x128xi32, #tpu.memory_space<hbm>> -> memref<10000x128xi32, #tpu.memory_space<hbm>>
    tpu.enqueue_indirect_dma source(%dma_start3A_25 : memref<10000x128xi32, #tpu.memory_space<hbm>>) target(%dma_start3A_20 : memref<40x128xi32, #tpu.memory_space<vmem>>) offsets(%dma_start3A_22 : memref<40xi32, #tpu.memory_space<vmem>>) semaphore(%arg12 : memref<!tpu.dma_semaphore, #tpu.memory_space<semaphore_mem>>)
    %dma_start3A_26 = arith.constant 1 : i32
    %dma_start3A_27 = arith.constant 0 : i32
    %dma_start3A_28 = arith.constant 0 : i32
    %dma_start3A_29 = tpu.memref_slice %arg9[%dma_start3A_26, %dma_start3A_27, %dma_start3A_28] : memref<2x40x128xi32, #tpu.memory_space<vmem>> -> memref<1x40x128xi32, #tpu.memory_space<vmem>>
    %dma_start3A_30 = tpu.memref_squeeze %dma_start3A_29 : memref<1x40x128xi32, #tpu.memory_space<vmem>> -> memref<40x128xi32, #tpu.memory_space<vmem>>
    %dma_start3A_31 = arith.constant 40 : i32
    %dma_start3A_32 = tpu.memref_slice %arg7[%dma_start3A_31] : memref<5000xi32, #tpu.memory_space<vmem>> -> memref<40xi32, #tpu.memory_space<vmem>>
    %dma_start3A_33 = arith.constant 0 : i32
    %dma_start3A_34 = arith.constant 0 : i32
    %dma_start3A_35 = tpu.memref_slice %arg4[%dma_start3A_33, %dma_start3A_34] : memref<10000x128xi32, #tpu.memory_space<hbm>> -> memref<10000x128xi32, #tpu.memory_space<hbm>>
    tpu.enqueue_indirect_dma source(%dma_start3A_35 : memref<10000x128xi32, #tpu.memory_space<hbm>>) target(%dma_start3A_30 : memref<40x128xi32, #tpu.memory_space<vmem>>) offsets(%dma_start3A_32 : memref<40xi32, #tpu.memory_space<vmem>>) semaphore(%arg13 : memref<!tpu.dma_semaphore, #tpu.memory_space<semaphore_mem>>)
    %dma_start3A_36 = arith.constant 1 : i32
    %dma_start3A_37 = arith.constant 0 : i32
    %dma_start3A_38 = arith.constant 0 : i32
    %dma_start3A_39 = tpu.memref_slice %arg10[%dma_start3A_36, %dma_start3A_37, %dma_start3A_38] : memref<2x40x128xi32, #tpu.memory_space<vmem>> -> memref<1x40x128xi32, #tpu.memory_space<vmem>>
    %dma_start3A_40 = tpu.memref_squeeze %dma_start3A_39 : memref<1x40x128xi32, #tpu.memory_space<vmem>> -> memref<40x128xi32, #tpu.memory_space<vmem>>
    %dma_start3A_41 = arith.constant 40 : i32
    %dma_start3A_42 = tpu.memref_slice %arg8[%dma_start3A_41] : memref<5000xi32, #tpu.memory_space<vmem>> -> memref<40xi32, #tpu.memory_space<vmem>>
    %dma_start3A_43 = arith.constant 0 : i32
    %dma_start3A_44 = arith.constant 0 : i32
    %dma_start3A_45 = tpu.memref_slice %arg5[%dma_start3A_43, %dma_start3A_44] : memref<10000x128xi32, #tpu.memory_space<hbm>> -> memref<10000x128xi32, #tpu.memory_space<hbm>>
    tpu.enqueue_indirect_dma source(%dma_start3A_45 : memref<10000x128xi32, #tpu.memory_space<hbm>>) target(%dma_start3A_40 : memref<40x128xi32, #tpu.memory_space<vmem>>) offsets(%dma_start3A_42 : memref<40xi32, #tpu.memory_space<vmem>>) semaphore(%arg13 : memref<!tpu.dma_semaphore, #tpu.memory_space<semaphore_mem>>)
    %scan3A = arith.constant 0 : i32
    %scan3A_46 = arith.constant 0 : i32
    %scan3A_47 = arith.constant 63 : i32
    %scan3A_48 = arith.addi %scan3A_46, %scan3A_47 : i32
    %scan3A_49 = arith.constant 1 : i32
    scf.for %scan3A_80 = %scan3A_46 to %scan3A_48 step %scan3A_49  : i32 {
      %mul3A_81 = arith.constant 2 : i32
      %mul3A_82 = arith.muli %mul3A_81, %scan3A_80 : i32
      %add3A_83 = arith.constant 0 : i32
      %add3A_84 = arith.addi %mul3A_82, %add3A_83 : i32
      %lt3A = arith.constant 125 : i32
      %lt3A_85 = arith.cmpi slt, %add3A_84, %lt3A : i32
      %convert_element_type3A = arith.extui %lt3A_85 : i1 to i32
      %cond3A = arith.constant 0 : i32
      %cond3A_86 = arith.cmpi ne, %convert_element_type3A, %cond3A : i32
      scf.if %cond3A_86 {
        %mul3A_96 = arith.constant 40 : i32
        %mul3A_97 = arith.muli %add3A_84, %mul3A_96 : i32
        %mul3A_98 = arith.constant 40 : i32
        %mul3A_99 = arith.muli %add3A_84, %mul3A_98 : i32
        %dma_wait3A_100 = arith.constant 0 : i32
        %dma_wait3A_101 = arith.constant 0 : i32
        %dma_wait3A_102 = arith.constant 0 : i32
        %dma_wait3A_103 = tpu.memref_slice %arg9[%dma_wait3A_100, %dma_wait3A_101, %dma_wait3A_102] : memref<2x40x128xi32, #tpu.memory_space<vmem>> -> memref<1x40x128xi32, #tpu.memory_space<vmem>>
        %dma_wait3A_104 = tpu.memref_squeeze %dma_wait3A_103 : memref<1x40x128xi32, #tpu.memory_space<vmem>> -> memref<40x128xi32, #tpu.memory_space<vmem>>
        %dma_wait3A_105 = tpu.memref_slice %arg7[%mul3A_97] : memref<5000xi32, #tpu.memory_space<vmem>> -> memref<40xi32, #tpu.memory_space<vmem>>
        %dma_wait3A_106 = arith.constant 0 : i32
        %dma_wait3A_107 = arith.constant 0 : i32
        %dma_wait3A_108 = tpu.memref_slice %arg4[%dma_wait3A_106, %dma_wait3A_107] : memref<10000x128xi32, #tpu.memory_space<hbm>> -> memref<10000x128xi32, #tpu.memory_space<hbm>>
        tpu.wait_indirect_dma semaphore(%arg12 : memref<!tpu.dma_semaphore, #tpu.memory_space<semaphore_mem>>) src(%dma_wait3A_108 : memref<10000x128xi32, #tpu.memory_space<hbm>>) dst(%dma_wait3A_104 : memref<40x128xi32, #tpu.memory_space<vmem>>)
        %dma_wait3A_109 = arith.constant 0 : i32
        %dma_wait3A_110 = arith.constant 0 : i32
        %dma_wait3A_111 = arith.constant 0 : i32
        %dma_wait3A_112 = tpu.memref_slice %arg10[%dma_wait3A_109, %dma_wait3A_110, %dma_wait3A_111] : memref<2x40x128xi32, #tpu.memory_space<vmem>> -> memref<1x40x128xi32, #tpu.memory_space<vmem>>
        %dma_wait3A_113 = tpu.memref_squeeze %dma_wait3A_112 : memref<1x40x128xi32, #tpu.memory_space<vmem>> -> memref<40x128xi32, #tpu.memory_space<vmem>>
        %dma_wait3A_114 = tpu.memref_slice %arg8[%mul3A_99] : memref<5000xi32, #tpu.memory_space<vmem>> -> memref<40xi32, #tpu.memory_space<vmem>>
        %dma_wait3A_115 = arith.constant 0 : i32
        %dma_wait3A_116 = arith.constant 0 : i32
        %dma_wait3A_117 = tpu.memref_slice %arg5[%dma_wait3A_115, %dma_wait3A_116] : memref<10000x128xi32, #tpu.memory_space<hbm>> -> memref<10000x128xi32, #tpu.memory_space<hbm>>
        tpu.wait_indirect_dma semaphore(%arg12 : memref<!tpu.dma_semaphore, #tpu.memory_space<semaphore_mem>>) src(%dma_wait3A_117 : memref<10000x128xi32, #tpu.memory_space<hbm>>) dst(%dma_wait3A_113 : memref<40x128xi32, #tpu.memory_space<vmem>>)
        %ge3A = arith.constant 2 : i32
        %ge3A_118 = arith.cmpi sge, %add3A_84, %ge3A : i32
        %convert_element_type3A_119 = arith.extui %ge3A_118 : i1 to i32
        %cond3A_120 = arith.constant 0 : i32
        %cond3A_121 = arith.cmpi ne, %convert_element_type3A_119, %cond3A_120 : i32
        scf.if %cond3A_121 {
          %sub3A = arith.constant 2 : i32
          %sub3A_151 = arith.subi %add3A_84, %sub3A : i32
          %mul3A_152 = arith.constant 40 : i32
          %mul3A_153 = arith.muli %sub3A_151, %mul3A_152 : i32
          %add3A_154 = arith.addi %mul3A_2, %mul3A_153 : i32
          %dma_wait3A_155 = arith.constant 0 : i32
          %dma_wait3A_156 = arith.constant 0 : i32
          %dma_wait3A_157 = arith.constant 0 : i32
          %dma_wait3A_158 = tpu.memref_slice %arg11[%dma_wait3A_155, %dma_wait3A_156, %dma_wait3A_157] : memref<2x40x128xi32, #tpu.memory_space<vmem>> -> memref<1x40x128xi32, #tpu.memory_space<vmem>>
          %dma_wait3A_159 = tpu.memref_squeeze %dma_wait3A_158 : memref<1x40x128xi32, #tpu.memory_space<vmem>> -> memref<40x128xi32, #tpu.memory_space<vmem>>
          %dma_wait3A_160 = arith.constant 0 : i32
          %dma_wait3A_161 = tpu.memref_slice %arg6[%add3A_154, %dma_wait3A_160] : memref<160000x128xi32, #tpu.memory_space<hbm>> -> memref<40x128xi32, #tpu.memory_space<hbm>>
          %dma_wait3A_162 = arith.constant 0 : i32
          %dma_wait3A_163 = tpu.memref_slice %arg6[%add3A_154, %dma_wait3A_162] : memref<160000x128xi32, #tpu.memory_space<hbm>> -> memref<40x128xi32, #tpu.memory_space<hbm>>
          %dma_wait3A_164 = arith.constant 0 : i32
          %dma_wait3A_165 = arith.constant 0 : i32
          %dma_wait3A_166 = tpu.memref_slice %arg11[%dma_wait3A_155, %dma_wait3A_164, %dma_wait3A_165] : memref<2x40x128xi32, #tpu.memory_space<vmem>> -> memref<1x40x128xi32, #tpu.memory_space<vmem>>
          %dma_wait3A_167 = tpu.memref_squeeze %dma_wait3A_166 : memref<1x40x128xi32, #tpu.memory_space<vmem>> -> memref<40x128xi32, #tpu.memory_space<vmem>>
          tpu.wait_dma2 semaphore(%arg14 : memref<!tpu.dma_semaphore, #tpu.memory_space<semaphore_mem>>) src(%dma_wait3A_167 : memref<40x128xi32, #tpu.memory_space<vmem>>) dst(%dma_wait3A_163 : memref<40x128xi32, #tpu.memory_space<hbm>>)
        } else {
        }
        %scan3A_122 = arith.constant 0 : i32
        %scan3A_123 = arith.constant 0 : i32
        %scan3A_124 = arith.constant 40 : i32
        %scan3A_125 = arith.addi %scan3A_123, %scan3A_124 : i32
        %scan3A_126 = arith.constant 1 : i32
        scf.for %scan3A_151 = %scan3A_123 to %scan3A_125 step %scan3A_126  : i32 {
          %get3A = arith.constant 0 : i32
          %get3A_152 = arith.index_cast %get3A : i32 to index
          %get3A_153 = arith.index_cast %scan3A_151 : i32 to index
          %get3A_154 = arith.constant 0 : index
          %get3A_155 = tpu.vector_load %arg9[%get3A_152, %get3A_153, %get3A_154] {strides = array<i32>} : memref<2x40x128xi32, #tpu.memory_space<vmem>>, vector<1x1x16xi32>,
          %get3A_156 = vector.shape_cast %get3A_155 : vector<1x1x16xi32> to vector<16xi32>
          %get3A_157 = arith.constant 0 : i32
          %get3A_158 = arith.index_cast %get3A_157 : i32 to index
          %get3A_159 = arith.index_cast %scan3A_151 : i32 to index
          %get3A_160 = arith.constant 0 : index
          %get3A_161 = tpu.vector_load %arg10[%get3A_158, %get3A_159, %get3A_160] {strides = array<i32>} : memref<2x40x128xi32, #tpu.memory_space<vmem>>, vector<1x1x16xi32>,
          %get3A_162 = vector.shape_cast %get3A_161 : vector<1x1x16xi32> to vector<16xi32>
          %shift_left3A = arith.constant 16 : i32
          %shift_left3A_163 = vector.broadcast %shift_left3A : i32 to vector<16xi32>
          %shift_left3A_164 = arith.shli %get3A_156, %shift_left3A_163 : vector<16xi32>
          %bitcast_convert_type3A = tpu.bitcast %shift_left3A_164 : vector<16xi32> -> vector<16xf32>
          %shift_left3A_165 = arith.constant 16 : i32
          %shift_left3A_166 = vector.broadcast %shift_left3A_165 : i32 to vector<16xi32>
          %shift_left3A_167 = arith.shli %get3A_162, %shift_left3A_166 : vector<16xi32>
          %bitcast_convert_type3A_168 = tpu.bitcast %shift_left3A_167 : vector<16xi32> -> vector<16xf32>
          %add3A_169 = arith.addf %bitcast_convert_type3A, %bitcast_convert_type3A_168 : vector<16xf32>
          %and3A = arith.constant -65536 : i32
          %and3A_170 = vector.broadcast %and3A : i32 to vector<16xi32>
          %and3A_171 = arith.andi %get3A_156, %and3A_170 : vector<16xi32>
          %bitcast_convert_type3A_172 = tpu.bitcast %and3A_171 : vector<16xi32> -> vector<16xf32>
          %and3A_173 = arith.constant -65536 : i32
          %and3A_174 = vector.broadcast %and3A_173 : i32 to vector<16xi32>
          %and3A_175 = arith.andi %get3A_162, %and3A_174 : vector<16xi32>
          %bitcast_convert_type3A_176 = tpu.bitcast %and3A_175 : vector<16xi32> -> vector<16xf32>
          %add3A_177 = arith.addf %bitcast_convert_type3A_172, %bitcast_convert_type3A_176 : vector<16xf32>
          %bitcast_convert_type3A_178 = tpu.bitcast %add3A_169 : vector<16xf32> -> vector<16xi32>
          %add3A_179 = arith.constant 32768 : i32
          %add3A_180 = vector.broadcast %add3A_179 : i32 to vector<16xi32>
          %add3A_181 = arith.addi %bitcast_convert_type3A_178, %add3A_180 : vector<16xi32>
          %bitcast_convert_type3A_182 = tpu.bitcast %add3A_177 : vector<16xf32> -> vector<16xi32>
          %add3A_183 = arith.constant 32768 : i32
          %add3A_184 = vector.broadcast %add3A_183 : i32 to vector<16xi32>
          %add3A_185 = arith.addi %bitcast_convert_type3A_182, %add3A_184 : vector<16xi32>
          %shift_right_logical3A = arith.constant 16 : i32
          %shift_right_logical3A_186 = vector.broadcast %shift_right_logical3A : i32 to vector<16xi32>
          %shift_right_logical3A_187 = arith.shrui %add3A_181, %shift_right_logical3A_186 : vector<16xi32>
          %and3A_188 = arith.constant -65536 : i32
          %and3A_189 = vector.broadcast %and3A_188 : i32 to vector<16xi32>
          %and3A_190 = arith.andi %add3A_185, %and3A_189 : vector<16xi32>
          %or3A = arith.ori %shift_right_logical3A_187, %and3A_190 : vector<16xi32>
          %bitcast_convert_type3A_191 = tpu.bitcast %or3A : vector<16xi32> -> vector<16xi32>
          %swap3A = arith.constant 0 : i32
          %swap3A_192 = arith.index_cast %swap3A : i32 to index
          %swap3A_193 = arith.index_cast %scan3A_151 : i32 to index
          %swap3A_194 = arith.constant 0 : index
          %swap3A_195 = tpu.vector_load %arg11[%swap3A_192, %swap3A_193, %swap3A_194] {strides = array<i32>} : memref<2x40x128xi32, #tpu.memory_space<vmem>>, vector<1x1x16xi32>,
          %swap3A_196 = vector.shape_cast %swap3A_195 : vector<1x1x16xi32> to vector<16xi32>
          %swap3A_197 = vector.shape_cast %bitcast_convert_type3A_191 : vector<16xi32> to vector<1x1x16xi32>
          tpu.vector_store %arg11[%swap3A_192, %swap3A_193, %swap3A_194], %swap3A_197 {strides = array<i32>} : memref<2x40x128xi32, #tpu.memory_space<vmem>>, vector<1x1x16xi32>,
          %get3A_198 = arith.constant 0 : i32
          %get3A_199 = arith.index_cast %get3A_198 : i32 to index
          %get3A_200 = arith.index_cast %scan3A_151 : i32 to index
          %get3A_201 = arith.constant 16 : index
          %get3A_202 = tpu.vector_load %arg9[%get3A_199, %get3A_200, %get3A_201] {strides = array<i32>} : memref<2x40x128xi32, #tpu.memory_space<vmem>>, vector<1x1x16xi32>,
          %get3A_203 = vector.shape_cast %get3A_202 : vector<1x1x16xi32> to vector<16xi32>
          %get3A_204 = arith.constant 0 : i32
          %get3A_205 = arith.index_cast %get3A_204 : i32 to index
          %get3A_206 = arith.index_cast %scan3A_151 : i32 to index
          %get3A_207 = arith.constant 16 : index
          %get3A_208 = tpu.vector_load %arg10[%get3A_205, %get3A_206, %get3A_207] {strides = array<i32>} : memref<2x40x128xi32, #tpu.memory_space<vmem>>, vector<1x1x16xi32>,
          %get3A_209 = vector.shape_cast %get3A_208 : vector<1x1x16xi32> to vector<16xi32>
          %shift_left3A_210 = arith.constant 16 : i32
          %shift_left3A_211 = vector.broadcast %shift_left3A_210 : i32 to vector<16xi32>
          %shift_left3A_212 = arith.shli %get3A_203, %shift_left3A_211 : vector<16xi32>
          %bitcast_convert_type3A_213 = tpu.bitcast %shift_left3A_212 : vector<16xi32> -> vector<16xf32>
          %shift_left3A_214 = arith.constant 16 : i32
          %shift_left3A_215 = vector.broadcast %shift_left3A_214 : i32 to vector<16xi32>
          %shift_left3A_216 = arith.shli %get3A_209, %shift_left3A_215 : vector<16xi32>
          %bitcast_convert_type3A_217 = tpu.bitcast %shift_left3A_216 : vector<16xi32> -> vector<16xf32>
          %add3A_218 = arith.addf %bitcast_convert_type3A_213, %bitcast_convert_type3A_217 : vector<16xf32>
          %and3A_219 = arith.constant -65536 : i32
          %and3A_220 = vector.broadcast %and3A_219 : i32 to vector<16xi32>
          %and3A_221 = arith.andi %get3A_203, %and3A_220 : vector<16xi32>
          %bitcast_convert_type3A_222 = tpu.bitcast %and3A_221 : vector<16xi32> -> vector<16xf32>
          %and3A_223 = arith.constant -65536 : i32
          %and3A_224 = vector.broadcast %and3A_223 : i32 to vector<16xi32>
          %and3A_225 = arith.andi %get3A_209, %and3A_224 : vector<16xi32>
          %bitcast_convert_type3A_226 = tpu.bitcast %and3A_225 : vector<16xi32> -> vector<16xf32>
          %add3A_227 = arith.addf %bitcast_convert_type3A_222, %bitcast_convert_type3A_226 : vector<16xf32>
          %bitcast_convert_type3A_228 = tpu.bitcast %add3A_218 : vector<16xf32> -> vector<16xi32>
          %add3A_229 = arith.constant 32768 : i32
          %add3A_230 = vector.broadcast %add3A_229 : i32 to vector<16xi32>
          %add3A_231 = arith.addi %bitcast_convert_type3A_228, %add3A_230 : vector<16xi32>
          %bitcast_convert_type3A_232 = tpu.bitcast %add3A_227 : vector<16xf32> -> vector<16xi32>
          %add3A_233 = arith.constant 32768 : i32
          %add3A_234 = vector.broadcast %add3A_233 : i32 to vector<16xi32>
          %add3A_235 = arith.addi %bitcast_convert_type3A_232, %add3A_234 : vector<16xi32>
          %shift_right_logical3A_236 = arith.constant 16 : i32
          %shift_right_logical3A_237 = vector.broadcast %shift_right_logical3A_236 : i32 to vector<16xi32>
          %shift_right_logical3A_238 = arith.shrui %add3A_231, %shift_right_logical3A_237 : vector<16xi32>
          %and3A_239 = arith.constant -65536 : i32
          %and3A_240 = vector.broadcast %and3A_239 : i32 to vector<16xi32>
          %and3A_241 = arith.andi %add3A_235, %and3A_240 : vector<16xi32>
          %or3A_242 = arith.ori %shift_right_logical3A_238, %and3A_241 : vector<16xi32>
          %bitcast_convert_type3A_243 = tpu.bitcast %or3A_242 : vector<16xi32> -> vector<16xi32>
          %swap3A_244 = arith.constant 0 : i32
          %swap3A_245 = arith.index_cast %swap3A_244 : i32 to index
          %swap3A_246 = arith.index_cast %scan3A_151 : i32 to index
          %swap3A_247 = arith.constant 16 : index
          %swap3A_248 = tpu.vector_load %arg11[%swap3A_245, %swap3A_246, %swap3A_247] {strides = array<i32>} : memref<2x40x128xi32, #tpu.memory_space<vmem>>, vector<1x1x16xi32>,
          %swap3A_249 = vector.shape_cast %swap3A_248 : vector<1x1x16xi32> to vector<16xi32>
          %swap3A_250 = vector.shape_cast %bitcast_convert_type3A_243 : vector<16xi32> to vector<1x1x16xi32>
          tpu.vector_store %arg11[%swap3A_245, %swap3A_246, %swap3A_247], %swap3A_250 {strides = array<i32>} : memref<2x40x128xi32, #tpu.memory_space<vmem>>, vector<1x1x16xi32>,
          %get3A_251 = arith.constant 0 : i32
          %get3A_252 = arith.index_cast %get3A_251 : i32 to index
          %get3A_253 = arith.index_cast %scan3A_151 : i32 to index
          %get3A_254 = arith.constant 32 : index
          %get3A_255 = tpu.vector_load %arg9[%get3A_252, %get3A_253, %get3A_254] {strides = array<i32>} : memref<2x40x128xi32, #tpu.memory_space<vmem>>, vector<1x1x16xi32>,
          %get3A_256 = vector.shape_cast %get3A_255 : vector<1x1x16xi32> to vector<16xi32>
          %get3A_257 = arith.constant 0 : i32
          %get3A_258 = arith.index_cast %get3A_257 : i32 to index
          %get3A_259 = arith.index_cast %scan3A_151 : i32 to index
          %get3A_260 = arith.constant 32 : index
          %get3A_261 = tpu.vector_load %arg10[%get3A_258, %get3A_259, %get3A_260] {strides = array<i32>} : memref<2x40x128xi32, #tpu.memory_space<vmem>>, vector<1x1x16xi32>,
          %get3A_262 = vector.shape_cast %get3A_261 : vector<1x1x16xi32> to vector<16xi32>
          %shift_left3A_263 = arith.constant 16 : i32
          %shift_left3A_264 = vector.broadcast %shift_left3A_263 : i32 to vector<16xi32>
          %shift_left3A_265 = arith.shli %get3A_256, %shift_left3A_264 : vector<16xi32>
          %bitcast_convert_type3A_266 = tpu.bitcast %shift_left3A_265 : vector<16xi32> -> vector<16xf32>
          %shift_left3A_267 = arith.constant 16 : i32
          %shift_left3A_268 = vector.broadcast %shift_left3A_267 : i32 to vector<16xi32>
          %shift_left3A_269 = arith.shli %get3A_262, %shift_left3A_268 : vector<16xi32>
          %bitcast_convert_type3A_270 = tpu.bitcast %shift_left3A_269 : vector<16xi32> -> vector<16xf32>
          %add3A_271 = arith.addf %bitcast_convert_type3A_266, %bitcast_convert_type3A_270 : vector<16xf32>
          %and3A_272 = arith.constant -65536 : i32
          %and3A_273 = vector.broadcast %and3A_272 : i32 to vector<16xi32>
          %and3A_274 = arith.andi %get3A_256, %and3A_273 : vector<16xi32>
          %bitcast_convert_type3A_275 = tpu.bitcast %and3A_274 : vector<16xi32> -> vector<16xf32>
          %and3A_276 = arith.constant -65536 : i32
          %and3A_277 = vector.broadcast %and3A_276 : i32 to vector<16xi32>
          %and3A_278 = arith.andi %get3A_262, %and3A_277 : vector<16xi32>
          %bitcast_convert_type3A_279 = tpu.bitcast %and3A_278 : vector<16xi32> -> vector<16xf32>
          %add3A_280 = arith.addf %bitcast_convert_type3A_275, %bitcast_convert_type3A_279 : vector<16xf32>
          %bitcast_convert_type3A_281 = tpu.bitcast %add3A_271 : vector<16xf32> -> vector<16xi32>
          %add3A_282 = arith.constant 32768 : i32
          %add3A_283 = vector.broadcast %add3A_282 : i32 to vector<16xi32>
          %add3A_284 = arith.addi %bitcast_convert_type3A_281, %add3A_283 : vector<16xi32>
          %bitcast_convert_type3A_285 = tpu.bitcast %add3A_280 : vector<16xf32> -> vector<16xi32>
          %add3A_286 = arith.constant 32768 : i32
          %add3A_287 = vector.broadcast %add3A_286 : i32 to vector<16xi32>
          %add3A_288 = arith.addi %bitcast_convert_type3A_285, %add3A_287 : vector<16xi32>
          %shift_right_logical3A_289 = arith.constant 16 : i32
          %shift_right_logical3A_290 = vector.broadcast %shift_right_logical3A_289 : i32 to vector<16xi32>
          %shift_right_logical3A_291 = arith.shrui %add3A_284, %shift_right_logical3A_290 : vector<16xi32>
          %and3A_292 = arith.constant -65536 : i32
          %and3A_293 = vector.broadcast %and3A_292 : i32 to vector<16xi32>
          %and3A_294 = arith.andi %add3A_288, %and3A_293 : vector<16xi32>
          %or3A_295 = arith.ori %shift_right_logical3A_291, %and3A_294 : vector<16xi32>
          %bitcast_convert_type3A_296 = tpu.bitcast %or3A_295 : vector<16xi32> -> vector<16xi32>
          %swap3A_297 = arith.constant 0 : i32
          %swap3A_298 = arith.index_cast %swap3A_297 : i32 to index
          %swap3A_299 = arith.index_cast %scan3A_151 : i32 to index
          %swap3A_300 = arith.constant 32 : index
          %swap3A_301 = tpu.vector_load %arg11[%swap3A_298, %swap3A_299, %swap3A_300] {strides = array<i32>} : memref<2x40x128xi32, #tpu.memory_space<vmem>>, vector<1x1x16xi32>,
          %swap3A_302 = vector.shape_cast %swap3A_301 : vector<1x1x16xi32> to vector<16xi32>
          %swap3A_303 = vector.shape_cast %bitcast_convert_type3A_296 : vector<16xi32> to vector<1x1x16xi32>
          tpu.vector_store %arg11[%swap3A_298, %swap3A_299, %swap3A_300], %swap3A_303 {strides = array<i32>} : memref<2x40x128xi32, #tpu.memory_space<vmem>>, vector<1x1x16xi32>,
          %get3A_304 = arith.constant 0 : i32
          %get3A_305 = arith.index_cast %get3A_304 : i32 to index
          %get3A_306 = arith.index_cast %scan3A_151 : i32 to index
          %get3A_307 = arith.constant 48 : index
          %get3A_308 = tpu.vector_load %arg9[%get3A_305, %get3A_306, %get3A_307] {strides = array<i32>} : memref<2x40x128xi32, #tpu.memory_space<vmem>>, vector<1x1x16xi32>,
          %get3A_309 = vector.shape_cast %get3A_308 : vector<1x1x16xi32> to vector<16xi32>
          %get3A_310 = arith.constant 0 : i32
          %get3A_311 = arith.index_cast %get3A_310 : i32 to index
          %get3A_312 = arith.index_cast %scan3A_151 : i32 to index
          %get3A_313 = arith.constant 48 : index
          %get3A_314 = tpu.vector_load %arg10[%get3A_311, %get3A_312, %get3A_313] {strides = array<i32>} : memref<2x40x128xi32, #tpu.memory_space<vmem>>, vector<1x1x16xi32>,
          %get3A_315 = vector.shape_cast %get3A_314 : vector<1x1x16xi32> to vector<16xi32>
          %shift_left3A_316 = arith.constant 16 : i32
          %shift_left3A_317 = vector.broadcast %shift_left3A_316 : i32 to vector<16xi32>
          %shift_left3A_318 = arith.shli %get3A_309, %shift_left3A_317 : vector<16xi32>
          %bitcast_convert_type3A_319 = tpu.bitcast %shift_left3A_318 : vector<16xi32> -> vector<16xf32>
          %shift_left3A_320 = arith.constant 16 : i32
          %shift_left3A_321 = vector.broadcast %shift_left3A_320 : i32 to vector<16xi32>
          %shift_left3A_322 = arith.shli %get3A_315, %shift_left3A_321 : vector<16xi32>
          %bitcast_convert_type3A_323 = tpu.bitcast %shift_left3A_322 : vector<16xi32> -> vector<16xf32>
          %add3A_324 = arith.addf %bitcast_convert_type3A_319, %bitcast_convert_type3A_323 : vector<16xf32>
          %and3A_325 = arith.constant -65536 : i32
          %and3A_326 = vector.broadcast %and3A_325 : i32 to vector<16xi32>
          %and3A_327 = arith.andi %get3A_309, %and3A_326 : vector<16xi32>
          %bitcast_convert_type3A_328 = tpu.bitcast %and3A_327 : vector<16xi32> -> vector<16xf32>
          %and3A_329 = arith.constant -65536 : i32
          %and3A_330 = vector.broadcast %and3A_329 : i32 to vector<16xi32>
          %and3A_331 = arith.andi %get3A_315, %and3A_330 : vector<16xi32>
          %bitcast_convert_type3A_332 = tpu.bitcast %and3A_331 : vector<16xi32> -> vector<16xf32>
          %add3A_333 = arith.addf %bitcast_convert_type3A_328, %bitcast_convert_type3A_332 : vector<16xf32>
          %bitcast_convert_type3A_334 = tpu.bitcast %add3A_324 : vector<16xf32> -> vector<16xi32>
          %add3A_335 = arith.constant 32768 : i32
          %add3A_336 = vector.broadcast %add3A_335 : i32 to vector<16xi32>
          %add3A_337 = arith.addi %bitcast_convert_type3A_334, %add3A_336 : vector<16xi32>
          %bitcast_convert_type3A_338 = tpu.bitcast %add3A_333 : vector<16xf32> -> vector<16xi32>
          %add3A_339 = arith.constant 32768 : i32
          %add3A_340 = vector.broadcast %add3A_339 : i32 to vector<16xi32>
          %add3A_341 = arith.addi %bitcast_convert_type3A_338, %add3A_340 : vector<16xi32>
          %shift_right_logical3A_342 = arith.constant 16 : i32
          %shift_right_logical3A_343 = vector.broadcast %shift_right_logical3A_342 : i32 to vector<16xi32>
          %shift_right_logical3A_344 = arith.shrui %add3A_337, %shift_right_logical3A_343 : vector<16xi32>
          %and3A_345 = arith.constant -65536 : i32
          %and3A_346 = vector.broadcast %and3A_345 : i32 to vector<16xi32>
          %and3A_347 = arith.andi %add3A_341, %and3A_346 : vector<16xi32>
          %or3A_348 = arith.ori %shift_right_logical3A_344, %and3A_347 : vector<16xi32>
          %bitcast_convert_type3A_349 = tpu.bitcast %or3A_348 : vector<16xi32> -> vector<16xi32>
          %swap3A_350 = arith.constant 0 : i32
          %swap3A_351 = arith.index_cast %swap3A_350 : i32 to index
          %swap3A_352 = arith.index_cast %scan3A_151 : i32 to index
          %swap3A_353 = arith.constant 48 : index
          %swap3A_354 = tpu.vector_load %arg11[%swap3A_351, %swap3A_352, %swap3A_353] {strides = array<i32>} : memref<2x40x128xi32, #tpu.memory_space<vmem>>, vector<1x1x16xi32>,
          %swap3A_355 = vector.shape_cast %swap3A_354 : vector<1x1x16xi32> to vector<16xi32>
          %swap3A_356 = vector.shape_cast %bitcast_convert_type3A_349 : vector<16xi32> to vector<1x1x16xi32>
          tpu.vector_store %arg11[%swap3A_351, %swap3A_352, %swap3A_353], %swap3A_356 {strides = array<i32>} : memref<2x40x128xi32, #tpu.memory_space<vmem>>, vector<1x1x16xi32>,
          %get3A_357 = arith.constant 0 : i32
          %get3A_358 = arith.index_cast %get3A_357 : i32 to index
          %get3A_359 = arith.index_cast %scan3A_151 : i32 to index
          %get3A_360 = arith.constant 64 : index
          %get3A_361 = tpu.vector_load %arg9[%get3A_358, %get3A_359, %get3A_360] {strides = array<i32>} : memref<2x40x128xi32, #tpu.memory_space<vmem>>, vector<1x1x16xi32>,
          %get3A_362 = vector.shape_cast %get3A_361 : vector<1x1x16xi32> to vector<16xi32>
          %get3A_363 = arith.constant 0 : i32
          %get3A_364 = arith.index_cast %get3A_363 : i32 to index
          %get3A_365 = arith.index_cast %scan3A_151 : i32 to index
          %get3A_366 = arith.constant 64 : index
          %get3A_367 = tpu.vector_load %arg10[%get3A_364, %get3A_365, %get3A_366] {strides = array<i32>} : memref<2x40x128xi32, #tpu.memory_space<vmem>>, vector<1x1x16xi32>,
          %get3A_368 = vector.shape_cast %get3A_367 : vector<1x1x16xi32> to vector<16xi32>
          %shift_left3A_369 = arith.constant 16 : i32
          %shift_left3A_370 = vector.broadcast %shift_left3A_369 : i32 to vector<16xi32>
          %shift_left3A_371 = arith.shli %get3A_362, %shift_left3A_370 : vector<16xi32>
          %bitcast_convert_type3A_372 = tpu.bitcast %shift_left3A_371 : vector<16xi32> -> vector<16xf32>
          %shift_left3A_373 = arith.constant 16 : i32
          %shift_left3A_374 = vector.broadcast %shift_left3A_373 : i32 to vector<16xi32>
          %shift_left3A_375 = arith.shli %get3A_368, %shift_left3A_374 : vector<16xi32>
          %bitcast_convert_type3A_376 = tpu.bitcast %shift_left3A_375 : vector<16xi32> -> vector<16xf32>
          %add3A_377 = arith.addf %bitcast_convert_type3A_372, %bitcast_convert_type3A_376 : vector<16xf32>
          %and3A_378 = arith.constant -65536 : i32
          %and3A_379 = vector.broadcast %and3A_378 : i32 to vector<16xi32>
          %and3A_380 = arith.andi %get3A_362, %and3A_379 : vector<16xi32>
          %bitcast_convert_type3A_381 = tpu.bitcast %and3A_380 : vector<16xi32> -> vector<16xf32>
          %and3A_382 = arith.constant -65536 : i32
          %and3A_383 = vector.broadcast %and3A_382 : i32 to vector<16xi32>
          %and3A_384 = arith.andi %get3A_368, %and3A_383 : vector<16xi32>
          %bitcast_convert_type3A_385 = tpu.bitcast %and3A_384 : vector<16xi32> -> vector<16xf32>
          %add3A_386 = arith.addf %bitcast_convert_type3A_381, %bitcast_convert_type3A_385 : vector<16xf32>
          %bitcast_convert_type3A_387 = tpu.bitcast %add3A_377 : vector<16xf32> -> vector<16xi32>
          %add3A_388 = arith.constant 32768 : i32
          %add3A_389 = vector.broadcast %add3A_388 : i32 to vector<16xi32>
          %add3A_390 = arith.addi %bitcast_convert_type3A_387, %add3A_389 : vector<16xi32>
          %bitcast_convert_type3A_391 = tpu.bitcast %add3A_386 : vector<16xf32> -> vector<16xi32>
          %add3A_392 = arith.constant 32768 : i32
          %add3A_393 = vector.broadcast %add3A_392 : i32 to vector<16xi32>
          %add3A_394 = arith.addi %bitcast_convert_type3A_391, %add3A_393 : vector<16xi32>
          %shift_right_logical3A_395 = arith.constant 16 : i32
          %shift_right_logical3A_396 = vector.broadcast %shift_right_logical3A_395 : i32 to vector<16xi32>
          %shift_right_logical3A_397 = arith.shrui %add3A_390, %shift_right_logical3A_396 : vector<16xi32>
          %and3A_398 = arith.constant -65536 : i32
          %and3A_399 = vector.broadcast %and3A_398 : i32 to vector<16xi32>
          %and3A_400 = arith.andi %add3A_394, %and3A_399 : vector<16xi32>
          %or3A_401 = arith.ori %shift_right_logical3A_397, %and3A_400 : vector<16xi32>
          %bitcast_convert_type3A_402 = tpu.bitcast %or3A_401 : vector<16xi32> -> vector<16xi32>
          %swap3A_403 = arith.constant 0 : i32
          %swap3A_404 = arith.index_cast %swap3A_403 : i32 to index
          %swap3A_405 = arith.index_cast %scan3A_151 : i32 to index
          %swap3A_406 = arith.constant 64 : index
          %swap3A_407 = tpu.vector_load %arg11[%swap3A_404, %swap3A_405, %swap3A_406] {strides = array<i32>} : memref<2x40x128xi32, #tpu.memory_space<vmem>>, vector<1x1x16xi32>,
          %swap3A_408 = vector.shape_cast %swap3A_407 : vector<1x1x16xi32> to vector<16xi32>
          %swap3A_409 = vector.shape_cast %bitcast_convert_type3A_402 : vector<16xi32> to vector<1x1x16xi32>
          tpu.vector_store %arg11[%swap3A_404, %swap3A_405, %swap3A_406], %swap3A_409 {strides = array<i32>} : memref<2x40x128xi32, #tpu.memory_space<vmem>>, vector<1x1x16xi32>,
          %get3A_410 = arith.constant 0 : i32
          %get3A_411 = arith.index_cast %get3A_410 : i32 to index
          %get3A_412 = arith.index_cast %scan3A_151 : i32 to index
          %get3A_413 = arith.constant 80 : index
          %get3A_414 = tpu.vector_load %arg9[%get3A_411, %get3A_412, %get3A_413] {strides = array<i32>} : memref<2x40x128xi32, #tpu.memory_space<vmem>>, vector<1x1x16xi32>,
          %get3A_415 = vector.shape_cast %get3A_414 : vector<1x1x16xi32> to vector<16xi32>
          %get3A_416 = arith.constant 0 : i32
          %get3A_417 = arith.index_cast %get3A_416 : i32 to index
          %get3A_418 = arith.index_cast %scan3A_151 : i32 to index
          %get3A_419 = arith.constant 80 : index
          %get3A_420 = tpu.vector_load %arg10[%get3A_417, %get3A_418, %get3A_419] {strides = array<i32>} : memref<2x40x128xi32, #tpu.memory_space<vmem>>, vector<1x1x16xi32>,
          %get3A_421 = vector.shape_cast %get3A_420 : vector<1x1x16xi32> to vector<16xi32>
          %shift_left3A_422 = arith.constant 16 : i32
          %shift_left3A_423 = vector.broadcast %shift_left3A_422 : i32 to vector<16xi32>
          %shift_left3A_424 = arith.shli %get3A_415, %shift_left3A_423 : vector<16xi32>
          %bitcast_convert_type3A_425 = tpu.bitcast %shift_left3A_424 : vector<16xi32> -> vector<16xf32>
          %shift_left3A_426 = arith.constant 16 : i32
          %shift_left3A_427 = vector.broadcast %shift_left3A_426 : i32 to vector<16xi32>
          %shift_left3A_428 = arith.shli %get3A_421, %shift_left3A_427 : vector<16xi32>
          %bitcast_convert_type3A_429 = tpu.bitcast %shift_left3A_428 : vector<16xi32> -> vector<16xf32>
          %add3A_430 = arith.addf %bitcast_convert_type3A_425, %bitcast_convert_type3A_429 : vector<16xf32>
          %and3A_431 = arith.constant -65536 : i32
          %and3A_432 = vector.broadcast %and3A_431 : i32 to vector<16xi32>
          %and3A_433 = arith.andi %get3A_415, %and3A_432 : vector<16xi32>
          %bitcast_convert_type3A_434 = tpu.bitcast %and3A_433 : vector<16xi32> -> vector<16xf32>
          %and3A_435 = arith.constant -65536 : i32
          %and3A_436 = vector.broadcast %and3A_435 : i32 to vector<16xi32>
          %and3A_437 = arith.andi %get3A_421, %and3A_436 : vector<16xi32>
          %bitcast_convert_type3A_438 = tpu.bitcast %and3A_437 : vector<16xi32> -> vector<16xf32>
          %add3A_439 = arith.addf %bitcast_convert_type3A_434, %bitcast_convert_type3A_438 : vector<16xf32>
          %bitcast_convert_type3A_440 = tpu.bitcast %add3A_430 : vector<16xf32> -> vector<16xi32>
          %add3A_441 = arith.constant 32768 : i32
          %add3A_442 = vector.broadcast %add3A_441 : i32 to vector<16xi32>
          %add3A_443 = arith.addi %bitcast_convert_type3A_440, %add3A_442 : vector<16xi32>
          %bitcast_convert_type3A_444 = tpu.bitcast %add3A_439 : vector<16xf32> -> vector<16xi32>
          %add3A_445 = arith.constant 32768 : i32
          %add3A_446 = vector.broadcast %add3A_445 : i32 to vector<16xi32>
          %add3A_447 = arith.addi %bitcast_convert_type3A_444, %add3A_446 : vector<16xi32>
          %shift_right_logical3A_448 = arith.constant 16 : i32
          %shift_right_logical3A_449 = vector.broadcast %shift_right_logical3A_448 : i32 to vector<16xi32>
          %shift_right_logical3A_450 = arith.shrui %add3A_443, %shift_right_logical3A_449 : vector<16xi32>
          %and3A_451 = arith.constant -65536 : i32
          %and3A_452 = vector.broadcast %and3A_451 : i32 to vector<16xi32>
          %and3A_453 = arith.andi %add3A_447, %and3A_452 : vector<16xi32>
          %or3A_454 = arith.ori %shift_right_logical3A_450, %and3A_453 : vector<16xi32>
          %bitcast_convert_type3A_455 = tpu.bitcast %or3A_454 : vector<16xi32> -> vector<16xi32>
          %swap3A_456 = arith.constant 0 : i32
          %swap3A_457 = arith.index_cast %swap3A_456 : i32 to index
          %swap3A_458 = arith.index_cast %scan3A_151 : i32 to index
          %swap3A_459 = arith.constant 80 : index
          %swap3A_460 = tpu.vector_load %arg11[%swap3A_457, %swap3A_458, %swap3A_459] {strides = array<i32>} : memref<2x40x128xi32, #tpu.memory_space<vmem>>, vector<1x1x16xi32>,
          %swap3A_461 = vector.shape_cast %swap3A_460 : vector<1x1x16xi32> to vector<16xi32>
          %swap3A_462 = vector.shape_cast %bitcast_convert_type3A_455 : vector<16xi32> to vector<1x1x16xi32>
          tpu.vector_store %arg11[%swap3A_457, %swap3A_458, %swap3A_459], %swap3A_462 {strides = array<i32>} : memref<2x40x128xi32, #tpu.memory_space<vmem>>, vector<1x1x16xi32>,
          %get3A_463 = arith.constant 0 : i32
          %get3A_464 = arith.index_cast %get3A_463 : i32 to index
          %get3A_465 = arith.index_cast %scan3A_151 : i32 to index
          %get3A_466 = arith.constant 96 : index
          %get3A_467 = tpu.vector_load %arg9[%get3A_464, %get3A_465, %get3A_466] {strides = array<i32>} : memref<2x40x128xi32, #tpu.memory_space<vmem>>, vector<1x1x16xi32>,
          %get3A_468 = vector.shape_cast %get3A_467 : vector<1x1x16xi32> to vector<16xi32>
          %get3A_469 = arith.constant 0 : i32
          %get3A_470 = arith.index_cast %get3A_469 : i32 to index
          %get3A_471 = arith.index_cast %scan3A_151 : i32 to index
          %get3A_472 = arith.constant 96 : index
          %get3A_473 = tpu.vector_load %arg10[%get3A_470, %get3A_471, %get3A_472] {strides = array<i32>} : memref<2x40x128xi32, #tpu.memory_space<vmem>>, vector<1x1x16xi32>,
          %get3A_474 = vector.shape_cast %get3A_473 : vector<1x1x16xi32> to vector<16xi32>
          %shift_left3A_475 = arith.constant 16 : i32
          %shift_left3A_476 = vector.broadcast %shift_left3A_475 : i32 to vector<16xi32>
          %shift_left3A_477 = arith.shli %get3A_468, %shift_left3A_476 : vector<16xi32>
          %bitcast_convert_type3A_478 = tpu.bitcast %shift_left3A_477 : vector<16xi32> -> vector<16xf32>
          %shift_left3A_479 = arith.constant 16 : i32
          %shift_left3A_480 = vector.broadcast %shift_left3A_479 : i32 to vector<16xi32>
          %shift_left3A_481 = arith.shli %get3A_474, %shift_left3A_480 : vector<16xi32>
          %bitcast_convert_type3A_482 = tpu.bitcast %shift_left3A_481 : vector<16xi32> -> vector<16xf32>
          %add3A_483 = arith.addf %bitcast_convert_type3A_478, %bitcast_convert_type3A_482 : vector<16xf32>
          %and3A_484 = arith.constant -65536 : i32
          %and3A_485 = vector.broadcast %and3A_484 : i32 to vector<16xi32>
          %and3A_486 = arith.andi %get3A_468, %and3A_485 : vector<16xi32>
          %bitcast_convert_type3A_487 = tpu.bitcast %and3A_486 : vector<16xi32> -> vector<16xf32>
          %and3A_488 = arith.constant -65536 : i32
          %and3A_489 = vector.broadcast %and3A_488 : i32 to vector<16xi32>
          %and3A_490 = arith.andi %get3A_474, %and3A_489 : vector<16xi32>
          %bitcast_convert_type3A_491 = tpu.bitcast %and3A_490 : vector<16xi32> -> vector<16xf32>
          %add3A_492 = arith.addf %bitcast_convert_type3A_487, %bitcast_convert_type3A_491 : vector<16xf32>
          %bitcast_convert_type3A_493 = tpu.bitcast %add3A_483 : vector<16xf32> -> vector<16xi32>
          %add3A_494 = arith.constant 32768 : i32
          %add3A_495 = vector.broadcast %add3A_494 : i32 to vector<16xi32>
          %add3A_496 = arith.addi %bitcast_convert_type3A_493, %add3A_495 : vector<16xi32>
          %bitcast_convert_type3A_497 = tpu.bitcast %add3A_492 : vector<16xf32> -> vector<16xi32>
          %add3A_498 = arith.constant 32768 : i32
          %add3A_499 = vector.broadcast %add3A_498 : i32 to vector<16xi32>
          %add3A_500 = arith.addi %bitcast_convert_type3A_497, %add3A_499 : vector<16xi32>
          %shift_right_logical3A_501 = arith.constant 16 : i32
          %shift_right_logical3A_502 = vector.broadcast %shift_right_logical3A_501 : i32 to vector<16xi32>
          %shift_right_logical3A_503 = arith.shrui %add3A_496, %shift_right_logical3A_502 : vector<16xi32>
          %and3A_504 = arith.constant -65536 : i32
          %and3A_505 = vector.broadcast %and3A_504 : i32 to vector<16xi32>
          %and3A_506 = arith.andi %add3A_500, %and3A_505 : vector<16xi32>
          %or3A_507 = arith.ori %shift_right_logical3A_503, %and3A_506 : vector<16xi32>
          %bitcast_convert_type3A_508 = tpu.bitcast %or3A_507 : vector<16xi32> -> vector<16xi32>
          %swap3A_509 = arith.constant 0 : i32
          %swap3A_510 = arith.index_cast %swap3A_509 : i32 to index
          %swap3A_511 = arith.index_cast %scan3A_151 : i32 to index
          %swap3A_512 = arith.constant 96 : index
          %swap3A_513 = tpu.vector_load %arg11[%swap3A_510, %swap3A_511, %swap3A_512] {strides = array<i32>} : memref<2x40x128xi32, #tpu.memory_space<vmem>>, vector<1x1x16xi32>,
          %swap3A_514 = vector.shape_cast %swap3A_513 : vector<1x1x16xi32> to vector<16xi32>
          %swap3A_515 = vector.shape_cast %bitcast_convert_type3A_508 : vector<16xi32> to vector<1x1x16xi32>
          tpu.vector_store %arg11[%swap3A_510, %swap3A_511, %swap3A_512], %swap3A_515 {strides = array<i32>} : memref<2x40x128xi32, #tpu.memory_space<vmem>>, vector<1x1x16xi32>,
          %get3A_516 = arith.constant 0 : i32
          %get3A_517 = arith.index_cast %get3A_516 : i32 to index
          %get3A_518 = arith.index_cast %scan3A_151 : i32 to index
          %get3A_519 = arith.constant 112 : index
          %get3A_520 = tpu.vector_load %arg9[%get3A_517, %get3A_518, %get3A_519] {strides = array<i32>} : memref<2x40x128xi32, #tpu.memory_space<vmem>>, vector<1x1x16xi32>,
          %get3A_521 = vector.shape_cast %get3A_520 : vector<1x1x16xi32> to vector<16xi32>
          %get3A_522 = arith.constant 0 : i32
          %get3A_523 = arith.index_cast %get3A_522 : i32 to index
          %get3A_524 = arith.index_cast %scan3A_151 : i32 to index
          %get3A_525 = arith.constant 112 : index
          %get3A_526 = tpu.vector_load %arg10[%get3A_523, %get3A_524, %get3A_525] {strides = array<i32>} : memref<2x40x128xi32, #tpu.memory_space<vmem>>, vector<1x1x16xi32>,
          %get3A_527 = vector.shape_cast %get3A_526 : vector<1x1x16xi32> to vector<16xi32>
          %shift_left3A_528 = arith.constant 16 : i32
          %shift_left3A_529 = vector.broadcast %shift_left3A_528 : i32 to vector<16xi32>
          %shift_left3A_530 = arith.shli %get3A_521, %shift_left3A_529 : vector<16xi32>
          %bitcast_convert_type3A_531 = tpu.bitcast %shift_left3A_530 : vector<16xi32> -> vector<16xf32>
          %shift_left3A_532 = arith.constant 16 : i32
          %shift_left3A_533 = vector.broadcast %shift_left3A_532 : i32 to vector<16xi32>
          %shift_left3A_534 = arith.shli %get3A_527, %shift_left3A_533 : vector<16xi32>
          %bitcast_convert_type3A_535 = tpu.bitcast %shift_left3A_534 : vector<16xi32> -> vector<16xf32>
          %add3A_536 = arith.addf %bitcast_convert_type3A_531, %bitcast_convert_type3A_535 : vector<16xf32>
          %and3A_537 = arith.constant -65536 : i32
          %and3A_538 = vector.broadcast %and3A_537 : i32 to vector<16xi32>
          %and3A_539 = arith.andi %get3A_521, %and3A_538 : vector<16xi32>
          %bitcast_convert_type3A_540 = tpu.bitcast %and3A_539 : vector<16xi32> -> vector<16xf32>
          %and3A_541 = arith.constant -65536 : i32
          %and3A_542 = vector.broadcast %and3A_541 : i32 to vector<16xi32>
          %and3A_543 = arith.andi %get3A_527, %and3A_542 : vector<16xi32>
          %bitcast_convert_type3A_544 = tpu.bitcast %and3A_543 : vector<16xi32> -> vector<16xf32>
          %add3A_545 = arith.addf %bitcast_convert_type3A_540, %bitcast_convert_type3A_544 : vector<16xf32>
          %bitcast_convert_type3A_546 = tpu.bitcast %add3A_536 : vector<16xf32> -> vector<16xi32>
          %add3A_547 = arith.constant 32768 : i32
          %add3A_548 = vector.broadcast %add3A_547 : i32 to vector<16xi32>
          %add3A_549 = arith.addi %bitcast_convert_type3A_546, %add3A_548 : vector<16xi32>
          %bitcast_convert_type3A_550 = tpu.bitcast %add3A_545 : vector<16xf32> -> vector<16xi32>
          %add3A_551 = arith.constant 32768 : i32
          %add3A_552 = vector.broadcast %add3A_551 : i32 to vector<16xi32>
          %add3A_553 = arith.addi %bitcast_convert_type3A_550, %add3A_552 : vector<16xi32>
          %shift_right_logical3A_554 = arith.constant 16 : i32
          %shift_right_logical3A_555 = vector.broadcast %shift_right_logical3A_554 : i32 to vector<16xi32>
          %shift_right_logical3A_556 = arith.shrui %add3A_549, %shift_right_logical3A_555 : vector<16xi32>
          %and3A_557 = arith.constant -65536 : i32
          %and3A_558 = vector.broadcast %and3A_557 : i32 to vector<16xi32>
          %and3A_559 = arith.andi %add3A_553, %and3A_558 : vector<16xi32>
          %or3A_560 = arith.ori %shift_right_logical3A_556, %and3A_559 : vector<16xi32>
          %bitcast_convert_type3A_561 = tpu.bitcast %or3A_560 : vector<16xi32> -> vector<16xi32>
          %swap3A_562 = arith.constant 0 : i32
          %swap3A_563 = arith.index_cast %swap3A_562 : i32 to index
          %swap3A_564 = arith.index_cast %scan3A_151 : i32 to index
          %swap3A_565 = arith.constant 112 : index
          %swap3A_566 = tpu.vector_load %arg11[%swap3A_563, %swap3A_564, %swap3A_565] {strides = array<i32>} : memref<2x40x128xi32, #tpu.memory_space<vmem>>, vector<1x1x16xi32>,
          %swap3A_567 = vector.shape_cast %swap3A_566 : vector<1x1x16xi32> to vector<16xi32>
          %swap3A_568 = vector.shape_cast %bitcast_convert_type3A_561 : vector<16xi32> to vector<1x1x16xi32>
          tpu.vector_store %arg11[%swap3A_563, %swap3A_564, %swap3A_565], %swap3A_568 {strides = array<i32>} : memref<2x40x128xi32, #tpu.memory_space<vmem>>, vector<1x1x16xi32>,
        }
        %scan3A_127 = arith.constant 40 : i32
        %mul3A_128 = arith.constant 40 : i32
        %mul3A_129 = arith.muli %add3A_84, %mul3A_128 : i32
        %add3A_130 = arith.addi %mul3A_2, %mul3A_129 : i32
        %dma_start3A_131 = arith.constant 0 : i32
        %dma_start3A_132 = arith.constant 0 : i32
        %dma_start3A_133 = arith.constant 0 : i32
        %dma_start3A_134 = tpu.memref_slice %arg11[%dma_start3A_131, %dma_start3A_132, %dma_start3A_133] : memref<2x40x128xi32, #tpu.memory_space<vmem>> -> memref<1x40x128xi32, #tpu.memory_space<vmem>>
        %dma_start3A_135 = tpu.memref_squeeze %dma_start3A_134 : memref<1x40x128xi32, #tpu.memory_space<vmem>> -> memref<40x128xi32, #tpu.memory_space<vmem>>
        %dma_start3A_136 = arith.constant 0 : i32
        %dma_start3A_137 = tpu.memref_slice %arg6[%add3A_130, %dma_start3A_136] : memref<160000x128xi32, #tpu.memory_space<hbm>> -> memref<40x128xi32, #tpu.memory_space<hbm>>
        %dma_start3A_138 = arith.constant 0 : i32
        %dma_start3A_139 = tpu.memref_slice %arg6[%add3A_130, %dma_start3A_138] : memref<160000x128xi32, #tpu.memory_space<hbm>> -> memref<40x128xi32, #tpu.memory_space<hbm>>
        %dma_start3A_140 = arith.constant 0 : i32
        %dma_start3A_141 = arith.constant 0 : i32
        %dma_start3A_142 = tpu.memref_slice %arg11[%dma_start3A_131, %dma_start3A_140, %dma_start3A_141] : memref<2x40x128xi32, #tpu.memory_space<vmem>> -> memref<1x40x128xi32, #tpu.memory_space<vmem>>
        %dma_start3A_143 = tpu.memref_squeeze %dma_start3A_142 : memref<1x40x128xi32, #tpu.memory_space<vmem>> -> memref<40x128xi32, #tpu.memory_space<vmem>>
        tpu.enqueue_dma source(%dma_start3A_143 : memref<40x128xi32, #tpu.memory_space<vmem>>) target(%dma_start3A_139 : memref<40x128xi32, #tpu.memory_space<hbm>>) target_semaphore(%arg14 : memref<!tpu.dma_semaphore, #tpu.memory_space<semaphore_mem>>)
        %add3A_144 = arith.constant 2 : i32
        %add3A_145 = arith.addi %add3A_84, %add3A_144 : i32
        %lt3A_146 = arith.constant 125 : i32
        %lt3A_147 = arith.cmpi slt, %add3A_145, %lt3A_146 : i32
        %convert_element_type3A_148 = arith.extui %lt3A_147 : i1 to i32
        %cond3A_149 = arith.constant 0 : i32
        %cond3A_150 = arith.cmpi ne, %convert_element_type3A_148, %cond3A_149 : i32
        scf.if %cond3A_150 {
          %add3A_151 = arith.constant 2 : i32
          %add3A_152 = arith.addi %add3A_84, %add3A_151 : i32
          %mul3A_153 = arith.constant 40 : i32
          %mul3A_154 = arith.muli %add3A_152, %mul3A_153 : i32
          %mul3A_155 = arith.constant 40 : i32
          %mul3A_156 = arith.muli %add3A_152, %mul3A_155 : i32
          %dma_start3A_157 = arith.constant 0 : i32
          %dma_start3A_158 = arith.constant 0 : i32
          %dma_start3A_159 = arith.constant 0 : i32
          %dma_start3A_160 = tpu.memref_slice %arg9[%dma_start3A_157, %dma_start3A_158, %dma_start3A_159] : memref<2x40x128xi32, #tpu.memory_space<vmem>> -> memref<1x40x128xi32, #tpu.memory_space<vmem>>
          %dma_start3A_161 = tpu.memref_squeeze %dma_start3A_160 : memref<1x40x128xi32, #tpu.memory_space<vmem>> -> memref<40x128xi32, #tpu.memory_space<vmem>>
          %dma_start3A_162 = tpu.memref_slice %arg7[%mul3A_154] : memref<5000xi32, #tpu.memory_space<vmem>> -> memref<40xi32, #tpu.memory_space<vmem>>
          %dma_start3A_163 = arith.constant 0 : i32
          %dma_start3A_164 = arith.constant 0 : i32
          %dma_start3A_165 = tpu.memref_slice %arg4[%dma_start3A_163, %dma_start3A_164] : memref<10000x128xi32, #tpu.memory_space<hbm>> -> memref<10000x128xi32, #tpu.memory_space<hbm>>
          tpu.enqueue_indirect_dma source(%dma_start3A_165 : memref<10000x128xi32, #tpu.memory_space<hbm>>) target(%dma_start3A_161 : memref<40x128xi32, #tpu.memory_space<vmem>>) offsets(%dma_start3A_162 : memref<40xi32, #tpu.memory_space<vmem>>) semaphore(%arg12 : memref<!tpu.dma_semaphore, #tpu.memory_space<semaphore_mem>>)
          %dma_start3A_166 = arith.constant 0 : i32
          %dma_start3A_167 = arith.constant 0 : i32
          %dma_start3A_168 = arith.constant 0 : i32
          %dma_start3A_169 = tpu.memref_slice %arg10[%dma_start3A_166, %dma_start3A_167, %dma_start3A_168] : memref<2x40x128xi32, #tpu.memory_space<vmem>> -> memref<1x40x128xi32, #tpu.memory_space<vmem>>
          %dma_start3A_170 = tpu.memref_squeeze %dma_start3A_169 : memref<1x40x128xi32, #tpu.memory_space<vmem>> -> memref<40x128xi32, #tpu.memory_space<vmem>>
          %dma_start3A_171 = tpu.memref_slice %arg8[%mul3A_156] : memref<5000xi32, #tpu.memory_space<vmem>> -> memref<40xi32, #tpu.memory_space<vmem>>
          %dma_start3A_172 = arith.constant 0 : i32
          %dma_start3A_173 = arith.constant 0 : i32
          %dma_start3A_174 = tpu.memref_slice %arg5[%dma_start3A_172, %dma_start3A_173] : memref<10000x128xi32, #tpu.memory_space<hbm>> -> memref<10000x128xi32, #tpu.memory_space<hbm>>
          tpu.enqueue_indirect_dma source(%dma_start3A_174 : memref<10000x128xi32, #tpu.memory_space<hbm>>) target(%dma_start3A_170 : memref<40x128xi32, #tpu.memory_space<vmem>>) offsets(%dma_start3A_171 : memref<40xi32, #tpu.memory_space<vmem>>) semaphore(%arg12 : memref<!tpu.dma_semaphore, #tpu.memory_space<semaphore_mem>>)
        } else {
        }
      } else {
      }
      %mul3A_87 = arith.constant 2 : i32
      %mul3A_88 = arith.muli %mul3A_87, %scan3A_80 : i32
      %add3A_89 = arith.constant 1 : i32
      %add3A_90 = arith.addi %mul3A_88, %add3A_89 : i32
      %lt3A_91 = arith.constant 125 : i32
      %lt3A_92 = arith.cmpi slt, %add3A_90, %lt3A_91 : i32
      %convert_element_type3A_93 = arith.extui %lt3A_92 : i1 to i32
      %cond3A_94 = arith.constant 0 : i32
      %cond3A_95 = arith.cmpi ne, %convert_element_type3A_93, %cond3A_94 : i32
      scf.if %cond3A_95 {
        %mul3A_96 = arith.constant 40 : i32
        %mul3A_97 = arith.muli %add3A_90, %mul3A_96 : i32
        %mul3A_98 = arith.constant 40 : i32
        %mul3A_99 = arith.muli %add3A_90, %mul3A_98 : i32
        %dma_wait3A_100 = arith.constant 1 : i32
        %dma_wait3A_101 = arith.constant 0 : i32
        %dma_wait3A_102 = arith.constant 0 : i32
        %dma_wait3A_103 = tpu.memref_slice %arg9[%dma_wait3A_100, %dma_wait3A_101, %dma_wait3A_102] : memref<2x40x128xi32, #tpu.memory_space<vmem>> -> memref<1x40x128xi32, #tpu.memory_space<vmem>>
        %dma_wait3A_104 = tpu.memref_squeeze %dma_wait3A_103 : memref<1x40x128xi32, #tpu.memory_space<vmem>> -> memref<40x128xi32, #tpu.memory_space<vmem>>
        %dma_wait3A_105 = tpu.memref_slice %arg7[%mul3A_97] : memref<5000xi32, #tpu.memory_space<vmem>> -> memref<40xi32, #tpu.memory_space<vmem>>
        %dma_wait3A_106 = arith.constant 0 : i32
        %dma_wait3A_107 = arith.constant 0 : i32
        %dma_wait3A_108 = tpu.memref_slice %arg4[%dma_wait3A_106, %dma_wait3A_107] : memref<10000x128xi32, #tpu.memory_space<hbm>> -> memref<10000x128xi32, #tpu.memory_space<hbm>>
        tpu.wait_indirect_dma semaphore(%arg13 : memref<!tpu.dma_semaphore, #tpu.memory_space<semaphore_mem>>) src(%dma_wait3A_108 : memref<10000x128xi32, #tpu.memory_space<hbm>>) dst(%dma_wait3A_104 : memref<40x128xi32, #tpu.memory_space<vmem>>)
        %dma_wait3A_109 = arith.constant 1 : i32
        %dma_wait3A_110 = arith.constant 0 : i32
        %dma_wait3A_111 = arith.constant 0 : i32
        %dma_wait3A_112 = tpu.memref_slice %arg10[%dma_wait3A_109, %dma_wait3A_110, %dma_wait3A_111] : memref<2x40x128xi32, #tpu.memory_space<vmem>> -> memref<1x40x128xi32, #tpu.memory_space<vmem>>
        %dma_wait3A_113 = tpu.memref_squeeze %dma_wait3A_112 : memref<1x40x128xi32, #tpu.memory_space<vmem>> -> memref<40x128xi32, #tpu.memory_space<vmem>>
        %dma_wait3A_114 = tpu.memref_slice %arg8[%mul3A_99] : memref<5000xi32, #tpu.memory_space<vmem>> -> memref<40xi32, #tpu.memory_space<vmem>>
        %dma_wait3A_115 = arith.constant 0 : i32
        %dma_wait3A_116 = arith.constant 0 : i32
        %dma_wait3A_117 = tpu.memref_slice %arg5[%dma_wait3A_115, %dma_wait3A_116] : memref<10000x128xi32, #tpu.memory_space<hbm>> -> memref<10000x128xi32, #tpu.memory_space<hbm>>
        tpu.wait_indirect_dma semaphore(%arg13 : memref<!tpu.dma_semaphore, #tpu.memory_space<semaphore_mem>>) src(%dma_wait3A_117 : memref<10000x128xi32, #tpu.memory_space<hbm>>) dst(%dma_wait3A_113 : memref<40x128xi32, #tpu.memory_space<vmem>>)
        %ge3A = arith.constant 2 : i32
        %ge3A_118 = arith.cmpi sge, %add3A_90, %ge3A : i32
        %convert_element_type3A_119 = arith.extui %ge3A_118 : i1 to i32
        %cond3A_120 = arith.constant 0 : i32
        %cond3A_121 = arith.cmpi ne, %convert_element_type3A_119, %cond3A_120 : i32
        scf.if %cond3A_121 {
          %sub3A = arith.constant 2 : i32
          %sub3A_151 = arith.subi %add3A_90, %sub3A : i32
          %mul3A_152 = arith.constant 40 : i32
          %mul3A_153 = arith.muli %sub3A_151, %mul3A_152 : i32
          %add3A_154 = arith.addi %mul3A_2, %mul3A_153 : i32
          %dma_wait3A_155 = arith.constant 1 : i32
          %dma_wait3A_156 = arith.constant 0 : i32
          %dma_wait3A_157 = arith.constant 0 : i32
          %dma_wait3A_158 = tpu.memref_slice %arg11[%dma_wait3A_155, %dma_wait3A_156, %dma_wait3A_157] : memref<2x40x128xi32, #tpu.memory_space<vmem>> -> memref<1x40x128xi32, #tpu.memory_space<vmem>>
          %dma_wait3A_159 = tpu.memref_squeeze %dma_wait3A_158 : memref<1x40x128xi32, #tpu.memory_space<vmem>> -> memref<40x128xi32, #tpu.memory_space<vmem>>
          %dma_wait3A_160 = arith.constant 0 : i32
          %dma_wait3A_161 = tpu.memref_slice %arg6[%add3A_154, %dma_wait3A_160] : memref<160000x128xi32, #tpu.memory_space<hbm>> -> memref<40x128xi32, #tpu.memory_space<hbm>>
          %dma_wait3A_162 = arith.constant 0 : i32
          %dma_wait3A_163 = tpu.memref_slice %arg6[%add3A_154, %dma_wait3A_162] : memref<160000x128xi32, #tpu.memory_space<hbm>> -> memref<40x128xi32, #tpu.memory_space<hbm>>
          %dma_wait3A_164 = arith.constant 0 : i32
          %dma_wait3A_165 = arith.constant 0 : i32
          %dma_wait3A_166 = tpu.memref_slice %arg11[%dma_wait3A_155, %dma_wait3A_164, %dma_wait3A_165] : memref<2x40x128xi32, #tpu.memory_space<vmem>> -> memref<1x40x128xi32, #tpu.memory_space<vmem>>
          %dma_wait3A_167 = tpu.memref_squeeze %dma_wait3A_166 : memref<1x40x128xi32, #tpu.memory_space<vmem>> -> memref<40x128xi32, #tpu.memory_space<vmem>>
          tpu.wait_dma2 semaphore(%arg15 : memref<!tpu.dma_semaphore, #tpu.memory_space<semaphore_mem>>) src(%dma_wait3A_167 : memref<40x128xi32, #tpu.memory_space<vmem>>) dst(%dma_wait3A_163 : memref<40x128xi32, #tpu.memory_space<hbm>>)
        } else {
        }
        %scan3A_122 = arith.constant 0 : i32
        %scan3A_123 = arith.constant 0 : i32
        %scan3A_124 = arith.constant 40 : i32
        %scan3A_125 = arith.addi %scan3A_123, %scan3A_124 : i32
        %scan3A_126 = arith.constant 1 : i32
        scf.for %scan3A_151 = %scan3A_123 to %scan3A_125 step %scan3A_126  : i32 {
          %get3A = arith.constant 1 : i32
          %get3A_152 = arith.index_cast %get3A : i32 to index
          %get3A_153 = arith.index_cast %scan3A_151 : i32 to index
          %get3A_154 = arith.constant 0 : index
          %get3A_155 = tpu.vector_load %arg9[%get3A_152, %get3A_153, %get3A_154] {strides = array<i32>} : memref<2x40x128xi32, #tpu.memory_space<vmem>>, vector<1x1x16xi32>,
          %get3A_156 = vector.shape_cast %get3A_155 : vector<1x1x16xi32> to vector<16xi32>
          %get3A_157 = arith.constant 1 : i32
          %get3A_158 = arith.index_cast %get3A_157 : i32 to index
          %get3A_159 = arith.index_cast %scan3A_151 : i32 to index
          %get3A_160 = arith.constant 0 : index
          %get3A_161 = tpu.vector_load %arg10[%get3A_158, %get3A_159, %get3A_160] {strides = array<i32>} : memref<2x40x128xi32, #tpu.memory_space<vmem>>, vector<1x1x16xi32>,
          %get3A_162 = vector.shape_cast %get3A_161 : vector<1x1x16xi32> to vector<16xi32>
          %shift_left3A = arith.constant 16 : i32
          %shift_left3A_163 = vector.broadcast %shift_left3A : i32 to vector<16xi32>
          %shift_left3A_164 = arith.shli %get3A_156, %shift_left3A_163 : vector<16xi32>
          %bitcast_convert_type3A = tpu.bitcast %shift_left3A_164 : vector<16xi32> -> vector<16xf32>
          %shift_left3A_165 = arith.constant 16 : i32
          %shift_left3A_166 = vector.broadcast %shift_left3A_165 : i32 to vector<16xi32>
          %shift_left3A_167 = arith.shli %get3A_162, %shift_left3A_166 : vector<16xi32>
          %bitcast_convert_type3A_168 = tpu.bitcast %shift_left3A_167 : vector<16xi32> -> vector<16xf32>
          %add3A_169 = arith.addf %bitcast_convert_type3A, %bitcast_convert_type3A_168 : vector<16xf32>
          %and3A = arith.constant -65536 : i32
          %and3A_170 = vector.broadcast %and3A : i32 to vector<16xi32>
          %and3A_171 = arith.andi %get3A_156, %and3A_170 : vector<16xi32>
          %bitcast_convert_type3A_172 = tpu.bitcast %and3A_171 : vector<16xi32> -> vector<16xf32>
          %and3A_173 = arith.constant -65536 : i32
          %and3A_174 = vector.broadcast %and3A_173 : i32 to vector<16xi32>
          %and3A_175 = arith.andi %get3A_162, %and3A_174 : vector<16xi32>
          %bitcast_convert_type3A_176 = tpu.bitcast %and3A_175 : vector<16xi32> -> vector<16xf32>
          %add3A_177 = arith.addf %bitcast_convert_type3A_172, %bitcast_convert_type3A_176 : vector<16xf32>
          %bitcast_convert_type3A_178 = tpu.bitcast %add3A_169 : vector<16xf32> -> vector<16xi32>
          %add3A_179 = arith.constant 32768 : i32
          %add3A_180 = vector.broadcast %add3A_179 : i32 to vector<16xi32>
          %add3A_181 = arith.addi %bitcast_convert_type3A_178, %add3A_180 : vector<16xi32>
          %bitcast_convert_type3A_182 = tpu.bitcast %add3A_177 : vector<16xf32> -> vector<16xi32>
          %add3A_183 = arith.constant 32768 : i32
          %add3A_184 = vector.broadcast %add3A_183 : i32 to vector<16xi32>
          %add3A_185 = arith.addi %bitcast_convert_type3A_182, %add3A_184 : vector<16xi32>
          %shift_right_logical3A = arith.constant 16 : i32
          %shift_right_logical3A_186 = vector.broadcast %shift_right_logical3A : i32 to vector<16xi32>
          %shift_right_logical3A_187 = arith.shrui %add3A_181, %shift_right_logical3A_186 : vector<16xi32>
          %and3A_188 = arith.constant -65536 : i32
          %and3A_189 = vector.broadcast %and3A_188 : i32 to vector<16xi32>
          %and3A_190 = arith.andi %add3A_185, %and3A_189 : vector<16xi32>
          %or3A = arith.ori %shift_right_logical3A_187, %and3A_190 : vector<16xi32>
          %bitcast_convert_type3A_191 = tpu.bitcast %or3A : vector<16xi32> -> vector<16xi32>
          %swap3A = arith.constant 1 : i32
          %swap3A_192 = arith.index_cast %swap3A : i32 to index
          %swap3A_193 = arith.index_cast %scan3A_151 : i32 to index
          %swap3A_194 = arith.constant 0 : index
          %swap3A_195 = tpu.vector_load %arg11[%swap3A_192, %swap3A_193, %swap3A_194] {strides = array<i32>} : memref<2x40x128xi32, #tpu.memory_space<vmem>>, vector<1x1x16xi32>,
          %swap3A_196 = vector.shape_cast %swap3A_195 : vector<1x1x16xi32> to vector<16xi32>
          %swap3A_197 = vector.shape_cast %bitcast_convert_type3A_191 : vector<16xi32> to vector<1x1x16xi32>
          tpu.vector_store %arg11[%swap3A_192, %swap3A_193, %swap3A_194], %swap3A_197 {strides = array<i32>} : memref<2x40x128xi32, #tpu.memory_space<vmem>>, vector<1x1x16xi32>,
          %get3A_198 = arith.constant 1 : i32
          %get3A_199 = arith.index_cast %get3A_198 : i32 to index
          %get3A_200 = arith.index_cast %scan3A_151 : i32 to index
          %get3A_201 = arith.constant 16 : index
          %get3A_202 = tpu.vector_load %arg9[%get3A_199, %get3A_200, %get3A_201] {strides = array<i32>} : memref<2x40x128xi32, #tpu.memory_space<vmem>>, vector<1x1x16xi32>,
          %get3A_203 = vector.shape_cast %get3A_202 : vector<1x1x16xi32> to vector<16xi32>
          %get3A_204 = arith.constant 1 : i32
          %get3A_205 = arith.index_cast %get3A_204 : i32 to index
          %get3A_206 = arith.index_cast %scan3A_151 : i32 to index
          %get3A_207 = arith.constant 16 : index
          %get3A_208 = tpu.vector_load %arg10[%get3A_205, %get3A_206, %get3A_207] {strides = array<i32>} : memref<2x40x128xi32, #tpu.memory_space<vmem>>, vector<1x1x16xi32>,
          %get3A_209 = vector.shape_cast %get3A_208 : vector<1x1x16xi32> to vector<16xi32>
          %shift_left3A_210 = arith.constant 16 : i32
          %shift_left3A_211 = vector.broadcast %shift_left3A_210 : i32 to vector<16xi32>
          %shift_left3A_212 = arith.shli %get3A_203, %shift_left3A_211 : vector<16xi32>
          %bitcast_convert_type3A_213 = tpu.bitcast %shift_left3A_212 : vector<16xi32> -> vector<16xf32>
          %shift_left3A_214 = arith.constant 16 : i32
          %shift_left3A_215 = vector.broadcast %shift_left3A_214 : i32 to vector<16xi32>
          %shift_left3A_216 = arith.shli %get3A_209, %shift_left3A_215 : vector<16xi32>
          %bitcast_convert_type3A_217 = tpu.bitcast %shift_left3A_216 : vector<16xi32> -> vector<16xf32>
          %add3A_218 = arith.addf %bitcast_convert_type3A_213, %bitcast_convert_type3A_217 : vector<16xf32>
          %and3A_219 = arith.constant -65536 : i32
          %and3A_220 = vector.broadcast %and3A_219 : i32 to vector<16xi32>
          %and3A_221 = arith.andi %get3A_203, %and3A_220 : vector<16xi32>
          %bitcast_convert_type3A_222 = tpu.bitcast %and3A_221 : vector<16xi32> -> vector<16xf32>
          %and3A_223 = arith.constant -65536 : i32
          %and3A_224 = vector.broadcast %and3A_223 : i32 to vector<16xi32>
          %and3A_225 = arith.andi %get3A_209, %and3A_224 : vector<16xi32>
          %bitcast_convert_type3A_226 = tpu.bitcast %and3A_225 : vector<16xi32> -> vector<16xf32>
          %add3A_227 = arith.addf %bitcast_convert_type3A_222, %bitcast_convert_type3A_226 : vector<16xf32>
          %bitcast_convert_type3A_228 = tpu.bitcast %add3A_218 : vector<16xf32> -> vector<16xi32>
          %add3A_229 = arith.constant 32768 : i32
          %add3A_230 = vector.broadcast %add3A_229 : i32 to vector<16xi32>
          %add3A_231 = arith.addi %bitcast_convert_type3A_228, %add3A_230 : vector<16xi32>
          %bitcast_convert_type3A_232 = tpu.bitcast %add3A_227 : vector<16xf32> -> vector<16xi32>
          %add3A_233 = arith.constant 32768 : i32
          %add3A_234 = vector.broadcast %add3A_233 : i32 to vector<16xi32>
          %add3A_235 = arith.addi %bitcast_convert_type3A_232, %add3A_234 : vector<16xi32>
          %shift_right_logical3A_236 = arith.constant 16 : i32
          %shift_right_logical3A_237 = vector.broadcast %shift_right_logical3A_236 : i32 to vector<16xi32>
          %shift_right_logical3A_238 = arith.shrui %add3A_231, %shift_right_logical3A_237 : vector<16xi32>
          %and3A_239 = arith.constant -65536 : i32
          %and3A_240 = vector.broadcast %and3A_239 : i32 to vector<16xi32>
          %and3A_241 = arith.andi %add3A_235, %and3A_240 : vector<16xi32>
          %or3A_242 = arith.ori %shift_right_logical3A_238, %and3A_241 : vector<16xi32>
          %bitcast_convert_type3A_243 = tpu.bitcast %or3A_242 : vector<16xi32> -> vector<16xi32>
          %swap3A_244 = arith.constant 1 : i32
          %swap3A_245 = arith.index_cast %swap3A_244 : i32 to index
          %swap3A_246 = arith.index_cast %scan3A_151 : i32 to index
          %swap3A_247 = arith.constant 16 : index
          %swap3A_248 = tpu.vector_load %arg11[%swap3A_245, %swap3A_246, %swap3A_247] {strides = array<i32>} : memref<2x40x128xi32, #tpu.memory_space<vmem>>, vector<1x1x16xi32>,
          %swap3A_249 = vector.shape_cast %swap3A_248 : vector<1x1x16xi32> to vector<16xi32>
          %swap3A_250 = vector.shape_cast %bitcast_convert_type3A_243 : vector<16xi32> to vector<1x1x16xi32>
          tpu.vector_store %arg11[%swap3A_245, %swap3A_246, %swap3A_247], %swap3A_250 {strides = array<i32>} : memref<2x40x128xi32, #tpu.memory_space<vmem>>, vector<1x1x16xi32>,
          %get3A_251 = arith.constant 1 : i32
          %get3A_252 = arith.index_cast %get3A_251 : i32 to index
          %get3A_253 = arith.index_cast %scan3A_151 : i32 to index
          %get3A_254 = arith.constant 32 : index
          %get3A_255 = tpu.vector_load %arg9[%get3A_252, %get3A_253, %get3A_254] {strides = array<i32>} : memref<2x40x128xi32, #tpu.memory_space<vmem>>, vector<1x1x16xi32>,
          %get3A_256 = vector.shape_cast %get3A_255 : vector<1x1x16xi32> to vector<16xi32>
          %get3A_257 = arith.constant 1 : i32
          %get3A_258 = arith.index_cast %get3A_257 : i32 to index
          %get3A_259 = arith.index_cast %scan3A_151 : i32 to index
          %get3A_260 = arith.constant 32 : index
          %get3A_261 = tpu.vector_load %arg10[%get3A_258, %get3A_259, %get3A_260] {strides = array<i32>} : memref<2x40x128xi32, #tpu.memory_space<vmem>>, vector<1x1x16xi32>,
          %get3A_262 = vector.shape_cast %get3A_261 : vector<1x1x16xi32> to vector<16xi32>
          %shift_left3A_263 = arith.constant 16 : i32
          %shift_left3A_264 = vector.broadcast %shift_left3A_263 : i32 to vector<16xi32>
          %shift_left3A_265 = arith.shli %get3A_256, %shift_left3A_264 : vector<16xi32>
          %bitcast_convert_type3A_266 = tpu.bitcast %shift_left3A_265 : vector<16xi32> -> vector<16xf32>
          %shift_left3A_267 = arith.constant 16 : i32
          %shift_left3A_268 = vector.broadcast %shift_left3A_267 : i32 to vector<16xi32>
          %shift_left3A_269 = arith.shli %get3A_262, %shift_left3A_268 : vector<16xi32>
          %bitcast_convert_type3A_270 = tpu.bitcast %shift_left3A_269 : vector<16xi32> -> vector<16xf32>
          %add3A_271 = arith.addf %bitcast_convert_type3A_266, %bitcast_convert_type3A_270 : vector<16xf32>
          %and3A_272 = arith.constant -65536 : i32
          %and3A_273 = vector.broadcast %and3A_272 : i32 to vector<16xi32>
          %and3A_274 = arith.andi %get3A_256, %and3A_273 : vector<16xi32>
          %bitcast_convert_type3A_275 = tpu.bitcast %and3A_274 : vector<16xi32> -> vector<16xf32>
          %and3A_276 = arith.constant -65536 : i32
          %and3A_277 = vector.broadcast %and3A_276 : i32 to vector<16xi32>
          %and3A_278 = arith.andi %get3A_262, %and3A_277 : vector<16xi32>
          %bitcast_convert_type3A_279 = tpu.bitcast %and3A_278 : vector<16xi32> -> vector<16xf32>
          %add3A_280 = arith.addf %bitcast_convert_type3A_275, %bitcast_convert_type3A_279 : vector<16xf32>
          %bitcast_convert_type3A_281 = tpu.bitcast %add3A_271 : vector<16xf32> -> vector<16xi32>
          %add3A_282 = arith.constant 32768 : i32
          %add3A_283 = vector.broadcast %add3A_282 : i32 to vector<16xi32>
          %add3A_284 = arith.addi %bitcast_convert_type3A_281, %add3A_283 : vector<16xi32>
          %bitcast_convert_type3A_285 = tpu.bitcast %add3A_280 : vector<16xf32> -> vector<16xi32>
          %add3A_286 = arith.constant 32768 : i32
          %add3A_287 = vector.broadcast %add3A_286 : i32 to vector<16xi32>
          %add3A_288 = arith.addi %bitcast_convert_type3A_285, %add3A_287 : vector<16xi32>
          %shift_right_logical3A_289 = arith.constant 16 : i32
          %shift_right_logical3A_290 = vector.broadcast %shift_right_logical3A_289 : i32 to vector<16xi32>
          %shift_right_logical3A_291 = arith.shrui %add3A_284, %shift_right_logical3A_290 : vector<16xi32>
          %and3A_292 = arith.constant -65536 : i32
          %and3A_293 = vector.broadcast %and3A_292 : i32 to vector<16xi32>
          %and3A_294 = arith.andi %add3A_288, %and3A_293 : vector<16xi32>
          %or3A_295 = arith.ori %shift_right_logical3A_291, %and3A_294 : vector<16xi32>
          %bitcast_convert_type3A_296 = tpu.bitcast %or3A_295 : vector<16xi32> -> vector<16xi32>
          %swap3A_297 = arith.constant 1 : i32
          %swap3A_298 = arith.index_cast %swap3A_297 : i32 to index
          %swap3A_299 = arith.index_cast %scan3A_151 : i32 to index
          %swap3A_300 = arith.constant 32 : index
          %swap3A_301 = tpu.vector_load %arg11[%swap3A_298, %swap3A_299, %swap3A_300] {strides = array<i32>} : memref<2x40x128xi32, #tpu.memory_space<vmem>>, vector<1x1x16xi32>,
          %swap3A_302 = vector.shape_cast %swap3A_301 : vector<1x1x16xi32> to vector<16xi32>
          %swap3A_303 = vector.shape_cast %bitcast_convert_type3A_296 : vector<16xi32> to vector<1x1x16xi32>
          tpu.vector_store %arg11[%swap3A_298, %swap3A_299, %swap3A_300], %swap3A_303 {strides = array<i32>} : memref<2x40x128xi32, #tpu.memory_space<vmem>>, vector<1x1x16xi32>,
          %get3A_304 = arith.constant 1 : i32
          %get3A_305 = arith.index_cast %get3A_304 : i32 to index
          %get3A_306 = arith.index_cast %scan3A_151 : i32 to index
          %get3A_307 = arith.constant 48 : index
          %get3A_308 = tpu.vector_load %arg9[%get3A_305, %get3A_306, %get3A_307] {strides = array<i32>} : memref<2x40x128xi32, #tpu.memory_space<vmem>>, vector<1x1x16xi32>,
          %get3A_309 = vector.shape_cast %get3A_308 : vector<1x1x16xi32> to vector<16xi32>
          %get3A_310 = arith.constant 1 : i32
          %get3A_311 = arith.index_cast %get3A_310 : i32 to index
          %get3A_312 = arith.index_cast %scan3A_151 : i32 to index
          %get3A_313 = arith.constant 48 : index
          %get3A_314 = tpu.vector_load %arg10[%get3A_311, %get3A_312, %get3A_313] {strides = array<i32>} : memref<2x40x128xi32, #tpu.memory_space<vmem>>, vector<1x1x16xi32>,
          %get3A_315 = vector.shape_cast %get3A_314 : vector<1x1x16xi32> to vector<16xi32>
          %shift_left3A_316 = arith.constant 16 : i32
          %shift_left3A_317 = vector.broadcast %shift_left3A_316 : i32 to vector<16xi32>
          %shift_left3A_318 = arith.shli %get3A_309, %shift_left3A_317 : vector<16xi32>
          %bitcast_convert_type3A_319 = tpu.bitcast %shift_left3A_318 : vector<16xi32> -> vector<16xf32>
          %shift_left3A_320 = arith.constant 16 : i32
          %shift_left3A_321 = vector.broadcast %shift_left3A_320 : i32 to vector<16xi32>
          %shift_left3A_322 = arith.shli %get3A_315, %shift_left3A_321 : vector<16xi32>
          %bitcast_convert_type3A_323 = tpu.bitcast %shift_left3A_322 : vector<16xi32> -> vector<16xf32>
          %add3A_324 = arith.addf %bitcast_convert_type3A_319, %bitcast_convert_type3A_323 : vector<16xf32>
          %and3A_325 = arith.constant -65536 : i32
          %and3A_326 = vector.broadcast %and3A_325 : i32 to vector<16xi32>
          %and3A_327 = arith.andi %get3A_309, %and3A_326 : vector<16xi32>
          %bitcast_convert_type3A_328 = tpu.bitcast %and3A_327 : vector<16xi32> -> vector<16xf32>
          %and3A_329 = arith.constant -65536 : i32
          %and3A_330 = vector.broadcast %and3A_329 : i32 to vector<16xi32>
          %and3A_331 = arith.andi %get3A_315, %and3A_330 : vector<16xi32>
          %bitcast_convert_type3A_332 = tpu.bitcast %and3A_331 : vector<16xi32> -> vector<16xf32>
          %add3A_333 = arith.addf %bitcast_convert_type3A_328, %bitcast_convert_type3A_332 : vector<16xf32>
          %bitcast_convert_type3A_334 = tpu.bitcast %add3A_324 : vector<16xf32> -> vector<16xi32>
          %add3A_335 = arith.constant 32768 : i32
          %add3A_336 = vector.broadcast %add3A_335 : i32 to vector<16xi32>
          %add3A_337 = arith.addi %bitcast_convert_type3A_334, %add3A_336 : vector<16xi32>
          %bitcast_convert_type3A_338 = tpu.bitcast %add3A_333 : vector<16xf32> -> vector<16xi32>
          %add3A_339 = arith.constant 32768 : i32
          %add3A_340 = vector.broadcast %add3A_339 : i32 to vector<16xi32>
          %add3A_341 = arith.addi %bitcast_convert_type3A_338, %add3A_340 : vector<16xi32>
          %shift_right_logical3A_342 = arith.constant 16 : i32
          %shift_right_logical3A_343 = vector.broadcast %shift_right_logical3A_342 : i32 to vector<16xi32>
          %shift_right_logical3A_344 = arith.shrui %add3A_337, %shift_right_logical3A_343 : vector<16xi32>
          %and3A_345 = arith.constant -65536 : i32
          %and3A_346 = vector.broadcast %and3A_345 : i32 to vector<16xi32>
          %and3A_347 = arith.andi %add3A_341, %and3A_346 : vector<16xi32>
          %or3A_348 = arith.ori %shift_right_logical3A_344, %and3A_347 : vector<16xi32>
          %bitcast_convert_type3A_349 = tpu.bitcast %or3A_348 : vector<16xi32> -> vector<16xi32>
          %swap3A_350 = arith.constant 1 : i32
          %swap3A_351 = arith.index_cast %swap3A_350 : i32 to index
          %swap3A_352 = arith.index_cast %scan3A_151 : i32 to index
          %swap3A_353 = arith.constant 48 : index
          %swap3A_354 = tpu.vector_load %arg11[%swap3A_351, %swap3A_352, %swap3A_353] {strides = array<i32>} : memref<2x40x128xi32, #tpu.memory_space<vmem>>, vector<1x1x16xi32>,
          %swap3A_355 = vector.shape_cast %swap3A_354 : vector<1x1x16xi32> to vector<16xi32>
          %swap3A_356 = vector.shape_cast %bitcast_convert_type3A_349 : vector<16xi32> to vector<1x1x16xi32>
          tpu.vector_store %arg11[%swap3A_351, %swap3A_352, %swap3A_353], %swap3A_356 {strides = array<i32>} : memref<2x40x128xi32, #tpu.memory_space<vmem>>, vector<1x1x16xi32>,
          %get3A_357 = arith.constant 1 : i32
          %get3A_358 = arith.index_cast %get3A_357 : i32 to index
          %get3A_359 = arith.index_cast %scan3A_151 : i32 to index
          %get3A_360 = arith.constant 64 : index
          %get3A_361 = tpu.vector_load %arg9[%get3A_358, %get3A_359, %get3A_360] {strides = array<i32>} : memref<2x40x128xi32, #tpu.memory_space<vmem>>, vector<1x1x16xi32>,
          %get3A_362 = vector.shape_cast %get3A_361 : vector<1x1x16xi32> to vector<16xi32>
          %get3A_363 = arith.constant 1 : i32
          %get3A_364 = arith.index_cast %get3A_363 : i32 to index
          %get3A_365 = arith.index_cast %scan3A_151 : i32 to index
          %get3A_366 = arith.constant 64 : index
          %get3A_367 = tpu.vector_load %arg10[%get3A_364, %get3A_365, %get3A_366] {strides = array<i32>} : memref<2x40x128xi32, #tpu.memory_space<vmem>>, vector<1x1x16xi32>,
          %get3A_368 = vector.shape_cast %get3A_367 : vector<1x1x16xi32> to vector<16xi32>
          %shift_left3A_369 = arith.constant 16 : i32
          %shift_left3A_370 = vector.broadcast %shift_left3A_369 : i32 to vector<16xi32>
          %shift_left3A_371 = arith.shli %get3A_362, %shift_left3A_370 : vector<16xi32>
          %bitcast_convert_type3A_372 = tpu.bitcast %shift_left3A_371 : vector<16xi32> -> vector<16xf32>
          %shift_left3A_373 = arith.constant 16 : i32
          %shift_left3A_374 = vector.broadcast %shift_left3A_373 : i32 to vector<16xi32>
          %shift_left3A_375 = arith.shli %get3A_368, %shift_left3A_374 : vector<16xi32>
          %bitcast_convert_type3A_376 = tpu.bitcast %shift_left3A_375 : vector<16xi32> -> vector<16xf32>
          %add3A_377 = arith.addf %bitcast_convert_type3A_372, %bitcast_convert_type3A_376 : vector<16xf32>
          %and3A_378 = arith.constant -65536 : i32
          %and3A_379 = vector.broadcast %and3A_378 : i32 to vector<16xi32>
          %and3A_380 = arith.andi %get3A_362, %and3A_379 : vector<16xi32>
          %bitcast_convert_type3A_381 = tpu.bitcast %and3A_380 : vector<16xi32> -> vector<16xf32>
          %and3A_382 = arith.constant -65536 : i32
          %and3A_383 = vector.broadcast %and3A_382 : i32 to vector<16xi32>
          %and3A_384 = arith.andi %get3A_368, %and3A_383 : vector<16xi32>
          %bitcast_convert_type3A_385 = tpu.bitcast %and3A_384 : vector<16xi32> -> vector<16xf32>
          %add3A_386 = arith.addf %bitcast_convert_type3A_381, %bitcast_convert_type3A_385 : vector<16xf32>
          %bitcast_convert_type3A_387 = tpu.bitcast %add3A_377 : vector<16xf32> -> vector<16xi32>
          %add3A_388 = arith.constant 32768 : i32
          %add3A_389 = vector.broadcast %add3A_388 : i32 to vector<16xi32>
          %add3A_390 = arith.addi %bitcast_convert_type3A_387, %add3A_389 : vector<16xi32>
          %bitcast_convert_type3A_391 = tpu.bitcast %add3A_386 : vector<16xf32> -> vector<16xi32>
          %add3A_392 = arith.constant 32768 : i32
          %add3A_393 = vector.broadcast %add3A_392 : i32 to vector<16xi32>
          %add3A_394 = arith.addi %bitcast_convert_type3A_391, %add3A_393 : vector<16xi32>
          %shift_right_logical3A_395 = arith.constant 16 : i32
          %shift_right_logical3A_396 = vector.broadcast %shift_right_logical3A_395 : i32 to vector<16xi32>
          %shift_right_logical3A_397 = arith.shrui %add3A_390, %shift_right_logical3A_396 : vector<16xi32>
          %and3A_398 = arith.constant -65536 : i32
          %and3A_399 = vector.broadcast %and3A_398 : i32 to vector<16xi32>
          %and3A_400 = arith.andi %add3A_394, %and3A_399 : vector<16xi32>
          %or3A_401 = arith.ori %shift_right_logical3A_397, %and3A_400 : vector<16xi32>
          %bitcast_convert_type3A_402 = tpu.bitcast %or3A_401 : vector<16xi32> -> vector<16xi32>
          %swap3A_403 = arith.constant 1 : i32
          %swap3A_404 = arith.index_cast %swap3A_403 : i32 to index
          %swap3A_405 = arith.index_cast %scan3A_151 : i32 to index
          %swap3A_406 = arith.constant 64 : index
          %swap3A_407 = tpu.vector_load %arg11[%swap3A_404, %swap3A_405, %swap3A_406] {strides = array<i32>} : memref<2x40x128xi32, #tpu.memory_space<vmem>>, vector<1x1x16xi32>,
          %swap3A_408 = vector.shape_cast %swap3A_407 : vector<1x1x16xi32> to vector<16xi32>
          %swap3A_409 = vector.shape_cast %bitcast_convert_type3A_402 : vector<16xi32> to vector<1x1x16xi32>
          tpu.vector_store %arg11[%swap3A_404, %swap3A_405, %swap3A_406], %swap3A_409 {strides = array<i32>} : memref<2x40x128xi32, #tpu.memory_space<vmem>>, vector<1x1x16xi32>,
          %get3A_410 = arith.constant 1 : i32
          %get3A_411 = arith.index_cast %get3A_410 : i32 to index
          %get3A_412 = arith.index_cast %scan3A_151 : i32 to index
          %get3A_413 = arith.constant 80 : index
          %get3A_414 = tpu.vector_load %arg9[%get3A_411, %get3A_412, %get3A_413] {strides = array<i32>} : memref<2x40x128xi32, #tpu.memory_space<vmem>>, vector<1x1x16xi32>,
          %get3A_415 = vector.shape_cast %get3A_414 : vector<1x1x16xi32> to vector<16xi32>
          %get3A_416 = arith.constant 1 : i32
          %get3A_417 = arith.index_cast %get3A_416 : i32 to index
          %get3A_418 = arith.index_cast %scan3A_151 : i32 to index
          %get3A_419 = arith.constant 80 : index
          %get3A_420 = tpu.vector_load %arg10[%get3A_417, %get3A_418, %get3A_419] {strides = array<i32>} : memref<2x40x128xi32, #tpu.memory_space<vmem>>, vector<1x1x16xi32>,
          %get3A_421 = vector.shape_cast %get3A_420 : vector<1x1x16xi32> to vector<16xi32>
          %shift_left3A_422 = arith.constant 16 : i32
          %shift_left3A_423 = vector.broadcast %shift_left3A_422 : i32 to vector<16xi32>
          %shift_left3A_424 = arith.shli %get3A_415, %shift_left3A_423 : vector<16xi32>
          %bitcast_convert_type3A_425 = tpu.bitcast %shift_left3A_424 : vector<16xi32> -> vector<16xf32>
          %shift_left3A_426 = arith.constant 16 : i32
          %shift_left3A_427 = vector.broadcast %shift_left3A_426 : i32 to vector<16xi32>
          %shift_left3A_428 = arith.shli %get3A_421, %shift_left3A_427 : vector<16xi32>
          %bitcast_convert_type3A_429 = tpu.bitcast %shift_left3A_428 : vector<16xi32> -> vector<16xf32>
          %add3A_430 = arith.addf %bitcast_convert_type3A_425, %bitcast_convert_type3A_429 : vector<16xf32>
          %and3A_431 = arith.constant -65536 : i32
          %and3A_432 = vector.broadcast %and3A_431 : i32 to vector<16xi32>
          %and3A_433 = arith.andi %get3A_415, %and3A_432 : vector<16xi32>
          %bitcast_convert_type3A_434 = tpu.bitcast %and3A_433 : vector<16xi32> -> vector<16xf32>
          %and3A_435 = arith.constant -65536 : i32
          %and3A_436 = vector.broadcast %and3A_435 : i32 to vector<16xi32>
          %and3A_437 = arith.andi %get3A_421, %and3A_436 : vector<16xi32>
          %bitcast_convert_type3A_438 = tpu.bitcast %and3A_437 : vector<16xi32> -> vector<16xf32>
          %add3A_439 = arith.addf %bitcast_convert_type3A_434, %bitcast_convert_type3A_438 : vector<16xf32>
          %bitcast_convert_type3A_440 = tpu.bitcast %add3A_430 : vector<16xf32> -> vector<16xi32>
          %add3A_441 = arith.constant 32768 : i32
          %add3A_442 = vector.broadcast %add3A_441 : i32 to vector<16xi32>
          %add3A_443 = arith.addi %bitcast_convert_type3A_440, %add3A_442 : vector<16xi32>
          %bitcast_convert_type3A_444 = tpu.bitcast %add3A_439 : vector<16xf32> -> vector<16xi32>
          %add3A_445 = arith.constant 32768 : i32
          %add3A_446 = vector.broadcast %add3A_445 : i32 to vector<16xi32>
          %add3A_447 = arith.addi %bitcast_convert_type3A_444, %add3A_446 : vector<16xi32>
          %shift_right_logical3A_448 = arith.constant 16 : i32
          %shift_right_logical3A_449 = vector.broadcast %shift_right_logical3A_448 : i32 to vector<16xi32>
          %shift_right_logical3A_450 = arith.shrui %add3A_443, %shift_right_logical3A_449 : vector<16xi32>
          %and3A_451 = arith.constant -65536 : i32
          %and3A_452 = vector.broadcast %and3A_451 : i32 to vector<16xi32>
          %and3A_453 = arith.andi %add3A_447, %and3A_452 : vector<16xi32>
          %or3A_454 = arith.ori %shift_right_logical3A_450, %and3A_453 : vector<16xi32>
          %bitcast_convert_type3A_455 = tpu.bitcast %or3A_454 : vector<16xi32> -> vector<16xi32>
          %swap3A_456 = arith.constant 1 : i32
          %swap3A_457 = arith.index_cast %swap3A_456 : i32 to index
          %swap3A_458 = arith.index_cast %scan3A_151 : i32 to index
          %swap3A_459 = arith.constant 80 : index
          %swap3A_460 = tpu.vector_load %arg11[%swap3A_457, %swap3A_458, %swap3A_459] {strides = array<i32>} : memref<2x40x128xi32, #tpu.memory_space<vmem>>, vector<1x1x16xi32>,
          %swap3A_461 = vector.shape_cast %swap3A_460 : vector<1x1x16xi32> to vector<16xi32>
          %swap3A_462 = vector.shape_cast %bitcast_convert_type3A_455 : vector<16xi32> to vector<1x1x16xi32>
          tpu.vector_store %arg11[%swap3A_457, %swap3A_458, %swap3A_459], %swap3A_462 {strides = array<i32>} : memref<2x40x128xi32, #tpu.memory_space<vmem>>, vector<1x1x16xi32>,
          %get3A_463 = arith.constant 1 : i32
          %get3A_464 = arith.index_cast %get3A_463 : i32 to index
          %get3A_465 = arith.index_cast %scan3A_151 : i32 to index
          %get3A_466 = arith.constant 96 : index
          %get3A_467 = tpu.vector_load %arg9[%get3A_464, %get3A_465, %get3A_466] {strides = array<i32>} : memref<2x40x128xi32, #tpu.memory_space<vmem>>, vector<1x1x16xi32>,
          %get3A_468 = vector.shape_cast %get3A_467 : vector<1x1x16xi32> to vector<16xi32>
          %get3A_469 = arith.constant 1 : i32
          %get3A_470 = arith.index_cast %get3A_469 : i32 to index
          %get3A_471 = arith.index_cast %scan3A_151 : i32 to index
          %get3A_472 = arith.constant 96 : index
          %get3A_473 = tpu.vector_load %arg10[%get3A_470, %get3A_471, %get3A_472] {strides = array<i32>} : memref<2x40x128xi32, #tpu.memory_space<vmem>>, vector<1x1x16xi32>,
          %get3A_474 = vector.shape_cast %get3A_473 : vector<1x1x16xi32> to vector<16xi32>
          %shift_left3A_475 = arith.constant 16 : i32
          %shift_left3A_476 = vector.broadcast %shift_left3A_475 : i32 to vector<16xi32>
          %shift_left3A_477 = arith.shli %get3A_468, %shift_left3A_476 : vector<16xi32>
          %bitcast_convert_type3A_478 = tpu.bitcast %shift_left3A_477 : vector<16xi32> -> vector<16xf32>
          %shift_left3A_479 = arith.constant 16 : i32
          %shift_left3A_480 = vector.broadcast %shift_left3A_479 : i32 to vector<16xi32>
          %shift_left3A_481 = arith.shli %get3A_474, %shift_left3A_480 : vector<16xi32>
          %bitcast_convert_type3A_482 = tpu.bitcast %shift_left3A_481 : vector<16xi32> -> vector<16xf32>
          %add3A_483 = arith.addf %bitcast_convert_type3A_478, %bitcast_convert_type3A_482 : vector<16xf32>
          %and3A_484 = arith.constant -65536 : i32
          %and3A_485 = vector.broadcast %and3A_484 : i32 to vector<16xi32>
          %and3A_486 = arith.andi %get3A_468, %and3A_485 : vector<16xi32>
          %bitcast_convert_type3A_487 = tpu.bitcast %and3A_486 : vector<16xi32> -> vector<16xf32>
          %and3A_488 = arith.constant -65536 : i32
          %and3A_489 = vector.broadcast %and3A_488 : i32 to vector<16xi32>
          %and3A_490 = arith.andi %get3A_474, %and3A_489 : vector<16xi32>
          %bitcast_convert_type3A_491 = tpu.bitcast %and3A_490 : vector<16xi32> -> vector<16xf32>
          %add3A_492 = arith.addf %bitcast_convert_type3A_487, %bitcast_convert_type3A_491 : vector<16xf32>
          %bitcast_convert_type3A_493 = tpu.bitcast %add3A_483 : vector<16xf32> -> vector<16xi32>
          %add3A_494 = arith.constant 32768 : i32
          %add3A_495 = vector.broadcast %add3A_494 : i32 to vector<16xi32>
          %add3A_496 = arith.addi %bitcast_convert_type3A_493, %add3A_495 : vector<16xi32>
          %bitcast_convert_type3A_497 = tpu.bitcast %add3A_492 : vector<16xf32> -> vector<16xi32>
          %add3A_498 = arith.constant 32768 : i32
          %add3A_499 = vector.broadcast %add3A_498 : i32 to vector<16xi32>
          %add3A_500 = arith.addi %bitcast_convert_type3A_497, %add3A_499 : vector<16xi32>
          %shift_right_logical3A_501 = arith.constant 16 : i32
          %shift_right_logical3A_502 = vector.broadcast %shift_right_logical3A_501 : i32 to vector<16xi32>
          %shift_right_logical3A_503 = arith.shrui %add3A_496, %shift_right_logical3A_502 : vector<16xi32>
          %and3A_504 = arith.constant -65536 : i32
          %and3A_505 = vector.broadcast %and3A_504 : i32 to vector<16xi32>
          %and3A_506 = arith.andi %add3A_500, %and3A_505 : vector<16xi32>
          %or3A_507 = arith.ori %shift_right_logical3A_503, %and3A_506 : vector<16xi32>
          %bitcast_convert_type3A_508 = tpu.bitcast %or3A_507 : vector<16xi32> -> vector<16xi32>
          %swap3A_509 = arith.constant 1 : i32
          %swap3A_510 = arith.index_cast %swap3A_509 : i32 to index
          %swap3A_511 = arith.index_cast %scan3A_151 : i32 to index
          %swap3A_512 = arith.constant 96 : index
          %swap3A_513 = tpu.vector_load %arg11[%swap3A_510, %swap3A_511, %swap3A_512] {strides = array<i32>} : memref<2x40x128xi32, #tpu.memory_space<vmem>>, vector<1x1x16xi32>,
          %swap3A_514 = vector.shape_cast %swap3A_513 : vector<1x1x16xi32> to vector<16xi32>
          %swap3A_515 = vector.shape_cast %bitcast_convert_type3A_508 : vector<16xi32> to vector<1x1x16xi32>
          tpu.vector_store %arg11[%swap3A_510, %swap3A_511, %swap3A_512], %swap3A_515 {strides = array<i32>} : memref<2x40x128xi32, #tpu.memory_space<vmem>>, vector<1x1x16xi32>,
          %get3A_516 = arith.constant 1 : i32
          %get3A_517 = arith.index_cast %get3A_516 : i32 to index
          %get3A_518 = arith.index_cast %scan3A_151 : i32 to index
          %get3A_519 = arith.constant 112 : index
          %get3A_520 = tpu.vector_load %arg9[%get3A_517, %get3A_518, %get3A_519] {strides = array<i32>} : memref<2x40x128xi32, #tpu.memory_space<vmem>>, vector<1x1x16xi32>,
          %get3A_521 = vector.shape_cast %get3A_520 : vector<1x1x16xi32> to vector<16xi32>
          %get3A_522 = arith.constant 1 : i32
          %get3A_523 = arith.index_cast %get3A_522 : i32 to index
          %get3A_524 = arith.index_cast %scan3A_151 : i32 to index
          %get3A_525 = arith.constant 112 : index
          %get3A_526 = tpu.vector_load %arg10[%get3A_523, %get3A_524, %get3A_525] {strides = array<i32>} : memref<2x40x128xi32, #tpu.memory_space<vmem>>, vector<1x1x16xi32>,
          %get3A_527 = vector.shape_cast %get3A_526 : vector<1x1x16xi32> to vector<16xi32>
          %shift_left3A_528 = arith.constant 16 : i32
          %shift_left3A_529 = vector.broadcast %shift_left3A_528 : i32 to vector<16xi32>
          %shift_left3A_530 = arith.shli %get3A_521, %shift_left3A_529 : vector<16xi32>
          %bitcast_convert_type3A_531 = tpu.bitcast %shift_left3A_530 : vector<16xi32> -> vector<16xf32>
          %shift_left3A_532 = arith.constant 16 : i32
          %shift_left3A_533 = vector.broadcast %shift_left3A_532 : i32 to vector<16xi32>
          %shift_left3A_534 = arith.shli %get3A_527, %shift_left3A_533 : vector<16xi32>
          %bitcast_convert_type3A_535 = tpu.bitcast %shift_left3A_534 : vector<16xi32> -> vector<16xf32>
          %add3A_536 = arith.addf %bitcast_convert_type3A_531, %bitcast_convert_type3A_535 : vector<16xf32>
          %and3A_537 = arith.constant -65536 : i32
          %and3A_538 = vector.broadcast %and3A_537 : i32 to vector<16xi32>
          %and3A_539 = arith.andi %get3A_521, %and3A_538 : vector<16xi32>
          %bitcast_convert_type3A_540 = tpu.bitcast %and3A_539 : vector<16xi32> -> vector<16xf32>
          %and3A_541 = arith.constant -65536 : i32
          %and3A_542 = vector.broadcast %and3A_541 : i32 to vector<16xi32>
          %and3A_543 = arith.andi %get3A_527, %and3A_542 : vector<16xi32>
          %bitcast_convert_type3A_544 = tpu.bitcast %and3A_543 : vector<16xi32> -> vector<16xf32>
          %add3A_545 = arith.addf %bitcast_convert_type3A_540, %bitcast_convert_type3A_544 : vector<16xf32>
          %bitcast_convert_type3A_546 = tpu.bitcast %add3A_536 : vector<16xf32> -> vector<16xi32>
          %add3A_547 = arith.constant 32768 : i32
          %add3A_548 = vector.broadcast %add3A_547 : i32 to vector<16xi32>
          %add3A_549 = arith.addi %bitcast_convert_type3A_546, %add3A_548 : vector<16xi32>
          %bitcast_convert_type3A_550 = tpu.bitcast %add3A_545 : vector<16xf32> -> vector<16xi32>
          %add3A_551 = arith.constant 32768 : i32
          %add3A_552 = vector.broadcast %add3A_551 : i32 to vector<16xi32>
          %add3A_553 = arith.addi %bitcast_convert_type3A_550, %add3A_552 : vector<16xi32>
          %shift_right_logical3A_554 = arith.constant 16 : i32
          %shift_right_logical3A_555 = vector.broadcast %shift_right_logical3A_554 : i32 to vector<16xi32>
          %shift_right_logical3A_556 = arith.shrui %add3A_549, %shift_right_logical3A_555 : vector<16xi32>
          %and3A_557 = arith.constant -65536 : i32
          %and3A_558 = vector.broadcast %and3A_557 : i32 to vector<16xi32>
          %and3A_559 = arith.andi %add3A_553, %and3A_558 : vector<16xi32>
          %or3A_560 = arith.ori %shift_right_logical3A_556, %and3A_559 : vector<16xi32>
          %bitcast_convert_type3A_561 = tpu.bitcast %or3A_560 : vector<16xi32> -> vector<16xi32>
          %swap3A_562 = arith.constant 1 : i32
          %swap3A_563 = arith.index_cast %swap3A_562 : i32 to index
          %swap3A_564 = arith.index_cast %scan3A_151 : i32 to index
          %swap3A_565 = arith.constant 112 : index
          %swap3A_566 = tpu.vector_load %arg11[%swap3A_563, %swap3A_564, %swap3A_565] {strides = array<i32>} : memref<2x40x128xi32, #tpu.memory_space<vmem>>, vector<1x1x16xi32>,
          %swap3A_567 = vector.shape_cast %swap3A_566 : vector<1x1x16xi32> to vector<16xi32>
          %swap3A_568 = vector.shape_cast %bitcast_convert_type3A_561 : vector<16xi32> to vector<1x1x16xi32>
          tpu.vector_store %arg11[%swap3A_563, %swap3A_564, %swap3A_565], %swap3A_568 {strides = array<i32>} : memref<2x40x128xi32, #tpu.memory_space<vmem>>, vector<1x1x16xi32>,
        }
        %scan3A_127 = arith.constant 40 : i32
        %mul3A_128 = arith.constant 40 : i32
        %mul3A_129 = arith.muli %add3A_90, %mul3A_128 : i32
        %add3A_130 = arith.addi %mul3A_2, %mul3A_129 : i32
        %dma_start3A_131 = arith.constant 1 : i32
        %dma_start3A_132 = arith.constant 0 : i32
        %dma_start3A_133 = arith.constant 0 : i32
        %dma_start3A_134 = tpu.memref_slice %arg11[%dma_start3A_131, %dma_start3A_132, %dma_start3A_133] : memref<2x40x128xi32, #tpu.memory_space<vmem>> -> memref<1x40x128xi32, #tpu.memory_space<vmem>>
        %dma_start3A_135 = tpu.memref_squeeze %dma_start3A_134 : memref<1x40x128xi32, #tpu.memory_space<vmem>> -> memref<40x128xi32, #tpu.memory_space<vmem>>
        %dma_start3A_136 = arith.constant 0 : i32
        %dma_start3A_137 = tpu.memref_slice %arg6[%add3A_130, %dma_start3A_136] : memref<160000x128xi32, #tpu.memory_space<hbm>> -> memref<40x128xi32, #tpu.memory_space<hbm>>
        %dma_start3A_138 = arith.constant 0 : i32
        %dma_start3A_139 = tpu.memref_slice %arg6[%add3A_130, %dma_start3A_138] : memref<160000x128xi32, #tpu.memory_space<hbm>> -> memref<40x128xi32, #tpu.memory_space<hbm>>
        %dma_start3A_140 = arith.constant 0 : i32
        %dma_start3A_141 = arith.constant 0 : i32
        %dma_start3A_142 = tpu.memref_slice %arg11[%dma_start3A_131, %dma_start3A_140, %dma_start3A_141] : memref<2x40x128xi32, #tpu.memory_space<vmem>> -> memref<1x40x128xi32, #tpu.memory_space<vmem>>
        %dma_start3A_143 = tpu.memref_squeeze %dma_start3A_142 : memref<1x40x128xi32, #tpu.memory_space<vmem>> -> memref<40x128xi32, #tpu.memory_space<vmem>>
        tpu.enqueue_dma source(%dma_start3A_143 : memref<40x128xi32, #tpu.memory_space<vmem>>) target(%dma_start3A_139 : memref<40x128xi32, #tpu.memory_space<hbm>>) target_semaphore(%arg15 : memref<!tpu.dma_semaphore, #tpu.memory_space<semaphore_mem>>)
        %add3A_144 = arith.constant 2 : i32
        %add3A_145 = arith.addi %add3A_90, %add3A_144 : i32
        %lt3A_146 = arith.constant 125 : i32
        %lt3A_147 = arith.cmpi slt, %add3A_145, %lt3A_146 : i32
        %convert_element_type3A_148 = arith.extui %lt3A_147 : i1 to i32
        %cond3A_149 = arith.constant 0 : i32
        %cond3A_150 = arith.cmpi ne, %convert_element_type3A_148, %cond3A_149 : i32
        scf.if %cond3A_150 {
          %add3A_151 = arith.constant 2 : i32
          %add3A_152 = arith.addi %add3A_90, %add3A_151 : i32
          %mul3A_153 = arith.constant 40 : i32
          %mul3A_154 = arith.muli %add3A_152, %mul3A_153 : i32
          %mul3A_155 = arith.constant 40 : i32
          %mul3A_156 = arith.muli %add3A_152, %mul3A_155 : i32
          %dma_start3A_157 = arith.constant 1 : i32
          %dma_start3A_158 = arith.constant 0 : i32
          %dma_start3A_159 = arith.constant 0 : i32
          %dma_start3A_160 = tpu.memref_slice %arg9[%dma_start3A_157, %dma_start3A_158, %dma_start3A_159] : memref<2x40x128xi32, #tpu.memory_space<vmem>> -> memref<1x40x128xi32, #tpu.memory_space<vmem>>
          %dma_start3A_161 = tpu.memref_squeeze %dma_start3A_160 : memref<1x40x128xi32, #tpu.memory_space<vmem>> -> memref<40x128xi32, #tpu.memory_space<vmem>>
          %dma_start3A_162 = tpu.memref_slice %arg7[%mul3A_154] : memref<5000xi32, #tpu.memory_space<vmem>> -> memref<40xi32, #tpu.memory_space<vmem>>
          %dma_start3A_163 = arith.constant 0 : i32
          %dma_start3A_164 = arith.constant 0 : i32
          %dma_start3A_165 = tpu.memref_slice %arg4[%dma_start3A_163, %dma_start3A_164] : memref<10000x128xi32, #tpu.memory_space<hbm>> -> memref<10000x128xi32, #tpu.memory_space<hbm>>
          tpu.enqueue_indirect_dma source(%dma_start3A_165 : memref<10000x128xi32, #tpu.memory_space<hbm>>) target(%dma_start3A_161 : memref<40x128xi32, #tpu.memory_space<vmem>>) offsets(%dma_start3A_162 : memref<40xi32, #tpu.memory_space<vmem>>) semaphore(%arg13 : memref<!tpu.dma_semaphore, #tpu.memory_space<semaphore_mem>>)
          %dma_start3A_166 = arith.constant 1 : i32
          %dma_start3A_167 = arith.constant 0 : i32
          %dma_start3A_168 = arith.constant 0 : i32
          %dma_start3A_169 = tpu.memref_slice %arg10[%dma_start3A_166, %dma_start3A_167, %dma_start3A_168] : memref<2x40x128xi32, #tpu.memory_space<vmem>> -> memref<1x40x128xi32, #tpu.memory_space<vmem>>
          %dma_start3A_170 = tpu.memref_squeeze %dma_start3A_169 : memref<1x40x128xi32, #tpu.memory_space<vmem>> -> memref<40x128xi32, #tpu.memory_space<vmem>>
          %dma_start3A_171 = tpu.memref_slice %arg8[%mul3A_156] : memref<5000xi32, #tpu.memory_space<vmem>> -> memref<40xi32, #tpu.memory_space<vmem>>
          %dma_start3A_172 = arith.constant 0 : i32
          %dma_start3A_173 = arith.constant 0 : i32
          %dma_start3A_174 = tpu.memref_slice %arg5[%dma_start3A_172, %dma_start3A_173] : memref<10000x128xi32, #tpu.memory_space<hbm>> -> memref<10000x128xi32, #tpu.memory_space<hbm>>
          tpu.enqueue_indirect_dma source(%dma_start3A_174 : memref<10000x128xi32, #tpu.memory_space<hbm>>) target(%dma_start3A_170 : memref<40x128xi32, #tpu.memory_space<vmem>>) offsets(%dma_start3A_171 : memref<40xi32, #tpu.memory_space<vmem>>) semaphore(%arg13 : memref<!tpu.dma_semaphore, #tpu.memory_space<semaphore_mem>>)
        } else {
        }
      } else {
      }
    }
    %scan3A_50 = arith.constant 63 : i32
    %add3A_51 = arith.constant 4960 : i32
    %add3A_52 = arith.addi %mul3A_2, %add3A_51 : i32
    %dma_wait3A = arith.constant 0 : i32
    %dma_wait3A_53 = arith.constant 0 : i32
    %dma_wait3A_54 = arith.constant 0 : i32
    %dma_wait3A_55 = tpu.memref_slice %arg11[%dma_wait3A, %dma_wait3A_53, %dma_wait3A_54] : memref<2x40x128xi32, #tpu.memory_space<vmem>> -> memref<1x40x128xi32, #tpu.memory_space<vmem>>
    %dma_wait3A_56 = tpu.memref_squeeze %dma_wait3A_55 : memref<1x40x128xi32, #tpu.memory_space<vmem>> -> memref<40x128xi32, #tpu.memory_space<vmem>>
    %dma_wait3A_57 = arith.constant 0 : i32
    %dma_wait3A_58 = tpu.memref_slice %arg6[%add3A_52, %dma_wait3A_57] : memref<160000x128xi32, #tpu.memory_space<hbm>> -> memref<40x128xi32, #tpu.memory_space<hbm>>
    %dma_wait3A_59 = arith.constant 0 : i32
    %dma_wait3A_60 = tpu.memref_slice %arg6[%add3A_52, %dma_wait3A_59] : memref<160000x128xi32, #tpu.memory_space<hbm>> -> memref<40x128xi32, #tpu.memory_space<hbm>>
    %dma_wait3A_61 = arith.constant 0 : i32
    %dma_wait3A_62 = arith.constant 0 : i32
    %dma_wait3A_63 = tpu.memref_slice %arg11[%dma_wait3A, %dma_wait3A_61, %dma_wait3A_62] : memref<2x40x128xi32, #tpu.memory_space<vmem>> -> memref<1x40x128xi32, #tpu.memory_space<vmem>>
    %dma_wait3A_64 = tpu.memref_squeeze %dma_wait3A_63 : memref<1x40x128xi32, #tpu.memory_space<vmem>> -> memref<40x128xi32, #tpu.memory_space<vmem>>
    tpu.wait_dma2 semaphore(%arg14 : memref<!tpu.dma_semaphore, #tpu.memory_space<semaphore_mem>>) src(%dma_wait3A_64 : memref<40x128xi32, #tpu.memory_space<vmem>>) dst(%dma_wait3A_60 : memref<40x128xi32, #tpu.memory_space<hbm>>)
    %add3A_65 = arith.constant 4920 : i32
    %add3A_66 = arith.addi %mul3A_2, %add3A_65 : i32
    %dma_wait3A_67 = arith.constant 1 : i32
    %dma_wait3A_68 = arith.constant 0 : i32
    %dma_wait3A_69 = arith.constant 0 : i32
    %dma_wait3A_70 = tpu.memref_slice %arg11[%dma_wait3A_67, %dma_wait3A_68, %dma_wait3A_69] : memref<2x40x128xi32, #tpu.memory_space<vmem>> -> memref<1x40x128xi32, #tpu.memory_space<vmem>>
    %dma_wait3A_71 = tpu.memref_squeeze %dma_wait3A_70 : memref<1x40x128xi32, #tpu.memory_space<vmem>> -> memref<40x128xi32, #tpu.memory_space<vmem>>
    %dma_wait3A_72 = arith.constant 0 : i32
    %dma_wait3A_73 = tpu.memref_slice %arg6[%add3A_66, %dma_wait3A_72] : memref<160000x128xi32, #tpu.memory_space<hbm>> -> memref<40x128xi32, #tpu.memory_space<hbm>>
    %dma_wait3A_74 = arith.constant 0 : i32
    %dma_wait3A_75 = tpu.memref_slice %arg6[%add3A_66, %dma_wait3A_74] : memref<160000x128xi32, #tpu.memory_space<hbm>> -> memref<40x128xi32, #tpu.memory_space<hbm>>
    %dma_wait3A_76 = arith.constant 0 : i32
    %dma_wait3A_77 = arith.constant 0 : i32
    %dma_wait3A_78 = tpu.memref_slice %arg11[%dma_wait3A_67, %dma_wait3A_76, %dma_wait3A_77] : memref<2x40x128xi32, #tpu.memory_space<vmem>> -> memref<1x40x128xi32, #tpu.memory_space<vmem>>
    %dma_wait3A_79 = tpu.memref_squeeze %dma_wait3A_78 : memref<1x40x128xi32, #tpu.memory_space<vmem>> -> memref<40x128xi32, #tpu.memory_space<vmem>>
    tpu.wait_dma2 semaphore(%arg15 : memref<!tpu.dma_semaphore, #tpu.memory_space<semaphore_mem>>) src(%dma_wait3A_79 : memref<40x128xi32, #tpu.memory_space<vmem>>) dst(%dma_wait3A_75 : memref<40x128xi32, #tpu.memory_space<hbm>>)
    return
  }
}

#map = affine_map<(d0, d1) -> (0)>
#map1 = affine_map<(d0, d1) -> (0, 0)>
module attributes {stable_mosaic.version = 14 : i64} {
  func.func @_sc_scatter(%arg0: i32, %arg1: i32, %arg2: memref<320000xi32, #tpu.memory_space<hbm>>, %arg3: memref<160000x128xf32, #tpu.memory_space<hbm>>, %arg4: memref<10000x128xf32, #tpu.memory_space<hbm>>, %arg5: memref<20000x128xf32, #tpu.memory_space<hbm>>, %arg6: memref<2x128xi32, #tpu.memory_space<vmem>>, %arg7: memref<2x128x128xf32, #tpu.memory_space<vmem>>, %arg8: memref<10000x128xf32, #tpu.memory_space<vmem_shared>>, %arg9: memref<!tpu.dma_semaphore, #tpu.memory_space<semaphore_mem>>, %arg10: memref<!tpu.dma_semaphore, #tpu.memory_space<semaphore_mem>>) attributes {dimension_semantics = [#tpu.dimension_semantics<core_parallel>, #tpu.dimension_semantics<subcore_parallel>], iteration_bounds = array<i64: 2, 16>, scalar_prefetch = 0 : i64, scratch_operands = 5 : i64, tpu.core_type = #tpu.core_type<sc_vector_subcore>, window_params = [{transform_indices = #map}, {transform_indices = #map1}, {transform_indices = #map1}, {transform_indices = #map1}]} {
    %lt3A = arith.constant 10 : i32
    %lt3A_0 = arith.cmpi slt, %arg1, %lt3A : i32
    %convert_element_type3A = arith.extui %lt3A_0 : i1 to i32
    %cond3A = arith.constant 0 : i32
    %cond3A_1 = arith.cmpi ne, %convert_element_type3A, %cond3A : i32
    scf.if %cond3A_1 {
      %mul3A_27 = arith.constant 1000 : i32
      %mul3A_28 = arith.muli %arg1, %mul3A_27 : i32
      "tpu.region"() ({
        %run_scoped3A = tpu.sem_alloc : memref<!tpu.dma_semaphore, #tpu.memory_space<semaphore_mem>>
        %dma_start3A = arith.constant 0 : i32
        %dma_start3A_29 = tpu.memref_slice %arg8[%mul3A_28, %dma_start3A] : memref<10000x128xf32, #tpu.memory_space<vmem_shared>> -> memref<1000x128xf32, #tpu.memory_space<vmem_shared>>
        %dma_start3A_30 = arith.constant 0 : i32
        %dma_start3A_31 = tpu.memref_slice %arg4[%mul3A_28, %dma_start3A_30] : memref<10000x128xf32, #tpu.memory_space<hbm>> -> memref<1000x128xf32, #tpu.memory_space<hbm>>
        tpu.enqueue_dma source(%dma_start3A_31 : memref<1000x128xf32, #tpu.memory_space<hbm>>) target(%dma_start3A_29 : memref<1000x128xf32, #tpu.memory_space<vmem_shared>>) target_semaphore(%run_scoped3A : memref<!tpu.dma_semaphore, #tpu.memory_space<semaphore_mem>>)
        %dma_wait3A = arith.constant 0 : i32
        %dma_wait3A_32 = tpu.memref_slice %arg8[%mul3A_28, %dma_wait3A] : memref<10000x128xf32, #tpu.memory_space<vmem_shared>> -> memref<1000x128xf32, #tpu.memory_space<vmem_shared>>
        %dma_wait3A_33 = arith.constant 0 : i32
        %dma_wait3A_34 = tpu.memref_slice %arg4[%mul3A_28, %dma_wait3A_33] : memref<10000x128xf32, #tpu.memory_space<hbm>> -> memref<1000x128xf32, #tpu.memory_space<hbm>>
        tpu.wait_dma2 semaphore(%run_scoped3A : memref<!tpu.dma_semaphore, #tpu.memory_space<semaphore_mem>>) src(%dma_wait3A_34 : memref<1000x128xf32, #tpu.memory_space<hbm>>) dst(%dma_wait3A_32 : memref<1000x128xf32, #tpu.memory_space<vmem_shared>>)
        tpu.yield
      }) : () -> ()
    } else {
    }
    %barrier3A = arith.constant 0 : index
    tpu.barrier barrier_id(%barrier3A)
    %mul3A = arith.constant 625 : i32
    %mul3A_2 = arith.muli %arg0, %mul3A : i32
    %add3A = arith.constant 625 : i32
    %add3A_3 = arith.addi %mul3A_2, %add3A : i32
    %add3A_4 = arith.addi %mul3A_2, %arg1 : i32
    %lt3A_5 = arith.cmpi slt, %add3A_4, %add3A_3 : i32
    %convert_element_type3A_6 = arith.extui %lt3A_5 : i1 to i32
    %cond3A_7 = arith.constant 0 : i32
    %cond3A_8 = arith.cmpi ne, %convert_element_type3A_6, %cond3A_7 : i32
    scf.if %cond3A_8 {
      %mul3A_27 = arith.constant 128 : i32
      %mul3A_28 = arith.muli %add3A_4, %mul3A_27 : i32
      %add3A_29 = arith.constant 160000 : i32
      %add3A_30 = arith.addi %add3A_29, %mul3A_28 : i32
      %dma_start3A = arith.constant 0 : i32
      %dma_start3A_31 = arith.constant 0 : i32
      %dma_start3A_32 = tpu.memref_slice %arg6[%dma_start3A, %dma_start3A_31] : memref<2x128xi32, #tpu.memory_space<vmem>> -> memref<1x128xi32, #tpu.memory_space<vmem>>
      %dma_start3A_33 = tpu.memref_squeeze %dma_start3A_32 : memref<1x128xi32, #tpu.memory_space<vmem>> -> memref<128xi32, #tpu.memory_space<vmem>>
      %dma_start3A_34 = tpu.memref_slice %arg2[%add3A_30] : memref<320000xi32, #tpu.memory_space<hbm>> -> memref<128xi32, #tpu.memory_space<hbm>>
      %dma_start3A_35 = arith.constant 0 : i32
      %dma_start3A_36 = tpu.memref_slice %arg6[%dma_start3A, %dma_start3A_35] : memref<2x128xi32, #tpu.memory_space<vmem>> -> memref<1x128xi32, #tpu.memory_space<vmem>>
      %dma_start3A_37 = tpu.memref_squeeze %dma_start3A_36 : memref<1x128xi32, #tpu.memory_space<vmem>> -> memref<128xi32, #tpu.memory_space<vmem>>
      %dma_start3A_38 = tpu.memref_slice %arg2[%add3A_30] : memref<320000xi32, #tpu.memory_space<hbm>> -> memref<128xi32, #tpu.memory_space<hbm>>
      tpu.enqueue_dma source(%dma_start3A_38 : memref<128xi32, #tpu.memory_space<hbm>>) target(%dma_start3A_37 : memref<128xi32, #tpu.memory_space<vmem>>) target_semaphore(%arg9 : memref<!tpu.dma_semaphore, #tpu.memory_space<semaphore_mem>>)
      %dma_start3A_39 = arith.constant 0 : i32
      %dma_start3A_40 = arith.constant 0 : i32
      %dma_start3A_41 = arith.constant 0 : i32
      %dma_start3A_42 = tpu.memref_slice %arg7[%dma_start3A_39, %dma_start3A_40, %dma_start3A_41] : memref<2x128x128xf32, #tpu.memory_space<vmem>> -> memref<1x128x128xf32, #tpu.memory_space<vmem>>
      %dma_start3A_43 = tpu.memref_squeeze %dma_start3A_42 : memref<1x128x128xf32, #tpu.memory_space<vmem>> -> memref<128x128xf32, #tpu.memory_space<vmem>>
      %dma_start3A_44 = arith.constant 0 : i32
      %dma_start3A_45 = tpu.memref_slice %arg3[%mul3A_28, %dma_start3A_44] : memref<160000x128xf32, #tpu.memory_space<hbm>> -> memref<128x128xf32, #tpu.memory_space<hbm>>
      %dma_start3A_46 = arith.constant 0 : i32
      %dma_start3A_47 = arith.constant 0 : i32
      %dma_start3A_48 = tpu.memref_slice %arg7[%dma_start3A_39, %dma_start3A_46, %dma_start3A_47] : memref<2x128x128xf32, #tpu.memory_space<vmem>> -> memref<1x128x128xf32, #tpu.memory_space<vmem>>
      %dma_start3A_49 = tpu.memref_squeeze %dma_start3A_48 : memref<1x128x128xf32, #tpu.memory_space<vmem>> -> memref<128x128xf32, #tpu.memory_space<vmem>>
      %dma_start3A_50 = arith.constant 0 : i32
      %dma_start3A_51 = tpu.memref_slice %arg3[%mul3A_28, %dma_start3A_50] : memref<160000x128xf32, #tpu.memory_space<hbm>> -> memref<128x128xf32, #tpu.memory_space<hbm>>
      tpu.enqueue_dma source(%dma_start3A_51 : memref<128x128xf32, #tpu.memory_space<hbm>>) target(%dma_start3A_49 : memref<128x128xf32, #tpu.memory_space<vmem>>) target_semaphore(%arg9 : memref<!tpu.dma_semaphore, #tpu.memory_space<semaphore_mem>>)
    } else {
    }
    %add3A_9 = arith.addi %mul3A_2, %arg1 : i32
    %add3A_10 = arith.constant 16 : i32
    %add3A_11 = arith.addi %add3A_9, %add3A_10 : i32
    %lt3A_12 = arith.cmpi slt, %add3A_11, %add3A_3 : i32
    %convert_element_type3A_13 = arith.extui %lt3A_12 : i1 to i32
    %cond3A_14 = arith.constant 0 : i32
    %cond3A_15 = arith.cmpi ne, %convert_element_type3A_13, %cond3A_14 : i32
    scf.if %cond3A_15 {
      %mul3A_27 = arith.constant 128 : i32
      %mul3A_28 = arith.muli %add3A_11, %mul3A_27 : i32
      %add3A_29 = arith.constant 160000 : i32
      %add3A_30 = arith.addi %add3A_29, %mul3A_28 : i32
      %dma_start3A = arith.constant 1 : i32
      %dma_start3A_31 = arith.constant 0 : i32
      %dma_start3A_32 = tpu.memref_slice %arg6[%dma_start3A, %dma_start3A_31] : memref<2x128xi32, #tpu.memory_space<vmem>> -> memref<1x128xi32, #tpu.memory_space<vmem>>
      %dma_start3A_33 = tpu.memref_squeeze %dma_start3A_32 : memref<1x128xi32, #tpu.memory_space<vmem>> -> memref<128xi32, #tpu.memory_space<vmem>>
      %dma_start3A_34 = tpu.memref_slice %arg2[%add3A_30] : memref<320000xi32, #tpu.memory_space<hbm>> -> memref<128xi32, #tpu.memory_space<hbm>>
      %dma_start3A_35 = arith.constant 0 : i32
      %dma_start3A_36 = tpu.memref_slice %arg6[%dma_start3A, %dma_start3A_35] : memref<2x128xi32, #tpu.memory_space<vmem>> -> memref<1x128xi32, #tpu.memory_space<vmem>>
      %dma_start3A_37 = tpu.memref_squeeze %dma_start3A_36 : memref<1x128xi32, #tpu.memory_space<vmem>> -> memref<128xi32, #tpu.memory_space<vmem>>
      %dma_start3A_38 = tpu.memref_slice %arg2[%add3A_30] : memref<320000xi32, #tpu.memory_space<hbm>> -> memref<128xi32, #tpu.memory_space<hbm>>
      tpu.enqueue_dma source(%dma_start3A_38 : memref<128xi32, #tpu.memory_space<hbm>>) target(%dma_start3A_37 : memref<128xi32, #tpu.memory_space<vmem>>) target_semaphore(%arg10 : memref<!tpu.dma_semaphore, #tpu.memory_space<semaphore_mem>>)
      %dma_start3A_39 = arith.constant 1 : i32
      %dma_start3A_40 = arith.constant 0 : i32
      %dma_start3A_41 = arith.constant 0 : i32
      %dma_start3A_42 = tpu.memref_slice %arg7[%dma_start3A_39, %dma_start3A_40, %dma_start3A_41] : memref<2x128x128xf32, #tpu.memory_space<vmem>> -> memref<1x128x128xf32, #tpu.memory_space<vmem>>
      %dma_start3A_43 = tpu.memref_squeeze %dma_start3A_42 : memref<1x128x128xf32, #tpu.memory_space<vmem>> -> memref<128x128xf32, #tpu.memory_space<vmem>>
      %dma_start3A_44 = arith.constant 0 : i32
      %dma_start3A_45 = tpu.memref_slice %arg3[%mul3A_28, %dma_start3A_44] : memref<160000x128xf32, #tpu.memory_space<hbm>> -> memref<128x128xf32, #tpu.memory_space<hbm>>
      %dma_start3A_46 = arith.constant 0 : i32
      %dma_start3A_47 = arith.constant 0 : i32
      %dma_start3A_48 = tpu.memref_slice %arg7[%dma_start3A_39, %dma_start3A_46, %dma_start3A_47] : memref<2x128x128xf32, #tpu.memory_space<vmem>> -> memref<1x128x128xf32, #tpu.memory_space<vmem>>
      %dma_start3A_49 = tpu.memref_squeeze %dma_start3A_48 : memref<1x128x128xf32, #tpu.memory_space<vmem>> -> memref<128x128xf32, #tpu.memory_space<vmem>>
      %dma_start3A_50 = arith.constant 0 : i32
      %dma_start3A_51 = tpu.memref_slice %arg3[%mul3A_28, %dma_start3A_50] : memref<160000x128xf32, #tpu.memory_space<hbm>> -> memref<128x128xf32, #tpu.memory_space<hbm>>
      tpu.enqueue_dma source(%dma_start3A_51 : memref<128x128xf32, #tpu.memory_space<hbm>>) target(%dma_start3A_49 : memref<128x128xf32, #tpu.memory_space<vmem>>) target_semaphore(%arg10 : memref<!tpu.dma_semaphore, #tpu.memory_space<semaphore_mem>>)
    } else {
    }
    %scan3A = arith.constant 0 : i32
    %scan3A_16 = arith.constant 0 : i32
    %scan3A_17 = arith.constant 20 : i32
    %scan3A_18 = arith.addi %scan3A_16, %scan3A_17 : i32
    %scan3A_19 = arith.constant 1 : i32
    scf.for %scan3A_27 = %scan3A_16 to %scan3A_18 step %scan3A_19  : i32 {
      %add3A_28 = arith.addi %mul3A_2, %arg1 : i32
      %mul3A_29 = arith.constant 2 : i32
      %mul3A_30 = arith.muli %mul3A_29, %scan3A_27 : i32
      %add3A_31 = arith.constant 0 : i32
      %add3A_32 = arith.addi %mul3A_30, %add3A_31 : i32
      %mul3A_33 = arith.constant 16 : i32
      %mul3A_34 = arith.muli %add3A_32, %mul3A_33 : i32
      %add3A_35 = arith.addi %add3A_28, %mul3A_34 : i32
      %lt3A_36 = arith.cmpi slt, %add3A_35, %add3A_3 : i32
      %convert_element_type3A_37 = arith.extui %lt3A_36 : i1 to i32
      %cond3A_38 = arith.constant 0 : i32
      %cond3A_39 = arith.cmpi ne, %convert_element_type3A_37, %cond3A_38 : i32
      scf.if %cond3A_39 {
        %mul3A_52 = arith.constant 128 : i32
        %mul3A_53 = arith.muli %add3A_35, %mul3A_52 : i32
        %add3A_54 = arith.constant 160000 : i32
        %add3A_55 = arith.addi %add3A_54, %mul3A_53 : i32
        %dma_wait3A = arith.constant 0 : i32
        %dma_wait3A_56 = arith.constant 0 : i32
        %dma_wait3A_57 = tpu.memref_slice %arg6[%dma_wait3A, %dma_wait3A_56] : memref<2x128xi32, #tpu.memory_space<vmem>> -> memref<1x128xi32, #tpu.memory_space<vmem>>
        %dma_wait3A_58 = tpu.memref_squeeze %dma_wait3A_57 : memref<1x128xi32, #tpu.memory_space<vmem>> -> memref<128xi32, #tpu.memory_space<vmem>>
        %dma_wait3A_59 = tpu.memref_slice %arg2[%add3A_55] : memref<320000xi32, #tpu.memory_space<hbm>> -> memref<128xi32, #tpu.memory_space<hbm>>
        %dma_wait3A_60 = arith.constant 0 : i32
        %dma_wait3A_61 = tpu.memref_slice %arg6[%dma_wait3A, %dma_wait3A_60] : memref<2x128xi32, #tpu.memory_space<vmem>> -> memref<1x128xi32, #tpu.memory_space<vmem>>
        %dma_wait3A_62 = tpu.memref_squeeze %dma_wait3A_61 : memref<1x128xi32, #tpu.memory_space<vmem>> -> memref<128xi32, #tpu.memory_space<vmem>>
        %dma_wait3A_63 = tpu.memref_slice %arg2[%add3A_55] : memref<320000xi32, #tpu.memory_space<hbm>> -> memref<128xi32, #tpu.memory_space<hbm>>
        tpu.wait_dma2 semaphore(%arg9 : memref<!tpu.dma_semaphore, #tpu.memory_space<semaphore_mem>>) src(%dma_wait3A_63 : memref<128xi32, #tpu.memory_space<hbm>>) dst(%dma_wait3A_62 : memref<128xi32, #tpu.memory_space<vmem>>)
        %dma_wait3A_64 = arith.constant 0 : i32
        %dma_wait3A_65 = arith.constant 0 : i32
        %dma_wait3A_66 = arith.constant 0 : i32
        %dma_wait3A_67 = tpu.memref_slice %arg7[%dma_wait3A_64, %dma_wait3A_65, %dma_wait3A_66] : memref<2x128x128xf32, #tpu.memory_space<vmem>> -> memref<1x128x128xf32, #tpu.memory_space<vmem>>
        %dma_wait3A_68 = tpu.memref_squeeze %dma_wait3A_67 : memref<1x128x128xf32, #tpu.memory_space<vmem>> -> memref<128x128xf32, #tpu.memory_space<vmem>>
        %dma_wait3A_69 = arith.constant 0 : i32
        %dma_wait3A_70 = tpu.memref_slice %arg3[%mul3A_53, %dma_wait3A_69] : memref<160000x128xf32, #tpu.memory_space<hbm>> -> memref<128x128xf32, #tpu.memory_space<hbm>>
        %dma_wait3A_71 = arith.constant 0 : i32
        %dma_wait3A_72 = arith.constant 0 : i32
        %dma_wait3A_73 = tpu.memref_slice %arg7[%dma_wait3A_64, %dma_wait3A_71, %dma_wait3A_72] : memref<2x128x128xf32, #tpu.memory_space<vmem>> -> memref<1x128x128xf32, #tpu.memory_space<vmem>>
        %dma_wait3A_74 = tpu.memref_squeeze %dma_wait3A_73 : memref<1x128x128xf32, #tpu.memory_space<vmem>> -> memref<128x128xf32, #tpu.memory_space<vmem>>
        %dma_wait3A_75 = arith.constant 0 : i32
        %dma_wait3A_76 = tpu.memref_slice %arg3[%mul3A_53, %dma_wait3A_75] : memref<160000x128xf32, #tpu.memory_space<hbm>> -> memref<128x128xf32, #tpu.memory_space<hbm>>
        tpu.wait_dma2 semaphore(%arg9 : memref<!tpu.dma_semaphore, #tpu.memory_space<semaphore_mem>>) src(%dma_wait3A_76 : memref<128x128xf32, #tpu.memory_space<hbm>>) dst(%dma_wait3A_74 : memref<128x128xf32, #tpu.memory_space<vmem>>)
        %run_scoped3A = arith.constant 0 : i32
        %run_scoped3A_77 = arith.constant 0 : i32
        "tpu.region"() ({
          %run_scoped3A_84 = tpu.sem_alloc : memref<!tpu.dma_semaphore, #tpu.memory_space<semaphore_mem>>
          %dma_start3A = arith.constant 0 : i32
          %dma_start3A_85 = arith.constant 0 : i32
          %dma_start3A_86 = tpu.memref_slice %arg7[%run_scoped3A, %dma_start3A, %dma_start3A_85] : memref<2x128x128xf32, #tpu.memory_space<vmem>> -> memref<1x128x128xf32, #tpu.memory_space<vmem>>
          %dma_start3A_87 = tpu.memref_squeeze %dma_start3A_86 : memref<1x128x128xf32, #tpu.memory_space<vmem>> -> memref<128x128xf32, #tpu.memory_space<vmem>>
          %dma_start3A_88 = arith.constant 0 : i32
          %dma_start3A_89 = tpu.memref_slice %arg6[%run_scoped3A_77, %dma_start3A_88] : memref<2x128xi32, #tpu.memory_space<vmem>> -> memref<1x128xi32, #tpu.memory_space<vmem>>
          %dma_start3A_90 = tpu.memref_squeeze %dma_start3A_89 : memref<1x128xi32, #tpu.memory_space<vmem>> -> memref<128xi32, #tpu.memory_space<vmem>>
          %dma_start3A_91 = arith.constant 0 : i32
          %dma_start3A_92 = arith.constant 0 : i32
          %dma_start3A_93 = tpu.memref_slice %arg8[%dma_start3A_91, %dma_start3A_92] : memref<10000x128xf32, #tpu.memory_space<vmem_shared>> -> memref<10000x128xf32, #tpu.memory_space<vmem_shared>>
          tpu.enqueue_indirect_dma source(%dma_start3A_87 : memref<128x128xf32, #tpu.memory_space<vmem>>) target(%dma_start3A_93 : memref<10000x128xf32, #tpu.memory_space<vmem_shared>>) offsets(%dma_start3A_90 : memref<128xi32, #tpu.memory_space<vmem>>) semaphore(%run_scoped3A_84 : memref<!tpu.dma_semaphore, #tpu.memory_space<semaphore_mem>>) {add = true}
          %dma_wait3A_94 = arith.constant 0 : i32
          %dma_wait3A_95 = arith.constant 0 : i32
          %dma_wait3A_96 = tpu.memref_slice %arg7[%run_scoped3A, %dma_wait3A_94, %dma_wait3A_95] : memref<2x128x128xf32, #tpu.memory_space<vmem>> -> memref<1x128x128xf32, #tpu.memory_space<vmem>>
          %dma_wait3A_97 = tpu.memref_squeeze %dma_wait3A_96 : memref<1x128x128xf32, #tpu.memory_space<vmem>> -> memref<128x128xf32, #tpu.memory_space<vmem>>
          %dma_wait3A_98 = arith.constant 0 : i32
          %dma_wait3A_99 = tpu.memref_slice %arg6[%run_scoped3A_77, %dma_wait3A_98] : memref<2x128xi32, #tpu.memory_space<vmem>> -> memref<1x128xi32, #tpu.memory_space<vmem>>
          %dma_wait3A_100 = tpu.memref_squeeze %dma_wait3A_99 : memref<1x128xi32, #tpu.memory_space<vmem>> -> memref<128xi32, #tpu.memory_space<vmem>>
          %dma_wait3A_101 = arith.constant 0 : i32
          %dma_wait3A_102 = arith.constant 0 : i32
          %dma_wait3A_103 = tpu.memref_slice %arg8[%dma_wait3A_101, %dma_wait3A_102] : memref<10000x128xf32, #tpu.memory_space<vmem_shared>> -> memref<10000x128xf32, #tpu.memory_space<vmem_shared>>
          tpu.wait_indirect_dma semaphore(%run_scoped3A_84 : memref<!tpu.dma_semaphore, #tpu.memory_space<semaphore_mem>>) src(%dma_wait3A_97 : memref<128x128xf32, #tpu.memory_space<vmem>>) dst(%dma_wait3A_103 : memref<10000x128xf32, #tpu.memory_space<vmem_shared>>)
          tpu.yield
        }) : () -> ()
        %add3A_78 = arith.constant 32 : i32
        %add3A_79 = arith.addi %add3A_35, %add3A_78 : i32
        %lt3A_80 = arith.cmpi slt, %add3A_79, %add3A_3 : i32
        %convert_element_type3A_81 = arith.extui %lt3A_80 : i1 to i32
        %cond3A_82 = arith.constant 0 : i32
        %cond3A_83 = arith.cmpi ne, %convert_element_type3A_81, %cond3A_82 : i32
        scf.if %cond3A_83 {
          %mul3A_84 = arith.constant 128 : i32
          %mul3A_85 = arith.muli %add3A_79, %mul3A_84 : i32
          %add3A_86 = arith.constant 160000 : i32
          %add3A_87 = arith.addi %add3A_86, %mul3A_85 : i32
          %dma_start3A = arith.constant 0 : i32
          %dma_start3A_88 = arith.constant 0 : i32
          %dma_start3A_89 = tpu.memref_slice %arg6[%dma_start3A, %dma_start3A_88] : memref<2x128xi32, #tpu.memory_space<vmem>> -> memref<1x128xi32, #tpu.memory_space<vmem>>
          %dma_start3A_90 = tpu.memref_squeeze %dma_start3A_89 : memref<1x128xi32, #tpu.memory_space<vmem>> -> memref<128xi32, #tpu.memory_space<vmem>>
          %dma_start3A_91 = tpu.memref_slice %arg2[%add3A_87] : memref<320000xi32, #tpu.memory_space<hbm>> -> memref<128xi32, #tpu.memory_space<hbm>>
          %dma_start3A_92 = arith.constant 0 : i32
          %dma_start3A_93 = tpu.memref_slice %arg6[%dma_start3A, %dma_start3A_92] : memref<2x128xi32, #tpu.memory_space<vmem>> -> memref<1x128xi32, #tpu.memory_space<vmem>>
          %dma_start3A_94 = tpu.memref_squeeze %dma_start3A_93 : memref<1x128xi32, #tpu.memory_space<vmem>> -> memref<128xi32, #tpu.memory_space<vmem>>
          %dma_start3A_95 = tpu.memref_slice %arg2[%add3A_87] : memref<320000xi32, #tpu.memory_space<hbm>> -> memref<128xi32, #tpu.memory_space<hbm>>
          tpu.enqueue_dma source(%dma_start3A_95 : memref<128xi32, #tpu.memory_space<hbm>>) target(%dma_start3A_94 : memref<128xi32, #tpu.memory_space<vmem>>) target_semaphore(%arg9 : memref<!tpu.dma_semaphore, #tpu.memory_space<semaphore_mem>>)
          %dma_start3A_96 = arith.constant 0 : i32
          %dma_start3A_97 = arith.constant 0 : i32
          %dma_start3A_98 = arith.constant 0 : i32
          %dma_start3A_99 = tpu.memref_slice %arg7[%dma_start3A_96, %dma_start3A_97, %dma_start3A_98] : memref<2x128x128xf32, #tpu.memory_space<vmem>> -> memref<1x128x128xf32, #tpu.memory_space<vmem>>
          %dma_start3A_100 = tpu.memref_squeeze %dma_start3A_99 : memref<1x128x128xf32, #tpu.memory_space<vmem>> -> memref<128x128xf32, #tpu.memory_space<vmem>>
          %dma_start3A_101 = arith.constant 0 : i32
          %dma_start3A_102 = tpu.memref_slice %arg3[%mul3A_85, %dma_start3A_101] : memref<160000x128xf32, #tpu.memory_space<hbm>> -> memref<128x128xf32, #tpu.memory_space<hbm>>
          %dma_start3A_103 = arith.constant 0 : i32
          %dma_start3A_104 = arith.constant 0 : i32
          %dma_start3A_105 = tpu.memref_slice %arg7[%dma_start3A_96, %dma_start3A_103, %dma_start3A_104] : memref<2x128x128xf32, #tpu.memory_space<vmem>> -> memref<1x128x128xf32, #tpu.memory_space<vmem>>
          %dma_start3A_106 = tpu.memref_squeeze %dma_start3A_105 : memref<1x128x128xf32, #tpu.memory_space<vmem>> -> memref<128x128xf32, #tpu.memory_space<vmem>>
          %dma_start3A_107 = arith.constant 0 : i32
          %dma_start3A_108 = tpu.memref_slice %arg3[%mul3A_85, %dma_start3A_107] : memref<160000x128xf32, #tpu.memory_space<hbm>> -> memref<128x128xf32, #tpu.memory_space<hbm>>
          tpu.enqueue_dma source(%dma_start3A_108 : memref<128x128xf32, #tpu.memory_space<hbm>>) target(%dma_start3A_106 : memref<128x128xf32, #tpu.memory_space<vmem>>) target_semaphore(%arg9 : memref<!tpu.dma_semaphore, #tpu.memory_space<semaphore_mem>>)
        } else {
        }
      } else {
      }
      %add3A_40 = arith.addi %mul3A_2, %arg1 : i32
      %mul3A_41 = arith.constant 2 : i32
      %mul3A_42 = arith.muli %mul3A_41, %scan3A_27 : i32
      %add3A_43 = arith.constant 1 : i32
      %add3A_44 = arith.addi %mul3A_42, %add3A_43 : i32
      %mul3A_45 = arith.constant 16 : i32
      %mul3A_46 = arith.muli %add3A_44, %mul3A_45 : i32
      %add3A_47 = arith.addi %add3A_40, %mul3A_46 : i32
      %lt3A_48 = arith.cmpi slt, %add3A_47, %add3A_3 : i32
      %convert_element_type3A_49 = arith.extui %lt3A_48 : i1 to i32
      %cond3A_50 = arith.constant 0 : i32
      %cond3A_51 = arith.cmpi ne, %convert_element_type3A_49, %cond3A_50 : i32
      scf.if %cond3A_51 {
        %mul3A_52 = arith.constant 128 : i32
        %mul3A_53 = arith.muli %add3A_47, %mul3A_52 : i32
        %add3A_54 = arith.constant 160000 : i32
        %add3A_55 = arith.addi %add3A_54, %mul3A_53 : i32
        %dma_wait3A = arith.constant 1 : i32
        %dma_wait3A_56 = arith.constant 0 : i32
        %dma_wait3A_57 = tpu.memref_slice %arg6[%dma_wait3A, %dma_wait3A_56] : memref<2x128xi32, #tpu.memory_space<vmem>> -> memref<1x128xi32, #tpu.memory_space<vmem>>
        %dma_wait3A_58 = tpu.memref_squeeze %dma_wait3A_57 : memref<1x128xi32, #tpu.memory_space<vmem>> -> memref<128xi32, #tpu.memory_space<vmem>>
        %dma_wait3A_59 = tpu.memref_slice %arg2[%add3A_55] : memref<320000xi32, #tpu.memory_space<hbm>> -> memref<128xi32, #tpu.memory_space<hbm>>
        %dma_wait3A_60 = arith.constant 0 : i32
        %dma_wait3A_61 = tpu.memref_slice %arg6[%dma_wait3A, %dma_wait3A_60] : memref<2x128xi32, #tpu.memory_space<vmem>> -> memref<1x128xi32, #tpu.memory_space<vmem>>
        %dma_wait3A_62 = tpu.memref_squeeze %dma_wait3A_61 : memref<1x128xi32, #tpu.memory_space<vmem>> -> memref<128xi32, #tpu.memory_space<vmem>>
        %dma_wait3A_63 = tpu.memref_slice %arg2[%add3A_55] : memref<320000xi32, #tpu.memory_space<hbm>> -> memref<128xi32, #tpu.memory_space<hbm>>
        tpu.wait_dma2 semaphore(%arg10 : memref<!tpu.dma_semaphore, #tpu.memory_space<semaphore_mem>>) src(%dma_wait3A_63 : memref<128xi32, #tpu.memory_space<hbm>>) dst(%dma_wait3A_62 : memref<128xi32, #tpu.memory_space<vmem>>)
        %dma_wait3A_64 = arith.constant 1 : i32
        %dma_wait3A_65 = arith.constant 0 : i32
        %dma_wait3A_66 = arith.constant 0 : i32
        %dma_wait3A_67 = tpu.memref_slice %arg7[%dma_wait3A_64, %dma_wait3A_65, %dma_wait3A_66] : memref<2x128x128xf32, #tpu.memory_space<vmem>> -> memref<1x128x128xf32, #tpu.memory_space<vmem>>
        %dma_wait3A_68 = tpu.memref_squeeze %dma_wait3A_67 : memref<1x128x128xf32, #tpu.memory_space<vmem>> -> memref<128x128xf32, #tpu.memory_space<vmem>>
        %dma_wait3A_69 = arith.constant 0 : i32
        %dma_wait3A_70 = tpu.memref_slice %arg3[%mul3A_53, %dma_wait3A_69] : memref<160000x128xf32, #tpu.memory_space<hbm>> -> memref<128x128xf32, #tpu.memory_space<hbm>>
        %dma_wait3A_71 = arith.constant 0 : i32
        %dma_wait3A_72 = arith.constant 0 : i32
        %dma_wait3A_73 = tpu.memref_slice %arg7[%dma_wait3A_64, %dma_wait3A_71, %dma_wait3A_72] : memref<2x128x128xf32, #tpu.memory_space<vmem>> -> memref<1x128x128xf32, #tpu.memory_space<vmem>>
        %dma_wait3A_74 = tpu.memref_squeeze %dma_wait3A_73 : memref<1x128x128xf32, #tpu.memory_space<vmem>> -> memref<128x128xf32, #tpu.memory_space<vmem>>
        %dma_wait3A_75 = arith.constant 0 : i32
        %dma_wait3A_76 = tpu.memref_slice %arg3[%mul3A_53, %dma_wait3A_75] : memref<160000x128xf32, #tpu.memory_space<hbm>> -> memref<128x128xf32, #tpu.memory_space<hbm>>
        tpu.wait_dma2 semaphore(%arg10 : memref<!tpu.dma_semaphore, #tpu.memory_space<semaphore_mem>>) src(%dma_wait3A_76 : memref<128x128xf32, #tpu.memory_space<hbm>>) dst(%dma_wait3A_74 : memref<128x128xf32, #tpu.memory_space<vmem>>)
        %run_scoped3A = arith.constant 1 : i32
        %run_scoped3A_77 = arith.constant 1 : i32
        "tpu.region"() ({
          %run_scoped3A_84 = tpu.sem_alloc : memref<!tpu.dma_semaphore, #tpu.memory_space<semaphore_mem>>
          %dma_start3A = arith.constant 0 : i32
          %dma_start3A_85 = arith.constant 0 : i32
          %dma_start3A_86 = tpu.memref_slice %arg7[%run_scoped3A, %dma_start3A, %dma_start3A_85] : memref<2x128x128xf32, #tpu.memory_space<vmem>> -> memref<1x128x128xf32, #tpu.memory_space<vmem>>
          %dma_start3A_87 = tpu.memref_squeeze %dma_start3A_86 : memref<1x128x128xf32, #tpu.memory_space<vmem>> -> memref<128x128xf32, #tpu.memory_space<vmem>>
          %dma_start3A_88 = arith.constant 0 : i32
          %dma_start3A_89 = tpu.memref_slice %arg6[%run_scoped3A_77, %dma_start3A_88] : memref<2x128xi32, #tpu.memory_space<vmem>> -> memref<1x128xi32, #tpu.memory_space<vmem>>
          %dma_start3A_90 = tpu.memref_squeeze %dma_start3A_89 : memref<1x128xi32, #tpu.memory_space<vmem>> -> memref<128xi32, #tpu.memory_space<vmem>>
          %dma_start3A_91 = arith.constant 0 : i32
          %dma_start3A_92 = arith.constant 0 : i32
          %dma_start3A_93 = tpu.memref_slice %arg8[%dma_start3A_91, %dma_start3A_92] : memref<10000x128xf32, #tpu.memory_space<vmem_shared>> -> memref<10000x128xf32, #tpu.memory_space<vmem_shared>>
          tpu.enqueue_indirect_dma source(%dma_start3A_87 : memref<128x128xf32, #tpu.memory_space<vmem>>) target(%dma_start3A_93 : memref<10000x128xf32, #tpu.memory_space<vmem_shared>>) offsets(%dma_start3A_90 : memref<128xi32, #tpu.memory_space<vmem>>) semaphore(%run_scoped3A_84 : memref<!tpu.dma_semaphore, #tpu.memory_space<semaphore_mem>>) {add = true}
          %dma_wait3A_94 = arith.constant 0 : i32
          %dma_wait3A_95 = arith.constant 0 : i32
          %dma_wait3A_96 = tpu.memref_slice %arg7[%run_scoped3A, %dma_wait3A_94, %dma_wait3A_95] : memref<2x128x128xf32, #tpu.memory_space<vmem>> -> memref<1x128x128xf32, #tpu.memory_space<vmem>>
          %dma_wait3A_97 = tpu.memref_squeeze %dma_wait3A_96 : memref<1x128x128xf32, #tpu.memory_space<vmem>> -> memref<128x128xf32, #tpu.memory_space<vmem>>
          %dma_wait3A_98 = arith.constant 0 : i32
          %dma_wait3A_99 = tpu.memref_slice %arg6[%run_scoped3A_77, %dma_wait3A_98] : memref<2x128xi32, #tpu.memory_space<vmem>> -> memref<1x128xi32, #tpu.memory_space<vmem>>
          %dma_wait3A_100 = tpu.memref_squeeze %dma_wait3A_99 : memref<1x128xi32, #tpu.memory_space<vmem>> -> memref<128xi32, #tpu.memory_space<vmem>>
          %dma_wait3A_101 = arith.constant 0 : i32
          %dma_wait3A_102 = arith.constant 0 : i32
          %dma_wait3A_103 = tpu.memref_slice %arg8[%dma_wait3A_101, %dma_wait3A_102] : memref<10000x128xf32, #tpu.memory_space<vmem_shared>> -> memref<10000x128xf32, #tpu.memory_space<vmem_shared>>
          tpu.wait_indirect_dma semaphore(%run_scoped3A_84 : memref<!tpu.dma_semaphore, #tpu.memory_space<semaphore_mem>>) src(%dma_wait3A_97 : memref<128x128xf32, #tpu.memory_space<vmem>>) dst(%dma_wait3A_103 : memref<10000x128xf32, #tpu.memory_space<vmem_shared>>)
          tpu.yield
        }) : () -> ()
        %add3A_78 = arith.constant 32 : i32
        %add3A_79 = arith.addi %add3A_47, %add3A_78 : i32
        %lt3A_80 = arith.cmpi slt, %add3A_79, %add3A_3 : i32
        %convert_element_type3A_81 = arith.extui %lt3A_80 : i1 to i32
        %cond3A_82 = arith.constant 0 : i32
        %cond3A_83 = arith.cmpi ne, %convert_element_type3A_81, %cond3A_82 : i32
        scf.if %cond3A_83 {
          %mul3A_84 = arith.constant 128 : i32
          %mul3A_85 = arith.muli %add3A_79, %mul3A_84 : i32
          %add3A_86 = arith.constant 160000 : i32
          %add3A_87 = arith.addi %add3A_86, %mul3A_85 : i32
          %dma_start3A = arith.constant 1 : i32
          %dma_start3A_88 = arith.constant 0 : i32
          %dma_start3A_89 = tpu.memref_slice %arg6[%dma_start3A, %dma_start3A_88] : memref<2x128xi32, #tpu.memory_space<vmem>> -> memref<1x128xi32, #tpu.memory_space<vmem>>
          %dma_start3A_90 = tpu.memref_squeeze %dma_start3A_89 : memref<1x128xi32, #tpu.memory_space<vmem>> -> memref<128xi32, #tpu.memory_space<vmem>>
          %dma_start3A_91 = tpu.memref_slice %arg2[%add3A_87] : memref<320000xi32, #tpu.memory_space<hbm>> -> memref<128xi32, #tpu.memory_space<hbm>>
          %dma_start3A_92 = arith.constant 0 : i32
          %dma_start3A_93 = tpu.memref_slice %arg6[%dma_start3A, %dma_start3A_92] : memref<2x128xi32, #tpu.memory_space<vmem>> -> memref<1x128xi32, #tpu.memory_space<vmem>>
          %dma_start3A_94 = tpu.memref_squeeze %dma_start3A_93 : memref<1x128xi32, #tpu.memory_space<vmem>> -> memref<128xi32, #tpu.memory_space<vmem>>
          %dma_start3A_95 = tpu.memref_slice %arg2[%add3A_87] : memref<320000xi32, #tpu.memory_space<hbm>> -> memref<128xi32, #tpu.memory_space<hbm>>
          tpu.enqueue_dma source(%dma_start3A_95 : memref<128xi32, #tpu.memory_space<hbm>>) target(%dma_start3A_94 : memref<128xi32, #tpu.memory_space<vmem>>) target_semaphore(%arg10 : memref<!tpu.dma_semaphore, #tpu.memory_space<semaphore_mem>>)
          %dma_start3A_96 = arith.constant 1 : i32
          %dma_start3A_97 = arith.constant 0 : i32
          %dma_start3A_98 = arith.constant 0 : i32
          %dma_start3A_99 = tpu.memref_slice %arg7[%dma_start3A_96, %dma_start3A_97, %dma_start3A_98] : memref<2x128x128xf32, #tpu.memory_space<vmem>> -> memref<1x128x128xf32, #tpu.memory_space<vmem>>
          %dma_start3A_100 = tpu.memref_squeeze %dma_start3A_99 : memref<1x128x128xf32, #tpu.memory_space<vmem>> -> memref<128x128xf32, #tpu.memory_space<vmem>>
          %dma_start3A_101 = arith.constant 0 : i32
          %dma_start3A_102 = tpu.memref_slice %arg3[%mul3A_85, %dma_start3A_101] : memref<160000x128xf32, #tpu.memory_space<hbm>> -> memref<128x128xf32, #tpu.memory_space<hbm>>
          %dma_start3A_103 = arith.constant 0 : i32
          %dma_start3A_104 = arith.constant 0 : i32
          %dma_start3A_105 = tpu.memref_slice %arg7[%dma_start3A_96, %dma_start3A_103, %dma_start3A_104] : memref<2x128x128xf32, #tpu.memory_space<vmem>> -> memref<1x128x128xf32, #tpu.memory_space<vmem>>
          %dma_start3A_106 = tpu.memref_squeeze %dma_start3A_105 : memref<1x128x128xf32, #tpu.memory_space<vmem>> -> memref<128x128xf32, #tpu.memory_space<vmem>>
          %dma_start3A_107 = arith.constant 0 : i32
          %dma_start3A_108 = tpu.memref_slice %arg3[%mul3A_85, %dma_start3A_107] : memref<160000x128xf32, #tpu.memory_space<hbm>> -> memref<128x128xf32, #tpu.memory_space<hbm>>
          tpu.enqueue_dma source(%dma_start3A_108 : memref<128x128xf32, #tpu.memory_space<hbm>>) target(%dma_start3A_106 : memref<128x128xf32, #tpu.memory_space<vmem>>) target_semaphore(%arg10 : memref<!tpu.dma_semaphore, #tpu.memory_space<semaphore_mem>>)
        } else {
        }
      } else {
      }
    }
    %scan3A_20 = arith.constant 20 : i32
    %barrier3A_21 = arith.constant 0 : index
    tpu.barrier barrier_id(%barrier3A_21)
    %lt3A_22 = arith.constant 10 : i32
    %lt3A_23 = arith.cmpi slt, %arg1, %lt3A_22 : i32
    %convert_element_type3A_24 = arith.extui %lt3A_23 : i1 to i32
    %cond3A_25 = arith.constant 0 : i32
    %cond3A_26 = arith.cmpi ne, %convert_element_type3A_24, %cond3A_25 : i32
    scf.if %cond3A_26 {
      %mul3A_27 = arith.constant 1000 : i32
      %mul3A_28 = arith.muli %arg1, %mul3A_27 : i32
      %mul3A_29 = arith.constant 10000 : i32
      %mul3A_30 = arith.muli %arg0, %mul3A_29 : i32
      %add3A_31 = arith.addi %mul3A_30, %mul3A_28 : i32
      "tpu.region"() ({
        %run_scoped3A = tpu.sem_alloc : memref<!tpu.dma_semaphore, #tpu.memory_space<semaphore_mem>>
        %dma_start3A = arith.constant 0 : i32
        %dma_start3A_32 = tpu.memref_slice %arg5[%add3A_31, %dma_start3A] : memref<20000x128xf32, #tpu.memory_space<hbm>> -> memref<1000x128xf32, #tpu.memory_space<hbm>>
        %dma_start3A_33 = arith.constant 0 : i32
        %dma_start3A_34 = tpu.memref_slice %arg8[%mul3A_28, %dma_start3A_33] : memref<10000x128xf32, #tpu.memory_space<vmem_shared>> -> memref<1000x128xf32, #tpu.memory_space<vmem_shared>>
        tpu.enqueue_dma source(%dma_start3A_34 : memref<1000x128xf32, #tpu.memory_space<vmem_shared>>) target(%dma_start3A_32 : memref<1000x128xf32, #tpu.memory_space<hbm>>) target_semaphore(%run_scoped3A : memref<!tpu.dma_semaphore, #tpu.memory_space<semaphore_mem>>)
        %dma_wait3A = arith.constant 0 : i32
        %dma_wait3A_35 = tpu.memref_slice %arg5[%add3A_31, %dma_wait3A] : memref<20000x128xf32, #tpu.memory_space<hbm>> -> memref<1000x128xf32, #tpu.memory_space<hbm>>
        %dma_wait3A_36 = arith.constant 0 : i32
        %dma_wait3A_37 = tpu.memref_slice %arg8[%mul3A_28, %dma_wait3A_36] : memref<10000x128xf32, #tpu.memory_space<vmem_shared>> -> memref<1000x128xf32, #tpu.memory_space<vmem_shared>>
        tpu.wait_dma2 semaphore(%run_scoped3A : memref<!tpu.dma_semaphore, #tpu.memory_space<semaphore_mem>>) src(%dma_wait3A_37 : memref<1000x128xf32, #tpu.memory_space<vmem_shared>>) dst(%dma_wait3A_35 : memref<1000x128xf32, #tpu.memory_space<hbm>>)
        tpu.yield
      }) : () -> ()
    } else {
    }
    return
  }
}

#map = affine_map<(d0, d1) -> (0)>
#map1 = affine_map<(d0, d1) -> (0, 0)>
module attributes {stable_mosaic.version = 14 : i64} {
  func.func @_sc_gather_u(%arg0: i32, %arg1: i32, %arg2: memref<320000xi32, #tpu.memory_space<hbm>>, %arg3: memref<320000xi32, #tpu.memory_space<hbm>>, %arg4: memref<10000x128xi32, #tpu.memory_space<hbm>>, %arg5: memref<10000x128xi32, #tpu.memory_space<hbm>>, %arg6: memref<160000x128xi32, #tpu.memory_space<hbm>>, %arg7: memref<5000xi32, #tpu.memory_space<vmem>>, %arg8: memref<5000xi32, #tpu.memory_space<vmem>>, %arg9: memref<2x40x128xi32, #tpu.memory_space<vmem>>, %arg10: memref<2x40x128xi32, #tpu.memory_space<vmem>>, %arg11: memref<2x40x128xi32, #tpu.memory_space<vmem>>, %arg12: memref<!tpu.dma_semaphore, #tpu.memory_space<semaphore_mem>>, %arg13: memref<!tpu.dma_semaphore, #tpu.memory_space<semaphore_mem>>, %arg14: memref<!tpu.dma_semaphore, #tpu.memory_space<semaphore_mem>>, %arg15: memref<!tpu.dma_semaphore, #tpu.memory_space<semaphore_mem>>) attributes {dimension_semantics = [#tpu.dimension_semantics<core_parallel>, #tpu.dimension_semantics<subcore_parallel>], iteration_bounds = array<i64: 2, 16>, scalar_prefetch = 0 : i64, scratch_operands = 9 : i64, tpu.core_type = #tpu.core_type<sc_vector_subcore>, window_params = [{transform_indices = #map}, {transform_indices = #map}, {transform_indices = #map1}, {transform_indices = #map1}, {transform_indices = #map1}]} {
    %mul3A = arith.constant 2 : i32
    %mul3A_0 = arith.muli %arg1, %mul3A : i32
    %add3A = arith.addi %mul3A_0, %arg0 : i32
    %mul3A_1 = arith.constant 5000 : i32
    %mul3A_2 = arith.muli %add3A, %mul3A_1 : i32
    %add3A_3 = arith.constant 0 : i32
    %add3A_4 = arith.addi %add3A_3, %mul3A_2 : i32
    "tpu.region"() ({
      %run_scoped3A = tpu.sem_alloc : memref<!tpu.dma_semaphore, #tpu.memory_space<semaphore_mem>>
      %dma_start3A_80 = tpu.memref_slice %arg2[%add3A_4] : memref<320000xi32, #tpu.memory_space<hbm>> -> memref<5000xi32, #tpu.memory_space<hbm>>
      %dma_start3A_81 = tpu.memref_slice %arg2[%add3A_4] : memref<320000xi32, #tpu.memory_space<hbm>> -> memref<5000xi32, #tpu.memory_space<hbm>>
      tpu.enqueue_dma source(%dma_start3A_81 : memref<5000xi32, #tpu.memory_space<hbm>>) target(%arg7 : memref<5000xi32, #tpu.memory_space<vmem>>) target_semaphore(%run_scoped3A : memref<!tpu.dma_semaphore, #tpu.memory_space<semaphore_mem>>)
      %dma_wait3A_82 = tpu.memref_slice %arg2[%add3A_4] : memref<320000xi32, #tpu.memory_space<hbm>> -> memref<5000xi32, #tpu.memory_space<hbm>>
      %dma_wait3A_83 = tpu.memref_slice %arg2[%add3A_4] : memref<320000xi32, #tpu.memory_space<hbm>> -> memref<5000xi32, #tpu.memory_space<hbm>>
      tpu.wait_dma2 semaphore(%run_scoped3A : memref<!tpu.dma_semaphore, #tpu.memory_space<semaphore_mem>>) src(%dma_wait3A_83 : memref<5000xi32, #tpu.memory_space<hbm>>) dst(%arg7 : memref<5000xi32, #tpu.memory_space<vmem>>)
      tpu.yield
    }) : () -> ()
    %add3A_5 = arith.constant 0 : i32
    %add3A_6 = arith.addi %add3A_5, %mul3A_2 : i32
    "tpu.region"() ({
      %run_scoped3A = tpu.sem_alloc : memref<!tpu.dma_semaphore, #tpu.memory_space<semaphore_mem>>
      %dma_start3A_80 = tpu.memref_slice %arg3[%add3A_6] : memref<320000xi32, #tpu.memory_space<hbm>> -> memref<5000xi32, #tpu.memory_space<hbm>>
      %dma_start3A_81 = tpu.memref_slice %arg3[%add3A_6] : memref<320000xi32, #tpu.memory_space<hbm>> -> memref<5000xi32, #tpu.memory_space<hbm>>
      tpu.enqueue_dma source(%dma_start3A_81 : memref<5000xi32, #tpu.memory_space<hbm>>) target(%arg8 : memref<5000xi32, #tpu.memory_space<vmem>>) target_semaphore(%run_scoped3A : memref<!tpu.dma_semaphore, #tpu.memory_space<semaphore_mem>>)
      %dma_wait3A_82 = tpu.memref_slice %arg3[%add3A_6] : memref<320000xi32, #tpu.memory_space<hbm>> -> memref<5000xi32, #tpu.memory_space<hbm>>
      %dma_wait3A_83 = tpu.memref_slice %arg3[%add3A_6] : memref<320000xi32, #tpu.memory_space<hbm>> -> memref<5000xi32, #tpu.memory_space<hbm>>
      tpu.wait_dma2 semaphore(%run_scoped3A : memref<!tpu.dma_semaphore, #tpu.memory_space<semaphore_mem>>) src(%dma_wait3A_83 : memref<5000xi32, #tpu.memory_space<hbm>>) dst(%arg8 : memref<5000xi32, #tpu.memory_space<vmem>>)
      tpu.yield
    }) : () -> ()
    %dma_start3A = arith.constant 0 : i32
    %dma_start3A_7 = arith.constant 0 : i32
    %dma_start3A_8 = arith.constant 0 : i32
    %dma_start3A_9 = tpu.memref_slice %arg9[%dma_start3A, %dma_start3A_7, %dma_start3A_8] : memref<2x40x128xi32, #tpu.memory_space<vmem>> -> memref<1x40x128xi32, #tpu.memory_space<vmem>>
    %dma_start3A_10 = tpu.memref_squeeze %dma_start3A_9 : memref<1x40x128xi32, #tpu.memory_space<vmem>> -> memref<40x128xi32, #tpu.memory_space<vmem>>
    %dma_start3A_11 = arith.constant 0 : i32
    %dma_start3A_12 = tpu.memref_slice %arg7[%dma_start3A_11] : memref<5000xi32, #tpu.memory_space<vmem>> -> memref<40xi32, #tpu.memory_space<vmem>>
    %dma_start3A_13 = arith.constant 0 : i32
    %dma_start3A_14 = arith.constant 0 : i32
    %dma_start3A_15 = tpu.memref_slice %arg4[%dma_start3A_13, %dma_start3A_14] : memref<10000x128xi32, #tpu.memory_space<hbm>> -> memref<10000x128xi32, #tpu.memory_space<hbm>>
    tpu.enqueue_indirect_dma source(%dma_start3A_15 : memref<10000x128xi32, #tpu.memory_space<hbm>>) target(%dma_start3A_10 : memref<40x128xi32, #tpu.memory_space<vmem>>) offsets(%dma_start3A_12 : memref<40xi32, #tpu.memory_space<vmem>>) semaphore(%arg12 : memref<!tpu.dma_semaphore, #tpu.memory_space<semaphore_mem>>)
    %dma_start3A_16 = arith.constant 0 : i32
    %dma_start3A_17 = arith.constant 0 : i32
    %dma_start3A_18 = arith.constant 0 : i32
    %dma_start3A_19 = tpu.memref_slice %arg10[%dma_start3A_16, %dma_start3A_17, %dma_start3A_18] : memref<2x40x128xi32, #tpu.memory_space<vmem>> -> memref<1x40x128xi32, #tpu.memory_space<vmem>>
    %dma_start3A_20 = tpu.memref_squeeze %dma_start3A_19 : memref<1x40x128xi32, #tpu.memory_space<vmem>> -> memref<40x128xi32, #tpu.memory_space<vmem>>
    %dma_start3A_21 = arith.constant 0 : i32
    %dma_start3A_22 = tpu.memref_slice %arg8[%dma_start3A_21] : memref<5000xi32, #tpu.memory_space<vmem>> -> memref<40xi32, #tpu.memory_space<vmem>>
    %dma_start3A_23 = arith.constant 0 : i32
    %dma_start3A_24 = arith.constant 0 : i32
    %dma_start3A_25 = tpu.memref_slice %arg5[%dma_start3A_23, %dma_start3A_24] : memref<10000x128xi32, #tpu.memory_space<hbm>> -> memref<10000x128xi32, #tpu.memory_space<hbm>>
    tpu.enqueue_indirect_dma source(%dma_start3A_25 : memref<10000x128xi32, #tpu.memory_space<hbm>>) target(%dma_start3A_20 : memref<40x128xi32, #tpu.memory_space<vmem>>) offsets(%dma_start3A_22 : memref<40xi32, #tpu.memory_space<vmem>>) semaphore(%arg12 : memref<!tpu.dma_semaphore, #tpu.memory_space<semaphore_mem>>)
    %dma_start3A_26 = arith.constant 1 : i32
    %dma_start3A_27 = arith.constant 0 : i32
    %dma_start3A_28 = arith.constant 0 : i32
    %dma_start3A_29 = tpu.memref_slice %arg9[%dma_start3A_26, %dma_start3A_27, %dma_start3A_28] : memref<2x40x128xi32, #tpu.memory_space<vmem>> -> memref<1x40x128xi32, #tpu.memory_space<vmem>>
    %dma_start3A_30 = tpu.memref_squeeze %dma_start3A_29 : memref<1x40x128xi32, #tpu.memory_space<vmem>> -> memref<40x128xi32, #tpu.memory_space<vmem>>
    %dma_start3A_31 = arith.constant 40 : i32
    %dma_start3A_32 = tpu.memref_slice %arg7[%dma_start3A_31] : memref<5000xi32, #tpu.memory_space<vmem>> -> memref<40xi32, #tpu.memory_space<vmem>>
    %dma_start3A_33 = arith.constant 0 : i32
    %dma_start3A_34 = arith.constant 0 : i32
    %dma_start3A_35 = tpu.memref_slice %arg4[%dma_start3A_33, %dma_start3A_34] : memref<10000x128xi32, #tpu.memory_space<hbm>> -> memref<10000x128xi32, #tpu.memory_space<hbm>>
    tpu.enqueue_indirect_dma source(%dma_start3A_35 : memref<10000x128xi32, #tpu.memory_space<hbm>>) target(%dma_start3A_30 : memref<40x128xi32, #tpu.memory_space<vmem>>) offsets(%dma_start3A_32 : memref<40xi32, #tpu.memory_space<vmem>>) semaphore(%arg13 : memref<!tpu.dma_semaphore, #tpu.memory_space<semaphore_mem>>)
    %dma_start3A_36 = arith.constant 1 : i32
    %dma_start3A_37 = arith.constant 0 : i32
    %dma_start3A_38 = arith.constant 0 : i32
    %dma_start3A_39 = tpu.memref_slice %arg10[%dma_start3A_36, %dma_start3A_37, %dma_start3A_38] : memref<2x40x128xi32, #tpu.memory_space<vmem>> -> memref<1x40x128xi32, #tpu.memory_space<vmem>>
    %dma_start3A_40 = tpu.memref_squeeze %dma_start3A_39 : memref<1x40x128xi32, #tpu.memory_space<vmem>> -> memref<40x128xi32, #tpu.memory_space<vmem>>
    %dma_start3A_41 = arith.constant 40 : i32
    %dma_start3A_42 = tpu.memref_slice %arg8[%dma_start3A_41] : memref<5000xi32, #tpu.memory_space<vmem>> -> memref<40xi32, #tpu.memory_space<vmem>>
    %dma_start3A_43 = arith.constant 0 : i32
    %dma_start3A_44 = arith.constant 0 : i32
    %dma_start3A_45 = tpu.memref_slice %arg5[%dma_start3A_43, %dma_start3A_44] : memref<10000x128xi32, #tpu.memory_space<hbm>> -> memref<10000x128xi32, #tpu.memory_space<hbm>>
    tpu.enqueue_indirect_dma source(%dma_start3A_45 : memref<10000x128xi32, #tpu.memory_space<hbm>>) target(%dma_start3A_40 : memref<40x128xi32, #tpu.memory_space<vmem>>) offsets(%dma_start3A_42 : memref<40xi32, #tpu.memory_space<vmem>>) semaphore(%arg13 : memref<!tpu.dma_semaphore, #tpu.memory_space<semaphore_mem>>)
    %scan3A = arith.constant 0 : i32
    %scan3A_46 = arith.constant 0 : i32
    %scan3A_47 = arith.constant 63 : i32
    %scan3A_48 = arith.addi %scan3A_46, %scan3A_47 : i32
    %scan3A_49 = arith.constant 1 : i32
    scf.for %scan3A_80 = %scan3A_46 to %scan3A_48 step %scan3A_49  : i32 {
      %mul3A_81 = arith.constant 2 : i32
      %mul3A_82 = arith.muli %mul3A_81, %scan3A_80 : i32
      %add3A_83 = arith.constant 0 : i32
      %add3A_84 = arith.addi %mul3A_82, %add3A_83 : i32
      %lt3A = arith.constant 125 : i32
      %lt3A_85 = arith.cmpi slt, %add3A_84, %lt3A : i32
      %convert_element_type3A = arith.extui %lt3A_85 : i1 to i32
      %cond3A = arith.constant 0 : i32
      %cond3A_86 = arith.cmpi ne, %convert_element_type3A, %cond3A : i32
      scf.if %cond3A_86 {
        %mul3A_96 = arith.constant 40 : i32
        %mul3A_97 = arith.muli %add3A_84, %mul3A_96 : i32
        %mul3A_98 = arith.constant 40 : i32
        %mul3A_99 = arith.muli %add3A_84, %mul3A_98 : i32
        %dma_wait3A_100 = arith.constant 0 : i32
        %dma_wait3A_101 = arith.constant 0 : i32
        %dma_wait3A_102 = arith.constant 0 : i32
        %dma_wait3A_103 = tpu.memref_slice %arg9[%dma_wait3A_100, %dma_wait3A_101, %dma_wait3A_102] : memref<2x40x128xi32, #tpu.memory_space<vmem>> -> memref<1x40x128xi32, #tpu.memory_space<vmem>>
        %dma_wait3A_104 = tpu.memref_squeeze %dma_wait3A_103 : memref<1x40x128xi32, #tpu.memory_space<vmem>> -> memref<40x128xi32, #tpu.memory_space<vmem>>
        %dma_wait3A_105 = tpu.memref_slice %arg7[%mul3A_97] : memref<5000xi32, #tpu.memory_space<vmem>> -> memref<40xi32, #tpu.memory_space<vmem>>
        %dma_wait3A_106 = arith.constant 0 : i32
        %dma_wait3A_107 = arith.constant 0 : i32
        %dma_wait3A_108 = tpu.memref_slice %arg4[%dma_wait3A_106, %dma_wait3A_107] : memref<10000x128xi32, #tpu.memory_space<hbm>> -> memref<10000x128xi32, #tpu.memory_space<hbm>>
        tpu.wait_indirect_dma semaphore(%arg12 : memref<!tpu.dma_semaphore, #tpu.memory_space<semaphore_mem>>) src(%dma_wait3A_108 : memref<10000x128xi32, #tpu.memory_space<hbm>>) dst(%dma_wait3A_104 : memref<40x128xi32, #tpu.memory_space<vmem>>)
        %dma_wait3A_109 = arith.constant 0 : i32
        %dma_wait3A_110 = arith.constant 0 : i32
        %dma_wait3A_111 = arith.constant 0 : i32
        %dma_wait3A_112 = tpu.memref_slice %arg10[%dma_wait3A_109, %dma_wait3A_110, %dma_wait3A_111] : memref<2x40x128xi32, #tpu.memory_space<vmem>> -> memref<1x40x128xi32, #tpu.memory_space<vmem>>
        %dma_wait3A_113 = tpu.memref_squeeze %dma_wait3A_112 : memref<1x40x128xi32, #tpu.memory_space<vmem>> -> memref<40x128xi32, #tpu.memory_space<vmem>>
        %dma_wait3A_114 = tpu.memref_slice %arg8[%mul3A_99] : memref<5000xi32, #tpu.memory_space<vmem>> -> memref<40xi32, #tpu.memory_space<vmem>>
        %dma_wait3A_115 = arith.constant 0 : i32
        %dma_wait3A_116 = arith.constant 0 : i32
        %dma_wait3A_117 = tpu.memref_slice %arg5[%dma_wait3A_115, %dma_wait3A_116] : memref<10000x128xi32, #tpu.memory_space<hbm>> -> memref<10000x128xi32, #tpu.memory_space<hbm>>
        tpu.wait_indirect_dma semaphore(%arg12 : memref<!tpu.dma_semaphore, #tpu.memory_space<semaphore_mem>>) src(%dma_wait3A_117 : memref<10000x128xi32, #tpu.memory_space<hbm>>) dst(%dma_wait3A_113 : memref<40x128xi32, #tpu.memory_space<vmem>>)
        %ge3A = arith.constant 2 : i32
        %ge3A_118 = arith.cmpi sge, %add3A_84, %ge3A : i32
        %convert_element_type3A_119 = arith.extui %ge3A_118 : i1 to i32
        %cond3A_120 = arith.constant 0 : i32
        %cond3A_121 = arith.cmpi ne, %convert_element_type3A_119, %cond3A_120 : i32
        scf.if %cond3A_121 {
          %sub3A = arith.constant 2 : i32
          %sub3A_151 = arith.subi %add3A_84, %sub3A : i32
          %mul3A_152 = arith.constant 40 : i32
          %mul3A_153 = arith.muli %sub3A_151, %mul3A_152 : i32
          %add3A_154 = arith.addi %mul3A_2, %mul3A_153 : i32
          %dma_wait3A_155 = arith.constant 0 : i32
          %dma_wait3A_156 = arith.constant 0 : i32
          %dma_wait3A_157 = arith.constant 0 : i32
          %dma_wait3A_158 = tpu.memref_slice %arg11[%dma_wait3A_155, %dma_wait3A_156, %dma_wait3A_157] : memref<2x40x128xi32, #tpu.memory_space<vmem>> -> memref<1x40x128xi32, #tpu.memory_space<vmem>>
          %dma_wait3A_159 = tpu.memref_squeeze %dma_wait3A_158 : memref<1x40x128xi32, #tpu.memory_space<vmem>> -> memref<40x128xi32, #tpu.memory_space<vmem>>
          %dma_wait3A_160 = arith.constant 0 : i32
          %dma_wait3A_161 = tpu.memref_slice %arg6[%add3A_154, %dma_wait3A_160] : memref<160000x128xi32, #tpu.memory_space<hbm>> -> memref<40x128xi32, #tpu.memory_space<hbm>>
          %dma_wait3A_162 = arith.constant 0 : i32
          %dma_wait3A_163 = tpu.memref_slice %arg6[%add3A_154, %dma_wait3A_162] : memref<160000x128xi32, #tpu.memory_space<hbm>> -> memref<40x128xi32, #tpu.memory_space<hbm>>
          %dma_wait3A_164 = arith.constant 0 : i32
          %dma_wait3A_165 = arith.constant 0 : i32
          %dma_wait3A_166 = tpu.memref_slice %arg11[%dma_wait3A_155, %dma_wait3A_164, %dma_wait3A_165] : memref<2x40x128xi32, #tpu.memory_space<vmem>> -> memref<1x40x128xi32, #tpu.memory_space<vmem>>
          %dma_wait3A_167 = tpu.memref_squeeze %dma_wait3A_166 : memref<1x40x128xi32, #tpu.memory_space<vmem>> -> memref<40x128xi32, #tpu.memory_space<vmem>>
          tpu.wait_dma2 semaphore(%arg14 : memref<!tpu.dma_semaphore, #tpu.memory_space<semaphore_mem>>) src(%dma_wait3A_167 : memref<40x128xi32, #tpu.memory_space<vmem>>) dst(%dma_wait3A_163 : memref<40x128xi32, #tpu.memory_space<hbm>>)
        } else {
        }
        %scan3A_122 = arith.constant 0 : i32
        %scan3A_123 = arith.constant 0 : i32
        %scan3A_124 = arith.constant 40 : i32
        %scan3A_125 = arith.addi %scan3A_123, %scan3A_124 : i32
        %scan3A_126 = arith.constant 1 : i32
        scf.for %scan3A_151 = %scan3A_123 to %scan3A_125 step %scan3A_126  : i32 {
          %get3A = arith.constant 0 : i32
          %get3A_152 = arith.index_cast %get3A : i32 to index
          %get3A_153 = arith.index_cast %scan3A_151 : i32 to index
          %get3A_154 = arith.constant 0 : index
          %get3A_155 = tpu.vector_load %arg9[%get3A_152, %get3A_153, %get3A_154] {strides = array<i32>} : memref<2x40x128xi32, #tpu.memory_space<vmem>>, vector<1x1x16xi32>,
          %get3A_156 = vector.shape_cast %get3A_155 : vector<1x1x16xi32> to vector<16xi32>
          %get3A_157 = arith.constant 0 : i32
          %get3A_158 = arith.index_cast %get3A_157 : i32 to index
          %get3A_159 = arith.index_cast %scan3A_151 : i32 to index
          %get3A_160 = arith.constant 0 : index
          %get3A_161 = tpu.vector_load %arg10[%get3A_158, %get3A_159, %get3A_160] {strides = array<i32>} : memref<2x40x128xi32, #tpu.memory_space<vmem>>, vector<1x1x16xi32>,
          %get3A_162 = vector.shape_cast %get3A_161 : vector<1x1x16xi32> to vector<16xi32>
          %shift_left3A = arith.constant 16 : i32
          %shift_left3A_163 = vector.broadcast %shift_left3A : i32 to vector<16xi32>
          %shift_left3A_164 = arith.shli %get3A_156, %shift_left3A_163 : vector<16xi32>
          %bitcast_convert_type3A = tpu.bitcast %shift_left3A_164 : vector<16xi32> -> vector<16xf32>
          %shift_left3A_165 = arith.constant 16 : i32
          %shift_left3A_166 = vector.broadcast %shift_left3A_165 : i32 to vector<16xi32>
          %shift_left3A_167 = arith.shli %get3A_162, %shift_left3A_166 : vector<16xi32>
          %bitcast_convert_type3A_168 = tpu.bitcast %shift_left3A_167 : vector<16xi32> -> vector<16xf32>
          %add3A_169 = arith.addf %bitcast_convert_type3A, %bitcast_convert_type3A_168 : vector<16xf32>
          %and3A = arith.constant -65536 : i32
          %and3A_170 = vector.broadcast %and3A : i32 to vector<16xi32>
          %and3A_171 = arith.andi %get3A_156, %and3A_170 : vector<16xi32>
          %bitcast_convert_type3A_172 = tpu.bitcast %and3A_171 : vector<16xi32> -> vector<16xf32>
          %and3A_173 = arith.constant -65536 : i32
          %and3A_174 = vector.broadcast %and3A_173 : i32 to vector<16xi32>
          %and3A_175 = arith.andi %get3A_162, %and3A_174 : vector<16xi32>
          %bitcast_convert_type3A_176 = tpu.bitcast %and3A_175 : vector<16xi32> -> vector<16xf32>
          %add3A_177 = arith.addf %bitcast_convert_type3A_172, %bitcast_convert_type3A_176 : vector<16xf32>
          %bitcast_convert_type3A_178 = tpu.bitcast %add3A_169 : vector<16xf32> -> vector<16xi32>
          %add3A_179 = arith.constant 32768 : i32
          %add3A_180 = vector.broadcast %add3A_179 : i32 to vector<16xi32>
          %add3A_181 = arith.addi %bitcast_convert_type3A_178, %add3A_180 : vector<16xi32>
          %bitcast_convert_type3A_182 = tpu.bitcast %add3A_177 : vector<16xf32> -> vector<16xi32>
          %add3A_183 = arith.constant 32768 : i32
          %add3A_184 = vector.broadcast %add3A_183 : i32 to vector<16xi32>
          %add3A_185 = arith.addi %bitcast_convert_type3A_182, %add3A_184 : vector<16xi32>
          %shift_right_logical3A = arith.constant 16 : i32
          %shift_right_logical3A_186 = vector.broadcast %shift_right_logical3A : i32 to vector<16xi32>
          %shift_right_logical3A_187 = arith.shrui %add3A_181, %shift_right_logical3A_186 : vector<16xi32>
          %and3A_188 = arith.constant -65536 : i32
          %and3A_189 = vector.broadcast %and3A_188 : i32 to vector<16xi32>
          %and3A_190 = arith.andi %add3A_185, %and3A_189 : vector<16xi32>
          %or3A = arith.ori %shift_right_logical3A_187, %and3A_190 : vector<16xi32>
          %bitcast_convert_type3A_191 = tpu.bitcast %or3A : vector<16xi32> -> vector<16xi32>
          %swap3A = arith.constant 0 : i32
          %swap3A_192 = arith.index_cast %swap3A : i32 to index
          %swap3A_193 = arith.index_cast %scan3A_151 : i32 to index
          %swap3A_194 = arith.constant 0 : index
          %swap3A_195 = tpu.vector_load %arg11[%swap3A_192, %swap3A_193, %swap3A_194] {strides = array<i32>} : memref<2x40x128xi32, #tpu.memory_space<vmem>>, vector<1x1x16xi32>,
          %swap3A_196 = vector.shape_cast %swap3A_195 : vector<1x1x16xi32> to vector<16xi32>
          %swap3A_197 = vector.shape_cast %bitcast_convert_type3A_191 : vector<16xi32> to vector<1x1x16xi32>
          tpu.vector_store %arg11[%swap3A_192, %swap3A_193, %swap3A_194], %swap3A_197 {strides = array<i32>} : memref<2x40x128xi32, #tpu.memory_space<vmem>>, vector<1x1x16xi32>,
          %get3A_198 = arith.constant 0 : i32
          %get3A_199 = arith.index_cast %get3A_198 : i32 to index
          %get3A_200 = arith.index_cast %scan3A_151 : i32 to index
          %get3A_201 = arith.constant 16 : index
          %get3A_202 = tpu.vector_load %arg9[%get3A_199, %get3A_200, %get3A_201] {strides = array<i32>} : memref<2x40x128xi32, #tpu.memory_space<vmem>>, vector<1x1x16xi32>,
          %get3A_203 = vector.shape_cast %get3A_202 : vector<1x1x16xi32> to vector<16xi32>
          %get3A_204 = arith.constant 0 : i32
          %get3A_205 = arith.index_cast %get3A_204 : i32 to index
          %get3A_206 = arith.index_cast %scan3A_151 : i32 to index
          %get3A_207 = arith.constant 16 : index
          %get3A_208 = tpu.vector_load %arg10[%get3A_205, %get3A_206, %get3A_207] {strides = array<i32>} : memref<2x40x128xi32, #tpu.memory_space<vmem>>, vector<1x1x16xi32>,
          %get3A_209 = vector.shape_cast %get3A_208 : vector<1x1x16xi32> to vector<16xi32>
          %shift_left3A_210 = arith.constant 16 : i32
          %shift_left3A_211 = vector.broadcast %shift_left3A_210 : i32 to vector<16xi32>
          %shift_left3A_212 = arith.shli %get3A_203, %shift_left3A_211 : vector<16xi32>
          %bitcast_convert_type3A_213 = tpu.bitcast %shift_left3A_212 : vector<16xi32> -> vector<16xf32>
          %shift_left3A_214 = arith.constant 16 : i32
          %shift_left3A_215 = vector.broadcast %shift_left3A_214 : i32 to vector<16xi32>
          %shift_left3A_216 = arith.shli %get3A_209, %shift_left3A_215 : vector<16xi32>
          %bitcast_convert_type3A_217 = tpu.bitcast %shift_left3A_216 : vector<16xi32> -> vector<16xf32>
          %add3A_218 = arith.addf %bitcast_convert_type3A_213, %bitcast_convert_type3A_217 : vector<16xf32>
          %and3A_219 = arith.constant -65536 : i32
          %and3A_220 = vector.broadcast %and3A_219 : i32 to vector<16xi32>
          %and3A_221 = arith.andi %get3A_203, %and3A_220 : vector<16xi32>
          %bitcast_convert_type3A_222 = tpu.bitcast %and3A_221 : vector<16xi32> -> vector<16xf32>
          %and3A_223 = arith.constant -65536 : i32
          %and3A_224 = vector.broadcast %and3A_223 : i32 to vector<16xi32>
          %and3A_225 = arith.andi %get3A_209, %and3A_224 : vector<16xi32>
          %bitcast_convert_type3A_226 = tpu.bitcast %and3A_225 : vector<16xi32> -> vector<16xf32>
          %add3A_227 = arith.addf %bitcast_convert_type3A_222, %bitcast_convert_type3A_226 : vector<16xf32>
          %bitcast_convert_type3A_228 = tpu.bitcast %add3A_218 : vector<16xf32> -> vector<16xi32>
          %add3A_229 = arith.constant 32768 : i32
          %add3A_230 = vector.broadcast %add3A_229 : i32 to vector<16xi32>
          %add3A_231 = arith.addi %bitcast_convert_type3A_228, %add3A_230 : vector<16xi32>
          %bitcast_convert_type3A_232 = tpu.bitcast %add3A_227 : vector<16xf32> -> vector<16xi32>
          %add3A_233 = arith.constant 32768 : i32
          %add3A_234 = vector.broadcast %add3A_233 : i32 to vector<16xi32>
          %add3A_235 = arith.addi %bitcast_convert_type3A_232, %add3A_234 : vector<16xi32>
          %shift_right_logical3A_236 = arith.constant 16 : i32
          %shift_right_logical3A_237 = vector.broadcast %shift_right_logical3A_236 : i32 to vector<16xi32>
          %shift_right_logical3A_238 = arith.shrui %add3A_231, %shift_right_logical3A_237 : vector<16xi32>
          %and3A_239 = arith.constant -65536 : i32
          %and3A_240 = vector.broadcast %and3A_239 : i32 to vector<16xi32>
          %and3A_241 = arith.andi %add3A_235, %and3A_240 : vector<16xi32>
          %or3A_242 = arith.ori %shift_right_logical3A_238, %and3A_241 : vector<16xi32>
          %bitcast_convert_type3A_243 = tpu.bitcast %or3A_242 : vector<16xi32> -> vector<16xi32>
          %swap3A_244 = arith.constant 0 : i32
          %swap3A_245 = arith.index_cast %swap3A_244 : i32 to index
          %swap3A_246 = arith.index_cast %scan3A_151 : i32 to index
          %swap3A_247 = arith.constant 16 : index
          %swap3A_248 = tpu.vector_load %arg11[%swap3A_245, %swap3A_246, %swap3A_247] {strides = array<i32>} : memref<2x40x128xi32, #tpu.memory_space<vmem>>, vector<1x1x16xi32>,
          %swap3A_249 = vector.shape_cast %swap3A_248 : vector<1x1x16xi32> to vector<16xi32>
          %swap3A_250 = vector.shape_cast %bitcast_convert_type3A_243 : vector<16xi32> to vector<1x1x16xi32>
          tpu.vector_store %arg11[%swap3A_245, %swap3A_246, %swap3A_247], %swap3A_250 {strides = array<i32>} : memref<2x40x128xi32, #tpu.memory_space<vmem>>, vector<1x1x16xi32>,
          %get3A_251 = arith.constant 0 : i32
          %get3A_252 = arith.index_cast %get3A_251 : i32 to index
          %get3A_253 = arith.index_cast %scan3A_151 : i32 to index
          %get3A_254 = arith.constant 32 : index
          %get3A_255 = tpu.vector_load %arg9[%get3A_252, %get3A_253, %get3A_254] {strides = array<i32>} : memref<2x40x128xi32, #tpu.memory_space<vmem>>, vector<1x1x16xi32>,
          %get3A_256 = vector.shape_cast %get3A_255 : vector<1x1x16xi32> to vector<16xi32>
          %get3A_257 = arith.constant 0 : i32
          %get3A_258 = arith.index_cast %get3A_257 : i32 to index
          %get3A_259 = arith.index_cast %scan3A_151 : i32 to index
          %get3A_260 = arith.constant 32 : index
          %get3A_261 = tpu.vector_load %arg10[%get3A_258, %get3A_259, %get3A_260] {strides = array<i32>} : memref<2x40x128xi32, #tpu.memory_space<vmem>>, vector<1x1x16xi32>,
          %get3A_262 = vector.shape_cast %get3A_261 : vector<1x1x16xi32> to vector<16xi32>
          %shift_left3A_263 = arith.constant 16 : i32
          %shift_left3A_264 = vector.broadcast %shift_left3A_263 : i32 to vector<16xi32>
          %shift_left3A_265 = arith.shli %get3A_256, %shift_left3A_264 : vector<16xi32>
          %bitcast_convert_type3A_266 = tpu.bitcast %shift_left3A_265 : vector<16xi32> -> vector<16xf32>
          %shift_left3A_267 = arith.constant 16 : i32
          %shift_left3A_268 = vector.broadcast %shift_left3A_267 : i32 to vector<16xi32>
          %shift_left3A_269 = arith.shli %get3A_262, %shift_left3A_268 : vector<16xi32>
          %bitcast_convert_type3A_270 = tpu.bitcast %shift_left3A_269 : vector<16xi32> -> vector<16xf32>
          %add3A_271 = arith.addf %bitcast_convert_type3A_266, %bitcast_convert_type3A_270 : vector<16xf32>
          %and3A_272 = arith.constant -65536 : i32
          %and3A_273 = vector.broadcast %and3A_272 : i32 to vector<16xi32>
          %and3A_274 = arith.andi %get3A_256, %and3A_273 : vector<16xi32>
          %bitcast_convert_type3A_275 = tpu.bitcast %and3A_274 : vector<16xi32> -> vector<16xf32>
          %and3A_276 = arith.constant -65536 : i32
          %and3A_277 = vector.broadcast %and3A_276 : i32 to vector<16xi32>
          %and3A_278 = arith.andi %get3A_262, %and3A_277 : vector<16xi32>
          %bitcast_convert_type3A_279 = tpu.bitcast %and3A_278 : vector<16xi32> -> vector<16xf32>
          %add3A_280 = arith.addf %bitcast_convert_type3A_275, %bitcast_convert_type3A_279 : vector<16xf32>
          %bitcast_convert_type3A_281 = tpu.bitcast %add3A_271 : vector<16xf32> -> vector<16xi32>
          %add3A_282 = arith.constant 32768 : i32
          %add3A_283 = vector.broadcast %add3A_282 : i32 to vector<16xi32>
          %add3A_284 = arith.addi %bitcast_convert_type3A_281, %add3A_283 : vector<16xi32>
          %bitcast_convert_type3A_285 = tpu.bitcast %add3A_280 : vector<16xf32> -> vector<16xi32>
          %add3A_286 = arith.constant 32768 : i32
          %add3A_287 = vector.broadcast %add3A_286 : i32 to vector<16xi32>
          %add3A_288 = arith.addi %bitcast_convert_type3A_285, %add3A_287 : vector<16xi32>
          %shift_right_logical3A_289 = arith.constant 16 : i32
          %shift_right_logical3A_290 = vector.broadcast %shift_right_logical3A_289 : i32 to vector<16xi32>
          %shift_right_logical3A_291 = arith.shrui %add3A_284, %shift_right_logical3A_290 : vector<16xi32>
          %and3A_292 = arith.constant -65536 : i32
          %and3A_293 = vector.broadcast %and3A_292 : i32 to vector<16xi32>
          %and3A_294 = arith.andi %add3A_288, %and3A_293 : vector<16xi32>
          %or3A_295 = arith.ori %shift_right_logical3A_291, %and3A_294 : vector<16xi32>
          %bitcast_convert_type3A_296 = tpu.bitcast %or3A_295 : vector<16xi32> -> vector<16xi32>
          %swap3A_297 = arith.constant 0 : i32
          %swap3A_298 = arith.index_cast %swap3A_297 : i32 to index
          %swap3A_299 = arith.index_cast %scan3A_151 : i32 to index
          %swap3A_300 = arith.constant 32 : index
          %swap3A_301 = tpu.vector_load %arg11[%swap3A_298, %swap3A_299, %swap3A_300] {strides = array<i32>} : memref<2x40x128xi32, #tpu.memory_space<vmem>>, vector<1x1x16xi32>,
          %swap3A_302 = vector.shape_cast %swap3A_301 : vector<1x1x16xi32> to vector<16xi32>
          %swap3A_303 = vector.shape_cast %bitcast_convert_type3A_296 : vector<16xi32> to vector<1x1x16xi32>
          tpu.vector_store %arg11[%swap3A_298, %swap3A_299, %swap3A_300], %swap3A_303 {strides = array<i32>} : memref<2x40x128xi32, #tpu.memory_space<vmem>>, vector<1x1x16xi32>,
          %get3A_304 = arith.constant 0 : i32
          %get3A_305 = arith.index_cast %get3A_304 : i32 to index
          %get3A_306 = arith.index_cast %scan3A_151 : i32 to index
          %get3A_307 = arith.constant 48 : index
          %get3A_308 = tpu.vector_load %arg9[%get3A_305, %get3A_306, %get3A_307] {strides = array<i32>} : memref<2x40x128xi32, #tpu.memory_space<vmem>>, vector<1x1x16xi32>,
          %get3A_309 = vector.shape_cast %get3A_308 : vector<1x1x16xi32> to vector<16xi32>
          %get3A_310 = arith.constant 0 : i32
          %get3A_311 = arith.index_cast %get3A_310 : i32 to index
          %get3A_312 = arith.index_cast %scan3A_151 : i32 to index
          %get3A_313 = arith.constant 48 : index
          %get3A_314 = tpu.vector_load %arg10[%get3A_311, %get3A_312, %get3A_313] {strides = array<i32>} : memref<2x40x128xi32, #tpu.memory_space<vmem>>, vector<1x1x16xi32>,
          %get3A_315 = vector.shape_cast %get3A_314 : vector<1x1x16xi32> to vector<16xi32>
          %shift_left3A_316 = arith.constant 16 : i32
          %shift_left3A_317 = vector.broadcast %shift_left3A_316 : i32 to vector<16xi32>
          %shift_left3A_318 = arith.shli %get3A_309, %shift_left3A_317 : vector<16xi32>
          %bitcast_convert_type3A_319 = tpu.bitcast %shift_left3A_318 : vector<16xi32> -> vector<16xf32>
          %shift_left3A_320 = arith.constant 16 : i32
          %shift_left3A_321 = vector.broadcast %shift_left3A_320 : i32 to vector<16xi32>
          %shift_left3A_322 = arith.shli %get3A_315, %shift_left3A_321 : vector<16xi32>
          %bitcast_convert_type3A_323 = tpu.bitcast %shift_left3A_322 : vector<16xi32> -> vector<16xf32>
          %add3A_324 = arith.addf %bitcast_convert_type3A_319, %bitcast_convert_type3A_323 : vector<16xf32>
          %and3A_325 = arith.constant -65536 : i32
          %and3A_326 = vector.broadcast %and3A_325 : i32 to vector<16xi32>
          %and3A_327 = arith.andi %get3A_309, %and3A_326 : vector<16xi32>
          %bitcast_convert_type3A_328 = tpu.bitcast %and3A_327 : vector<16xi32> -> vector<16xf32>
          %and3A_329 = arith.constant -65536 : i32
          %and3A_330 = vector.broadcast %and3A_329 : i32 to vector<16xi32>
          %and3A_331 = arith.andi %get3A_315, %and3A_330 : vector<16xi32>
          %bitcast_convert_type3A_332 = tpu.bitcast %and3A_331 : vector<16xi32> -> vector<16xf32>
          %add3A_333 = arith.addf %bitcast_convert_type3A_328, %bitcast_convert_type3A_332 : vector<16xf32>
          %bitcast_convert_type3A_334 = tpu.bitcast %add3A_324 : vector<16xf32> -> vector<16xi32>
          %add3A_335 = arith.constant 32768 : i32
          %add3A_336 = vector.broadcast %add3A_335 : i32 to vector<16xi32>
          %add3A_337 = arith.addi %bitcast_convert_type3A_334, %add3A_336 : vector<16xi32>
          %bitcast_convert_type3A_338 = tpu.bitcast %add3A_333 : vector<16xf32> -> vector<16xi32>
          %add3A_339 = arith.constant 32768 : i32
          %add3A_340 = vector.broadcast %add3A_339 : i32 to vector<16xi32>
          %add3A_341 = arith.addi %bitcast_convert_type3A_338, %add3A_340 : vector<16xi32>
          %shift_right_logical3A_342 = arith.constant 16 : i32
          %shift_right_logical3A_343 = vector.broadcast %shift_right_logical3A_342 : i32 to vector<16xi32>
          %shift_right_logical3A_344 = arith.shrui %add3A_337, %shift_right_logical3A_343 : vector<16xi32>
          %and3A_345 = arith.constant -65536 : i32
          %and3A_346 = vector.broadcast %and3A_345 : i32 to vector<16xi32>
          %and3A_347 = arith.andi %add3A_341, %and3A_346 : vector<16xi32>
          %or3A_348 = arith.ori %shift_right_logical3A_344, %and3A_347 : vector<16xi32>
          %bitcast_convert_type3A_349 = tpu.bitcast %or3A_348 : vector<16xi32> -> vector<16xi32>
          %swap3A_350 = arith.constant 0 : i32
          %swap3A_351 = arith.index_cast %swap3A_350 : i32 to index
          %swap3A_352 = arith.index_cast %scan3A_151 : i32 to index
          %swap3A_353 = arith.constant 48 : index
          %swap3A_354 = tpu.vector_load %arg11[%swap3A_351, %swap3A_352, %swap3A_353] {strides = array<i32>} : memref<2x40x128xi32, #tpu.memory_space<vmem>>, vector<1x1x16xi32>,
          %swap3A_355 = vector.shape_cast %swap3A_354 : vector<1x1x16xi32> to vector<16xi32>
          %swap3A_356 = vector.shape_cast %bitcast_convert_type3A_349 : vector<16xi32> to vector<1x1x16xi32>
          tpu.vector_store %arg11[%swap3A_351, %swap3A_352, %swap3A_353], %swap3A_356 {strides = array<i32>} : memref<2x40x128xi32, #tpu.memory_space<vmem>>, vector<1x1x16xi32>,
          %get3A_357 = arith.constant 0 : i32
          %get3A_358 = arith.index_cast %get3A_357 : i32 to index
          %get3A_359 = arith.index_cast %scan3A_151 : i32 to index
          %get3A_360 = arith.constant 64 : index
          %get3A_361 = tpu.vector_load %arg9[%get3A_358, %get3A_359, %get3A_360] {strides = array<i32>} : memref<2x40x128xi32, #tpu.memory_space<vmem>>, vector<1x1x16xi32>,
          %get3A_362 = vector.shape_cast %get3A_361 : vector<1x1x16xi32> to vector<16xi32>
          %get3A_363 = arith.constant 0 : i32
          %get3A_364 = arith.index_cast %get3A_363 : i32 to index
          %get3A_365 = arith.index_cast %scan3A_151 : i32 to index
          %get3A_366 = arith.constant 64 : index
          %get3A_367 = tpu.vector_load %arg10[%get3A_364, %get3A_365, %get3A_366] {strides = array<i32>} : memref<2x40x128xi32, #tpu.memory_space<vmem>>, vector<1x1x16xi32>,
          %get3A_368 = vector.shape_cast %get3A_367 : vector<1x1x16xi32> to vector<16xi32>
          %shift_left3A_369 = arith.constant 16 : i32
          %shift_left3A_370 = vector.broadcast %shift_left3A_369 : i32 to vector<16xi32>
          %shift_left3A_371 = arith.shli %get3A_362, %shift_left3A_370 : vector<16xi32>
          %bitcast_convert_type3A_372 = tpu.bitcast %shift_left3A_371 : vector<16xi32> -> vector<16xf32>
          %shift_left3A_373 = arith.constant 16 : i32
          %shift_left3A_374 = vector.broadcast %shift_left3A_373 : i32 to vector<16xi32>
          %shift_left3A_375 = arith.shli %get3A_368, %shift_left3A_374 : vector<16xi32>
          %bitcast_convert_type3A_376 = tpu.bitcast %shift_left3A_375 : vector<16xi32> -> vector<16xf32>
          %add3A_377 = arith.addf %bitcast_convert_type3A_372, %bitcast_convert_type3A_376 : vector<16xf32>
          %and3A_378 = arith.constant -65536 : i32
          %and3A_379 = vector.broadcast %and3A_378 : i32 to vector<16xi32>
          %and3A_380 = arith.andi %get3A_362, %and3A_379 : vector<16xi32>
          %bitcast_convert_type3A_381 = tpu.bitcast %and3A_380 : vector<16xi32> -> vector<16xf32>
          %and3A_382 = arith.constant -65536 : i32
          %and3A_383 = vector.broadcast %and3A_382 : i32 to vector<16xi32>
          %and3A_384 = arith.andi %get3A_368, %and3A_383 : vector<16xi32>
          %bitcast_convert_type3A_385 = tpu.bitcast %and3A_384 : vector<16xi32> -> vector<16xf32>
          %add3A_386 = arith.addf %bitcast_convert_type3A_381, %bitcast_convert_type3A_385 : vector<16xf32>
          %bitcast_convert_type3A_387 = tpu.bitcast %add3A_377 : vector<16xf32> -> vector<16xi32>
          %add3A_388 = arith.constant 32768 : i32
          %add3A_389 = vector.broadcast %add3A_388 : i32 to vector<16xi32>
          %add3A_390 = arith.addi %bitcast_convert_type3A_387, %add3A_389 : vector<16xi32>
          %bitcast_convert_type3A_391 = tpu.bitcast %add3A_386 : vector<16xf32> -> vector<16xi32>
          %add3A_392 = arith.constant 32768 : i32
          %add3A_393 = vector.broadcast %add3A_392 : i32 to vector<16xi32>
          %add3A_394 = arith.addi %bitcast_convert_type3A_391, %add3A_393 : vector<16xi32>
          %shift_right_logical3A_395 = arith.constant 16 : i32
          %shift_right_logical3A_396 = vector.broadcast %shift_right_logical3A_395 : i32 to vector<16xi32>
          %shift_right_logical3A_397 = arith.shrui %add3A_390, %shift_right_logical3A_396 : vector<16xi32>
          %and3A_398 = arith.constant -65536 : i32
          %and3A_399 = vector.broadcast %and3A_398 : i32 to vector<16xi32>
          %and3A_400 = arith.andi %add3A_394, %and3A_399 : vector<16xi32>
          %or3A_401 = arith.ori %shift_right_logical3A_397, %and3A_400 : vector<16xi32>
          %bitcast_convert_type3A_402 = tpu.bitcast %or3A_401 : vector<16xi32> -> vector<16xi32>
          %swap3A_403 = arith.constant 0 : i32
          %swap3A_404 = arith.index_cast %swap3A_403 : i32 to index
          %swap3A_405 = arith.index_cast %scan3A_151 : i32 to index
          %swap3A_406 = arith.constant 64 : index
          %swap3A_407 = tpu.vector_load %arg11[%swap3A_404, %swap3A_405, %swap3A_406] {strides = array<i32>} : memref<2x40x128xi32, #tpu.memory_space<vmem>>, vector<1x1x16xi32>,
          %swap3A_408 = vector.shape_cast %swap3A_407 : vector<1x1x16xi32> to vector<16xi32>
          %swap3A_409 = vector.shape_cast %bitcast_convert_type3A_402 : vector<16xi32> to vector<1x1x16xi32>
          tpu.vector_store %arg11[%swap3A_404, %swap3A_405, %swap3A_406], %swap3A_409 {strides = array<i32>} : memref<2x40x128xi32, #tpu.memory_space<vmem>>, vector<1x1x16xi32>,
          %get3A_410 = arith.constant 0 : i32
          %get3A_411 = arith.index_cast %get3A_410 : i32 to index
          %get3A_412 = arith.index_cast %scan3A_151 : i32 to index
          %get3A_413 = arith.constant 80 : index
          %get3A_414 = tpu.vector_load %arg9[%get3A_411, %get3A_412, %get3A_413] {strides = array<i32>} : memref<2x40x128xi32, #tpu.memory_space<vmem>>, vector<1x1x16xi32>,
          %get3A_415 = vector.shape_cast %get3A_414 : vector<1x1x16xi32> to vector<16xi32>
          %get3A_416 = arith.constant 0 : i32
          %get3A_417 = arith.index_cast %get3A_416 : i32 to index
          %get3A_418 = arith.index_cast %scan3A_151 : i32 to index
          %get3A_419 = arith.constant 80 : index
          %get3A_420 = tpu.vector_load %arg10[%get3A_417, %get3A_418, %get3A_419] {strides = array<i32>} : memref<2x40x128xi32, #tpu.memory_space<vmem>>, vector<1x1x16xi32>,
          %get3A_421 = vector.shape_cast %get3A_420 : vector<1x1x16xi32> to vector<16xi32>
          %shift_left3A_422 = arith.constant 16 : i32
          %shift_left3A_423 = vector.broadcast %shift_left3A_422 : i32 to vector<16xi32>
          %shift_left3A_424 = arith.shli %get3A_415, %shift_left3A_423 : vector<16xi32>
          %bitcast_convert_type3A_425 = tpu.bitcast %shift_left3A_424 : vector<16xi32> -> vector<16xf32>
          %shift_left3A_426 = arith.constant 16 : i32
          %shift_left3A_427 = vector.broadcast %shift_left3A_426 : i32 to vector<16xi32>
          %shift_left3A_428 = arith.shli %get3A_421, %shift_left3A_427 : vector<16xi32>
          %bitcast_convert_type3A_429 = tpu.bitcast %shift_left3A_428 : vector<16xi32> -> vector<16xf32>
          %add3A_430 = arith.addf %bitcast_convert_type3A_425, %bitcast_convert_type3A_429 : vector<16xf32>
          %and3A_431 = arith.constant -65536 : i32
          %and3A_432 = vector.broadcast %and3A_431 : i32 to vector<16xi32>
          %and3A_433 = arith.andi %get3A_415, %and3A_432 : vector<16xi32>
          %bitcast_convert_type3A_434 = tpu.bitcast %and3A_433 : vector<16xi32> -> vector<16xf32>
          %and3A_435 = arith.constant -65536 : i32
          %and3A_436 = vector.broadcast %and3A_435 : i32 to vector<16xi32>
          %and3A_437 = arith.andi %get3A_421, %and3A_436 : vector<16xi32>
          %bitcast_convert_type3A_438 = tpu.bitcast %and3A_437 : vector<16xi32> -> vector<16xf32>
          %add3A_439 = arith.addf %bitcast_convert_type3A_434, %bitcast_convert_type3A_438 : vector<16xf32>
          %bitcast_convert_type3A_440 = tpu.bitcast %add3A_430 : vector<16xf32> -> vector<16xi32>
          %add3A_441 = arith.constant 32768 : i32
          %add3A_442 = vector.broadcast %add3A_441 : i32 to vector<16xi32>
          %add3A_443 = arith.addi %bitcast_convert_type3A_440, %add3A_442 : vector<16xi32>
          %bitcast_convert_type3A_444 = tpu.bitcast %add3A_439 : vector<16xf32> -> vector<16xi32>
          %add3A_445 = arith.constant 32768 : i32
          %add3A_446 = vector.broadcast %add3A_445 : i32 to vector<16xi32>
          %add3A_447 = arith.addi %bitcast_convert_type3A_444, %add3A_446 : vector<16xi32>
          %shift_right_logical3A_448 = arith.constant 16 : i32
          %shift_right_logical3A_449 = vector.broadcast %shift_right_logical3A_448 : i32 to vector<16xi32>
          %shift_right_logical3A_450 = arith.shrui %add3A_443, %shift_right_logical3A_449 : vector<16xi32>
          %and3A_451 = arith.constant -65536 : i32
          %and3A_452 = vector.broadcast %and3A_451 : i32 to vector<16xi32>
          %and3A_453 = arith.andi %add3A_447, %and3A_452 : vector<16xi32>
          %or3A_454 = arith.ori %shift_right_logical3A_450, %and3A_453 : vector<16xi32>
          %bitcast_convert_type3A_455 = tpu.bitcast %or3A_454 : vector<16xi32> -> vector<16xi32>
          %swap3A_456 = arith.constant 0 : i32
          %swap3A_457 = arith.index_cast %swap3A_456 : i32 to index
          %swap3A_458 = arith.index_cast %scan3A_151 : i32 to index
          %swap3A_459 = arith.constant 80 : index
          %swap3A_460 = tpu.vector_load %arg11[%swap3A_457, %swap3A_458, %swap3A_459] {strides = array<i32>} : memref<2x40x128xi32, #tpu.memory_space<vmem>>, vector<1x1x16xi32>,
          %swap3A_461 = vector.shape_cast %swap3A_460 : vector<1x1x16xi32> to vector<16xi32>
          %swap3A_462 = vector.shape_cast %bitcast_convert_type3A_455 : vector<16xi32> to vector<1x1x16xi32>
          tpu.vector_store %arg11[%swap3A_457, %swap3A_458, %swap3A_459], %swap3A_462 {strides = array<i32>} : memref<2x40x128xi32, #tpu.memory_space<vmem>>, vector<1x1x16xi32>,
          %get3A_463 = arith.constant 0 : i32
          %get3A_464 = arith.index_cast %get3A_463 : i32 to index
          %get3A_465 = arith.index_cast %scan3A_151 : i32 to index
          %get3A_466 = arith.constant 96 : index
          %get3A_467 = tpu.vector_load %arg9[%get3A_464, %get3A_465, %get3A_466] {strides = array<i32>} : memref<2x40x128xi32, #tpu.memory_space<vmem>>, vector<1x1x16xi32>,
          %get3A_468 = vector.shape_cast %get3A_467 : vector<1x1x16xi32> to vector<16xi32>
          %get3A_469 = arith.constant 0 : i32
          %get3A_470 = arith.index_cast %get3A_469 : i32 to index
          %get3A_471 = arith.index_cast %scan3A_151 : i32 to index
          %get3A_472 = arith.constant 96 : index
          %get3A_473 = tpu.vector_load %arg10[%get3A_470, %get3A_471, %get3A_472] {strides = array<i32>} : memref<2x40x128xi32, #tpu.memory_space<vmem>>, vector<1x1x16xi32>,
          %get3A_474 = vector.shape_cast %get3A_473 : vector<1x1x16xi32> to vector<16xi32>
          %shift_left3A_475 = arith.constant 16 : i32
          %shift_left3A_476 = vector.broadcast %shift_left3A_475 : i32 to vector<16xi32>
          %shift_left3A_477 = arith.shli %get3A_468, %shift_left3A_476 : vector<16xi32>
          %bitcast_convert_type3A_478 = tpu.bitcast %shift_left3A_477 : vector<16xi32> -> vector<16xf32>
          %shift_left3A_479 = arith.constant 16 : i32
          %shift_left3A_480 = vector.broadcast %shift_left3A_479 : i32 to vector<16xi32>
          %shift_left3A_481 = arith.shli %get3A_474, %shift_left3A_480 : vector<16xi32>
          %bitcast_convert_type3A_482 = tpu.bitcast %shift_left3A_481 : vector<16xi32> -> vector<16xf32>
          %add3A_483 = arith.addf %bitcast_convert_type3A_478, %bitcast_convert_type3A_482 : vector<16xf32>
          %and3A_484 = arith.constant -65536 : i32
          %and3A_485 = vector.broadcast %and3A_484 : i32 to vector<16xi32>
          %and3A_486 = arith.andi %get3A_468, %and3A_485 : vector<16xi32>
          %bitcast_convert_type3A_487 = tpu.bitcast %and3A_486 : vector<16xi32> -> vector<16xf32>
          %and3A_488 = arith.constant -65536 : i32
          %and3A_489 = vector.broadcast %and3A_488 : i32 to vector<16xi32>
          %and3A_490 = arith.andi %get3A_474, %and3A_489 : vector<16xi32>
          %bitcast_convert_type3A_491 = tpu.bitcast %and3A_490 : vector<16xi32> -> vector<16xf32>
          %add3A_492 = arith.addf %bitcast_convert_type3A_487, %bitcast_convert_type3A_491 : vector<16xf32>
          %bitcast_convert_type3A_493 = tpu.bitcast %add3A_483 : vector<16xf32> -> vector<16xi32>
          %add3A_494 = arith.constant 32768 : i32
          %add3A_495 = vector.broadcast %add3A_494 : i32 to vector<16xi32>
          %add3A_496 = arith.addi %bitcast_convert_type3A_493, %add3A_495 : vector<16xi32>
          %bitcast_convert_type3A_497 = tpu.bitcast %add3A_492 : vector<16xf32> -> vector<16xi32>
          %add3A_498 = arith.constant 32768 : i32
          %add3A_499 = vector.broadcast %add3A_498 : i32 to vector<16xi32>
          %add3A_500 = arith.addi %bitcast_convert_type3A_497, %add3A_499 : vector<16xi32>
          %shift_right_logical3A_501 = arith.constant 16 : i32
          %shift_right_logical3A_502 = vector.broadcast %shift_right_logical3A_501 : i32 to vector<16xi32>
          %shift_right_logical3A_503 = arith.shrui %add3A_496, %shift_right_logical3A_502 : vector<16xi32>
          %and3A_504 = arith.constant -65536 : i32
          %and3A_505 = vector.broadcast %and3A_504 : i32 to vector<16xi32>
          %and3A_506 = arith.andi %add3A_500, %and3A_505 : vector<16xi32>
          %or3A_507 = arith.ori %shift_right_logical3A_503, %and3A_506 : vector<16xi32>
          %bitcast_convert_type3A_508 = tpu.bitcast %or3A_507 : vector<16xi32> -> vector<16xi32>
          %swap3A_509 = arith.constant 0 : i32
          %swap3A_510 = arith.index_cast %swap3A_509 : i32 to index
          %swap3A_511 = arith.index_cast %scan3A_151 : i32 to index
          %swap3A_512 = arith.constant 96 : index
          %swap3A_513 = tpu.vector_load %arg11[%swap3A_510, %swap3A_511, %swap3A_512] {strides = array<i32>} : memref<2x40x128xi32, #tpu.memory_space<vmem>>, vector<1x1x16xi32>,
          %swap3A_514 = vector.shape_cast %swap3A_513 : vector<1x1x16xi32> to vector<16xi32>
          %swap3A_515 = vector.shape_cast %bitcast_convert_type3A_508 : vector<16xi32> to vector<1x1x16xi32>
          tpu.vector_store %arg11[%swap3A_510, %swap3A_511, %swap3A_512], %swap3A_515 {strides = array<i32>} : memref<2x40x128xi32, #tpu.memory_space<vmem>>, vector<1x1x16xi32>,
          %get3A_516 = arith.constant 0 : i32
          %get3A_517 = arith.index_cast %get3A_516 : i32 to index
          %get3A_518 = arith.index_cast %scan3A_151 : i32 to index
          %get3A_519 = arith.constant 112 : index
          %get3A_520 = tpu.vector_load %arg9[%get3A_517, %get3A_518, %get3A_519] {strides = array<i32>} : memref<2x40x128xi32, #tpu.memory_space<vmem>>, vector<1x1x16xi32>,
          %get3A_521 = vector.shape_cast %get3A_520 : vector<1x1x16xi32> to vector<16xi32>
          %get3A_522 = arith.constant 0 : i32
          %get3A_523 = arith.index_cast %get3A_522 : i32 to index
          %get3A_524 = arith.index_cast %scan3A_151 : i32 to index
          %get3A_525 = arith.constant 112 : index
          %get3A_526 = tpu.vector_load %arg10[%get3A_523, %get3A_524, %get3A_525] {strides = array<i32>} : memref<2x40x128xi32, #tpu.memory_space<vmem>>, vector<1x1x16xi32>,
          %get3A_527 = vector.shape_cast %get3A_526 : vector<1x1x16xi32> to vector<16xi32>
          %shift_left3A_528 = arith.constant 16 : i32
          %shift_left3A_529 = vector.broadcast %shift_left3A_528 : i32 to vector<16xi32>
          %shift_left3A_530 = arith.shli %get3A_521, %shift_left3A_529 : vector<16xi32>
          %bitcast_convert_type3A_531 = tpu.bitcast %shift_left3A_530 : vector<16xi32> -> vector<16xf32>
          %shift_left3A_532 = arith.constant 16 : i32
          %shift_left3A_533 = vector.broadcast %shift_left3A_532 : i32 to vector<16xi32>
          %shift_left3A_534 = arith.shli %get3A_527, %shift_left3A_533 : vector<16xi32>
          %bitcast_convert_type3A_535 = tpu.bitcast %shift_left3A_534 : vector<16xi32> -> vector<16xf32>
          %add3A_536 = arith.addf %bitcast_convert_type3A_531, %bitcast_convert_type3A_535 : vector<16xf32>
          %and3A_537 = arith.constant -65536 : i32
          %and3A_538 = vector.broadcast %and3A_537 : i32 to vector<16xi32>
          %and3A_539 = arith.andi %get3A_521, %and3A_538 : vector<16xi32>
          %bitcast_convert_type3A_540 = tpu.bitcast %and3A_539 : vector<16xi32> -> vector<16xf32>
          %and3A_541 = arith.constant -65536 : i32
          %and3A_542 = vector.broadcast %and3A_541 : i32 to vector<16xi32>
          %and3A_543 = arith.andi %get3A_527, %and3A_542 : vector<16xi32>
          %bitcast_convert_type3A_544 = tpu.bitcast %and3A_543 : vector<16xi32> -> vector<16xf32>
          %add3A_545 = arith.addf %bitcast_convert_type3A_540, %bitcast_convert_type3A_544 : vector<16xf32>
          %bitcast_convert_type3A_546 = tpu.bitcast %add3A_536 : vector<16xf32> -> vector<16xi32>
          %add3A_547 = arith.constant 32768 : i32
          %add3A_548 = vector.broadcast %add3A_547 : i32 to vector<16xi32>
          %add3A_549 = arith.addi %bitcast_convert_type3A_546, %add3A_548 : vector<16xi32>
          %bitcast_convert_type3A_550 = tpu.bitcast %add3A_545 : vector<16xf32> -> vector<16xi32>
          %add3A_551 = arith.constant 32768 : i32
          %add3A_552 = vector.broadcast %add3A_551 : i32 to vector<16xi32>
          %add3A_553 = arith.addi %bitcast_convert_type3A_550, %add3A_552 : vector<16xi32>
          %shift_right_logical3A_554 = arith.constant 16 : i32
          %shift_right_logical3A_555 = vector.broadcast %shift_right_logical3A_554 : i32 to vector<16xi32>
          %shift_right_logical3A_556 = arith.shrui %add3A_549, %shift_right_logical3A_555 : vector<16xi32>
          %and3A_557 = arith.constant -65536 : i32
          %and3A_558 = vector.broadcast %and3A_557 : i32 to vector<16xi32>
          %and3A_559 = arith.andi %add3A_553, %and3A_558 : vector<16xi32>
          %or3A_560 = arith.ori %shift_right_logical3A_556, %and3A_559 : vector<16xi32>
          %bitcast_convert_type3A_561 = tpu.bitcast %or3A_560 : vector<16xi32> -> vector<16xi32>
          %swap3A_562 = arith.constant 0 : i32
          %swap3A_563 = arith.index_cast %swap3A_562 : i32 to index
          %swap3A_564 = arith.index_cast %scan3A_151 : i32 to index
          %swap3A_565 = arith.constant 112 : index
          %swap3A_566 = tpu.vector_load %arg11[%swap3A_563, %swap3A_564, %swap3A_565] {strides = array<i32>} : memref<2x40x128xi32, #tpu.memory_space<vmem>>, vector<1x1x16xi32>,
          %swap3A_567 = vector.shape_cast %swap3A_566 : vector<1x1x16xi32> to vector<16xi32>
          %swap3A_568 = vector.shape_cast %bitcast_convert_type3A_561 : vector<16xi32> to vector<1x1x16xi32>
          tpu.vector_store %arg11[%swap3A_563, %swap3A_564, %swap3A_565], %swap3A_568 {strides = array<i32>} : memref<2x40x128xi32, #tpu.memory_space<vmem>>, vector<1x1x16xi32>,
        }
        %scan3A_127 = arith.constant 40 : i32
        %mul3A_128 = arith.constant 40 : i32
        %mul3A_129 = arith.muli %add3A_84, %mul3A_128 : i32
        %add3A_130 = arith.addi %mul3A_2, %mul3A_129 : i32
        %dma_start3A_131 = arith.constant 0 : i32
        %dma_start3A_132 = arith.constant 0 : i32
        %dma_start3A_133 = arith.constant 0 : i32
        %dma_start3A_134 = tpu.memref_slice %arg11[%dma_start3A_131, %dma_start3A_132, %dma_start3A_133] : memref<2x40x128xi32, #tpu.memory_space<vmem>> -> memref<1x40x128xi32, #tpu.memory_space<vmem>>
        %dma_start3A_135 = tpu.memref_squeeze %dma_start3A_134 : memref<1x40x128xi32, #tpu.memory_space<vmem>> -> memref<40x128xi32, #tpu.memory_space<vmem>>
        %dma_start3A_136 = arith.constant 0 : i32
        %dma_start3A_137 = tpu.memref_slice %arg6[%add3A_130, %dma_start3A_136] : memref<160000x128xi32, #tpu.memory_space<hbm>> -> memref<40x128xi32, #tpu.memory_space<hbm>>
        %dma_start3A_138 = arith.constant 0 : i32
        %dma_start3A_139 = tpu.memref_slice %arg6[%add3A_130, %dma_start3A_138] : memref<160000x128xi32, #tpu.memory_space<hbm>> -> memref<40x128xi32, #tpu.memory_space<hbm>>
        %dma_start3A_140 = arith.constant 0 : i32
        %dma_start3A_141 = arith.constant 0 : i32
        %dma_start3A_142 = tpu.memref_slice %arg11[%dma_start3A_131, %dma_start3A_140, %dma_start3A_141] : memref<2x40x128xi32, #tpu.memory_space<vmem>> -> memref<1x40x128xi32, #tpu.memory_space<vmem>>
        %dma_start3A_143 = tpu.memref_squeeze %dma_start3A_142 : memref<1x40x128xi32, #tpu.memory_space<vmem>> -> memref<40x128xi32, #tpu.memory_space<vmem>>
        tpu.enqueue_dma source(%dma_start3A_143 : memref<40x128xi32, #tpu.memory_space<vmem>>) target(%dma_start3A_139 : memref<40x128xi32, #tpu.memory_space<hbm>>) target_semaphore(%arg14 : memref<!tpu.dma_semaphore, #tpu.memory_space<semaphore_mem>>)
        %add3A_144 = arith.constant 2 : i32
        %add3A_145 = arith.addi %add3A_84, %add3A_144 : i32
        %lt3A_146 = arith.constant 125 : i32
        %lt3A_147 = arith.cmpi slt, %add3A_145, %lt3A_146 : i32
        %convert_element_type3A_148 = arith.extui %lt3A_147 : i1 to i32
        %cond3A_149 = arith.constant 0 : i32
        %cond3A_150 = arith.cmpi ne, %convert_element_type3A_148, %cond3A_149 : i32
        scf.if %cond3A_150 {
          %add3A_151 = arith.constant 2 : i32
          %add3A_152 = arith.addi %add3A_84, %add3A_151 : i32
          %mul3A_153 = arith.constant 40 : i32
          %mul3A_154 = arith.muli %add3A_152, %mul3A_153 : i32
          %mul3A_155 = arith.constant 40 : i32
          %mul3A_156 = arith.muli %add3A_152, %mul3A_155 : i32
          %dma_start3A_157 = arith.constant 0 : i32
          %dma_start3A_158 = arith.constant 0 : i32
          %dma_start3A_159 = arith.constant 0 : i32
          %dma_start3A_160 = tpu.memref_slice %arg9[%dma_start3A_157, %dma_start3A_158, %dma_start3A_159] : memref<2x40x128xi32, #tpu.memory_space<vmem>> -> memref<1x40x128xi32, #tpu.memory_space<vmem>>
          %dma_start3A_161 = tpu.memref_squeeze %dma_start3A_160 : memref<1x40x128xi32, #tpu.memory_space<vmem>> -> memref<40x128xi32, #tpu.memory_space<vmem>>
          %dma_start3A_162 = tpu.memref_slice %arg7[%mul3A_154] : memref<5000xi32, #tpu.memory_space<vmem>> -> memref<40xi32, #tpu.memory_space<vmem>>
          %dma_start3A_163 = arith.constant 0 : i32
          %dma_start3A_164 = arith.constant 0 : i32
          %dma_start3A_165 = tpu.memref_slice %arg4[%dma_start3A_163, %dma_start3A_164] : memref<10000x128xi32, #tpu.memory_space<hbm>> -> memref<10000x128xi32, #tpu.memory_space<hbm>>
          tpu.enqueue_indirect_dma source(%dma_start3A_165 : memref<10000x128xi32, #tpu.memory_space<hbm>>) target(%dma_start3A_161 : memref<40x128xi32, #tpu.memory_space<vmem>>) offsets(%dma_start3A_162 : memref<40xi32, #tpu.memory_space<vmem>>) semaphore(%arg12 : memref<!tpu.dma_semaphore, #tpu.memory_space<semaphore_mem>>)
          %dma_start3A_166 = arith.constant 0 : i32
          %dma_start3A_167 = arith.constant 0 : i32
          %dma_start3A_168 = arith.constant 0 : i32
          %dma_start3A_169 = tpu.memref_slice %arg10[%dma_start3A_166, %dma_start3A_167, %dma_start3A_168] : memref<2x40x128xi32, #tpu.memory_space<vmem>> -> memref<1x40x128xi32, #tpu.memory_space<vmem>>
          %dma_start3A_170 = tpu.memref_squeeze %dma_start3A_169 : memref<1x40x128xi32, #tpu.memory_space<vmem>> -> memref<40x128xi32, #tpu.memory_space<vmem>>
          %dma_start3A_171 = tpu.memref_slice %arg8[%mul3A_156] : memref<5000xi32, #tpu.memory_space<vmem>> -> memref<40xi32, #tpu.memory_space<vmem>>
          %dma_start3A_172 = arith.constant 0 : i32
          %dma_start3A_173 = arith.constant 0 : i32
          %dma_start3A_174 = tpu.memref_slice %arg5[%dma_start3A_172, %dma_start3A_173] : memref<10000x128xi32, #tpu.memory_space<hbm>> -> memref<10000x128xi32, #tpu.memory_space<hbm>>
          tpu.enqueue_indirect_dma source(%dma_start3A_174 : memref<10000x128xi32, #tpu.memory_space<hbm>>) target(%dma_start3A_170 : memref<40x128xi32, #tpu.memory_space<vmem>>) offsets(%dma_start3A_171 : memref<40xi32, #tpu.memory_space<vmem>>) semaphore(%arg12 : memref<!tpu.dma_semaphore, #tpu.memory_space<semaphore_mem>>)
        } else {
        }
      } else {
      }
      %mul3A_87 = arith.constant 2 : i32
      %mul3A_88 = arith.muli %mul3A_87, %scan3A_80 : i32
      %add3A_89 = arith.constant 1 : i32
      %add3A_90 = arith.addi %mul3A_88, %add3A_89 : i32
      %lt3A_91 = arith.constant 125 : i32
      %lt3A_92 = arith.cmpi slt, %add3A_90, %lt3A_91 : i32
      %convert_element_type3A_93 = arith.extui %lt3A_92 : i1 to i32
      %cond3A_94 = arith.constant 0 : i32
      %cond3A_95 = arith.cmpi ne, %convert_element_type3A_93, %cond3A_94 : i32
      scf.if %cond3A_95 {
        %mul3A_96 = arith.constant 40 : i32
        %mul3A_97 = arith.muli %add3A_90, %mul3A_96 : i32
        %mul3A_98 = arith.constant 40 : i32
        %mul3A_99 = arith.muli %add3A_90, %mul3A_98 : i32
        %dma_wait3A_100 = arith.constant 1 : i32
        %dma_wait3A_101 = arith.constant 0 : i32
        %dma_wait3A_102 = arith.constant 0 : i32
        %dma_wait3A_103 = tpu.memref_slice %arg9[%dma_wait3A_100, %dma_wait3A_101, %dma_wait3A_102] : memref<2x40x128xi32, #tpu.memory_space<vmem>> -> memref<1x40x128xi32, #tpu.memory_space<vmem>>
        %dma_wait3A_104 = tpu.memref_squeeze %dma_wait3A_103 : memref<1x40x128xi32, #tpu.memory_space<vmem>> -> memref<40x128xi32, #tpu.memory_space<vmem>>
        %dma_wait3A_105 = tpu.memref_slice %arg7[%mul3A_97] : memref<5000xi32, #tpu.memory_space<vmem>> -> memref<40xi32, #tpu.memory_space<vmem>>
        %dma_wait3A_106 = arith.constant 0 : i32
        %dma_wait3A_107 = arith.constant 0 : i32
        %dma_wait3A_108 = tpu.memref_slice %arg4[%dma_wait3A_106, %dma_wait3A_107] : memref<10000x128xi32, #tpu.memory_space<hbm>> -> memref<10000x128xi32, #tpu.memory_space<hbm>>
        tpu.wait_indirect_dma semaphore(%arg13 : memref<!tpu.dma_semaphore, #tpu.memory_space<semaphore_mem>>) src(%dma_wait3A_108 : memref<10000x128xi32, #tpu.memory_space<hbm>>) dst(%dma_wait3A_104 : memref<40x128xi32, #tpu.memory_space<vmem>>)
        %dma_wait3A_109 = arith.constant 1 : i32
        %dma_wait3A_110 = arith.constant 0 : i32
        %dma_wait3A_111 = arith.constant 0 : i32
        %dma_wait3A_112 = tpu.memref_slice %arg10[%dma_wait3A_109, %dma_wait3A_110, %dma_wait3A_111] : memref<2x40x128xi32, #tpu.memory_space<vmem>> -> memref<1x40x128xi32, #tpu.memory_space<vmem>>
        %dma_wait3A_113 = tpu.memref_squeeze %dma_wait3A_112 : memref<1x40x128xi32, #tpu.memory_space<vmem>> -> memref<40x128xi32, #tpu.memory_space<vmem>>
        %dma_wait3A_114 = tpu.memref_slice %arg8[%mul3A_99] : memref<5000xi32, #tpu.memory_space<vmem>> -> memref<40xi32, #tpu.memory_space<vmem>>
        %dma_wait3A_115 = arith.constant 0 : i32
        %dma_wait3A_116 = arith.constant 0 : i32
        %dma_wait3A_117 = tpu.memref_slice %arg5[%dma_wait3A_115, %dma_wait3A_116] : memref<10000x128xi32, #tpu.memory_space<hbm>> -> memref<10000x128xi32, #tpu.memory_space<hbm>>
        tpu.wait_indirect_dma semaphore(%arg13 : memref<!tpu.dma_semaphore, #tpu.memory_space<semaphore_mem>>) src(%dma_wait3A_117 : memref<10000x128xi32, #tpu.memory_space<hbm>>) dst(%dma_wait3A_113 : memref<40x128xi32, #tpu.memory_space<vmem>>)
        %ge3A = arith.constant 2 : i32
        %ge3A_118 = arith.cmpi sge, %add3A_90, %ge3A : i32
        %convert_element_type3A_119 = arith.extui %ge3A_118 : i1 to i32
        %cond3A_120 = arith.constant 0 : i32
        %cond3A_121 = arith.cmpi ne, %convert_element_type3A_119, %cond3A_120 : i32
        scf.if %cond3A_121 {
          %sub3A = arith.constant 2 : i32
          %sub3A_151 = arith.subi %add3A_90, %sub3A : i32
          %mul3A_152 = arith.constant 40 : i32
          %mul3A_153 = arith.muli %sub3A_151, %mul3A_152 : i32
          %add3A_154 = arith.addi %mul3A_2, %mul3A_153 : i32
          %dma_wait3A_155 = arith.constant 1 : i32
          %dma_wait3A_156 = arith.constant 0 : i32
          %dma_wait3A_157 = arith.constant 0 : i32
          %dma_wait3A_158 = tpu.memref_slice %arg11[%dma_wait3A_155, %dma_wait3A_156, %dma_wait3A_157] : memref<2x40x128xi32, #tpu.memory_space<vmem>> -> memref<1x40x128xi32, #tpu.memory_space<vmem>>
          %dma_wait3A_159 = tpu.memref_squeeze %dma_wait3A_158 : memref<1x40x128xi32, #tpu.memory_space<vmem>> -> memref<40x128xi32, #tpu.memory_space<vmem>>
          %dma_wait3A_160 = arith.constant 0 : i32
          %dma_wait3A_161 = tpu.memref_slice %arg6[%add3A_154, %dma_wait3A_160] : memref<160000x128xi32, #tpu.memory_space<hbm>> -> memref<40x128xi32, #tpu.memory_space<hbm>>
          %dma_wait3A_162 = arith.constant 0 : i32
          %dma_wait3A_163 = tpu.memref_slice %arg6[%add3A_154, %dma_wait3A_162] : memref<160000x128xi32, #tpu.memory_space<hbm>> -> memref<40x128xi32, #tpu.memory_space<hbm>>
          %dma_wait3A_164 = arith.constant 0 : i32
          %dma_wait3A_165 = arith.constant 0 : i32
          %dma_wait3A_166 = tpu.memref_slice %arg11[%dma_wait3A_155, %dma_wait3A_164, %dma_wait3A_165] : memref<2x40x128xi32, #tpu.memory_space<vmem>> -> memref<1x40x128xi32, #tpu.memory_space<vmem>>
          %dma_wait3A_167 = tpu.memref_squeeze %dma_wait3A_166 : memref<1x40x128xi32, #tpu.memory_space<vmem>> -> memref<40x128xi32, #tpu.memory_space<vmem>>
          tpu.wait_dma2 semaphore(%arg15 : memref<!tpu.dma_semaphore, #tpu.memory_space<semaphore_mem>>) src(%dma_wait3A_167 : memref<40x128xi32, #tpu.memory_space<vmem>>) dst(%dma_wait3A_163 : memref<40x128xi32, #tpu.memory_space<hbm>>)
        } else {
        }
        %scan3A_122 = arith.constant 0 : i32
        %scan3A_123 = arith.constant 0 : i32
        %scan3A_124 = arith.constant 40 : i32
        %scan3A_125 = arith.addi %scan3A_123, %scan3A_124 : i32
        %scan3A_126 = arith.constant 1 : i32
        scf.for %scan3A_151 = %scan3A_123 to %scan3A_125 step %scan3A_126  : i32 {
          %get3A = arith.constant 1 : i32
          %get3A_152 = arith.index_cast %get3A : i32 to index
          %get3A_153 = arith.index_cast %scan3A_151 : i32 to index
          %get3A_154 = arith.constant 0 : index
          %get3A_155 = tpu.vector_load %arg9[%get3A_152, %get3A_153, %get3A_154] {strides = array<i32>} : memref<2x40x128xi32, #tpu.memory_space<vmem>>, vector<1x1x16xi32>,
          %get3A_156 = vector.shape_cast %get3A_155 : vector<1x1x16xi32> to vector<16xi32>
          %get3A_157 = arith.constant 1 : i32
          %get3A_158 = arith.index_cast %get3A_157 : i32 to index
          %get3A_159 = arith.index_cast %scan3A_151 : i32 to index
          %get3A_160 = arith.constant 0 : index
          %get3A_161 = tpu.vector_load %arg10[%get3A_158, %get3A_159, %get3A_160] {strides = array<i32>} : memref<2x40x128xi32, #tpu.memory_space<vmem>>, vector<1x1x16xi32>,
          %get3A_162 = vector.shape_cast %get3A_161 : vector<1x1x16xi32> to vector<16xi32>
          %shift_left3A = arith.constant 16 : i32
          %shift_left3A_163 = vector.broadcast %shift_left3A : i32 to vector<16xi32>
          %shift_left3A_164 = arith.shli %get3A_156, %shift_left3A_163 : vector<16xi32>
          %bitcast_convert_type3A = tpu.bitcast %shift_left3A_164 : vector<16xi32> -> vector<16xf32>
          %shift_left3A_165 = arith.constant 16 : i32
          %shift_left3A_166 = vector.broadcast %shift_left3A_165 : i32 to vector<16xi32>
          %shift_left3A_167 = arith.shli %get3A_162, %shift_left3A_166 : vector<16xi32>
          %bitcast_convert_type3A_168 = tpu.bitcast %shift_left3A_167 : vector<16xi32> -> vector<16xf32>
          %add3A_169 = arith.addf %bitcast_convert_type3A, %bitcast_convert_type3A_168 : vector<16xf32>
          %and3A = arith.constant -65536 : i32
          %and3A_170 = vector.broadcast %and3A : i32 to vector<16xi32>
          %and3A_171 = arith.andi %get3A_156, %and3A_170 : vector<16xi32>
          %bitcast_convert_type3A_172 = tpu.bitcast %and3A_171 : vector<16xi32> -> vector<16xf32>
          %and3A_173 = arith.constant -65536 : i32
          %and3A_174 = vector.broadcast %and3A_173 : i32 to vector<16xi32>
          %and3A_175 = arith.andi %get3A_162, %and3A_174 : vector<16xi32>
          %bitcast_convert_type3A_176 = tpu.bitcast %and3A_175 : vector<16xi32> -> vector<16xf32>
          %add3A_177 = arith.addf %bitcast_convert_type3A_172, %bitcast_convert_type3A_176 : vector<16xf32>
          %bitcast_convert_type3A_178 = tpu.bitcast %add3A_169 : vector<16xf32> -> vector<16xi32>
          %add3A_179 = arith.constant 32768 : i32
          %add3A_180 = vector.broadcast %add3A_179 : i32 to vector<16xi32>
          %add3A_181 = arith.addi %bitcast_convert_type3A_178, %add3A_180 : vector<16xi32>
          %bitcast_convert_type3A_182 = tpu.bitcast %add3A_177 : vector<16xf32> -> vector<16xi32>
          %add3A_183 = arith.constant 32768 : i32
          %add3A_184 = vector.broadcast %add3A_183 : i32 to vector<16xi32>
          %add3A_185 = arith.addi %bitcast_convert_type3A_182, %add3A_184 : vector<16xi32>
          %shift_right_logical3A = arith.constant 16 : i32
          %shift_right_logical3A_186 = vector.broadcast %shift_right_logical3A : i32 to vector<16xi32>
          %shift_right_logical3A_187 = arith.shrui %add3A_181, %shift_right_logical3A_186 : vector<16xi32>
          %and3A_188 = arith.constant -65536 : i32
          %and3A_189 = vector.broadcast %and3A_188 : i32 to vector<16xi32>
          %and3A_190 = arith.andi %add3A_185, %and3A_189 : vector<16xi32>
          %or3A = arith.ori %shift_right_logical3A_187, %and3A_190 : vector<16xi32>
          %bitcast_convert_type3A_191 = tpu.bitcast %or3A : vector<16xi32> -> vector<16xi32>
          %swap3A = arith.constant 1 : i32
          %swap3A_192 = arith.index_cast %swap3A : i32 to index
          %swap3A_193 = arith.index_cast %scan3A_151 : i32 to index
          %swap3A_194 = arith.constant 0 : index
          %swap3A_195 = tpu.vector_load %arg11[%swap3A_192, %swap3A_193, %swap3A_194] {strides = array<i32>} : memref<2x40x128xi32, #tpu.memory_space<vmem>>, vector<1x1x16xi32>,
          %swap3A_196 = vector.shape_cast %swap3A_195 : vector<1x1x16xi32> to vector<16xi32>
          %swap3A_197 = vector.shape_cast %bitcast_convert_type3A_191 : vector<16xi32> to vector<1x1x16xi32>
          tpu.vector_store %arg11[%swap3A_192, %swap3A_193, %swap3A_194], %swap3A_197 {strides = array<i32>} : memref<2x40x128xi32, #tpu.memory_space<vmem>>, vector<1x1x16xi32>,
          %get3A_198 = arith.constant 1 : i32
          %get3A_199 = arith.index_cast %get3A_198 : i32 to index
          %get3A_200 = arith.index_cast %scan3A_151 : i32 to index
          %get3A_201 = arith.constant 16 : index
          %get3A_202 = tpu.vector_load %arg9[%get3A_199, %get3A_200, %get3A_201] {strides = array<i32>} : memref<2x40x128xi32, #tpu.memory_space<vmem>>, vector<1x1x16xi32>,
          %get3A_203 = vector.shape_cast %get3A_202 : vector<1x1x16xi32> to vector<16xi32>
          %get3A_204 = arith.constant 1 : i32
          %get3A_205 = arith.index_cast %get3A_204 : i32 to index
          %get3A_206 = arith.index_cast %scan3A_151 : i32 to index
          %get3A_207 = arith.constant 16 : index
          %get3A_208 = tpu.vector_load %arg10[%get3A_205, %get3A_206, %get3A_207] {strides = array<i32>} : memref<2x40x128xi32, #tpu.memory_space<vmem>>, vector<1x1x16xi32>,
          %get3A_209 = vector.shape_cast %get3A_208 : vector<1x1x16xi32> to vector<16xi32>
          %shift_left3A_210 = arith.constant 16 : i32
          %shift_left3A_211 = vector.broadcast %shift_left3A_210 : i32 to vector<16xi32>
          %shift_left3A_212 = arith.shli %get3A_203, %shift_left3A_211 : vector<16xi32>
          %bitcast_convert_type3A_213 = tpu.bitcast %shift_left3A_212 : vector<16xi32> -> vector<16xf32>
          %shift_left3A_214 = arith.constant 16 : i32
          %shift_left3A_215 = vector.broadcast %shift_left3A_214 : i32 to vector<16xi32>
          %shift_left3A_216 = arith.shli %get3A_209, %shift_left3A_215 : vector<16xi32>
          %bitcast_convert_type3A_217 = tpu.bitcast %shift_left3A_216 : vector<16xi32> -> vector<16xf32>
          %add3A_218 = arith.addf %bitcast_convert_type3A_213, %bitcast_convert_type3A_217 : vector<16xf32>
          %and3A_219 = arith.constant -65536 : i32
          %and3A_220 = vector.broadcast %and3A_219 : i32 to vector<16xi32>
          %and3A_221 = arith.andi %get3A_203, %and3A_220 : vector<16xi32>
          %bitcast_convert_type3A_222 = tpu.bitcast %and3A_221 : vector<16xi32> -> vector<16xf32>
          %and3A_223 = arith.constant -65536 : i32
          %and3A_224 = vector.broadcast %and3A_223 : i32 to vector<16xi32>
          %and3A_225 = arith.andi %get3A_209, %and3A_224 : vector<16xi32>
          %bitcast_convert_type3A_226 = tpu.bitcast %and3A_225 : vector<16xi32> -> vector<16xf32>
          %add3A_227 = arith.addf %bitcast_convert_type3A_222, %bitcast_convert_type3A_226 : vector<16xf32>
          %bitcast_convert_type3A_228 = tpu.bitcast %add3A_218 : vector<16xf32> -> vector<16xi32>
          %add3A_229 = arith.constant 32768 : i32
          %add3A_230 = vector.broadcast %add3A_229 : i32 to vector<16xi32>
          %add3A_231 = arith.addi %bitcast_convert_type3A_228, %add3A_230 : vector<16xi32>
          %bitcast_convert_type3A_232 = tpu.bitcast %add3A_227 : vector<16xf32> -> vector<16xi32>
          %add3A_233 = arith.constant 32768 : i32
          %add3A_234 = vector.broadcast %add3A_233 : i32 to vector<16xi32>
          %add3A_235 = arith.addi %bitcast_convert_type3A_232, %add3A_234 : vector<16xi32>
          %shift_right_logical3A_236 = arith.constant 16 : i32
          %shift_right_logical3A_237 = vector.broadcast %shift_right_logical3A_236 : i32 to vector<16xi32>
          %shift_right_logical3A_238 = arith.shrui %add3A_231, %shift_right_logical3A_237 : vector<16xi32>
          %and3A_239 = arith.constant -65536 : i32
          %and3A_240 = vector.broadcast %and3A_239 : i32 to vector<16xi32>
          %and3A_241 = arith.andi %add3A_235, %and3A_240 : vector<16xi32>
          %or3A_242 = arith.ori %shift_right_logical3A_238, %and3A_241 : vector<16xi32>
          %bitcast_convert_type3A_243 = tpu.bitcast %or3A_242 : vector<16xi32> -> vector<16xi32>
          %swap3A_244 = arith.constant 1 : i32
          %swap3A_245 = arith.index_cast %swap3A_244 : i32 to index
          %swap3A_246 = arith.index_cast %scan3A_151 : i32 to index
          %swap3A_247 = arith.constant 16 : index
          %swap3A_248 = tpu.vector_load %arg11[%swap3A_245, %swap3A_246, %swap3A_247] {strides = array<i32>} : memref<2x40x128xi32, #tpu.memory_space<vmem>>, vector<1x1x16xi32>,
          %swap3A_249 = vector.shape_cast %swap3A_248 : vector<1x1x16xi32> to vector<16xi32>
          %swap3A_250 = vector.shape_cast %bitcast_convert_type3A_243 : vector<16xi32> to vector<1x1x16xi32>
          tpu.vector_store %arg11[%swap3A_245, %swap3A_246, %swap3A_247], %swap3A_250 {strides = array<i32>} : memref<2x40x128xi32, #tpu.memory_space<vmem>>, vector<1x1x16xi32>,
          %get3A_251 = arith.constant 1 : i32
          %get3A_252 = arith.index_cast %get3A_251 : i32 to index
          %get3A_253 = arith.index_cast %scan3A_151 : i32 to index
          %get3A_254 = arith.constant 32 : index
          %get3A_255 = tpu.vector_load %arg9[%get3A_252, %get3A_253, %get3A_254] {strides = array<i32>} : memref<2x40x128xi32, #tpu.memory_space<vmem>>, vector<1x1x16xi32>,
          %get3A_256 = vector.shape_cast %get3A_255 : vector<1x1x16xi32> to vector<16xi32>
          %get3A_257 = arith.constant 1 : i32
          %get3A_258 = arith.index_cast %get3A_257 : i32 to index
          %get3A_259 = arith.index_cast %scan3A_151 : i32 to index
          %get3A_260 = arith.constant 32 : index
          %get3A_261 = tpu.vector_load %arg10[%get3A_258, %get3A_259, %get3A_260] {strides = array<i32>} : memref<2x40x128xi32, #tpu.memory_space<vmem>>, vector<1x1x16xi32>,
          %get3A_262 = vector.shape_cast %get3A_261 : vector<1x1x16xi32> to vector<16xi32>
          %shift_left3A_263 = arith.constant 16 : i32
          %shift_left3A_264 = vector.broadcast %shift_left3A_263 : i32 to vector<16xi32>
          %shift_left3A_265 = arith.shli %get3A_256, %shift_left3A_264 : vector<16xi32>
          %bitcast_convert_type3A_266 = tpu.bitcast %shift_left3A_265 : vector<16xi32> -> vector<16xf32>
          %shift_left3A_267 = arith.constant 16 : i32
          %shift_left3A_268 = vector.broadcast %shift_left3A_267 : i32 to vector<16xi32>
          %shift_left3A_269 = arith.shli %get3A_262, %shift_left3A_268 : vector<16xi32>
          %bitcast_convert_type3A_270 = tpu.bitcast %shift_left3A_269 : vector<16xi32> -> vector<16xf32>
          %add3A_271 = arith.addf %bitcast_convert_type3A_266, %bitcast_convert_type3A_270 : vector<16xf32>
          %and3A_272 = arith.constant -65536 : i32
          %and3A_273 = vector.broadcast %and3A_272 : i32 to vector<16xi32>
          %and3A_274 = arith.andi %get3A_256, %and3A_273 : vector<16xi32>
          %bitcast_convert_type3A_275 = tpu.bitcast %and3A_274 : vector<16xi32> -> vector<16xf32>
          %and3A_276 = arith.constant -65536 : i32
          %and3A_277 = vector.broadcast %and3A_276 : i32 to vector<16xi32>
          %and3A_278 = arith.andi %get3A_262, %and3A_277 : vector<16xi32>
          %bitcast_convert_type3A_279 = tpu.bitcast %and3A_278 : vector<16xi32> -> vector<16xf32>
          %add3A_280 = arith.addf %bitcast_convert_type3A_275, %bitcast_convert_type3A_279 : vector<16xf32>
          %bitcast_convert_type3A_281 = tpu.bitcast %add3A_271 : vector<16xf32> -> vector<16xi32>
          %add3A_282 = arith.constant 32768 : i32
          %add3A_283 = vector.broadcast %add3A_282 : i32 to vector<16xi32>
          %add3A_284 = arith.addi %bitcast_convert_type3A_281, %add3A_283 : vector<16xi32>
          %bitcast_convert_type3A_285 = tpu.bitcast %add3A_280 : vector<16xf32> -> vector<16xi32>
          %add3A_286 = arith.constant 32768 : i32
          %add3A_287 = vector.broadcast %add3A_286 : i32 to vector<16xi32>
          %add3A_288 = arith.addi %bitcast_convert_type3A_285, %add3A_287 : vector<16xi32>
          %shift_right_logical3A_289 = arith.constant 16 : i32
          %shift_right_logical3A_290 = vector.broadcast %shift_right_logical3A_289 : i32 to vector<16xi32>
          %shift_right_logical3A_291 = arith.shrui %add3A_284, %shift_right_logical3A_290 : vector<16xi32>
          %and3A_292 = arith.constant -65536 : i32
          %and3A_293 = vector.broadcast %and3A_292 : i32 to vector<16xi32>
          %and3A_294 = arith.andi %add3A_288, %and3A_293 : vector<16xi32>
          %or3A_295 = arith.ori %shift_right_logical3A_291, %and3A_294 : vector<16xi32>
          %bitcast_convert_type3A_296 = tpu.bitcast %or3A_295 : vector<16xi32> -> vector<16xi32>
          %swap3A_297 = arith.constant 1 : i32
          %swap3A_298 = arith.index_cast %swap3A_297 : i32 to index
          %swap3A_299 = arith.index_cast %scan3A_151 : i32 to index
          %swap3A_300 = arith.constant 32 : index
          %swap3A_301 = tpu.vector_load %arg11[%swap3A_298, %swap3A_299, %swap3A_300] {strides = array<i32>} : memref<2x40x128xi32, #tpu.memory_space<vmem>>, vector<1x1x16xi32>,
          %swap3A_302 = vector.shape_cast %swap3A_301 : vector<1x1x16xi32> to vector<16xi32>
          %swap3A_303 = vector.shape_cast %bitcast_convert_type3A_296 : vector<16xi32> to vector<1x1x16xi32>
          tpu.vector_store %arg11[%swap3A_298, %swap3A_299, %swap3A_300], %swap3A_303 {strides = array<i32>} : memref<2x40x128xi32, #tpu.memory_space<vmem>>, vector<1x1x16xi32>,
          %get3A_304 = arith.constant 1 : i32
          %get3A_305 = arith.index_cast %get3A_304 : i32 to index
          %get3A_306 = arith.index_cast %scan3A_151 : i32 to index
          %get3A_307 = arith.constant 48 : index
          %get3A_308 = tpu.vector_load %arg9[%get3A_305, %get3A_306, %get3A_307] {strides = array<i32>} : memref<2x40x128xi32, #tpu.memory_space<vmem>>, vector<1x1x16xi32>,
          %get3A_309 = vector.shape_cast %get3A_308 : vector<1x1x16xi32> to vector<16xi32>
          %get3A_310 = arith.constant 1 : i32
          %get3A_311 = arith.index_cast %get3A_310 : i32 to index
          %get3A_312 = arith.index_cast %scan3A_151 : i32 to index
          %get3A_313 = arith.constant 48 : index
          %get3A_314 = tpu.vector_load %arg10[%get3A_311, %get3A_312, %get3A_313] {strides = array<i32>} : memref<2x40x128xi32, #tpu.memory_space<vmem>>, vector<1x1x16xi32>,
          %get3A_315 = vector.shape_cast %get3A_314 : vector<1x1x16xi32> to vector<16xi32>
          %shift_left3A_316 = arith.constant 16 : i32
          %shift_left3A_317 = vector.broadcast %shift_left3A_316 : i32 to vector<16xi32>
          %shift_left3A_318 = arith.shli %get3A_309, %shift_left3A_317 : vector<16xi32>
          %bitcast_convert_type3A_319 = tpu.bitcast %shift_left3A_318 : vector<16xi32> -> vector<16xf32>
          %shift_left3A_320 = arith.constant 16 : i32
          %shift_left3A_321 = vector.broadcast %shift_left3A_320 : i32 to vector<16xi32>
          %shift_left3A_322 = arith.shli %get3A_315, %shift_left3A_321 : vector<16xi32>
          %bitcast_convert_type3A_323 = tpu.bitcast %shift_left3A_322 : vector<16xi32> -> vector<16xf32>
          %add3A_324 = arith.addf %bitcast_convert_type3A_319, %bitcast_convert_type3A_323 : vector<16xf32>
          %and3A_325 = arith.constant -65536 : i32
          %and3A_326 = vector.broadcast %and3A_325 : i32 to vector<16xi32>
          %and3A_327 = arith.andi %get3A_309, %and3A_326 : vector<16xi32>
          %bitcast_convert_type3A_328 = tpu.bitcast %and3A_327 : vector<16xi32> -> vector<16xf32>
          %and3A_329 = arith.constant -65536 : i32
          %and3A_330 = vector.broadcast %and3A_329 : i32 to vector<16xi32>
          %and3A_331 = arith.andi %get3A_315, %and3A_330 : vector<16xi32>
          %bitcast_convert_type3A_332 = tpu.bitcast %and3A_331 : vector<16xi32> -> vector<16xf32>
          %add3A_333 = arith.addf %bitcast_convert_type3A_328, %bitcast_convert_type3A_332 : vector<16xf32>
          %bitcast_convert_type3A_334 = tpu.bitcast %add3A_324 : vector<16xf32> -> vector<16xi32>
          %add3A_335 = arith.constant 32768 : i32
          %add3A_336 = vector.broadcast %add3A_335 : i32 to vector<16xi32>
          %add3A_337 = arith.addi %bitcast_convert_type3A_334, %add3A_336 : vector<16xi32>
          %bitcast_convert_type3A_338 = tpu.bitcast %add3A_333 : vector<16xf32> -> vector<16xi32>
          %add3A_339 = arith.constant 32768 : i32
          %add3A_340 = vector.broadcast %add3A_339 : i32 to vector<16xi32>
          %add3A_341 = arith.addi %bitcast_convert_type3A_338, %add3A_340 : vector<16xi32>
          %shift_right_logical3A_342 = arith.constant 16 : i32
          %shift_right_logical3A_343 = vector.broadcast %shift_right_logical3A_342 : i32 to vector<16xi32>
          %shift_right_logical3A_344 = arith.shrui %add3A_337, %shift_right_logical3A_343 : vector<16xi32>
          %and3A_345 = arith.constant -65536 : i32
          %and3A_346 = vector.broadcast %and3A_345 : i32 to vector<16xi32>
          %and3A_347 = arith.andi %add3A_341, %and3A_346 : vector<16xi32>
          %or3A_348 = arith.ori %shift_right_logical3A_344, %and3A_347 : vector<16xi32>
          %bitcast_convert_type3A_349 = tpu.bitcast %or3A_348 : vector<16xi32> -> vector<16xi32>
          %swap3A_350 = arith.constant 1 : i32
          %swap3A_351 = arith.index_cast %swap3A_350 : i32 to index
          %swap3A_352 = arith.index_cast %scan3A_151 : i32 to index
          %swap3A_353 = arith.constant 48 : index
          %swap3A_354 = tpu.vector_load %arg11[%swap3A_351, %swap3A_352, %swap3A_353] {strides = array<i32>} : memref<2x40x128xi32, #tpu.memory_space<vmem>>, vector<1x1x16xi32>,
          %swap3A_355 = vector.shape_cast %swap3A_354 : vector<1x1x16xi32> to vector<16xi32>
          %swap3A_356 = vector.shape_cast %bitcast_convert_type3A_349 : vector<16xi32> to vector<1x1x16xi32>
          tpu.vector_store %arg11[%swap3A_351, %swap3A_352, %swap3A_353], %swap3A_356 {strides = array<i32>} : memref<2x40x128xi32, #tpu.memory_space<vmem>>, vector<1x1x16xi32>,
          %get3A_357 = arith.constant 1 : i32
          %get3A_358 = arith.index_cast %get3A_357 : i32 to index
          %get3A_359 = arith.index_cast %scan3A_151 : i32 to index
          %get3A_360 = arith.constant 64 : index
          %get3A_361 = tpu.vector_load %arg9[%get3A_358, %get3A_359, %get3A_360] {strides = array<i32>} : memref<2x40x128xi32, #tpu.memory_space<vmem>>, vector<1x1x16xi32>,
          %get3A_362 = vector.shape_cast %get3A_361 : vector<1x1x16xi32> to vector<16xi32>
          %get3A_363 = arith.constant 1 : i32
          %get3A_364 = arith.index_cast %get3A_363 : i32 to index
          %get3A_365 = arith.index_cast %scan3A_151 : i32 to index
          %get3A_366 = arith.constant 64 : index
          %get3A_367 = tpu.vector_load %arg10[%get3A_364, %get3A_365, %get3A_366] {strides = array<i32>} : memref<2x40x128xi32, #tpu.memory_space<vmem>>, vector<1x1x16xi32>,
          %get3A_368 = vector.shape_cast %get3A_367 : vector<1x1x16xi32> to vector<16xi32>
          %shift_left3A_369 = arith.constant 16 : i32
          %shift_left3A_370 = vector.broadcast %shift_left3A_369 : i32 to vector<16xi32>
          %shift_left3A_371 = arith.shli %get3A_362, %shift_left3A_370 : vector<16xi32>
          %bitcast_convert_type3A_372 = tpu.bitcast %shift_left3A_371 : vector<16xi32> -> vector<16xf32>
          %shift_left3A_373 = arith.constant 16 : i32
          %shift_left3A_374 = vector.broadcast %shift_left3A_373 : i32 to vector<16xi32>
          %shift_left3A_375 = arith.shli %get3A_368, %shift_left3A_374 : vector<16xi32>
          %bitcast_convert_type3A_376 = tpu.bitcast %shift_left3A_375 : vector<16xi32> -> vector<16xf32>
          %add3A_377 = arith.addf %bitcast_convert_type3A_372, %bitcast_convert_type3A_376 : vector<16xf32>
          %and3A_378 = arith.constant -65536 : i32
          %and3A_379 = vector.broadcast %and3A_378 : i32 to vector<16xi32>
          %and3A_380 = arith.andi %get3A_362, %and3A_379 : vector<16xi32>
          %bitcast_convert_type3A_381 = tpu.bitcast %and3A_380 : vector<16xi32> -> vector<16xf32>
          %and3A_382 = arith.constant -65536 : i32
          %and3A_383 = vector.broadcast %and3A_382 : i32 to vector<16xi32>
          %and3A_384 = arith.andi %get3A_368, %and3A_383 : vector<16xi32>
          %bitcast_convert_type3A_385 = tpu.bitcast %and3A_384 : vector<16xi32> -> vector<16xf32>
          %add3A_386 = arith.addf %bitcast_convert_type3A_381, %bitcast_convert_type3A_385 : vector<16xf32>
          %bitcast_convert_type3A_387 = tpu.bitcast %add3A_377 : vector<16xf32> -> vector<16xi32>
          %add3A_388 = arith.constant 32768 : i32
          %add3A_389 = vector.broadcast %add3A_388 : i32 to vector<16xi32>
          %add3A_390 = arith.addi %bitcast_convert_type3A_387, %add3A_389 : vector<16xi32>
          %bitcast_convert_type3A_391 = tpu.bitcast %add3A_386 : vector<16xf32> -> vector<16xi32>
          %add3A_392 = arith.constant 32768 : i32
          %add3A_393 = vector.broadcast %add3A_392 : i32 to vector<16xi32>
          %add3A_394 = arith.addi %bitcast_convert_type3A_391, %add3A_393 : vector<16xi32>
          %shift_right_logical3A_395 = arith.constant 16 : i32
          %shift_right_logical3A_396 = vector.broadcast %shift_right_logical3A_395 : i32 to vector<16xi32>
          %shift_right_logical3A_397 = arith.shrui %add3A_390, %shift_right_logical3A_396 : vector<16xi32>
          %and3A_398 = arith.constant -65536 : i32
          %and3A_399 = vector.broadcast %and3A_398 : i32 to vector<16xi32>
          %and3A_400 = arith.andi %add3A_394, %and3A_399 : vector<16xi32>
          %or3A_401 = arith.ori %shift_right_logical3A_397, %and3A_400 : vector<16xi32>
          %bitcast_convert_type3A_402 = tpu.bitcast %or3A_401 : vector<16xi32> -> vector<16xi32>
          %swap3A_403 = arith.constant 1 : i32
          %swap3A_404 = arith.index_cast %swap3A_403 : i32 to index
          %swap3A_405 = arith.index_cast %scan3A_151 : i32 to index
          %swap3A_406 = arith.constant 64 : index
          %swap3A_407 = tpu.vector_load %arg11[%swap3A_404, %swap3A_405, %swap3A_406] {strides = array<i32>} : memref<2x40x128xi32, #tpu.memory_space<vmem>>, vector<1x1x16xi32>,
          %swap3A_408 = vector.shape_cast %swap3A_407 : vector<1x1x16xi32> to vector<16xi32>
          %swap3A_409 = vector.shape_cast %bitcast_convert_type3A_402 : vector<16xi32> to vector<1x1x16xi32>
          tpu.vector_store %arg11[%swap3A_404, %swap3A_405, %swap3A_406], %swap3A_409 {strides = array<i32>} : memref<2x40x128xi32, #tpu.memory_space<vmem>>, vector<1x1x16xi32>,
          %get3A_410 = arith.constant 1 : i32
          %get3A_411 = arith.index_cast %get3A_410 : i32 to index
          %get3A_412 = arith.index_cast %scan3A_151 : i32 to index
          %get3A_413 = arith.constant 80 : index
          %get3A_414 = tpu.vector_load %arg9[%get3A_411, %get3A_412, %get3A_413] {strides = array<i32>} : memref<2x40x128xi32, #tpu.memory_space<vmem>>, vector<1x1x16xi32>,
          %get3A_415 = vector.shape_cast %get3A_414 : vector<1x1x16xi32> to vector<16xi32>
          %get3A_416 = arith.constant 1 : i32
          %get3A_417 = arith.index_cast %get3A_416 : i32 to index
          %get3A_418 = arith.index_cast %scan3A_151 : i32 to index
          %get3A_419 = arith.constant 80 : index
          %get3A_420 = tpu.vector_load %arg10[%get3A_417, %get3A_418, %get3A_419] {strides = array<i32>} : memref<2x40x128xi32, #tpu.memory_space<vmem>>, vector<1x1x16xi32>,
          %get3A_421 = vector.shape_cast %get3A_420 : vector<1x1x16xi32> to vector<16xi32>
          %shift_left3A_422 = arith.constant 16 : i32
          %shift_left3A_423 = vector.broadcast %shift_left3A_422 : i32 to vector<16xi32>
          %shift_left3A_424 = arith.shli %get3A_415, %shift_left3A_423 : vector<16xi32>
          %bitcast_convert_type3A_425 = tpu.bitcast %shift_left3A_424 : vector<16xi32> -> vector<16xf32>
          %shift_left3A_426 = arith.constant 16 : i32
          %shift_left3A_427 = vector.broadcast %shift_left3A_426 : i32 to vector<16xi32>
          %shift_left3A_428 = arith.shli %get3A_421, %shift_left3A_427 : vector<16xi32>
          %bitcast_convert_type3A_429 = tpu.bitcast %shift_left3A_428 : vector<16xi32> -> vector<16xf32>
          %add3A_430 = arith.addf %bitcast_convert_type3A_425, %bitcast_convert_type3A_429 : vector<16xf32>
          %and3A_431 = arith.constant -65536 : i32
          %and3A_432 = vector.broadcast %and3A_431 : i32 to vector<16xi32>
          %and3A_433 = arith.andi %get3A_415, %and3A_432 : vector<16xi32>
          %bitcast_convert_type3A_434 = tpu.bitcast %and3A_433 : vector<16xi32> -> vector<16xf32>
          %and3A_435 = arith.constant -65536 : i32
          %and3A_436 = vector.broadcast %and3A_435 : i32 to vector<16xi32>
          %and3A_437 = arith.andi %get3A_421, %and3A_436 : vector<16xi32>
          %bitcast_convert_type3A_438 = tpu.bitcast %and3A_437 : vector<16xi32> -> vector<16xf32>
          %add3A_439 = arith.addf %bitcast_convert_type3A_434, %bitcast_convert_type3A_438 : vector<16xf32>
          %bitcast_convert_type3A_440 = tpu.bitcast %add3A_430 : vector<16xf32> -> vector<16xi32>
          %add3A_441 = arith.constant 32768 : i32
          %add3A_442 = vector.broadcast %add3A_441 : i32 to vector<16xi32>
          %add3A_443 = arith.addi %bitcast_convert_type3A_440, %add3A_442 : vector<16xi32>
          %bitcast_convert_type3A_444 = tpu.bitcast %add3A_439 : vector<16xf32> -> vector<16xi32>
          %add3A_445 = arith.constant 32768 : i32
          %add3A_446 = vector.broadcast %add3A_445 : i32 to vector<16xi32>
          %add3A_447 = arith.addi %bitcast_convert_type3A_444, %add3A_446 : vector<16xi32>
          %shift_right_logical3A_448 = arith.constant 16 : i32
          %shift_right_logical3A_449 = vector.broadcast %shift_right_logical3A_448 : i32 to vector<16xi32>
          %shift_right_logical3A_450 = arith.shrui %add3A_443, %shift_right_logical3A_449 : vector<16xi32>
          %and3A_451 = arith.constant -65536 : i32
          %and3A_452 = vector.broadcast %and3A_451 : i32 to vector<16xi32>
          %and3A_453 = arith.andi %add3A_447, %and3A_452 : vector<16xi32>
          %or3A_454 = arith.ori %shift_right_logical3A_450, %and3A_453 : vector<16xi32>
          %bitcast_convert_type3A_455 = tpu.bitcast %or3A_454 : vector<16xi32> -> vector<16xi32>
          %swap3A_456 = arith.constant 1 : i32
          %swap3A_457 = arith.index_cast %swap3A_456 : i32 to index
          %swap3A_458 = arith.index_cast %scan3A_151 : i32 to index
          %swap3A_459 = arith.constant 80 : index
          %swap3A_460 = tpu.vector_load %arg11[%swap3A_457, %swap3A_458, %swap3A_459] {strides = array<i32>} : memref<2x40x128xi32, #tpu.memory_space<vmem>>, vector<1x1x16xi32>,
          %swap3A_461 = vector.shape_cast %swap3A_460 : vector<1x1x16xi32> to vector<16xi32>
          %swap3A_462 = vector.shape_cast %bitcast_convert_type3A_455 : vector<16xi32> to vector<1x1x16xi32>
          tpu.vector_store %arg11[%swap3A_457, %swap3A_458, %swap3A_459], %swap3A_462 {strides = array<i32>} : memref<2x40x128xi32, #tpu.memory_space<vmem>>, vector<1x1x16xi32>,
          %get3A_463 = arith.constant 1 : i32
          %get3A_464 = arith.index_cast %get3A_463 : i32 to index
          %get3A_465 = arith.index_cast %scan3A_151 : i32 to index
          %get3A_466 = arith.constant 96 : index
          %get3A_467 = tpu.vector_load %arg9[%get3A_464, %get3A_465, %get3A_466] {strides = array<i32>} : memref<2x40x128xi32, #tpu.memory_space<vmem>>, vector<1x1x16xi32>,
          %get3A_468 = vector.shape_cast %get3A_467 : vector<1x1x16xi32> to vector<16xi32>
          %get3A_469 = arith.constant 1 : i32
          %get3A_470 = arith.index_cast %get3A_469 : i32 to index
          %get3A_471 = arith.index_cast %scan3A_151 : i32 to index
          %get3A_472 = arith.constant 96 : index
          %get3A_473 = tpu.vector_load %arg10[%get3A_470, %get3A_471, %get3A_472] {strides = array<i32>} : memref<2x40x128xi32, #tpu.memory_space<vmem>>, vector<1x1x16xi32>,
          %get3A_474 = vector.shape_cast %get3A_473 : vector<1x1x16xi32> to vector<16xi32>
          %shift_left3A_475 = arith.constant 16 : i32
          %shift_left3A_476 = vector.broadcast %shift_left3A_475 : i32 to vector<16xi32>
          %shift_left3A_477 = arith.shli %get3A_468, %shift_left3A_476 : vector<16xi32>
          %bitcast_convert_type3A_478 = tpu.bitcast %shift_left3A_477 : vector<16xi32> -> vector<16xf32>
          %shift_left3A_479 = arith.constant 16 : i32
          %shift_left3A_480 = vector.broadcast %shift_left3A_479 : i32 to vector<16xi32>
          %shift_left3A_481 = arith.shli %get3A_474, %shift_left3A_480 : vector<16xi32>
          %bitcast_convert_type3A_482 = tpu.bitcast %shift_left3A_481 : vector<16xi32> -> vector<16xf32>
          %add3A_483 = arith.addf %bitcast_convert_type3A_478, %bitcast_convert_type3A_482 : vector<16xf32>
          %and3A_484 = arith.constant -65536 : i32
          %and3A_485 = vector.broadcast %and3A_484 : i32 to vector<16xi32>
          %and3A_486 = arith.andi %get3A_468, %and3A_485 : vector<16xi32>
          %bitcast_convert_type3A_487 = tpu.bitcast %and3A_486 : vector<16xi32> -> vector<16xf32>
          %and3A_488 = arith.constant -65536 : i32
          %and3A_489 = vector.broadcast %and3A_488 : i32 to vector<16xi32>
          %and3A_490 = arith.andi %get3A_474, %and3A_489 : vector<16xi32>
          %bitcast_convert_type3A_491 = tpu.bitcast %and3A_490 : vector<16xi32> -> vector<16xf32>
          %add3A_492 = arith.addf %bitcast_convert_type3A_487, %bitcast_convert_type3A_491 : vector<16xf32>
          %bitcast_convert_type3A_493 = tpu.bitcast %add3A_483 : vector<16xf32> -> vector<16xi32>
          %add3A_494 = arith.constant 32768 : i32
          %add3A_495 = vector.broadcast %add3A_494 : i32 to vector<16xi32>
          %add3A_496 = arith.addi %bitcast_convert_type3A_493, %add3A_495 : vector<16xi32>
          %bitcast_convert_type3A_497 = tpu.bitcast %add3A_492 : vector<16xf32> -> vector<16xi32>
          %add3A_498 = arith.constant 32768 : i32
          %add3A_499 = vector.broadcast %add3A_498 : i32 to vector<16xi32>
          %add3A_500 = arith.addi %bitcast_convert_type3A_497, %add3A_499 : vector<16xi32>
          %shift_right_logical3A_501 = arith.constant 16 : i32
          %shift_right_logical3A_502 = vector.broadcast %shift_right_logical3A_501 : i32 to vector<16xi32>
          %shift_right_logical3A_503 = arith.shrui %add3A_496, %shift_right_logical3A_502 : vector<16xi32>
          %and3A_504 = arith.constant -65536 : i32
          %and3A_505 = vector.broadcast %and3A_504 : i32 to vector<16xi32>
          %and3A_506 = arith.andi %add3A_500, %and3A_505 : vector<16xi32>
          %or3A_507 = arith.ori %shift_right_logical3A_503, %and3A_506 : vector<16xi32>
          %bitcast_convert_type3A_508 = tpu.bitcast %or3A_507 : vector<16xi32> -> vector<16xi32>
          %swap3A_509 = arith.constant 1 : i32
          %swap3A_510 = arith.index_cast %swap3A_509 : i32 to index
          %swap3A_511 = arith.index_cast %scan3A_151 : i32 to index
          %swap3A_512 = arith.constant 96 : index
          %swap3A_513 = tpu.vector_load %arg11[%swap3A_510, %swap3A_511, %swap3A_512] {strides = array<i32>} : memref<2x40x128xi32, #tpu.memory_space<vmem>>, vector<1x1x16xi32>,
          %swap3A_514 = vector.shape_cast %swap3A_513 : vector<1x1x16xi32> to vector<16xi32>
          %swap3A_515 = vector.shape_cast %bitcast_convert_type3A_508 : vector<16xi32> to vector<1x1x16xi32>
          tpu.vector_store %arg11[%swap3A_510, %swap3A_511, %swap3A_512], %swap3A_515 {strides = array<i32>} : memref<2x40x128xi32, #tpu.memory_space<vmem>>, vector<1x1x16xi32>,
          %get3A_516 = arith.constant 1 : i32
          %get3A_517 = arith.index_cast %get3A_516 : i32 to index
          %get3A_518 = arith.index_cast %scan3A_151 : i32 to index
          %get3A_519 = arith.constant 112 : index
          %get3A_520 = tpu.vector_load %arg9[%get3A_517, %get3A_518, %get3A_519] {strides = array<i32>} : memref<2x40x128xi32, #tpu.memory_space<vmem>>, vector<1x1x16xi32>,
          %get3A_521 = vector.shape_cast %get3A_520 : vector<1x1x16xi32> to vector<16xi32>
          %get3A_522 = arith.constant 1 : i32
          %get3A_523 = arith.index_cast %get3A_522 : i32 to index
          %get3A_524 = arith.index_cast %scan3A_151 : i32 to index
          %get3A_525 = arith.constant 112 : index
          %get3A_526 = tpu.vector_load %arg10[%get3A_523, %get3A_524, %get3A_525] {strides = array<i32>} : memref<2x40x128xi32, #tpu.memory_space<vmem>>, vector<1x1x16xi32>,
          %get3A_527 = vector.shape_cast %get3A_526 : vector<1x1x16xi32> to vector<16xi32>
          %shift_left3A_528 = arith.constant 16 : i32
          %shift_left3A_529 = vector.broadcast %shift_left3A_528 : i32 to vector<16xi32>
          %shift_left3A_530 = arith.shli %get3A_521, %shift_left3A_529 : vector<16xi32>
          %bitcast_convert_type3A_531 = tpu.bitcast %shift_left3A_530 : vector<16xi32> -> vector<16xf32>
          %shift_left3A_532 = arith.constant 16 : i32
          %shift_left3A_533 = vector.broadcast %shift_left3A_532 : i32 to vector<16xi32>
          %shift_left3A_534 = arith.shli %get3A_527, %shift_left3A_533 : vector<16xi32>
          %bitcast_convert_type3A_535 = tpu.bitcast %shift_left3A_534 : vector<16xi32> -> vector<16xf32>
          %add3A_536 = arith.addf %bitcast_convert_type3A_531, %bitcast_convert_type3A_535 : vector<16xf32>
          %and3A_537 = arith.constant -65536 : i32
          %and3A_538 = vector.broadcast %and3A_537 : i32 to vector<16xi32>
          %and3A_539 = arith.andi %get3A_521, %and3A_538 : vector<16xi32>
          %bitcast_convert_type3A_540 = tpu.bitcast %and3A_539 : vector<16xi32> -> vector<16xf32>
          %and3A_541 = arith.constant -65536 : i32
          %and3A_542 = vector.broadcast %and3A_541 : i32 to vector<16xi32>
          %and3A_543 = arith.andi %get3A_527, %and3A_542 : vector<16xi32>
          %bitcast_convert_type3A_544 = tpu.bitcast %and3A_543 : vector<16xi32> -> vector<16xf32>
          %add3A_545 = arith.addf %bitcast_convert_type3A_540, %bitcast_convert_type3A_544 : vector<16xf32>
          %bitcast_convert_type3A_546 = tpu.bitcast %add3A_536 : vector<16xf32> -> vector<16xi32>
          %add3A_547 = arith.constant 32768 : i32
          %add3A_548 = vector.broadcast %add3A_547 : i32 to vector<16xi32>
          %add3A_549 = arith.addi %bitcast_convert_type3A_546, %add3A_548 : vector<16xi32>
          %bitcast_convert_type3A_550 = tpu.bitcast %add3A_545 : vector<16xf32> -> vector<16xi32>
          %add3A_551 = arith.constant 32768 : i32
          %add3A_552 = vector.broadcast %add3A_551 : i32 to vector<16xi32>
          %add3A_553 = arith.addi %bitcast_convert_type3A_550, %add3A_552 : vector<16xi32>
          %shift_right_logical3A_554 = arith.constant 16 : i32
          %shift_right_logical3A_555 = vector.broadcast %shift_right_logical3A_554 : i32 to vector<16xi32>
          %shift_right_logical3A_556 = arith.shrui %add3A_549, %shift_right_logical3A_555 : vector<16xi32>
          %and3A_557 = arith.constant -65536 : i32
          %and3A_558 = vector.broadcast %and3A_557 : i32 to vector<16xi32>
          %and3A_559 = arith.andi %add3A_553, %and3A_558 : vector<16xi32>
          %or3A_560 = arith.ori %shift_right_logical3A_556, %and3A_559 : vector<16xi32>
          %bitcast_convert_type3A_561 = tpu.bitcast %or3A_560 : vector<16xi32> -> vector<16xi32>
          %swap3A_562 = arith.constant 1 : i32
          %swap3A_563 = arith.index_cast %swap3A_562 : i32 to index
          %swap3A_564 = arith.index_cast %scan3A_151 : i32 to index
          %swap3A_565 = arith.constant 112 : index
          %swap3A_566 = tpu.vector_load %arg11[%swap3A_563, %swap3A_564, %swap3A_565] {strides = array<i32>} : memref<2x40x128xi32, #tpu.memory_space<vmem>>, vector<1x1x16xi32>,
          %swap3A_567 = vector.shape_cast %swap3A_566 : vector<1x1x16xi32> to vector<16xi32>
          %swap3A_568 = vector.shape_cast %bitcast_convert_type3A_561 : vector<16xi32> to vector<1x1x16xi32>
          tpu.vector_store %arg11[%swap3A_563, %swap3A_564, %swap3A_565], %swap3A_568 {strides = array<i32>} : memref<2x40x128xi32, #tpu.memory_space<vmem>>, vector<1x1x16xi32>,
        }
        %scan3A_127 = arith.constant 40 : i32
        %mul3A_128 = arith.constant 40 : i32
        %mul3A_129 = arith.muli %add3A_90, %mul3A_128 : i32
        %add3A_130 = arith.addi %mul3A_2, %mul3A_129 : i32
        %dma_start3A_131 = arith.constant 1 : i32
        %dma_start3A_132 = arith.constant 0 : i32
        %dma_start3A_133 = arith.constant 0 : i32
        %dma_start3A_134 = tpu.memref_slice %arg11[%dma_start3A_131, %dma_start3A_132, %dma_start3A_133] : memref<2x40x128xi32, #tpu.memory_space<vmem>> -> memref<1x40x128xi32, #tpu.memory_space<vmem>>
        %dma_start3A_135 = tpu.memref_squeeze %dma_start3A_134 : memref<1x40x128xi32, #tpu.memory_space<vmem>> -> memref<40x128xi32, #tpu.memory_space<vmem>>
        %dma_start3A_136 = arith.constant 0 : i32
        %dma_start3A_137 = tpu.memref_slice %arg6[%add3A_130, %dma_start3A_136] : memref<160000x128xi32, #tpu.memory_space<hbm>> -> memref<40x128xi32, #tpu.memory_space<hbm>>
        %dma_start3A_138 = arith.constant 0 : i32
        %dma_start3A_139 = tpu.memref_slice %arg6[%add3A_130, %dma_start3A_138] : memref<160000x128xi32, #tpu.memory_space<hbm>> -> memref<40x128xi32, #tpu.memory_space<hbm>>
        %dma_start3A_140 = arith.constant 0 : i32
        %dma_start3A_141 = arith.constant 0 : i32
        %dma_start3A_142 = tpu.memref_slice %arg11[%dma_start3A_131, %dma_start3A_140, %dma_start3A_141] : memref<2x40x128xi32, #tpu.memory_space<vmem>> -> memref<1x40x128xi32, #tpu.memory_space<vmem>>
        %dma_start3A_143 = tpu.memref_squeeze %dma_start3A_142 : memref<1x40x128xi32, #tpu.memory_space<vmem>> -> memref<40x128xi32, #tpu.memory_space<vmem>>
        tpu.enqueue_dma source(%dma_start3A_143 : memref<40x128xi32, #tpu.memory_space<vmem>>) target(%dma_start3A_139 : memref<40x128xi32, #tpu.memory_space<hbm>>) target_semaphore(%arg15 : memref<!tpu.dma_semaphore, #tpu.memory_space<semaphore_mem>>)
        %add3A_144 = arith.constant 2 : i32
        %add3A_145 = arith.addi %add3A_90, %add3A_144 : i32
        %lt3A_146 = arith.constant 125 : i32
        %lt3A_147 = arith.cmpi slt, %add3A_145, %lt3A_146 : i32
        %convert_element_type3A_148 = arith.extui %lt3A_147 : i1 to i32
        %cond3A_149 = arith.constant 0 : i32
        %cond3A_150 = arith.cmpi ne, %convert_element_type3A_148, %cond3A_149 : i32
        scf.if %cond3A_150 {
          %add3A_151 = arith.constant 2 : i32
          %add3A_152 = arith.addi %add3A_90, %add3A_151 : i32
          %mul3A_153 = arith.constant 40 : i32
          %mul3A_154 = arith.muli %add3A_152, %mul3A_153 : i32
          %mul3A_155 = arith.constant 40 : i32
          %mul3A_156 = arith.muli %add3A_152, %mul3A_155 : i32
          %dma_start3A_157 = arith.constant 1 : i32
          %dma_start3A_158 = arith.constant 0 : i32
          %dma_start3A_159 = arith.constant 0 : i32
          %dma_start3A_160 = tpu.memref_slice %arg9[%dma_start3A_157, %dma_start3A_158, %dma_start3A_159] : memref<2x40x128xi32, #tpu.memory_space<vmem>> -> memref<1x40x128xi32, #tpu.memory_space<vmem>>
          %dma_start3A_161 = tpu.memref_squeeze %dma_start3A_160 : memref<1x40x128xi32, #tpu.memory_space<vmem>> -> memref<40x128xi32, #tpu.memory_space<vmem>>
          %dma_start3A_162 = tpu.memref_slice %arg7[%mul3A_154] : memref<5000xi32, #tpu.memory_space<vmem>> -> memref<40xi32, #tpu.memory_space<vmem>>
          %dma_start3A_163 = arith.constant 0 : i32
          %dma_start3A_164 = arith.constant 0 : i32
          %dma_start3A_165 = tpu.memref_slice %arg4[%dma_start3A_163, %dma_start3A_164] : memref<10000x128xi32, #tpu.memory_space<hbm>> -> memref<10000x128xi32, #tpu.memory_space<hbm>>
          tpu.enqueue_indirect_dma source(%dma_start3A_165 : memref<10000x128xi32, #tpu.memory_space<hbm>>) target(%dma_start3A_161 : memref<40x128xi32, #tpu.memory_space<vmem>>) offsets(%dma_start3A_162 : memref<40xi32, #tpu.memory_space<vmem>>) semaphore(%arg13 : memref<!tpu.dma_semaphore, #tpu.memory_space<semaphore_mem>>)
          %dma_start3A_166 = arith.constant 1 : i32
          %dma_start3A_167 = arith.constant 0 : i32
          %dma_start3A_168 = arith.constant 0 : i32
          %dma_start3A_169 = tpu.memref_slice %arg10[%dma_start3A_166, %dma_start3A_167, %dma_start3A_168] : memref<2x40x128xi32, #tpu.memory_space<vmem>> -> memref<1x40x128xi32, #tpu.memory_space<vmem>>
          %dma_start3A_170 = tpu.memref_squeeze %dma_start3A_169 : memref<1x40x128xi32, #tpu.memory_space<vmem>> -> memref<40x128xi32, #tpu.memory_space<vmem>>
          %dma_start3A_171 = tpu.memref_slice %arg8[%mul3A_156] : memref<5000xi32, #tpu.memory_space<vmem>> -> memref<40xi32, #tpu.memory_space<vmem>>
          %dma_start3A_172 = arith.constant 0 : i32
          %dma_start3A_173 = arith.constant 0 : i32
          %dma_start3A_174 = tpu.memref_slice %arg5[%dma_start3A_172, %dma_start3A_173] : memref<10000x128xi32, #tpu.memory_space<hbm>> -> memref<10000x128xi32, #tpu.memory_space<hbm>>
          tpu.enqueue_indirect_dma source(%dma_start3A_174 : memref<10000x128xi32, #tpu.memory_space<hbm>>) target(%dma_start3A_170 : memref<40x128xi32, #tpu.memory_space<vmem>>) offsets(%dma_start3A_171 : memref<40xi32, #tpu.memory_space<vmem>>) semaphore(%arg13 : memref<!tpu.dma_semaphore, #tpu.memory_space<semaphore_mem>>)
        } else {
        }
      } else {
      }
    }
    %scan3A_50 = arith.constant 63 : i32
    %add3A_51 = arith.constant 4960 : i32
    %add3A_52 = arith.addi %mul3A_2, %add3A_51 : i32
    %dma_wait3A = arith.constant 0 : i32
    %dma_wait3A_53 = arith.constant 0 : i32
    %dma_wait3A_54 = arith.constant 0 : i32
    %dma_wait3A_55 = tpu.memref_slice %arg11[%dma_wait3A, %dma_wait3A_53, %dma_wait3A_54] : memref<2x40x128xi32, #tpu.memory_space<vmem>> -> memref<1x40x128xi32, #tpu.memory_space<vmem>>
    %dma_wait3A_56 = tpu.memref_squeeze %dma_wait3A_55 : memref<1x40x128xi32, #tpu.memory_space<vmem>> -> memref<40x128xi32, #tpu.memory_space<vmem>>
    %dma_wait3A_57 = arith.constant 0 : i32
    %dma_wait3A_58 = tpu.memref_slice %arg6[%add3A_52, %dma_wait3A_57] : memref<160000x128xi32, #tpu.memory_space<hbm>> -> memref<40x128xi32, #tpu.memory_space<hbm>>
    %dma_wait3A_59 = arith.constant 0 : i32
    %dma_wait3A_60 = tpu.memref_slice %arg6[%add3A_52, %dma_wait3A_59] : memref<160000x128xi32, #tpu.memory_space<hbm>> -> memref<40x128xi32, #tpu.memory_space<hbm>>
    %dma_wait3A_61 = arith.constant 0 : i32
    %dma_wait3A_62 = arith.constant 0 : i32
    %dma_wait3A_63 = tpu.memref_slice %arg11[%dma_wait3A, %dma_wait3A_61, %dma_wait3A_62] : memref<2x40x128xi32, #tpu.memory_space<vmem>> -> memref<1x40x128xi32, #tpu.memory_space<vmem>>
    %dma_wait3A_64 = tpu.memref_squeeze %dma_wait3A_63 : memref<1x40x128xi32, #tpu.memory_space<vmem>> -> memref<40x128xi32, #tpu.memory_space<vmem>>
    tpu.wait_dma2 semaphore(%arg14 : memref<!tpu.dma_semaphore, #tpu.memory_space<semaphore_mem>>) src(%dma_wait3A_64 : memref<40x128xi32, #tpu.memory_space<vmem>>) dst(%dma_wait3A_60 : memref<40x128xi32, #tpu.memory_space<hbm>>)
    %add3A_65 = arith.constant 4920 : i32
    %add3A_66 = arith.addi %mul3A_2, %add3A_65 : i32
    %dma_wait3A_67 = arith.constant 1 : i32
    %dma_wait3A_68 = arith.constant 0 : i32
    %dma_wait3A_69 = arith.constant 0 : i32
    %dma_wait3A_70 = tpu.memref_slice %arg11[%dma_wait3A_67, %dma_wait3A_68, %dma_wait3A_69] : memref<2x40x128xi32, #tpu.memory_space<vmem>> -> memref<1x40x128xi32, #tpu.memory_space<vmem>>
    %dma_wait3A_71 = tpu.memref_squeeze %dma_wait3A_70 : memref<1x40x128xi32, #tpu.memory_space<vmem>> -> memref<40x128xi32, #tpu.memory_space<vmem>>
    %dma_wait3A_72 = arith.constant 0 : i32
    %dma_wait3A_73 = tpu.memref_slice %arg6[%add3A_66, %dma_wait3A_72] : memref<160000x128xi32, #tpu.memory_space<hbm>> -> memref<40x128xi32, #tpu.memory_space<hbm>>
    %dma_wait3A_74 = arith.constant 0 : i32
    %dma_wait3A_75 = tpu.memref_slice %arg6[%add3A_66, %dma_wait3A_74] : memref<160000x128xi32, #tpu.memory_space<hbm>> -> memref<40x128xi32, #tpu.memory_space<hbm>>
    %dma_wait3A_76 = arith.constant 0 : i32
    %dma_wait3A_77 = arith.constant 0 : i32
    %dma_wait3A_78 = tpu.memref_slice %arg11[%dma_wait3A_67, %dma_wait3A_76, %dma_wait3A_77] : memref<2x40x128xi32, #tpu.memory_space<vmem>> -> memref<1x40x128xi32, #tpu.memory_space<vmem>>
    %dma_wait3A_79 = tpu.memref_squeeze %dma_wait3A_78 : memref<1x40x128xi32, #tpu.memory_space<vmem>> -> memref<40x128xi32, #tpu.memory_space<vmem>>
    tpu.wait_dma2 semaphore(%arg15 : memref<!tpu.dma_semaphore, #tpu.memory_space<semaphore_mem>>) src(%dma_wait3A_79 : memref<40x128xi32, #tpu.memory_space<vmem>>) dst(%dma_wait3A_75 : memref<40x128xi32, #tpu.memory_space<hbm>>)
    return
  }
}

#map = affine_map<(d0, d1) -> (0)>
#map1 = affine_map<(d0, d1) -> (0, 0)>
module attributes {stable_mosaic.version = 14 : i64} {
  func.func @_sc_scatter(%arg0: i32, %arg1: i32, %arg2: memref<320000xi32, #tpu.memory_space<hbm>>, %arg3: memref<160000x128xf32, #tpu.memory_space<hbm>>, %arg4: memref<10000x128xf32, #tpu.memory_space<hbm>>, %arg5: memref<20000x128xf32, #tpu.memory_space<hbm>>, %arg6: memref<2x128xi32, #tpu.memory_space<vmem>>, %arg7: memref<2x128x128xf32, #tpu.memory_space<vmem>>, %arg8: memref<10000x128xf32, #tpu.memory_space<vmem_shared>>, %arg9: memref<!tpu.dma_semaphore, #tpu.memory_space<semaphore_mem>>, %arg10: memref<!tpu.dma_semaphore, #tpu.memory_space<semaphore_mem>>) attributes {dimension_semantics = [#tpu.dimension_semantics<core_parallel>, #tpu.dimension_semantics<subcore_parallel>], iteration_bounds = array<i64: 2, 16>, scalar_prefetch = 0 : i64, scratch_operands = 5 : i64, tpu.core_type = #tpu.core_type<sc_vector_subcore>, window_params = [{transform_indices = #map}, {transform_indices = #map1}, {transform_indices = #map1}, {transform_indices = #map1}]} {
    %lt3A = arith.constant 10 : i32
    %lt3A_0 = arith.cmpi slt, %arg1, %lt3A : i32
    %convert_element_type3A = arith.extui %lt3A_0 : i1 to i32
    %cond3A = arith.constant 0 : i32
    %cond3A_1 = arith.cmpi ne, %convert_element_type3A, %cond3A : i32
    scf.if %cond3A_1 {
      %mul3A_27 = arith.constant 1000 : i32
      %mul3A_28 = arith.muli %arg1, %mul3A_27 : i32
      "tpu.region"() ({
        %run_scoped3A = tpu.sem_alloc : memref<!tpu.dma_semaphore, #tpu.memory_space<semaphore_mem>>
        %dma_start3A = arith.constant 0 : i32
        %dma_start3A_29 = tpu.memref_slice %arg8[%mul3A_28, %dma_start3A] : memref<10000x128xf32, #tpu.memory_space<vmem_shared>> -> memref<1000x128xf32, #tpu.memory_space<vmem_shared>>
        %dma_start3A_30 = arith.constant 0 : i32
        %dma_start3A_31 = tpu.memref_slice %arg4[%mul3A_28, %dma_start3A_30] : memref<10000x128xf32, #tpu.memory_space<hbm>> -> memref<1000x128xf32, #tpu.memory_space<hbm>>
        tpu.enqueue_dma source(%dma_start3A_31 : memref<1000x128xf32, #tpu.memory_space<hbm>>) target(%dma_start3A_29 : memref<1000x128xf32, #tpu.memory_space<vmem_shared>>) target_semaphore(%run_scoped3A : memref<!tpu.dma_semaphore, #tpu.memory_space<semaphore_mem>>)
        %dma_wait3A = arith.constant 0 : i32
        %dma_wait3A_32 = tpu.memref_slice %arg8[%mul3A_28, %dma_wait3A] : memref<10000x128xf32, #tpu.memory_space<vmem_shared>> -> memref<1000x128xf32, #tpu.memory_space<vmem_shared>>
        %dma_wait3A_33 = arith.constant 0 : i32
        %dma_wait3A_34 = tpu.memref_slice %arg4[%mul3A_28, %dma_wait3A_33] : memref<10000x128xf32, #tpu.memory_space<hbm>> -> memref<1000x128xf32, #tpu.memory_space<hbm>>
        tpu.wait_dma2 semaphore(%run_scoped3A : memref<!tpu.dma_semaphore, #tpu.memory_space<semaphore_mem>>) src(%dma_wait3A_34 : memref<1000x128xf32, #tpu.memory_space<hbm>>) dst(%dma_wait3A_32 : memref<1000x128xf32, #tpu.memory_space<vmem_shared>>)
        tpu.yield
      }) : () -> ()
    } else {
    }
    %barrier3A = arith.constant 0 : index
    tpu.barrier barrier_id(%barrier3A)
    %mul3A = arith.constant 625 : i32
    %mul3A_2 = arith.muli %arg0, %mul3A : i32
    %add3A = arith.constant 625 : i32
    %add3A_3 = arith.addi %mul3A_2, %add3A : i32
    %add3A_4 = arith.addi %mul3A_2, %arg1 : i32
    %lt3A_5 = arith.cmpi slt, %add3A_4, %add3A_3 : i32
    %convert_element_type3A_6 = arith.extui %lt3A_5 : i1 to i32
    %cond3A_7 = arith.constant 0 : i32
    %cond3A_8 = arith.cmpi ne, %convert_element_type3A_6, %cond3A_7 : i32
    scf.if %cond3A_8 {
      %mul3A_27 = arith.constant 128 : i32
      %mul3A_28 = arith.muli %add3A_4, %mul3A_27 : i32
      %add3A_29 = arith.constant 0 : i32
      %add3A_30 = arith.addi %add3A_29, %mul3A_28 : i32
      %dma_start3A = arith.constant 0 : i32
      %dma_start3A_31 = arith.constant 0 : i32
      %dma_start3A_32 = tpu.memref_slice %arg6[%dma_start3A, %dma_start3A_31] : memref<2x128xi32, #tpu.memory_space<vmem>> -> memref<1x128xi32, #tpu.memory_space<vmem>>
      %dma_start3A_33 = tpu.memref_squeeze %dma_start3A_32 : memref<1x128xi32, #tpu.memory_space<vmem>> -> memref<128xi32, #tpu.memory_space<vmem>>
      %dma_start3A_34 = tpu.memref_slice %arg2[%add3A_30] : memref<320000xi32, #tpu.memory_space<hbm>> -> memref<128xi32, #tpu.memory_space<hbm>>
      %dma_start3A_35 = arith.constant 0 : i32
      %dma_start3A_36 = tpu.memref_slice %arg6[%dma_start3A, %dma_start3A_35] : memref<2x128xi32, #tpu.memory_space<vmem>> -> memref<1x128xi32, #tpu.memory_space<vmem>>
      %dma_start3A_37 = tpu.memref_squeeze %dma_start3A_36 : memref<1x128xi32, #tpu.memory_space<vmem>> -> memref<128xi32, #tpu.memory_space<vmem>>
      %dma_start3A_38 = tpu.memref_slice %arg2[%add3A_30] : memref<320000xi32, #tpu.memory_space<hbm>> -> memref<128xi32, #tpu.memory_space<hbm>>
      tpu.enqueue_dma source(%dma_start3A_38 : memref<128xi32, #tpu.memory_space<hbm>>) target(%dma_start3A_37 : memref<128xi32, #tpu.memory_space<vmem>>) target_semaphore(%arg9 : memref<!tpu.dma_semaphore, #tpu.memory_space<semaphore_mem>>)
      %dma_start3A_39 = arith.constant 0 : i32
      %dma_start3A_40 = arith.constant 0 : i32
      %dma_start3A_41 = arith.constant 0 : i32
      %dma_start3A_42 = tpu.memref_slice %arg7[%dma_start3A_39, %dma_start3A_40, %dma_start3A_41] : memref<2x128x128xf32, #tpu.memory_space<vmem>> -> memref<1x128x128xf32, #tpu.memory_space<vmem>>
      %dma_start3A_43 = tpu.memref_squeeze %dma_start3A_42 : memref<1x128x128xf32, #tpu.memory_space<vmem>> -> memref<128x128xf32, #tpu.memory_space<vmem>>
      %dma_start3A_44 = arith.constant 0 : i32
      %dma_start3A_45 = tpu.memref_slice %arg3[%mul3A_28, %dma_start3A_44] : memref<160000x128xf32, #tpu.memory_space<hbm>> -> memref<128x128xf32, #tpu.memory_space<hbm>>
      %dma_start3A_46 = arith.constant 0 : i32
      %dma_start3A_47 = arith.constant 0 : i32
      %dma_start3A_48 = tpu.memref_slice %arg7[%dma_start3A_39, %dma_start3A_46, %dma_start3A_47] : memref<2x128x128xf32, #tpu.memory_space<vmem>> -> memref<1x128x128xf32, #tpu.memory_space<vmem>>
      %dma_start3A_49 = tpu.memref_squeeze %dma_start3A_48 : memref<1x128x128xf32, #tpu.memory_space<vmem>> -> memref<128x128xf32, #tpu.memory_space<vmem>>
      %dma_start3A_50 = arith.constant 0 : i32
      %dma_start3A_51 = tpu.memref_slice %arg3[%mul3A_28, %dma_start3A_50] : memref<160000x128xf32, #tpu.memory_space<hbm>> -> memref<128x128xf32, #tpu.memory_space<hbm>>
      tpu.enqueue_dma source(%dma_start3A_51 : memref<128x128xf32, #tpu.memory_space<hbm>>) target(%dma_start3A_49 : memref<128x128xf32, #tpu.memory_space<vmem>>) target_semaphore(%arg9 : memref<!tpu.dma_semaphore, #tpu.memory_space<semaphore_mem>>)
    } else {
    }
    %add3A_9 = arith.addi %mul3A_2, %arg1 : i32
    %add3A_10 = arith.constant 16 : i32
    %add3A_11 = arith.addi %add3A_9, %add3A_10 : i32
    %lt3A_12 = arith.cmpi slt, %add3A_11, %add3A_3 : i32
    %convert_element_type3A_13 = arith.extui %lt3A_12 : i1 to i32
    %cond3A_14 = arith.constant 0 : i32
    %cond3A_15 = arith.cmpi ne, %convert_element_type3A_13, %cond3A_14 : i32
    scf.if %cond3A_15 {
      %mul3A_27 = arith.constant 128 : i32
      %mul3A_28 = arith.muli %add3A_11, %mul3A_27 : i32
      %add3A_29 = arith.constant 0 : i32
      %add3A_30 = arith.addi %add3A_29, %mul3A_28 : i32
      %dma_start3A = arith.constant 1 : i32
      %dma_start3A_31 = arith.constant 0 : i32
      %dma_start3A_32 = tpu.memref_slice %arg6[%dma_start3A, %dma_start3A_31] : memref<2x128xi32, #tpu.memory_space<vmem>> -> memref<1x128xi32, #tpu.memory_space<vmem>>
      %dma_start3A_33 = tpu.memref_squeeze %dma_start3A_32 : memref<1x128xi32, #tpu.memory_space<vmem>> -> memref<128xi32, #tpu.memory_space<vmem>>
      %dma_start3A_34 = tpu.memref_slice %arg2[%add3A_30] : memref<320000xi32, #tpu.memory_space<hbm>> -> memref<128xi32, #tpu.memory_space<hbm>>
      %dma_start3A_35 = arith.constant 0 : i32
      %dma_start3A_36 = tpu.memref_slice %arg6[%dma_start3A, %dma_start3A_35] : memref<2x128xi32, #tpu.memory_space<vmem>> -> memref<1x128xi32, #tpu.memory_space<vmem>>
      %dma_start3A_37 = tpu.memref_squeeze %dma_start3A_36 : memref<1x128xi32, #tpu.memory_space<vmem>> -> memref<128xi32, #tpu.memory_space<vmem>>
      %dma_start3A_38 = tpu.memref_slice %arg2[%add3A_30] : memref<320000xi32, #tpu.memory_space<hbm>> -> memref<128xi32, #tpu.memory_space<hbm>>
      tpu.enqueue_dma source(%dma_start3A_38 : memref<128xi32, #tpu.memory_space<hbm>>) target(%dma_start3A_37 : memref<128xi32, #tpu.memory_space<vmem>>) target_semaphore(%arg10 : memref<!tpu.dma_semaphore, #tpu.memory_space<semaphore_mem>>)
      %dma_start3A_39 = arith.constant 1 : i32
      %dma_start3A_40 = arith.constant 0 : i32
      %dma_start3A_41 = arith.constant 0 : i32
      %dma_start3A_42 = tpu.memref_slice %arg7[%dma_start3A_39, %dma_start3A_40, %dma_start3A_41] : memref<2x128x128xf32, #tpu.memory_space<vmem>> -> memref<1x128x128xf32, #tpu.memory_space<vmem>>
      %dma_start3A_43 = tpu.memref_squeeze %dma_start3A_42 : memref<1x128x128xf32, #tpu.memory_space<vmem>> -> memref<128x128xf32, #tpu.memory_space<vmem>>
      %dma_start3A_44 = arith.constant 0 : i32
      %dma_start3A_45 = tpu.memref_slice %arg3[%mul3A_28, %dma_start3A_44] : memref<160000x128xf32, #tpu.memory_space<hbm>> -> memref<128x128xf32, #tpu.memory_space<hbm>>
      %dma_start3A_46 = arith.constant 0 : i32
      %dma_start3A_47 = arith.constant 0 : i32
      %dma_start3A_48 = tpu.memref_slice %arg7[%dma_start3A_39, %dma_start3A_46, %dma_start3A_47] : memref<2x128x128xf32, #tpu.memory_space<vmem>> -> memref<1x128x128xf32, #tpu.memory_space<vmem>>
      %dma_start3A_49 = tpu.memref_squeeze %dma_start3A_48 : memref<1x128x128xf32, #tpu.memory_space<vmem>> -> memref<128x128xf32, #tpu.memory_space<vmem>>
      %dma_start3A_50 = arith.constant 0 : i32
      %dma_start3A_51 = tpu.memref_slice %arg3[%mul3A_28, %dma_start3A_50] : memref<160000x128xf32, #tpu.memory_space<hbm>> -> memref<128x128xf32, #tpu.memory_space<hbm>>
      tpu.enqueue_dma source(%dma_start3A_51 : memref<128x128xf32, #tpu.memory_space<hbm>>) target(%dma_start3A_49 : memref<128x128xf32, #tpu.memory_space<vmem>>) target_semaphore(%arg10 : memref<!tpu.dma_semaphore, #tpu.memory_space<semaphore_mem>>)
    } else {
    }
    %scan3A = arith.constant 0 : i32
    %scan3A_16 = arith.constant 0 : i32
    %scan3A_17 = arith.constant 20 : i32
    %scan3A_18 = arith.addi %scan3A_16, %scan3A_17 : i32
    %scan3A_19 = arith.constant 1 : i32
    scf.for %scan3A_27 = %scan3A_16 to %scan3A_18 step %scan3A_19  : i32 {
      %add3A_28 = arith.addi %mul3A_2, %arg1 : i32
      %mul3A_29 = arith.constant 2 : i32
      %mul3A_30 = arith.muli %mul3A_29, %scan3A_27 : i32
      %add3A_31 = arith.constant 0 : i32
      %add3A_32 = arith.addi %mul3A_30, %add3A_31 : i32
      %mul3A_33 = arith.constant 16 : i32
      %mul3A_34 = arith.muli %add3A_32, %mul3A_33 : i32
      %add3A_35 = arith.addi %add3A_28, %mul3A_34 : i32
      %lt3A_36 = arith.cmpi slt, %add3A_35, %add3A_3 : i32
      %convert_element_type3A_37 = arith.extui %lt3A_36 : i1 to i32
      %cond3A_38 = arith.constant 0 : i32
      %cond3A_39 = arith.cmpi ne, %convert_element_type3A_37, %cond3A_38 : i32
      scf.if %cond3A_39 {
        %mul3A_52 = arith.constant 128 : i32
        %mul3A_53 = arith.muli %add3A_35, %mul3A_52 : i32
        %add3A_54 = arith.constant 0 : i32
        %add3A_55 = arith.addi %add3A_54, %mul3A_53 : i32
        %dma_wait3A = arith.constant 0 : i32
        %dma_wait3A_56 = arith.constant 0 : i32
        %dma_wait3A_57 = tpu.memref_slice %arg6[%dma_wait3A, %dma_wait3A_56] : memref<2x128xi32, #tpu.memory_space<vmem>> -> memref<1x128xi32, #tpu.memory_space<vmem>>
        %dma_wait3A_58 = tpu.memref_squeeze %dma_wait3A_57 : memref<1x128xi32, #tpu.memory_space<vmem>> -> memref<128xi32, #tpu.memory_space<vmem>>
        %dma_wait3A_59 = tpu.memref_slice %arg2[%add3A_55] : memref<320000xi32, #tpu.memory_space<hbm>> -> memref<128xi32, #tpu.memory_space<hbm>>
        %dma_wait3A_60 = arith.constant 0 : i32
        %dma_wait3A_61 = tpu.memref_slice %arg6[%dma_wait3A, %dma_wait3A_60] : memref<2x128xi32, #tpu.memory_space<vmem>> -> memref<1x128xi32, #tpu.memory_space<vmem>>
        %dma_wait3A_62 = tpu.memref_squeeze %dma_wait3A_61 : memref<1x128xi32, #tpu.memory_space<vmem>> -> memref<128xi32, #tpu.memory_space<vmem>>
        %dma_wait3A_63 = tpu.memref_slice %arg2[%add3A_55] : memref<320000xi32, #tpu.memory_space<hbm>> -> memref<128xi32, #tpu.memory_space<hbm>>
        tpu.wait_dma2 semaphore(%arg9 : memref<!tpu.dma_semaphore, #tpu.memory_space<semaphore_mem>>) src(%dma_wait3A_63 : memref<128xi32, #tpu.memory_space<hbm>>) dst(%dma_wait3A_62 : memref<128xi32, #tpu.memory_space<vmem>>)
        %dma_wait3A_64 = arith.constant 0 : i32
        %dma_wait3A_65 = arith.constant 0 : i32
        %dma_wait3A_66 = arith.constant 0 : i32
        %dma_wait3A_67 = tpu.memref_slice %arg7[%dma_wait3A_64, %dma_wait3A_65, %dma_wait3A_66] : memref<2x128x128xf32, #tpu.memory_space<vmem>> -> memref<1x128x128xf32, #tpu.memory_space<vmem>>
        %dma_wait3A_68 = tpu.memref_squeeze %dma_wait3A_67 : memref<1x128x128xf32, #tpu.memory_space<vmem>> -> memref<128x128xf32, #tpu.memory_space<vmem>>
        %dma_wait3A_69 = arith.constant 0 : i32
        %dma_wait3A_70 = tpu.memref_slice %arg3[%mul3A_53, %dma_wait3A_69] : memref<160000x128xf32, #tpu.memory_space<hbm>> -> memref<128x128xf32, #tpu.memory_space<hbm>>
        %dma_wait3A_71 = arith.constant 0 : i32
        %dma_wait3A_72 = arith.constant 0 : i32
        %dma_wait3A_73 = tpu.memref_slice %arg7[%dma_wait3A_64, %dma_wait3A_71, %dma_wait3A_72] : memref<2x128x128xf32, #tpu.memory_space<vmem>> -> memref<1x128x128xf32, #tpu.memory_space<vmem>>
        %dma_wait3A_74 = tpu.memref_squeeze %dma_wait3A_73 : memref<1x128x128xf32, #tpu.memory_space<vmem>> -> memref<128x128xf32, #tpu.memory_space<vmem>>
        %dma_wait3A_75 = arith.constant 0 : i32
        %dma_wait3A_76 = tpu.memref_slice %arg3[%mul3A_53, %dma_wait3A_75] : memref<160000x128xf32, #tpu.memory_space<hbm>> -> memref<128x128xf32, #tpu.memory_space<hbm>>
        tpu.wait_dma2 semaphore(%arg9 : memref<!tpu.dma_semaphore, #tpu.memory_space<semaphore_mem>>) src(%dma_wait3A_76 : memref<128x128xf32, #tpu.memory_space<hbm>>) dst(%dma_wait3A_74 : memref<128x128xf32, #tpu.memory_space<vmem>>)
        %run_scoped3A = arith.constant 0 : i32
        %run_scoped3A_77 = arith.constant 0 : i32
        "tpu.region"() ({
          %run_scoped3A_84 = tpu.sem_alloc : memref<!tpu.dma_semaphore, #tpu.memory_space<semaphore_mem>>
          %dma_start3A = arith.constant 0 : i32
          %dma_start3A_85 = arith.constant 0 : i32
          %dma_start3A_86 = tpu.memref_slice %arg7[%run_scoped3A, %dma_start3A, %dma_start3A_85] : memref<2x128x128xf32, #tpu.memory_space<vmem>> -> memref<1x128x128xf32, #tpu.memory_space<vmem>>
          %dma_start3A_87 = tpu.memref_squeeze %dma_start3A_86 : memref<1x128x128xf32, #tpu.memory_space<vmem>> -> memref<128x128xf32, #tpu.memory_space<vmem>>
          %dma_start3A_88 = arith.constant 0 : i32
          %dma_start3A_89 = tpu.memref_slice %arg6[%run_scoped3A_77, %dma_start3A_88] : memref<2x128xi32, #tpu.memory_space<vmem>> -> memref<1x128xi32, #tpu.memory_space<vmem>>
          %dma_start3A_90 = tpu.memref_squeeze %dma_start3A_89 : memref<1x128xi32, #tpu.memory_space<vmem>> -> memref<128xi32, #tpu.memory_space<vmem>>
          %dma_start3A_91 = arith.constant 0 : i32
          %dma_start3A_92 = arith.constant 0 : i32
          %dma_start3A_93 = tpu.memref_slice %arg8[%dma_start3A_91, %dma_start3A_92] : memref<10000x128xf32, #tpu.memory_space<vmem_shared>> -> memref<10000x128xf32, #tpu.memory_space<vmem_shared>>
          tpu.enqueue_indirect_dma source(%dma_start3A_87 : memref<128x128xf32, #tpu.memory_space<vmem>>) target(%dma_start3A_93 : memref<10000x128xf32, #tpu.memory_space<vmem_shared>>) offsets(%dma_start3A_90 : memref<128xi32, #tpu.memory_space<vmem>>) semaphore(%run_scoped3A_84 : memref<!tpu.dma_semaphore, #tpu.memory_space<semaphore_mem>>) {add = true}
          %dma_wait3A_94 = arith.constant 0 : i32
          %dma_wait3A_95 = arith.constant 0 : i32
          %dma_wait3A_96 = tpu.memref_slice %arg7[%run_scoped3A, %dma_wait3A_94, %dma_wait3A_95] : memref<2x128x128xf32, #tpu.memory_space<vmem>> -> memref<1x128x128xf32, #tpu.memory_space<vmem>>
          %dma_wait3A_97 = tpu.memref_squeeze %dma_wait3A_96 : memref<1x128x128xf32, #tpu.memory_space<vmem>> -> memref<128x128xf32, #tpu.memory_space<vmem>>
          %dma_wait3A_98 = arith.constant 0 : i32
          %dma_wait3A_99 = tpu.memref_slice %arg6[%run_scoped3A_77, %dma_wait3A_98] : memref<2x128xi32, #tpu.memory_space<vmem>> -> memref<1x128xi32, #tpu.memory_space<vmem>>
          %dma_wait3A_100 = tpu.memref_squeeze %dma_wait3A_99 : memref<1x128xi32, #tpu.memory_space<vmem>> -> memref<128xi32, #tpu.memory_space<vmem>>
          %dma_wait3A_101 = arith.constant 0 : i32
          %dma_wait3A_102 = arith.constant 0 : i32
          %dma_wait3A_103 = tpu.memref_slice %arg8[%dma_wait3A_101, %dma_wait3A_102] : memref<10000x128xf32, #tpu.memory_space<vmem_shared>> -> memref<10000x128xf32, #tpu.memory_space<vmem_shared>>
          tpu.wait_indirect_dma semaphore(%run_scoped3A_84 : memref<!tpu.dma_semaphore, #tpu.memory_space<semaphore_mem>>) src(%dma_wait3A_97 : memref<128x128xf32, #tpu.memory_space<vmem>>) dst(%dma_wait3A_103 : memref<10000x128xf32, #tpu.memory_space<vmem_shared>>)
          tpu.yield
        }) : () -> ()
        %add3A_78 = arith.constant 32 : i32
        %add3A_79 = arith.addi %add3A_35, %add3A_78 : i32
        %lt3A_80 = arith.cmpi slt, %add3A_79, %add3A_3 : i32
        %convert_element_type3A_81 = arith.extui %lt3A_80 : i1 to i32
        %cond3A_82 = arith.constant 0 : i32
        %cond3A_83 = arith.cmpi ne, %convert_element_type3A_81, %cond3A_82 : i32
        scf.if %cond3A_83 {
          %mul3A_84 = arith.constant 128 : i32
          %mul3A_85 = arith.muli %add3A_79, %mul3A_84 : i32
          %add3A_86 = arith.constant 0 : i32
          %add3A_87 = arith.addi %add3A_86, %mul3A_85 : i32
          %dma_start3A = arith.constant 0 : i32
          %dma_start3A_88 = arith.constant 0 : i32
          %dma_start3A_89 = tpu.memref_slice %arg6[%dma_start3A, %dma_start3A_88] : memref<2x128xi32, #tpu.memory_space<vmem>> -> memref<1x128xi32, #tpu.memory_space<vmem>>
          %dma_start3A_90 = tpu.memref_squeeze %dma_start3A_89 : memref<1x128xi32, #tpu.memory_space<vmem>> -> memref<128xi32, #tpu.memory_space<vmem>>
          %dma_start3A_91 = tpu.memref_slice %arg2[%add3A_87] : memref<320000xi32, #tpu.memory_space<hbm>> -> memref<128xi32, #tpu.memory_space<hbm>>
          %dma_start3A_92 = arith.constant 0 : i32
          %dma_start3A_93 = tpu.memref_slice %arg6[%dma_start3A, %dma_start3A_92] : memref<2x128xi32, #tpu.memory_space<vmem>> -> memref<1x128xi32, #tpu.memory_space<vmem>>
          %dma_start3A_94 = tpu.memref_squeeze %dma_start3A_93 : memref<1x128xi32, #tpu.memory_space<vmem>> -> memref<128xi32, #tpu.memory_space<vmem>>
          %dma_start3A_95 = tpu.memref_slice %arg2[%add3A_87] : memref<320000xi32, #tpu.memory_space<hbm>> -> memref<128xi32, #tpu.memory_space<hbm>>
          tpu.enqueue_dma source(%dma_start3A_95 : memref<128xi32, #tpu.memory_space<hbm>>) target(%dma_start3A_94 : memref<128xi32, #tpu.memory_space<vmem>>) target_semaphore(%arg9 : memref<!tpu.dma_semaphore, #tpu.memory_space<semaphore_mem>>)
          %dma_start3A_96 = arith.constant 0 : i32
          %dma_start3A_97 = arith.constant 0 : i32
          %dma_start3A_98 = arith.constant 0 : i32
          %dma_start3A_99 = tpu.memref_slice %arg7[%dma_start3A_96, %dma_start3A_97, %dma_start3A_98] : memref<2x128x128xf32, #tpu.memory_space<vmem>> -> memref<1x128x128xf32, #tpu.memory_space<vmem>>
          %dma_start3A_100 = tpu.memref_squeeze %dma_start3A_99 : memref<1x128x128xf32, #tpu.memory_space<vmem>> -> memref<128x128xf32, #tpu.memory_space<vmem>>
          %dma_start3A_101 = arith.constant 0 : i32
          %dma_start3A_102 = tpu.memref_slice %arg3[%mul3A_85, %dma_start3A_101] : memref<160000x128xf32, #tpu.memory_space<hbm>> -> memref<128x128xf32, #tpu.memory_space<hbm>>
          %dma_start3A_103 = arith.constant 0 : i32
          %dma_start3A_104 = arith.constant 0 : i32
          %dma_start3A_105 = tpu.memref_slice %arg7[%dma_start3A_96, %dma_start3A_103, %dma_start3A_104] : memref<2x128x128xf32, #tpu.memory_space<vmem>> -> memref<1x128x128xf32, #tpu.memory_space<vmem>>
          %dma_start3A_106 = tpu.memref_squeeze %dma_start3A_105 : memref<1x128x128xf32, #tpu.memory_space<vmem>> -> memref<128x128xf32, #tpu.memory_space<vmem>>
          %dma_start3A_107 = arith.constant 0 : i32
          %dma_start3A_108 = tpu.memref_slice %arg3[%mul3A_85, %dma_start3A_107] : memref<160000x128xf32, #tpu.memory_space<hbm>> -> memref<128x128xf32, #tpu.memory_space<hbm>>
          tpu.enqueue_dma source(%dma_start3A_108 : memref<128x128xf32, #tpu.memory_space<hbm>>) target(%dma_start3A_106 : memref<128x128xf32, #tpu.memory_space<vmem>>) target_semaphore(%arg9 : memref<!tpu.dma_semaphore, #tpu.memory_space<semaphore_mem>>)
        } else {
        }
      } else {
      }
      %add3A_40 = arith.addi %mul3A_2, %arg1 : i32
      %mul3A_41 = arith.constant 2 : i32
      %mul3A_42 = arith.muli %mul3A_41, %scan3A_27 : i32
      %add3A_43 = arith.constant 1 : i32
      %add3A_44 = arith.addi %mul3A_42, %add3A_43 : i32
      %mul3A_45 = arith.constant 16 : i32
      %mul3A_46 = arith.muli %add3A_44, %mul3A_45 : i32
      %add3A_47 = arith.addi %add3A_40, %mul3A_46 : i32
      %lt3A_48 = arith.cmpi slt, %add3A_47, %add3A_3 : i32
      %convert_element_type3A_49 = arith.extui %lt3A_48 : i1 to i32
      %cond3A_50 = arith.constant 0 : i32
      %cond3A_51 = arith.cmpi ne, %convert_element_type3A_49, %cond3A_50 : i32
      scf.if %cond3A_51 {
        %mul3A_52 = arith.constant 128 : i32
        %mul3A_53 = arith.muli %add3A_47, %mul3A_52 : i32
        %add3A_54 = arith.constant 0 : i32
        %add3A_55 = arith.addi %add3A_54, %mul3A_53 : i32
        %dma_wait3A = arith.constant 1 : i32
        %dma_wait3A_56 = arith.constant 0 : i32
        %dma_wait3A_57 = tpu.memref_slice %arg6[%dma_wait3A, %dma_wait3A_56] : memref<2x128xi32, #tpu.memory_space<vmem>> -> memref<1x128xi32, #tpu.memory_space<vmem>>
        %dma_wait3A_58 = tpu.memref_squeeze %dma_wait3A_57 : memref<1x128xi32, #tpu.memory_space<vmem>> -> memref<128xi32, #tpu.memory_space<vmem>>
        %dma_wait3A_59 = tpu.memref_slice %arg2[%add3A_55] : memref<320000xi32, #tpu.memory_space<hbm>> -> memref<128xi32, #tpu.memory_space<hbm>>
        %dma_wait3A_60 = arith.constant 0 : i32
        %dma_wait3A_61 = tpu.memref_slice %arg6[%dma_wait3A, %dma_wait3A_60] : memref<2x128xi32, #tpu.memory_space<vmem>> -> memref<1x128xi32, #tpu.memory_space<vmem>>
        %dma_wait3A_62 = tpu.memref_squeeze %dma_wait3A_61 : memref<1x128xi32, #tpu.memory_space<vmem>> -> memref<128xi32, #tpu.memory_space<vmem>>
        %dma_wait3A_63 = tpu.memref_slice %arg2[%add3A_55] : memref<320000xi32, #tpu.memory_space<hbm>> -> memref<128xi32, #tpu.memory_space<hbm>>
        tpu.wait_dma2 semaphore(%arg10 : memref<!tpu.dma_semaphore, #tpu.memory_space<semaphore_mem>>) src(%dma_wait3A_63 : memref<128xi32, #tpu.memory_space<hbm>>) dst(%dma_wait3A_62 : memref<128xi32, #tpu.memory_space<vmem>>)
        %dma_wait3A_64 = arith.constant 1 : i32
        %dma_wait3A_65 = arith.constant 0 : i32
        %dma_wait3A_66 = arith.constant 0 : i32
        %dma_wait3A_67 = tpu.memref_slice %arg7[%dma_wait3A_64, %dma_wait3A_65, %dma_wait3A_66] : memref<2x128x128xf32, #tpu.memory_space<vmem>> -> memref<1x128x128xf32, #tpu.memory_space<vmem>>
        %dma_wait3A_68 = tpu.memref_squeeze %dma_wait3A_67 : memref<1x128x128xf32, #tpu.memory_space<vmem>> -> memref<128x128xf32, #tpu.memory_space<vmem>>
        %dma_wait3A_69 = arith.constant 0 : i32
        %dma_wait3A_70 = tpu.memref_slice %arg3[%mul3A_53, %dma_wait3A_69] : memref<160000x128xf32, #tpu.memory_space<hbm>> -> memref<128x128xf32, #tpu.memory_space<hbm>>
        %dma_wait3A_71 = arith.constant 0 : i32
        %dma_wait3A_72 = arith.constant 0 : i32
        %dma_wait3A_73 = tpu.memref_slice %arg7[%dma_wait3A_64, %dma_wait3A_71, %dma_wait3A_72] : memref<2x128x128xf32, #tpu.memory_space<vmem>> -> memref<1x128x128xf32, #tpu.memory_space<vmem>>
        %dma_wait3A_74 = tpu.memref_squeeze %dma_wait3A_73 : memref<1x128x128xf32, #tpu.memory_space<vmem>> -> memref<128x128xf32, #tpu.memory_space<vmem>>
        %dma_wait3A_75 = arith.constant 0 : i32
        %dma_wait3A_76 = tpu.memref_slice %arg3[%mul3A_53, %dma_wait3A_75] : memref<160000x128xf32, #tpu.memory_space<hbm>> -> memref<128x128xf32, #tpu.memory_space<hbm>>
        tpu.wait_dma2 semaphore(%arg10 : memref<!tpu.dma_semaphore, #tpu.memory_space<semaphore_mem>>) src(%dma_wait3A_76 : memref<128x128xf32, #tpu.memory_space<hbm>>) dst(%dma_wait3A_74 : memref<128x128xf32, #tpu.memory_space<vmem>>)
        %run_scoped3A = arith.constant 1 : i32
        %run_scoped3A_77 = arith.constant 1 : i32
        "tpu.region"() ({
          %run_scoped3A_84 = tpu.sem_alloc : memref<!tpu.dma_semaphore, #tpu.memory_space<semaphore_mem>>
          %dma_start3A = arith.constant 0 : i32
          %dma_start3A_85 = arith.constant 0 : i32
          %dma_start3A_86 = tpu.memref_slice %arg7[%run_scoped3A, %dma_start3A, %dma_start3A_85] : memref<2x128x128xf32, #tpu.memory_space<vmem>> -> memref<1x128x128xf32, #tpu.memory_space<vmem>>
          %dma_start3A_87 = tpu.memref_squeeze %dma_start3A_86 : memref<1x128x128xf32, #tpu.memory_space<vmem>> -> memref<128x128xf32, #tpu.memory_space<vmem>>
          %dma_start3A_88 = arith.constant 0 : i32
          %dma_start3A_89 = tpu.memref_slice %arg6[%run_scoped3A_77, %dma_start3A_88] : memref<2x128xi32, #tpu.memory_space<vmem>> -> memref<1x128xi32, #tpu.memory_space<vmem>>
          %dma_start3A_90 = tpu.memref_squeeze %dma_start3A_89 : memref<1x128xi32, #tpu.memory_space<vmem>> -> memref<128xi32, #tpu.memory_space<vmem>>
          %dma_start3A_91 = arith.constant 0 : i32
          %dma_start3A_92 = arith.constant 0 : i32
          %dma_start3A_93 = tpu.memref_slice %arg8[%dma_start3A_91, %dma_start3A_92] : memref<10000x128xf32, #tpu.memory_space<vmem_shared>> -> memref<10000x128xf32, #tpu.memory_space<vmem_shared>>
          tpu.enqueue_indirect_dma source(%dma_start3A_87 : memref<128x128xf32, #tpu.memory_space<vmem>>) target(%dma_start3A_93 : memref<10000x128xf32, #tpu.memory_space<vmem_shared>>) offsets(%dma_start3A_90 : memref<128xi32, #tpu.memory_space<vmem>>) semaphore(%run_scoped3A_84 : memref<!tpu.dma_semaphore, #tpu.memory_space<semaphore_mem>>) {add = true}
          %dma_wait3A_94 = arith.constant 0 : i32
          %dma_wait3A_95 = arith.constant 0 : i32
          %dma_wait3A_96 = tpu.memref_slice %arg7[%run_scoped3A, %dma_wait3A_94, %dma_wait3A_95] : memref<2x128x128xf32, #tpu.memory_space<vmem>> -> memref<1x128x128xf32, #tpu.memory_space<vmem>>
          %dma_wait3A_97 = tpu.memref_squeeze %dma_wait3A_96 : memref<1x128x128xf32, #tpu.memory_space<vmem>> -> memref<128x128xf32, #tpu.memory_space<vmem>>
          %dma_wait3A_98 = arith.constant 0 : i32
          %dma_wait3A_99 = tpu.memref_slice %arg6[%run_scoped3A_77, %dma_wait3A_98] : memref<2x128xi32, #tpu.memory_space<vmem>> -> memref<1x128xi32, #tpu.memory_space<vmem>>
          %dma_wait3A_100 = tpu.memref_squeeze %dma_wait3A_99 : memref<1x128xi32, #tpu.memory_space<vmem>> -> memref<128xi32, #tpu.memory_space<vmem>>
          %dma_wait3A_101 = arith.constant 0 : i32
          %dma_wait3A_102 = arith.constant 0 : i32
          %dma_wait3A_103 = tpu.memref_slice %arg8[%dma_wait3A_101, %dma_wait3A_102] : memref<10000x128xf32, #tpu.memory_space<vmem_shared>> -> memref<10000x128xf32, #tpu.memory_space<vmem_shared>>
          tpu.wait_indirect_dma semaphore(%run_scoped3A_84 : memref<!tpu.dma_semaphore, #tpu.memory_space<semaphore_mem>>) src(%dma_wait3A_97 : memref<128x128xf32, #tpu.memory_space<vmem>>) dst(%dma_wait3A_103 : memref<10000x128xf32, #tpu.memory_space<vmem_shared>>)
          tpu.yield
        }) : () -> ()
        %add3A_78 = arith.constant 32 : i32
        %add3A_79 = arith.addi %add3A_47, %add3A_78 : i32
        %lt3A_80 = arith.cmpi slt, %add3A_79, %add3A_3 : i32
        %convert_element_type3A_81 = arith.extui %lt3A_80 : i1 to i32
        %cond3A_82 = arith.constant 0 : i32
        %cond3A_83 = arith.cmpi ne, %convert_element_type3A_81, %cond3A_82 : i32
        scf.if %cond3A_83 {
          %mul3A_84 = arith.constant 128 : i32
          %mul3A_85 = arith.muli %add3A_79, %mul3A_84 : i32
          %add3A_86 = arith.constant 0 : i32
          %add3A_87 = arith.addi %add3A_86, %mul3A_85 : i32
          %dma_start3A = arith.constant 1 : i32
          %dma_start3A_88 = arith.constant 0 : i32
          %dma_start3A_89 = tpu.memref_slice %arg6[%dma_start3A, %dma_start3A_88] : memref<2x128xi32, #tpu.memory_space<vmem>> -> memref<1x128xi32, #tpu.memory_space<vmem>>
          %dma_start3A_90 = tpu.memref_squeeze %dma_start3A_89 : memref<1x128xi32, #tpu.memory_space<vmem>> -> memref<128xi32, #tpu.memory_space<vmem>>
          %dma_start3A_91 = tpu.memref_slice %arg2[%add3A_87] : memref<320000xi32, #tpu.memory_space<hbm>> -> memref<128xi32, #tpu.memory_space<hbm>>
          %dma_start3A_92 = arith.constant 0 : i32
          %dma_start3A_93 = tpu.memref_slice %arg6[%dma_start3A, %dma_start3A_92] : memref<2x128xi32, #tpu.memory_space<vmem>> -> memref<1x128xi32, #tpu.memory_space<vmem>>
          %dma_start3A_94 = tpu.memref_squeeze %dma_start3A_93 : memref<1x128xi32, #tpu.memory_space<vmem>> -> memref<128xi32, #tpu.memory_space<vmem>>
          %dma_start3A_95 = tpu.memref_slice %arg2[%add3A_87] : memref<320000xi32, #tpu.memory_space<hbm>> -> memref<128xi32, #tpu.memory_space<hbm>>
          tpu.enqueue_dma source(%dma_start3A_95 : memref<128xi32, #tpu.memory_space<hbm>>) target(%dma_start3A_94 : memref<128xi32, #tpu.memory_space<vmem>>) target_semaphore(%arg10 : memref<!tpu.dma_semaphore, #tpu.memory_space<semaphore_mem>>)
          %dma_start3A_96 = arith.constant 1 : i32
          %dma_start3A_97 = arith.constant 0 : i32
          %dma_start3A_98 = arith.constant 0 : i32
          %dma_start3A_99 = tpu.memref_slice %arg7[%dma_start3A_96, %dma_start3A_97, %dma_start3A_98] : memref<2x128x128xf32, #tpu.memory_space<vmem>> -> memref<1x128x128xf32, #tpu.memory_space<vmem>>
          %dma_start3A_100 = tpu.memref_squeeze %dma_start3A_99 : memref<1x128x128xf32, #tpu.memory_space<vmem>> -> memref<128x128xf32, #tpu.memory_space<vmem>>
          %dma_start3A_101 = arith.constant 0 : i32
          %dma_start3A_102 = tpu.memref_slice %arg3[%mul3A_85, %dma_start3A_101] : memref<160000x128xf32, #tpu.memory_space<hbm>> -> memref<128x128xf32, #tpu.memory_space<hbm>>
          %dma_start3A_103 = arith.constant 0 : i32
          %dma_start3A_104 = arith.constant 0 : i32
          %dma_start3A_105 = tpu.memref_slice %arg7[%dma_start3A_96, %dma_start3A_103, %dma_start3A_104] : memref<2x128x128xf32, #tpu.memory_space<vmem>> -> memref<1x128x128xf32, #tpu.memory_space<vmem>>
          %dma_start3A_106 = tpu.memref_squeeze %dma_start3A_105 : memref<1x128x128xf32, #tpu.memory_space<vmem>> -> memref<128x128xf32, #tpu.memory_space<vmem>>
          %dma_start3A_107 = arith.constant 0 : i32
          %dma_start3A_108 = tpu.memref_slice %arg3[%mul3A_85, %dma_start3A_107] : memref<160000x128xf32, #tpu.memory_space<hbm>> -> memref<128x128xf32, #tpu.memory_space<hbm>>
          tpu.enqueue_dma source(%dma_start3A_108 : memref<128x128xf32, #tpu.memory_space<hbm>>) target(%dma_start3A_106 : memref<128x128xf32, #tpu.memory_space<vmem>>) target_semaphore(%arg10 : memref<!tpu.dma_semaphore, #tpu.memory_space<semaphore_mem>>)
        } else {
        }
      } else {
      }
    }
    %scan3A_20 = arith.constant 20 : i32
    %barrier3A_21 = arith.constant 0 : index
    tpu.barrier barrier_id(%barrier3A_21)
    %lt3A_22 = arith.constant 10 : i32
    %lt3A_23 = arith.cmpi slt, %arg1, %lt3A_22 : i32
    %convert_element_type3A_24 = arith.extui %lt3A_23 : i1 to i32
    %cond3A_25 = arith.constant 0 : i32
    %cond3A_26 = arith.cmpi ne, %convert_element_type3A_24, %cond3A_25 : i32
    scf.if %cond3A_26 {
      %mul3A_27 = arith.constant 1000 : i32
      %mul3A_28 = arith.muli %arg1, %mul3A_27 : i32
      %mul3A_29 = arith.constant 10000 : i32
      %mul3A_30 = arith.muli %arg0, %mul3A_29 : i32
      %add3A_31 = arith.addi %mul3A_30, %mul3A_28 : i32
      "tpu.region"() ({
        %run_scoped3A = tpu.sem_alloc : memref<!tpu.dma_semaphore, #tpu.memory_space<semaphore_mem>>
        %dma_start3A = arith.constant 0 : i32
        %dma_start3A_32 = tpu.memref_slice %arg5[%add3A_31, %dma_start3A] : memref<20000x128xf32, #tpu.memory_space<hbm>> -> memref<1000x128xf32, #tpu.memory_space<hbm>>
        %dma_start3A_33 = arith.constant 0 : i32
        %dma_start3A_34 = tpu.memref_slice %arg8[%mul3A_28, %dma_start3A_33] : memref<10000x128xf32, #tpu.memory_space<vmem_shared>> -> memref<1000x128xf32, #tpu.memory_space<vmem_shared>>
        tpu.enqueue_dma source(%dma_start3A_34 : memref<1000x128xf32, #tpu.memory_space<vmem_shared>>) target(%dma_start3A_32 : memref<1000x128xf32, #tpu.memory_space<hbm>>) target_semaphore(%run_scoped3A : memref<!tpu.dma_semaphore, #tpu.memory_space<semaphore_mem>>)
        %dma_wait3A = arith.constant 0 : i32
        %dma_wait3A_35 = tpu.memref_slice %arg5[%add3A_31, %dma_wait3A] : memref<20000x128xf32, #tpu.memory_space<hbm>> -> memref<1000x128xf32, #tpu.memory_space<hbm>>
        %dma_wait3A_36 = arith.constant 0 : i32
        %dma_wait3A_37 = tpu.memref_slice %arg8[%mul3A_28, %dma_wait3A_36] : memref<10000x128xf32, #tpu.memory_space<vmem_shared>> -> memref<1000x128xf32, #tpu.memory_space<vmem_shared>>
        tpu.wait_dma2 semaphore(%run_scoped3A : memref<!tpu.dma_semaphore, #tpu.memory_space<semaphore_mem>>) src(%dma_wait3A_37 : memref<1000x128xf32, #tpu.memory_space<vmem_shared>>) dst(%dma_wait3A_35 : memref<1000x128xf32, #tpu.memory_space<hbm>>)
        tpu.yield
      }) : () -> ()
    } else {
    }
    return
  }
}

module attributes {stable_mosaic.version = 14 : i64} {
  func.func @_proj_body(%arg0: i32, %arg1: memref<1000x128xf32, #tpu.memory_space<vmem>>, %arg2: memref<256x272xf32, #tpu.memory_space<vmem>>, %arg3: memref<1000x128xi32, #tpu.memory_space<vmem>>, %arg4: memref<1000x128xi32, #tpu.memory_space<vmem>>) attributes {dimension_semantics = [#tpu.dimension_semantics<arbitrary>], iteration_bounds = array<i64: 10>, scalar_prefetch = 0 : i64, scratch_operands = 0 : i64, tpu.core_type = #tpu.core_type<tc>, window_params = [{transform_indices = @transform_0, window_bounds = array<i64: 1000, 128>}, {pipeline_mode = #tpu.pipeline_mode<synchronous>, transform_indices = @transform_1, window_bounds = array<i64: 256, 272>}, {transform_indices = @transform_2, window_bounds = array<i64: 1000, 128>}, {transform_indices = @transform_3, window_bounds = array<i64: 1000, 128>}]} {
    %get3A = arith.constant 0 : index
    %get3A_0 = arith.constant 0 : index
    %get3A_1 = vector.load %arg1[%get3A, %get3A_0] : memref<1000x128xf32, #tpu.memory_space<vmem>>, vector<1000x128xf32>
    %get3A_2 = arith.constant 0 : index
    %get3A_3 = arith.constant 0 : index
    %get3A_4 = vector.load %arg2[%get3A_2, %get3A_3] : memref<256x272xf32, #tpu.memory_space<vmem>>, vector<256x272xf32>
    %slice3A = vector.extract_strided_slice %get3A_4 {offsets = [0, 0], sizes = [128, 128], strides = [1, 1]} : vector<256x272xf32> to vector<128x128xf32>
    %dot_general3A = arith.constant dense<0.000000e+00> : vector<1000x128xf32>
    %dot_general3A_5 = tpu.matmul %get3A_1, %slice3A, %dot_general3A {dimension_numbers = #tpu.dot_dimension_numbers<[1], [1], [0], [0], [0, 0, 1, 0], [], []>, transpose_lhs_hint = false} : vector<1000x128xf32>, vector<128x128xf32>, vector<1000x128xf32> -> vector<1000x128xf32>
    %slice3A_6 = vector.extract_strided_slice %get3A_4 {offsets = [128, 0], sizes = [128, 128], strides = [1, 1]} : vector<256x272xf32> to vector<128x128xf32>
    %dot_general3A_7 = arith.constant dense<0.000000e+00> : vector<1000x128xf32>
    %dot_general3A_8 = tpu.matmul %get3A_1, %slice3A_6, %dot_general3A_7 {dimension_numbers = #tpu.dot_dimension_numbers<[1], [1], [0], [0], [0, 0, 1, 0], [], []>, transpose_lhs_hint = false} : vector<1000x128xf32>, vector<128x128xf32>, vector<1000x128xf32> -> vector<1000x128xf32>
    %slice3A_9 = vector.extract_strided_slice %get3A_4 {offsets = [0, 128], sizes = [128, 128], strides = [1, 1]} : vector<256x272xf32> to vector<128x128xf32>
    %dot_general3A_10 = arith.constant dense<0.000000e+00> : vector<1000x128xf32>
    %dot_general3A_11 = tpu.matmul %get3A_1, %slice3A_9, %dot_general3A_10 {dimension_numbers = #tpu.dot_dimension_numbers<[1], [1], [0], [0], [0, 0, 1, 0], [], []>, transpose_lhs_hint = false} : vector<1000x128xf32>, vector<128x128xf32>, vector<1000x128xf32> -> vector<1000x128xf32>
    %slice3A_12 = vector.extract_strided_slice %get3A_4 {offsets = [128, 128], sizes = [128, 128], strides = [1, 1]} : vector<256x272xf32> to vector<128x128xf32>
    %dot_general3A_13 = arith.constant dense<0.000000e+00> : vector<1000x128xf32>
    %dot_general3A_14 = tpu.matmul %get3A_1, %slice3A_12, %dot_general3A_13 {dimension_numbers = #tpu.dot_dimension_numbers<[1], [1], [0], [0], [0, 0, 1, 0], [], []>, transpose_lhs_hint = false} : vector<1000x128xf32>, vector<128x128xf32>, vector<1000x128xf32> -> vector<1000x128xf32>
    %convert_element_type3A = arith.truncf %dot_general3A_5 : vector<1000x128xf32> to vector<1000x128xbf16>
    %bitcast_convert_type3A = tpu.bitcast %convert_element_type3A : vector<1000x128xbf16> -> vector<1000x128xi16>
    %convert_element_type3A_15 = arith.extui %bitcast_convert_type3A : vector<1000x128xi16> to vector<1000x128xi32>
    %convert_element_type3A_16 = arith.truncf %dot_general3A_8 : vector<1000x128xf32> to vector<1000x128xbf16>
    %bitcast_convert_type3A_17 = tpu.bitcast %convert_element_type3A_16 : vector<1000x128xbf16> -> vector<1000x128xi16>
    %convert_element_type3A_18 = arith.extui %bitcast_convert_type3A_17 : vector<1000x128xi16> to vector<1000x128xi32>
    %shift_left3A = arith.constant 16 : i32
    %shift_left3A_19 = vector.broadcast %shift_left3A : i32 to vector<1000x128xi32>
    %shift_left3A_20 = arith.shli %convert_element_type3A_18, %shift_left3A_19 : vector<1000x128xi32>
    %or3A = arith.ori %convert_element_type3A_15, %shift_left3A_20 : vector<1000x128xi32>
    %bitcast_convert_type3A_21 = tpu.bitcast %or3A : vector<1000x128xi32> -> vector<1000x128xi32>
    %swap3A = arith.constant 0 : index
    %swap3A_22 = arith.constant 0 : index
    %swap3A_23 = vector.load %arg3[%swap3A, %swap3A_22] : memref<1000x128xi32, #tpu.memory_space<vmem>>, vector<1000x128xi32>
    tpu.vector_store %arg3[%swap3A, %swap3A_22], %bitcast_convert_type3A_21 {strides = array<i32>} : memref<1000x128xi32, #tpu.memory_space<vmem>>, vector<1000x128xi32>,
    %convert_element_type3A_24 = arith.truncf %dot_general3A_11 : vector<1000x128xf32> to vector<1000x128xbf16>
    %bitcast_convert_type3A_25 = tpu.bitcast %convert_element_type3A_24 : vector<1000x128xbf16> -> vector<1000x128xi16>
    %convert_element_type3A_26 = arith.extui %bitcast_convert_type3A_25 : vector<1000x128xi16> to vector<1000x128xi32>
    %convert_element_type3A_27 = arith.truncf %dot_general3A_14 : vector<1000x128xf32> to vector<1000x128xbf16>
    %bitcast_convert_type3A_28 = tpu.bitcast %convert_element_type3A_27 : vector<1000x128xbf16> -> vector<1000x128xi16>
    %convert_element_type3A_29 = arith.extui %bitcast_convert_type3A_28 : vector<1000x128xi16> to vector<1000x128xi32>
    %shift_left3A_30 = arith.constant 16 : i32
    %shift_left3A_31 = vector.broadcast %shift_left3A_30 : i32 to vector<1000x128xi32>
    %shift_left3A_32 = arith.shli %convert_element_type3A_29, %shift_left3A_31 : vector<1000x128xi32>
    %or3A_33 = arith.ori %convert_element_type3A_26, %shift_left3A_32 : vector<1000x128xi32>
    %bitcast_convert_type3A_34 = tpu.bitcast %or3A_33 : vector<1000x128xi32> -> vector<1000x128xi32>
    %swap3A_35 = arith.constant 0 : index
    %swap3A_36 = arith.constant 0 : index
    %swap3A_37 = vector.load %arg4[%swap3A_35, %swap3A_36] : memref<1000x128xi32, #tpu.memory_space<vmem>>, vector<1000x128xi32>
    tpu.vector_store %arg4[%swap3A_35, %swap3A_36], %bitcast_convert_type3A_34 {strides = array<i32>} : memref<1000x128xi32, #tpu.memory_space<vmem>>, vector<1000x128xi32>,
    return
  }
  func.func @transform_0(%arg0: i32) -> (i32, i32) {
    %c0_i32 = arith.constant 0 : i32
    %c0_i32_0 = arith.constant 0 : i32
    return %arg0, %c0_i32 : i32, i32
  }
  func.func @transform_1(%arg0: i32) -> (i32, i32) {
    %c0_i32 = arith.constant 0 : i32
    %c0_i32_0 = arith.constant 0 : i32
    %c0_i32_1 = arith.constant 0 : i32
    return %c0_i32, %c0_i32_0 : i32, i32
  }
  func.func @transform_2(%arg0: i32) -> (i32, i32) {
    %c0_i32 = arith.constant 0 : i32
    %c0_i32_0 = arith.constant 0 : i32
    return %arg0, %c0_i32 : i32, i32
  }
  func.func @transform_3(%arg0: i32) -> (i32, i32) {
    %c0_i32 = arith.constant 0 : i32
    %c0_i32_0 = arith.constant 0 : i32
    return %arg0, %c0_i32 : i32, i32
  }
}

module attributes {stable_mosaic.version = 14 : i64} {
  func.func @_stats_body(%arg0: i32, %arg1: memref<2000x128xi32, #tpu.memory_space<vmem>>, %arg2: memref<2000x16xf32, #tpu.memory_space<vmem>>, %arg3: memref<256x272xf32, #tpu.memory_space<vmem>>, %arg4: memref<1x128xf32, #tpu.memory_space<vmem>>, %arg5: memref<1x128xf32, #tpu.memory_space<vmem>>, %arg6: memref<1x128xf32, #tpu.memory_space<vmem>>, %arg7: memref<1x128xf32, #tpu.memory_space<vmem>>) attributes {dimension_semantics = [#tpu.dimension_semantics<arbitrary>], iteration_bounds = array<i64: 80>, scalar_prefetch = 0 : i64, scratch_operands = 0 : i64, tpu.core_type = #tpu.core_type<tc>, window_params = [{transform_indices = @transform_0, window_bounds = array<i64: 2000, 128>}, {transform_indices = @transform_1, window_bounds = array<i64: 2000, 16>}, {pipeline_mode = #tpu.pipeline_mode<synchronous>, transform_indices = @transform_2, window_bounds = array<i64: 256, 272>}, {pipeline_mode = #tpu.pipeline_mode<synchronous>, transform_indices = @transform_3, window_bounds = array<i64: 1, 128>}, {pipeline_mode = #tpu.pipeline_mode<synchronous>, transform_indices = @transform_4, window_bounds = array<i64: 1, 128>}, {pipeline_mode = #tpu.pipeline_mode<synchronous>, transform_indices = @transform_5, window_bounds = array<i64: 1, 128>}, {pipeline_mode = #tpu.pipeline_mode<synchronous>, transform_indices = @transform_6, window_bounds = array<i64: 1, 128>}]} {
    %eq3A = arith.constant 0 : i32
    %eq3A_0 = arith.cmpi eq, %arg0, %eq3A : i32
    %convert_element_type3A = arith.extui %eq3A_0 : i1 to i32
    %cond3A = arith.constant 0 : i32
    %cond3A_1 = arith.cmpi ne, %convert_element_type3A, %cond3A : i32
    scf.if %cond3A_1 {
      %broadcast_in_dim3A_58 = arith.constant 0.000000e+00 : f32
      %broadcast_in_dim3A_59 = vector.broadcast %broadcast_in_dim3A_58 : f32 to vector<1x128xf32>
      %swap3A_60 = arith.constant 0 : index
      %swap3A_61 = arith.constant 0 : index
      %swap3A_62 = vector.load %arg4[%swap3A_60, %swap3A_61] : memref<1x128xf32, #tpu.memory_space<vmem>>, vector<1x128xf32>
      tpu.vector_store %arg4[%swap3A_60, %swap3A_61], %broadcast_in_dim3A_59 {strides = array<i32>} : memref<1x128xf32, #tpu.memory_space<vmem>>, vector<1x128xf32>,
      %broadcast_in_dim3A_63 = arith.constant 0.000000e+00 : f32
      %broadcast_in_dim3A_64 = vector.broadcast %broadcast_in_dim3A_63 : f32 to vector<1x128xf32>
      %swap3A_65 = arith.constant 0 : index
      %swap3A_66 = arith.constant 0 : index
      %swap3A_67 = vector.load %arg5[%swap3A_65, %swap3A_66] : memref<1x128xf32, #tpu.memory_space<vmem>>, vector<1x128xf32>
      tpu.vector_store %arg5[%swap3A_65, %swap3A_66], %broadcast_in_dim3A_64 {strides = array<i32>} : memref<1x128xf32, #tpu.memory_space<vmem>>, vector<1x128xf32>,
      %broadcast_in_dim3A_68 = arith.constant 0.000000e+00 : f32
      %broadcast_in_dim3A_69 = vector.broadcast %broadcast_in_dim3A_68 : f32 to vector<1x128xf32>
      %swap3A_70 = arith.constant 0 : index
      %swap3A_71 = arith.constant 0 : index
      %swap3A_72 = vector.load %arg6[%swap3A_70, %swap3A_71] : memref<1x128xf32, #tpu.memory_space<vmem>>, vector<1x128xf32>
      tpu.vector_store %arg6[%swap3A_70, %swap3A_71], %broadcast_in_dim3A_69 {strides = array<i32>} : memref<1x128xf32, #tpu.memory_space<vmem>>, vector<1x128xf32>,
      %broadcast_in_dim3A_73 = arith.constant 0.000000e+00 : f32
      %broadcast_in_dim3A_74 = vector.broadcast %broadcast_in_dim3A_73 : f32 to vector<1x128xf32>
      %swap3A_75 = arith.constant 0 : index
      %swap3A_76 = arith.constant 0 : index
      %swap3A_77 = vector.load %arg7[%swap3A_75, %swap3A_76] : memref<1x128xf32, #tpu.memory_space<vmem>>, vector<1x128xf32>
      tpu.vector_store %arg7[%swap3A_75, %swap3A_76], %broadcast_in_dim3A_74 {strides = array<i32>} : memref<1x128xf32, #tpu.memory_space<vmem>>, vector<1x128xf32>,
    } else {
    }
    %get3A = arith.constant 0 : index
    %get3A_2 = arith.constant 0 : index
    %get3A_3 = vector.load %arg1[%get3A, %get3A_2] : memref<2000x128xi32, #tpu.memory_space<vmem>>, vector<2000x128xi32>
    %shift_left3A = arith.constant 16 : i32
    %shift_left3A_4 = vector.broadcast %shift_left3A : i32 to vector<2000x128xi32>
    %shift_left3A_5 = arith.shli %get3A_3, %shift_left3A_4 : vector<2000x128xi32>
    %bitcast_convert_type3A = tpu.bitcast %shift_left3A_5 : vector<2000x128xi32> -> vector<2000x128xf32>
    %and3A = arith.constant -65536 : i32
    %and3A_6 = vector.broadcast %and3A : i32 to vector<2000x128xi32>
    %and3A_7 = arith.andi %get3A_3, %and3A_6 : vector<2000x128xi32>
    %bitcast_convert_type3A_8 = tpu.bitcast %and3A_7 : vector<2000x128xi32> -> vector<2000x128xf32>
    %get3A_9 = arith.constant 0 : index
    %get3A_10 = arith.constant 0 : index
    %get3A_11 = vector.load %arg2[%get3A_9, %get3A_10] : memref<2000x16xf32, #tpu.memory_space<vmem>>, vector<2000x16xf32>
    %get3A_12 = arith.constant 0 : index
    %get3A_13 = arith.constant 0 : index
    %get3A_14 = vector.load %arg3[%get3A_12, %get3A_13] : memref<256x272xf32, #tpu.memory_space<vmem>>, vector<256x272xf32>
    %slice3A = vector.extract_strided_slice %get3A_14 {offsets = [0, 256], sizes = [128, 16], strides = [1, 1]} : vector<256x272xf32> to vector<128x16xf32>
    %dot_general3A = arith.constant dense<0.000000e+00> : vector<2000x128xf32>
    %dot_general3A_15 = tpu.matmul %get3A_11, %slice3A, %dot_general3A {dimension_numbers = #tpu.dot_dimension_numbers<[1], [1], [0], [0], [0, 0, 1, 0], [], []>, transpose_lhs_hint = false} : vector<2000x16xf32>, vector<128x16xf32>, vector<2000x128xf32> -> vector<2000x128xf32>
    %add3A = arith.addf %bitcast_convert_type3A, %dot_general3A_15 : vector<2000x128xf32>
    %slice3A_16 = vector.extract_strided_slice %get3A_14 {offsets = [128, 256], sizes = [128, 16], strides = [1, 1]} : vector<256x272xf32> to vector<128x16xf32>
    %dot_general3A_17 = arith.constant dense<0.000000e+00> : vector<2000x128xf32>
    %dot_general3A_18 = tpu.matmul %get3A_11, %slice3A_16, %dot_general3A_17 {dimension_numbers = #tpu.dot_dimension_numbers<[1], [1], [0], [0], [0, 0, 1, 0], [], []>, transpose_lhs_hint = false} : vector<2000x16xf32>, vector<128x16xf32>, vector<2000x128xf32> -> vector<2000x128xf32>
    %add3A_19 = arith.addf %bitcast_convert_type3A_8, %dot_general3A_18 : vector<2000x128xf32>
    %get3A_20 = arith.constant 0 : index
    %get3A_21 = arith.constant 0 : index
    %get3A_22 = vector.load %arg4[%get3A_20, %get3A_21] : memref<1x128xf32, #tpu.memory_space<vmem>>, vector<1x128xf32>
    %reduce_sum3A = arith.constant dense<0.000000e+00> : vector<128xf32>
    %reduce_sum3A_23 = vector.multi_reduction <add>, %add3A, %reduce_sum3A [0] : vector<2000x128xf32> to vector<128xf32>
    %broadcast_in_dim3A = vector.shape_cast %reduce_sum3A_23 : vector<128xf32> to vector<1x128xf32>
    %add3A_24 = arith.addf %get3A_22, %broadcast_in_dim3A : vector<1x128xf32>
    %swap3A = arith.constant 0 : index
    %swap3A_25 = arith.constant 0 : index
    %swap3A_26 = vector.load %arg4[%swap3A, %swap3A_25] : memref<1x128xf32, #tpu.memory_space<vmem>>, vector<1x128xf32>
    tpu.vector_store %arg4[%swap3A, %swap3A_25], %add3A_24 {strides = array<i32>} : memref<1x128xf32, #tpu.memory_space<vmem>>, vector<1x128xf32>,
    %get3A_27 = arith.constant 0 : index
    %get3A_28 = arith.constant 0 : index
    %get3A_29 = vector.load %arg5[%get3A_27, %get3A_28] : memref<1x128xf32, #tpu.memory_space<vmem>>, vector<1x128xf32>
    %mul3A = arith.mulf %add3A, %add3A : vector<2000x128xf32>
    %reduce_sum3A_30 = arith.constant dense<0.000000e+00> : vector<128xf32>
    %reduce_sum3A_31 = vector.multi_reduction <add>, %mul3A, %reduce_sum3A_30 [0] : vector<2000x128xf32> to vector<128xf32>
    %broadcast_in_dim3A_32 = vector.shape_cast %reduce_sum3A_31 : vector<128xf32> to vector<1x128xf32>
    %add3A_33 = arith.addf %get3A_29, %broadcast_in_dim3A_32 : vector<1x128xf32>
    %swap3A_34 = arith.constant 0 : index
    %swap3A_35 = arith.constant 0 : index
    %swap3A_36 = vector.load %arg5[%swap3A_34, %swap3A_35] : memref<1x128xf32, #tpu.memory_space<vmem>>, vector<1x128xf32>
    tpu.vector_store %arg5[%swap3A_34, %swap3A_35], %add3A_33 {strides = array<i32>} : memref<1x128xf32, #tpu.memory_space<vmem>>, vector<1x128xf32>,
    %get3A_37 = arith.constant 0 : index
    %get3A_38 = arith.constant 0 : index
    %get3A_39 = vector.load %arg6[%get3A_37, %get3A_38] : memref<1x128xf32, #tpu.memory_space<vmem>>, vector<1x128xf32>
    %reduce_sum3A_40 = arith.constant dense<0.000000e+00> : vector<128xf32>
    %reduce_sum3A_41 = vector.multi_reduction <add>, %add3A_19, %reduce_sum3A_40 [0] : vector<2000x128xf32> to vector<128xf32>
    %broadcast_in_dim3A_42 = vector.shape_cast %reduce_sum3A_41 : vector<128xf32> to vector<1x128xf32>
    %add3A_43 = arith.addf %get3A_39, %broadcast_in_dim3A_42 : vector<1x128xf32>
    %swap3A_44 = arith.constant 0 : index
    %swap3A_45 = arith.constant 0 : index
    %swap3A_46 = vector.load %arg6[%swap3A_44, %swap3A_45] : memref<1x128xf32, #tpu.memory_space<vmem>>, vector<1x128xf32>
    tpu.vector_store %arg6[%swap3A_44, %swap3A_45], %add3A_43 {strides = array<i32>} : memref<1x128xf32, #tpu.memory_space<vmem>>, vector<1x128xf32>,
    %get3A_47 = arith.constant 0 : index
    %get3A_48 = arith.constant 0 : index
    %get3A_49 = vector.load %arg7[%get3A_47, %get3A_48] : memref<1x128xf32, #tpu.memory_space<vmem>>, vector<1x128xf32>
    %mul3A_50 = arith.mulf %add3A_19, %add3A_19 : vector<2000x128xf32>
    %reduce_sum3A_51 = arith.constant dense<0.000000e+00> : vector<128xf32>
    %reduce_sum3A_52 = vector.multi_reduction <add>, %mul3A_50, %reduce_sum3A_51 [0] : vector<2000x128xf32> to vector<128xf32>
    %broadcast_in_dim3A_53 = vector.shape_cast %reduce_sum3A_52 : vector<128xf32> to vector<1x128xf32>
    %add3A_54 = arith.addf %get3A_49, %broadcast_in_dim3A_53 : vector<1x128xf32>
    %swap3A_55 = arith.constant 0 : index
    %swap3A_56 = arith.constant 0 : index
    %swap3A_57 = vector.load %arg7[%swap3A_55, %swap3A_56] : memref<1x128xf32, #tpu.memory_space<vmem>>, vector<1x128xf32>
    tpu.vector_store %arg7[%swap3A_55, %swap3A_56], %add3A_54 {strides = array<i32>} : memref<1x128xf32, #tpu.memory_space<vmem>>, vector<1x128xf32>,
    return
  }
  func.func @transform_0(%arg0: i32) -> (i32, i32) {
    %c0_i32 = arith.constant 0 : i32
    %c0_i32_0 = arith.constant 0 : i32
    return %arg0, %c0_i32 : i32, i32
  }
  func.func @transform_1(%arg0: i32) -> (i32, i32) {
    %add3A = arith.constant 0 : i32
    %add3A_0 = arith.addi %arg0, %add3A : i32
    %c0_i32 = arith.constant 0 : i32
    %c0_i32_1 = arith.constant 0 : i32
    return %add3A_0, %c0_i32 : i32, i32
  }
  func.func @transform_2(%arg0: i32) -> (i32, i32) {
    %c0_i32 = arith.constant 0 : i32
    %c0_i32_0 = arith.constant 0 : i32
    %c0_i32_1 = arith.constant 0 : i32
    return %c0_i32, %c0_i32_0 : i32, i32
  }
  func.func @transform_3(%arg0: i32) -> (i32, i32) {
    %c0_i32 = arith.constant 0 : i32
    %c0_i32_0 = arith.constant 0 : i32
    %c0_i32_1 = arith.constant 0 : i32
    return %c0_i32, %c0_i32_0 : i32, i32
  }
  func.func @transform_4(%arg0: i32) -> (i32, i32) {
    %c0_i32 = arith.constant 0 : i32
    %c0_i32_0 = arith.constant 0 : i32
    %c0_i32_1 = arith.constant 0 : i32
    return %c0_i32, %c0_i32_0 : i32, i32
  }
  func.func @transform_5(%arg0: i32) -> (i32, i32) {
    %c0_i32 = arith.constant 0 : i32
    %c0_i32_0 = arith.constant 0 : i32
    %c0_i32_1 = arith.constant 0 : i32
    return %c0_i32, %c0_i32_0 : i32, i32
  }
  func.func @transform_6(%arg0: i32) -> (i32, i32) {
    %c0_i32 = arith.constant 0 : i32
    %c0_i32_0 = arith.constant 0 : i32
    %c0_i32_1 = arith.constant 0 : i32
    return %c0_i32, %c0_i32_0 : i32, i32
  }
}

module attributes {stable_mosaic.version = 14 : i64} {
  func.func @_stats_body(%arg0: i32, %arg1: memref<2000x128xi32, #tpu.memory_space<vmem>>, %arg2: memref<2000x16xf32, #tpu.memory_space<vmem>>, %arg3: memref<256x272xf32, #tpu.memory_space<vmem>>, %arg4: memref<1x128xf32, #tpu.memory_space<vmem>>, %arg5: memref<1x128xf32, #tpu.memory_space<vmem>>, %arg6: memref<1x128xf32, #tpu.memory_space<vmem>>, %arg7: memref<1x128xf32, #tpu.memory_space<vmem>>) attributes {dimension_semantics = [#tpu.dimension_semantics<arbitrary>], iteration_bounds = array<i64: 80>, scalar_prefetch = 0 : i64, scratch_operands = 0 : i64, tpu.core_type = #tpu.core_type<tc>, window_params = [{transform_indices = @transform_0, window_bounds = array<i64: 2000, 128>}, {transform_indices = @transform_1, window_bounds = array<i64: 2000, 16>}, {pipeline_mode = #tpu.pipeline_mode<synchronous>, transform_indices = @transform_2, window_bounds = array<i64: 256, 272>}, {pipeline_mode = #tpu.pipeline_mode<synchronous>, transform_indices = @transform_3, window_bounds = array<i64: 1, 128>}, {pipeline_mode = #tpu.pipeline_mode<synchronous>, transform_indices = @transform_4, window_bounds = array<i64: 1, 128>}, {pipeline_mode = #tpu.pipeline_mode<synchronous>, transform_indices = @transform_5, window_bounds = array<i64: 1, 128>}, {pipeline_mode = #tpu.pipeline_mode<synchronous>, transform_indices = @transform_6, window_bounds = array<i64: 1, 128>}]} {
    %eq3A = arith.constant 0 : i32
    %eq3A_0 = arith.cmpi eq, %arg0, %eq3A : i32
    %convert_element_type3A = arith.extui %eq3A_0 : i1 to i32
    %cond3A = arith.constant 0 : i32
    %cond3A_1 = arith.cmpi ne, %convert_element_type3A, %cond3A : i32
    scf.if %cond3A_1 {
      %broadcast_in_dim3A_58 = arith.constant 0.000000e+00 : f32
      %broadcast_in_dim3A_59 = vector.broadcast %broadcast_in_dim3A_58 : f32 to vector<1x128xf32>
      %swap3A_60 = arith.constant 0 : index
      %swap3A_61 = arith.constant 0 : index
      %swap3A_62 = vector.load %arg4[%swap3A_60, %swap3A_61] : memref<1x128xf32, #tpu.memory_space<vmem>>, vector<1x128xf32>
      tpu.vector_store %arg4[%swap3A_60, %swap3A_61], %broadcast_in_dim3A_59 {strides = array<i32>} : memref<1x128xf32, #tpu.memory_space<vmem>>, vector<1x128xf32>,
      %broadcast_in_dim3A_63 = arith.constant 0.000000e+00 : f32
      %broadcast_in_dim3A_64 = vector.broadcast %broadcast_in_dim3A_63 : f32 to vector<1x128xf32>
      %swap3A_65 = arith.constant 0 : index
      %swap3A_66 = arith.constant 0 : index
      %swap3A_67 = vector.load %arg5[%swap3A_65, %swap3A_66] : memref<1x128xf32, #tpu.memory_space<vmem>>, vector<1x128xf32>
      tpu.vector_store %arg5[%swap3A_65, %swap3A_66], %broadcast_in_dim3A_64 {strides = array<i32>} : memref<1x128xf32, #tpu.memory_space<vmem>>, vector<1x128xf32>,
      %broadcast_in_dim3A_68 = arith.constant 0.000000e+00 : f32
      %broadcast_in_dim3A_69 = vector.broadcast %broadcast_in_dim3A_68 : f32 to vector<1x128xf32>
      %swap3A_70 = arith.constant 0 : index
      %swap3A_71 = arith.constant 0 : index
      %swap3A_72 = vector.load %arg6[%swap3A_70, %swap3A_71] : memref<1x128xf32, #tpu.memory_space<vmem>>, vector<1x128xf32>
      tpu.vector_store %arg6[%swap3A_70, %swap3A_71], %broadcast_in_dim3A_69 {strides = array<i32>} : memref<1x128xf32, #tpu.memory_space<vmem>>, vector<1x128xf32>,
      %broadcast_in_dim3A_73 = arith.constant 0.000000e+00 : f32
      %broadcast_in_dim3A_74 = vector.broadcast %broadcast_in_dim3A_73 : f32 to vector<1x128xf32>
      %swap3A_75 = arith.constant 0 : index
      %swap3A_76 = arith.constant 0 : index
      %swap3A_77 = vector.load %arg7[%swap3A_75, %swap3A_76] : memref<1x128xf32, #tpu.memory_space<vmem>>, vector<1x128xf32>
      tpu.vector_store %arg7[%swap3A_75, %swap3A_76], %broadcast_in_dim3A_74 {strides = array<i32>} : memref<1x128xf32, #tpu.memory_space<vmem>>, vector<1x128xf32>,
    } else {
    }
    %get3A = arith.constant 0 : index
    %get3A_2 = arith.constant 0 : index
    %get3A_3 = vector.load %arg1[%get3A, %get3A_2] : memref<2000x128xi32, #tpu.memory_space<vmem>>, vector<2000x128xi32>
    %shift_left3A = arith.constant 16 : i32
    %shift_left3A_4 = vector.broadcast %shift_left3A : i32 to vector<2000x128xi32>
    %shift_left3A_5 = arith.shli %get3A_3, %shift_left3A_4 : vector<2000x128xi32>
    %bitcast_convert_type3A = tpu.bitcast %shift_left3A_5 : vector<2000x128xi32> -> vector<2000x128xf32>
    %and3A = arith.constant -65536 : i32
    %and3A_6 = vector.broadcast %and3A : i32 to vector<2000x128xi32>
    %and3A_7 = arith.andi %get3A_3, %and3A_6 : vector<2000x128xi32>
    %bitcast_convert_type3A_8 = tpu.bitcast %and3A_7 : vector<2000x128xi32> -> vector<2000x128xf32>
    %get3A_9 = arith.constant 0 : index
    %get3A_10 = arith.constant 0 : index
    %get3A_11 = vector.load %arg2[%get3A_9, %get3A_10] : memref<2000x16xf32, #tpu.memory_space<vmem>>, vector<2000x16xf32>
    %get3A_12 = arith.constant 0 : index
    %get3A_13 = arith.constant 0 : index
    %get3A_14 = vector.load %arg3[%get3A_12, %get3A_13] : memref<256x272xf32, #tpu.memory_space<vmem>>, vector<256x272xf32>
    %slice3A = vector.extract_strided_slice %get3A_14 {offsets = [0, 256], sizes = [128, 16], strides = [1, 1]} : vector<256x272xf32> to vector<128x16xf32>
    %dot_general3A = arith.constant dense<0.000000e+00> : vector<2000x128xf32>
    %dot_general3A_15 = tpu.matmul %get3A_11, %slice3A, %dot_general3A {dimension_numbers = #tpu.dot_dimension_numbers<[1], [1], [0], [0], [0, 0, 1, 0], [], []>, transpose_lhs_hint = false} : vector<2000x16xf32>, vector<128x16xf32>, vector<2000x128xf32> -> vector<2000x128xf32>
    %add3A = arith.addf %bitcast_convert_type3A, %dot_general3A_15 : vector<2000x128xf32>
    %slice3A_16 = vector.extract_strided_slice %get3A_14 {offsets = [128, 256], sizes = [128, 16], strides = [1, 1]} : vector<256x272xf32> to vector<128x16xf32>
    %dot_general3A_17 = arith.constant dense<0.000000e+00> : vector<2000x128xf32>
    %dot_general3A_18 = tpu.matmul %get3A_11, %slice3A_16, %dot_general3A_17 {dimension_numbers = #tpu.dot_dimension_numbers<[1], [1], [0], [0], [0, 0, 1, 0], [], []>, transpose_lhs_hint = false} : vector<2000x16xf32>, vector<128x16xf32>, vector<2000x128xf32> -> vector<2000x128xf32>
    %add3A_19 = arith.addf %bitcast_convert_type3A_8, %dot_general3A_18 : vector<2000x128xf32>
    %get3A_20 = arith.constant 0 : index
    %get3A_21 = arith.constant 0 : index
    %get3A_22 = vector.load %arg4[%get3A_20, %get3A_21] : memref<1x128xf32, #tpu.memory_space<vmem>>, vector<1x128xf32>
    %reduce_sum3A = arith.constant dense<0.000000e+00> : vector<128xf32>
    %reduce_sum3A_23 = vector.multi_reduction <add>, %add3A, %reduce_sum3A [0] : vector<2000x128xf32> to vector<128xf32>
    %broadcast_in_dim3A = vector.shape_cast %reduce_sum3A_23 : vector<128xf32> to vector<1x128xf32>
    %add3A_24 = arith.addf %get3A_22, %broadcast_in_dim3A : vector<1x128xf32>
    %swap3A = arith.constant 0 : index
    %swap3A_25 = arith.constant 0 : index
    %swap3A_26 = vector.load %arg4[%swap3A, %swap3A_25] : memref<1x128xf32, #tpu.memory_space<vmem>>, vector<1x128xf32>
    tpu.vector_store %arg4[%swap3A, %swap3A_25], %add3A_24 {strides = array<i32>} : memref<1x128xf32, #tpu.memory_space<vmem>>, vector<1x128xf32>,
    %get3A_27 = arith.constant 0 : index
    %get3A_28 = arith.constant 0 : index
    %get3A_29 = vector.load %arg5[%get3A_27, %get3A_28] : memref<1x128xf32, #tpu.memory_space<vmem>>, vector<1x128xf32>
    %mul3A = arith.mulf %add3A, %add3A : vector<2000x128xf32>
    %reduce_sum3A_30 = arith.constant dense<0.000000e+00> : vector<128xf32>
    %reduce_sum3A_31 = vector.multi_reduction <add>, %mul3A, %reduce_sum3A_30 [0] : vector<2000x128xf32> to vector<128xf32>
    %broadcast_in_dim3A_32 = vector.shape_cast %reduce_sum3A_31 : vector<128xf32> to vector<1x128xf32>
    %add3A_33 = arith.addf %get3A_29, %broadcast_in_dim3A_32 : vector<1x128xf32>
    %swap3A_34 = arith.constant 0 : index
    %swap3A_35 = arith.constant 0 : index
    %swap3A_36 = vector.load %arg5[%swap3A_34, %swap3A_35] : memref<1x128xf32, #tpu.memory_space<vmem>>, vector<1x128xf32>
    tpu.vector_store %arg5[%swap3A_34, %swap3A_35], %add3A_33 {strides = array<i32>} : memref<1x128xf32, #tpu.memory_space<vmem>>, vector<1x128xf32>,
    %get3A_37 = arith.constant 0 : index
    %get3A_38 = arith.constant 0 : index
    %get3A_39 = vector.load %arg6[%get3A_37, %get3A_38] : memref<1x128xf32, #tpu.memory_space<vmem>>, vector<1x128xf32>
    %reduce_sum3A_40 = arith.constant dense<0.000000e+00> : vector<128xf32>
    %reduce_sum3A_41 = vector.multi_reduction <add>, %add3A_19, %reduce_sum3A_40 [0] : vector<2000x128xf32> to vector<128xf32>
    %broadcast_in_dim3A_42 = vector.shape_cast %reduce_sum3A_41 : vector<128xf32> to vector<1x128xf32>
    %add3A_43 = arith.addf %get3A_39, %broadcast_in_dim3A_42 : vector<1x128xf32>
    %swap3A_44 = arith.constant 0 : index
    %swap3A_45 = arith.constant 0 : index
    %swap3A_46 = vector.load %arg6[%swap3A_44, %swap3A_45] : memref<1x128xf32, #tpu.memory_space<vmem>>, vector<1x128xf32>
    tpu.vector_store %arg6[%swap3A_44, %swap3A_45], %add3A_43 {strides = array<i32>} : memref<1x128xf32, #tpu.memory_space<vmem>>, vector<1x128xf32>,
    %get3A_47 = arith.constant 0 : index
    %get3A_48 = arith.constant 0 : index
    %get3A_49 = vector.load %arg7[%get3A_47, %get3A_48] : memref<1x128xf32, #tpu.memory_space<vmem>>, vector<1x128xf32>
    %mul3A_50 = arith.mulf %add3A_19, %add3A_19 : vector<2000x128xf32>
    %reduce_sum3A_51 = arith.constant dense<0.000000e+00> : vector<128xf32>
    %reduce_sum3A_52 = vector.multi_reduction <add>, %mul3A_50, %reduce_sum3A_51 [0] : vector<2000x128xf32> to vector<128xf32>
    %broadcast_in_dim3A_53 = vector.shape_cast %reduce_sum3A_52 : vector<128xf32> to vector<1x128xf32>
    %add3A_54 = arith.addf %get3A_49, %broadcast_in_dim3A_53 : vector<1x128xf32>
    %swap3A_55 = arith.constant 0 : index
    %swap3A_56 = arith.constant 0 : index
    %swap3A_57 = vector.load %arg7[%swap3A_55, %swap3A_56] : memref<1x128xf32, #tpu.memory_space<vmem>>, vector<1x128xf32>
    tpu.vector_store %arg7[%swap3A_55, %swap3A_56], %add3A_54 {strides = array<i32>} : memref<1x128xf32, #tpu.memory_space<vmem>>, vector<1x128xf32>,
    return
  }
  func.func @transform_0(%arg0: i32) -> (i32, i32) {
    %c0_i32 = arith.constant 0 : i32
    %c0_i32_0 = arith.constant 0 : i32
    return %arg0, %c0_i32 : i32, i32
  }
  func.func @transform_1(%arg0: i32) -> (i32, i32) {
    %add3A = arith.constant 80 : i32
    %add3A_0 = arith.addi %arg0, %add3A : i32
    %c0_i32 = arith.constant 0 : i32
    %c0_i32_1 = arith.constant 0 : i32
    return %add3A_0, %c0_i32 : i32, i32
  }
  func.func @transform_2(%arg0: i32) -> (i32, i32) {
    %c0_i32 = arith.constant 0 : i32
    %c0_i32_0 = arith.constant 0 : i32
    %c0_i32_1 = arith.constant 0 : i32
    return %c0_i32, %c0_i32_0 : i32, i32
  }
  func.func @transform_3(%arg0: i32) -> (i32, i32) {
    %c0_i32 = arith.constant 0 : i32
    %c0_i32_0 = arith.constant 0 : i32
    %c0_i32_1 = arith.constant 0 : i32
    return %c0_i32, %c0_i32_0 : i32, i32
  }
  func.func @transform_4(%arg0: i32) -> (i32, i32) {
    %c0_i32 = arith.constant 0 : i32
    %c0_i32_0 = arith.constant 0 : i32
    %c0_i32_1 = arith.constant 0 : i32
    return %c0_i32, %c0_i32_0 : i32, i32
  }
  func.func @transform_5(%arg0: i32) -> (i32, i32) {
    %c0_i32 = arith.constant 0 : i32
    %c0_i32_0 = arith.constant 0 : i32
    %c0_i32_1 = arith.constant 0 : i32
    return %c0_i32, %c0_i32_0 : i32, i32
  }
  func.func @transform_6(%arg0: i32) -> (i32, i32) {
    %c0_i32 = arith.constant 0 : i32
    %c0_i32_0 = arith.constant 0 : i32
    %c0_i32_1 = arith.constant 0 : i32
    return %c0_i32, %c0_i32_0 : i32, i32
  }
}

module attributes {stable_mosaic.version = 14 : i64} {
  func.func @_msg_body(%arg0: i32, %arg1: memref<2000x128xi32, #tpu.memory_space<vmem>>, %arg2: memref<2000x16xf32, #tpu.memory_space<vmem>>, %arg3: memref<256x272xf32, #tpu.memory_space<vmem>>, %arg4: memref<1x128xf32, #tpu.memory_space<vmem>>, %arg5: memref<1x128xf32, #tpu.memory_space<vmem>>, %arg6: memref<1x128xf32, #tpu.memory_space<vmem>>, %arg7: memref<1x128xf32, #tpu.memory_space<vmem>>, %arg8: memref<1x256xf32, #tpu.memory_space<vmem>>, %arg9: memref<1x256xf32, #tpu.memory_space<vmem>>, %arg10: memref<2000x128xf32, #tpu.memory_space<vmem>>) attributes {dimension_semantics = [#tpu.dimension_semantics<arbitrary>], iteration_bounds = array<i64: 80>, scalar_prefetch = 0 : i64, scratch_operands = 0 : i64, tpu.core_type = #tpu.core_type<tc>, window_params = [{transform_indices = @transform_0, window_bounds = array<i64: 2000, 128>}, {transform_indices = @transform_1, window_bounds = array<i64: 2000, 16>}, {pipeline_mode = #tpu.pipeline_mode<synchronous>, transform_indices = @transform_2, window_bounds = array<i64: 256, 272>}, {pipeline_mode = #tpu.pipeline_mode<synchronous>, transform_indices = @transform_3, window_bounds = array<i64: 1, 128>}, {pipeline_mode = #tpu.pipeline_mode<synchronous>, transform_indices = @transform_4, window_bounds = array<i64: 1, 128>}, {pipeline_mode = #tpu.pipeline_mode<synchronous>, transform_indices = @transform_5, window_bounds = array<i64: 1, 128>}, {pipeline_mode = #tpu.pipeline_mode<synchronous>, transform_indices = @transform_6, window_bounds = array<i64: 1, 128>}, {pipeline_mode = #tpu.pipeline_mode<synchronous>, transform_indices = @transform_7, window_bounds = array<i64: 1, 256>}, {pipeline_mode = #tpu.pipeline_mode<synchronous>, transform_indices = @transform_8, window_bounds = array<i64: 1, 256>}, {transform_indices = @transform_9, window_bounds = array<i64: 2000, 128>}]} {
    %get3A = arith.constant 0 : index
    %get3A_0 = arith.constant 0 : index
    %get3A_1 = vector.load %arg8[%get3A, %get3A_0] : memref<1x256xf32, #tpu.memory_space<vmem>>, vector<1x256xf32>
    %get3A_2 = arith.constant 0 : index
    %get3A_3 = arith.constant 0 : index
    %get3A_4 = vector.load %arg9[%get3A_2, %get3A_3] : memref<1x256xf32, #tpu.memory_space<vmem>>, vector<1x256xf32>
    %get3A_5 = arith.constant 0 : index
    %get3A_6 = arith.constant 0 : index
    %get3A_7 = vector.load %arg4[%get3A_5, %get3A_6] : memref<1x128xf32, #tpu.memory_space<vmem>>, vector<1x128xf32>
    %div3A = arith.constant 3.200000e+05 : f32
    %div3A_8 = vector.broadcast %div3A : f32 to vector<1x128xf32>
    %div3A_9 = arith.divf %get3A_7, %div3A_8 : vector<1x128xf32>
    %get3A_10 = arith.constant 0 : index
    %get3A_11 = arith.constant 0 : index
    %get3A_12 = vector.load %arg6[%get3A_10, %get3A_11] : memref<1x128xf32, #tpu.memory_space<vmem>>, vector<1x128xf32>
    %div3A_13 = arith.constant 3.200000e+05 : f32
    %div3A_14 = vector.broadcast %div3A_13 : f32 to vector<1x128xf32>
    %div3A_15 = arith.divf %get3A_12, %div3A_14 : vector<1x128xf32>
    %get3A_16 = arith.constant 0 : index
    %get3A_17 = arith.constant 0 : index
    %get3A_18 = vector.load %arg5[%get3A_16, %get3A_17] : memref<1x128xf32, #tpu.memory_space<vmem>>, vector<1x128xf32>
    %div3A_19 = arith.constant 3.200000e+05 : f32
    %div3A_20 = vector.broadcast %div3A_19 : f32 to vector<1x128xf32>
    %div3A_21 = arith.divf %get3A_18, %div3A_20 : vector<1x128xf32>
    %mul3A = arith.mulf %div3A_9, %div3A_9 : vector<1x128xf32>
    %sub3A = arith.subf %div3A_21, %mul3A : vector<1x128xf32>
    %get3A_22 = arith.constant 0 : index
    %get3A_23 = arith.constant 0 : index
    %get3A_24 = vector.load %arg7[%get3A_22, %get3A_23] : memref<1x128xf32, #tpu.memory_space<vmem>>, vector<1x128xf32>
    %div3A_25 = arith.constant 3.200000e+05 : f32
    %div3A_26 = vector.broadcast %div3A_25 : f32 to vector<1x128xf32>
    %div3A_27 = arith.divf %get3A_24, %div3A_26 : vector<1x128xf32>
    %mul3A_28 = arith.mulf %div3A_15, %div3A_15 : vector<1x128xf32>
    %sub3A_29 = arith.subf %div3A_27, %mul3A_28 : vector<1x128xf32>
    %slice3A = vector.extract_strided_slice %get3A_1 {offsets = [0, 0], sizes = [1, 128], strides = [1, 1]} : vector<1x256xf32> to vector<1x128xf32>
    %add3A = arith.constant 9.99999974E-6 : f32
    %add3A_30 = vector.broadcast %add3A : f32 to vector<1x128xf32>
    %add3A_31 = arith.addf %sub3A, %add3A_30 : vector<1x128xf32>
    %rsqrt3A = math.rsqrt %add3A_31 : vector<1x128xf32>
    %mul3A_32 = arith.mulf %slice3A, %rsqrt3A : vector<1x128xf32>
    %slice3A_33 = vector.extract_strided_slice %get3A_1 {offsets = [0, 128], sizes = [1, 128], strides = [1, 1]} : vector<1x256xf32> to vector<1x128xf32>
    %add3A_34 = arith.constant 9.99999974E-6 : f32
    %add3A_35 = vector.broadcast %add3A_34 : f32 to vector<1x128xf32>
    %add3A_36 = arith.addf %sub3A_29, %add3A_35 : vector<1x128xf32>
    %rsqrt3A_37 = math.rsqrt %add3A_36 : vector<1x128xf32>
    %mul3A_38 = arith.mulf %slice3A_33, %rsqrt3A_37 : vector<1x128xf32>
    %slice3A_39 = vector.extract_strided_slice %get3A_4 {offsets = [0, 0], sizes = [1, 128], strides = [1, 1]} : vector<1x256xf32> to vector<1x128xf32>
    %mul3A_40 = arith.mulf %div3A_9, %mul3A_32 : vector<1x128xf32>
    %sub3A_41 = arith.subf %slice3A_39, %mul3A_40 : vector<1x128xf32>
    %slice3A_42 = vector.extract_strided_slice %get3A_4 {offsets = [0, 128], sizes = [1, 128], strides = [1, 1]} : vector<1x256xf32> to vector<1x128xf32>
    %mul3A_43 = arith.mulf %div3A_15, %mul3A_38 : vector<1x128xf32>
    %sub3A_44 = arith.subf %slice3A_42, %mul3A_43 : vector<1x128xf32>
    %get3A_45 = arith.constant 0 : index
    %get3A_46 = arith.constant 0 : index
    %get3A_47 = vector.load %arg1[%get3A_45, %get3A_46] : memref<2000x128xi32, #tpu.memory_space<vmem>>, vector<2000x128xi32>
    %shift_left3A = arith.constant 16 : i32
    %shift_left3A_48 = vector.broadcast %shift_left3A : i32 to vector<2000x128xi32>
    %shift_left3A_49 = arith.shli %get3A_47, %shift_left3A_48 : vector<2000x128xi32>
    %bitcast_convert_type3A = tpu.bitcast %shift_left3A_49 : vector<2000x128xi32> -> vector<2000x128xf32>
    %and3A = arith.constant -65536 : i32
    %and3A_50 = vector.broadcast %and3A : i32 to vector<2000x128xi32>
    %and3A_51 = arith.andi %get3A_47, %and3A_50 : vector<2000x128xi32>
    %bitcast_convert_type3A_52 = tpu.bitcast %and3A_51 : vector<2000x128xi32> -> vector<2000x128xf32>
    %get3A_53 = arith.constant 0 : index
    %get3A_54 = arith.constant 0 : index
    %get3A_55 = vector.load %arg2[%get3A_53, %get3A_54] : memref<2000x16xf32, #tpu.memory_space<vmem>>, vector<2000x16xf32>
    %get3A_56 = arith.constant 0 : index
    %get3A_57 = arith.constant 0 : index
    %get3A_58 = vector.load %arg3[%get3A_56, %get3A_57] : memref<256x272xf32, #tpu.memory_space<vmem>>, vector<256x272xf32>
    %slice3A_59 = vector.extract_strided_slice %get3A_58 {offsets = [0, 256], sizes = [128, 16], strides = [1, 1]} : vector<256x272xf32> to vector<128x16xf32>
    %dot_general3A = arith.constant dense<0.000000e+00> : vector<2000x128xf32>
    %dot_general3A_60 = tpu.matmul %get3A_55, %slice3A_59, %dot_general3A {dimension_numbers = #tpu.dot_dimension_numbers<[1], [1], [0], [0], [0, 0, 1, 0], [], []>, transpose_lhs_hint = false} : vector<2000x16xf32>, vector<128x16xf32>, vector<2000x128xf32> -> vector<2000x128xf32>
    %add3A_61 = arith.addf %bitcast_convert_type3A, %dot_general3A_60 : vector<2000x128xf32>
    %mul3A_62 = vector.broadcast %mul3A_32 : vector<1x128xf32> to vector<2000x128xf32>
    %mul3A_63 = arith.mulf %add3A_61, %mul3A_62 : vector<2000x128xf32>
    %add3A_64 = vector.broadcast %sub3A_41 : vector<1x128xf32> to vector<2000x128xf32>
    %add3A_65 = arith.addf %mul3A_63, %add3A_64 : vector<2000x128xf32>
    %slice3A_66 = vector.extract_strided_slice %get3A_58 {offsets = [128, 256], sizes = [128, 16], strides = [1, 1]} : vector<256x272xf32> to vector<128x16xf32>
    %dot_general3A_67 = arith.constant dense<0.000000e+00> : vector<2000x128xf32>
    %dot_general3A_68 = tpu.matmul %get3A_55, %slice3A_66, %dot_general3A_67 {dimension_numbers = #tpu.dot_dimension_numbers<[1], [1], [0], [0], [0, 0, 1, 0], [], []>, transpose_lhs_hint = false} : vector<2000x16xf32>, vector<128x16xf32>, vector<2000x128xf32> -> vector<2000x128xf32>
    %add3A_69 = arith.addf %bitcast_convert_type3A_52, %dot_general3A_68 : vector<2000x128xf32>
    %mul3A_70 = vector.broadcast %mul3A_38 : vector<1x128xf32> to vector<2000x128xf32>
    %mul3A_71 = arith.mulf %add3A_69, %mul3A_70 : vector<2000x128xf32>
    %add3A_72 = vector.broadcast %sub3A_44 : vector<1x128xf32> to vector<2000x128xf32>
    %add3A_73 = arith.addf %mul3A_71, %add3A_72 : vector<2000x128xf32>
    %logistic3A = arith.negf %add3A_65 : vector<2000x128xf32>
    %logistic3A_74 = math.exp %logistic3A : vector<2000x128xf32>
    %logistic3A_75 = arith.constant 1.000000e+00 : f32
    %logistic3A_76 = vector.broadcast %logistic3A_75 : f32 to vector<2000x128xf32>
    %logistic3A_77 = arith.addf %logistic3A_76, %logistic3A_74 : vector<2000x128xf32>
    %logistic3A_78 = arith.divf %logistic3A_76, %logistic3A_77 : vector<2000x128xf32>
    %custom_jvp_call3A = arith.constant 0.000000e+00 : f32
    %max3A = vector.broadcast %custom_jvp_call3A : f32 to vector<2000x128xf32>
    %max3A_79 = arith.maximumf %add3A_73, %max3A : vector<2000x128xf32>
    %sub3A_80 = vector.broadcast %custom_jvp_call3A : f32 to vector<2000x128xf32>
    %sub3A_81 = arith.subf %add3A_73, %sub3A_80 : vector<2000x128xf32>
    %ne3A = arith.cmpf one, %sub3A_81, %sub3A_81 : vector<2000x128xf32>
    %add3A_82 = vector.broadcast %custom_jvp_call3A : f32 to vector<2000x128xf32>
    %add3A_83 = arith.addf %add3A_73, %add3A_82 : vector<2000x128xf32>
    %abs3A = math.absf %sub3A_81 : vector<2000x128xf32>
    %neg3A = arith.constant 0.000000e+00 : f32
    %neg3A_84 = vector.broadcast %neg3A : f32 to vector<2000x128xf32>
    %neg3A_85 = arith.subf %neg3A_84, %abs3A : vector<2000x128xf32>
    %exp3A = math.exp %neg3A_85 : vector<2000x128xf32>
    %log1p3A = math.log1p %exp3A : vector<2000x128xf32>
    %add3A_86 = arith.addf %max3A_79, %log1p3A : vector<2000x128xf32>
    %select_n3A = arith.select %ne3A, %add3A_83, %add3A_86 : vector<2000x128xi1>, vector<2000x128xf32>
    %mul3A_87 = arith.mulf %logistic3A_78, %select_n3A : vector<2000x128xf32>
    %swap3A = arith.constant 0 : index
    %swap3A_88 = arith.constant 0 : index
    %swap3A_89 = vector.load %arg10[%swap3A, %swap3A_88] : memref<2000x128xf32, #tpu.memory_space<vmem>>, vector<2000x128xf32>
    tpu.vector_store %arg10[%swap3A, %swap3A_88], %mul3A_87 {strides = array<i32>} : memref<2000x128xf32, #tpu.memory_space<vmem>>, vector<2000x128xf32>,
    return
  }
  func.func @transform_0(%arg0: i32) -> (i32, i32) {
    %c0_i32 = arith.constant 0 : i32
    %c0_i32_0 = arith.constant 0 : i32
    return %arg0, %c0_i32 : i32, i32
  }
  func.func @transform_1(%arg0: i32) -> (i32, i32) {
    %add3A = arith.constant 80 : i32
    %add3A_0 = arith.addi %arg0, %add3A : i32
    %c0_i32 = arith.constant 0 : i32
    %c0_i32_1 = arith.constant 0 : i32
    return %add3A_0, %c0_i32 : i32, i32
  }
  func.func @transform_2(%arg0: i32) -> (i32, i32) {
    %c0_i32 = arith.constant 0 : i32
    %c0_i32_0 = arith.constant 0 : i32
    %c0_i32_1 = arith.constant 0 : i32
    return %c0_i32, %c0_i32_0 : i32, i32
  }
  func.func @transform_3(%arg0: i32) -> (i32, i32) {
    %c0_i32 = arith.constant 0 : i32
    %c0_i32_0 = arith.constant 0 : i32
    %c0_i32_1 = arith.constant 0 : i32
    return %c0_i32, %c0_i32_0 : i32, i32
  }
  func.func @transform_4(%arg0: i32) -> (i32, i32) {
    %c0_i32 = arith.constant 0 : i32
    %c0_i32_0 = arith.constant 0 : i32
    %c0_i32_1 = arith.constant 0 : i32
    return %c0_i32, %c0_i32_0 : i32, i32
  }
  func.func @transform_5(%arg0: i32) -> (i32, i32) {
    %c0_i32 = arith.constant 0 : i32
    %c0_i32_0 = arith.constant 0 : i32
    %c0_i32_1 = arith.constant 0 : i32
    return %c0_i32, %c0_i32_0 : i32, i32
  }
  func.func @transform_6(%arg0: i32) -> (i32, i32) {
    %c0_i32 = arith.constant 0 : i32
    %c0_i32_0 = arith.constant 0 : i32
    %c0_i32_1 = arith.constant 0 : i32
    return %c0_i32, %c0_i32_0 : i32, i32
  }
  func.func @transform_7(%arg0: i32) -> (i32, i32) {
    %c0_i32 = arith.constant 0 : i32
    %c0_i32_0 = arith.constant 0 : i32
    %c0_i32_1 = arith.constant 0 : i32
    return %c0_i32, %c0_i32_0 : i32, i32
  }
  func.func @transform_8(%arg0: i32) -> (i32, i32) {
    %c0_i32 = arith.constant 0 : i32
    %c0_i32_0 = arith.constant 0 : i32
    %c0_i32_1 = arith.constant 0 : i32
    return %c0_i32, %c0_i32_0 : i32, i32
  }
  func.func @transform_9(%arg0: i32) -> (i32, i32) {
    %c0_i32 = arith.constant 0 : i32
    %c0_i32_0 = arith.constant 0 : i32
    return %arg0, %c0_i32 : i32, i32
  }
}

module attributes {stable_mosaic.version = 14 : i64} {
  func.func @_msg_body(%arg0: i32, %arg1: memref<2000x128xi32, #tpu.memory_space<vmem>>, %arg2: memref<2000x16xf32, #tpu.memory_space<vmem>>, %arg3: memref<256x272xf32, #tpu.memory_space<vmem>>, %arg4: memref<1x128xf32, #tpu.memory_space<vmem>>, %arg5: memref<1x128xf32, #tpu.memory_space<vmem>>, %arg6: memref<1x128xf32, #tpu.memory_space<vmem>>, %arg7: memref<1x128xf32, #tpu.memory_space<vmem>>, %arg8: memref<1x256xf32, #tpu.memory_space<vmem>>, %arg9: memref<1x256xf32, #tpu.memory_space<vmem>>, %arg10: memref<2000x128xf32, #tpu.memory_space<vmem>>) attributes {dimension_semantics = [#tpu.dimension_semantics<arbitrary>], iteration_bounds = array<i64: 80>, scalar_prefetch = 0 : i64, scratch_operands = 0 : i64, tpu.core_type = #tpu.core_type<tc>, window_params = [{transform_indices = @transform_0, window_bounds = array<i64: 2000, 128>}, {transform_indices = @transform_1, window_bounds = array<i64: 2000, 16>}, {pipeline_mode = #tpu.pipeline_mode<synchronous>, transform_indices = @transform_2, window_bounds = array<i64: 256, 272>}, {pipeline_mode = #tpu.pipeline_mode<synchronous>, transform_indices = @transform_3, window_bounds = array<i64: 1, 128>}, {pipeline_mode = #tpu.pipeline_mode<synchronous>, transform_indices = @transform_4, window_bounds = array<i64: 1, 128>}, {pipeline_mode = #tpu.pipeline_mode<synchronous>, transform_indices = @transform_5, window_bounds = array<i64: 1, 128>}, {pipeline_mode = #tpu.pipeline_mode<synchronous>, transform_indices = @transform_6, window_bounds = array<i64: 1, 128>}, {pipeline_mode = #tpu.pipeline_mode<synchronous>, transform_indices = @transform_7, window_bounds = array<i64: 1, 256>}, {pipeline_mode = #tpu.pipeline_mode<synchronous>, transform_indices = @transform_8, window_bounds = array<i64: 1, 256>}, {transform_indices = @transform_9, window_bounds = array<i64: 2000, 128>}]} {
    %get3A = arith.constant 0 : index
    %get3A_0 = arith.constant 0 : index
    %get3A_1 = vector.load %arg8[%get3A, %get3A_0] : memref<1x256xf32, #tpu.memory_space<vmem>>, vector<1x256xf32>
    %get3A_2 = arith.constant 0 : index
    %get3A_3 = arith.constant 0 : index
    %get3A_4 = vector.load %arg9[%get3A_2, %get3A_3] : memref<1x256xf32, #tpu.memory_space<vmem>>, vector<1x256xf32>
    %get3A_5 = arith.constant 0 : index
    %get3A_6 = arith.constant 0 : index
    %get3A_7 = vector.load %arg4[%get3A_5, %get3A_6] : memref<1x128xf32, #tpu.memory_space<vmem>>, vector<1x128xf32>
    %div3A = arith.constant 3.200000e+05 : f32
    %div3A_8 = vector.broadcast %div3A : f32 to vector<1x128xf32>
    %div3A_9 = arith.divf %get3A_7, %div3A_8 : vector<1x128xf32>
    %get3A_10 = arith.constant 0 : index
    %get3A_11 = arith.constant 0 : index
    %get3A_12 = vector.load %arg6[%get3A_10, %get3A_11] : memref<1x128xf32, #tpu.memory_space<vmem>>, vector<1x128xf32>
    %div3A_13 = arith.constant 3.200000e+05 : f32
    %div3A_14 = vector.broadcast %div3A_13 : f32 to vector<1x128xf32>
    %div3A_15 = arith.divf %get3A_12, %div3A_14 : vector<1x128xf32>
    %get3A_16 = arith.constant 0 : index
    %get3A_17 = arith.constant 0 : index
    %get3A_18 = vector.load %arg5[%get3A_16, %get3A_17] : memref<1x128xf32, #tpu.memory_space<vmem>>, vector<1x128xf32>
    %div3A_19 = arith.constant 3.200000e+05 : f32
    %div3A_20 = vector.broadcast %div3A_19 : f32 to vector<1x128xf32>
    %div3A_21 = arith.divf %get3A_18, %div3A_20 : vector<1x128xf32>
    %mul3A = arith.mulf %div3A_9, %div3A_9 : vector<1x128xf32>
    %sub3A = arith.subf %div3A_21, %mul3A : vector<1x128xf32>
    %get3A_22 = arith.constant 0 : index
    %get3A_23 = arith.constant 0 : index
    %get3A_24 = vector.load %arg7[%get3A_22, %get3A_23] : memref<1x128xf32, #tpu.memory_space<vmem>>, vector<1x128xf32>
    %div3A_25 = arith.constant 3.200000e+05 : f32
    %div3A_26 = vector.broadcast %div3A_25 : f32 to vector<1x128xf32>
    %div3A_27 = arith.divf %get3A_24, %div3A_26 : vector<1x128xf32>
    %mul3A_28 = arith.mulf %div3A_15, %div3A_15 : vector<1x128xf32>
    %sub3A_29 = arith.subf %div3A_27, %mul3A_28 : vector<1x128xf32>
    %slice3A = vector.extract_strided_slice %get3A_1 {offsets = [0, 0], sizes = [1, 128], strides = [1, 1]} : vector<1x256xf32> to vector<1x128xf32>
    %add3A = arith.constant 9.99999974E-6 : f32
    %add3A_30 = vector.broadcast %add3A : f32 to vector<1x128xf32>
    %add3A_31 = arith.addf %sub3A, %add3A_30 : vector<1x128xf32>
    %rsqrt3A = math.rsqrt %add3A_31 : vector<1x128xf32>
    %mul3A_32 = arith.mulf %slice3A, %rsqrt3A : vector<1x128xf32>
    %slice3A_33 = vector.extract_strided_slice %get3A_1 {offsets = [0, 128], sizes = [1, 128], strides = [1, 1]} : vector<1x256xf32> to vector<1x128xf32>
    %add3A_34 = arith.constant 9.99999974E-6 : f32
    %add3A_35 = vector.broadcast %add3A_34 : f32 to vector<1x128xf32>
    %add3A_36 = arith.addf %sub3A_29, %add3A_35 : vector<1x128xf32>
    %rsqrt3A_37 = math.rsqrt %add3A_36 : vector<1x128xf32>
    %mul3A_38 = arith.mulf %slice3A_33, %rsqrt3A_37 : vector<1x128xf32>
    %slice3A_39 = vector.extract_strided_slice %get3A_4 {offsets = [0, 0], sizes = [1, 128], strides = [1, 1]} : vector<1x256xf32> to vector<1x128xf32>
    %mul3A_40 = arith.mulf %div3A_9, %mul3A_32 : vector<1x128xf32>
    %sub3A_41 = arith.subf %slice3A_39, %mul3A_40 : vector<1x128xf32>
    %slice3A_42 = vector.extract_strided_slice %get3A_4 {offsets = [0, 128], sizes = [1, 128], strides = [1, 1]} : vector<1x256xf32> to vector<1x128xf32>
    %mul3A_43 = arith.mulf %div3A_15, %mul3A_38 : vector<1x128xf32>
    %sub3A_44 = arith.subf %slice3A_42, %mul3A_43 : vector<1x128xf32>
    %get3A_45 = arith.constant 0 : index
    %get3A_46 = arith.constant 0 : index
    %get3A_47 = vector.load %arg1[%get3A_45, %get3A_46] : memref<2000x128xi32, #tpu.memory_space<vmem>>, vector<2000x128xi32>
    %shift_left3A = arith.constant 16 : i32
    %shift_left3A_48 = vector.broadcast %shift_left3A : i32 to vector<2000x128xi32>
    %shift_left3A_49 = arith.shli %get3A_47, %shift_left3A_48 : vector<2000x128xi32>
    %bitcast_convert_type3A = tpu.bitcast %shift_left3A_49 : vector<2000x128xi32> -> vector<2000x128xf32>
    %and3A = arith.constant -65536 : i32
    %and3A_50 = vector.broadcast %and3A : i32 to vector<2000x128xi32>
    %and3A_51 = arith.andi %get3A_47, %and3A_50 : vector<2000x128xi32>
    %bitcast_convert_type3A_52 = tpu.bitcast %and3A_51 : vector<2000x128xi32> -> vector<2000x128xf32>
    %get3A_53 = arith.constant 0 : index
    %get3A_54 = arith.constant 0 : index
    %get3A_55 = vector.load %arg2[%get3A_53, %get3A_54] : memref<2000x16xf32, #tpu.memory_space<vmem>>, vector<2000x16xf32>
    %get3A_56 = arith.constant 0 : index
    %get3A_57 = arith.constant 0 : index
    %get3A_58 = vector.load %arg3[%get3A_56, %get3A_57] : memref<256x272xf32, #tpu.memory_space<vmem>>, vector<256x272xf32>
    %slice3A_59 = vector.extract_strided_slice %get3A_58 {offsets = [0, 256], sizes = [128, 16], strides = [1, 1]} : vector<256x272xf32> to vector<128x16xf32>
    %dot_general3A = arith.constant dense<0.000000e+00> : vector<2000x128xf32>
    %dot_general3A_60 = tpu.matmul %get3A_55, %slice3A_59, %dot_general3A {dimension_numbers = #tpu.dot_dimension_numbers<[1], [1], [0], [0], [0, 0, 1, 0], [], []>, transpose_lhs_hint = false} : vector<2000x16xf32>, vector<128x16xf32>, vector<2000x128xf32> -> vector<2000x128xf32>
    %add3A_61 = arith.addf %bitcast_convert_type3A, %dot_general3A_60 : vector<2000x128xf32>
    %mul3A_62 = vector.broadcast %mul3A_32 : vector<1x128xf32> to vector<2000x128xf32>
    %mul3A_63 = arith.mulf %add3A_61, %mul3A_62 : vector<2000x128xf32>
    %add3A_64 = vector.broadcast %sub3A_41 : vector<1x128xf32> to vector<2000x128xf32>
    %add3A_65 = arith.addf %mul3A_63, %add3A_64 : vector<2000x128xf32>
    %slice3A_66 = vector.extract_strided_slice %get3A_58 {offsets = [128, 256], sizes = [128, 16], strides = [1, 1]} : vector<256x272xf32> to vector<128x16xf32>
    %dot_general3A_67 = arith.constant dense<0.000000e+00> : vector<2000x128xf32>
    %dot_general3A_68 = tpu.matmul %get3A_55, %slice3A_66, %dot_general3A_67 {dimension_numbers = #tpu.dot_dimension_numbers<[1], [1], [0], [0], [0, 0, 1, 0], [], []>, transpose_lhs_hint = false} : vector<2000x16xf32>, vector<128x16xf32>, vector<2000x128xf32> -> vector<2000x128xf32>
    %add3A_69 = arith.addf %bitcast_convert_type3A_52, %dot_general3A_68 : vector<2000x128xf32>
    %mul3A_70 = vector.broadcast %mul3A_38 : vector<1x128xf32> to vector<2000x128xf32>
    %mul3A_71 = arith.mulf %add3A_69, %mul3A_70 : vector<2000x128xf32>
    %add3A_72 = vector.broadcast %sub3A_44 : vector<1x128xf32> to vector<2000x128xf32>
    %add3A_73 = arith.addf %mul3A_71, %add3A_72 : vector<2000x128xf32>
    %logistic3A = arith.negf %add3A_65 : vector<2000x128xf32>
    %logistic3A_74 = math.exp %logistic3A : vector<2000x128xf32>
    %logistic3A_75 = arith.constant 1.000000e+00 : f32
    %logistic3A_76 = vector.broadcast %logistic3A_75 : f32 to vector<2000x128xf32>
    %logistic3A_77 = arith.addf %logistic3A_76, %logistic3A_74 : vector<2000x128xf32>
    %logistic3A_78 = arith.divf %logistic3A_76, %logistic3A_77 : vector<2000x128xf32>
    %custom_jvp_call3A = arith.constant 0.000000e+00 : f32
    %max3A = vector.broadcast %custom_jvp_call3A : f32 to vector<2000x128xf32>
    %max3A_79 = arith.maximumf %add3A_73, %max3A : vector<2000x128xf32>
    %sub3A_80 = vector.broadcast %custom_jvp_call3A : f32 to vector<2000x128xf32>
    %sub3A_81 = arith.subf %add3A_73, %sub3A_80 : vector<2000x128xf32>
    %ne3A = arith.cmpf one, %sub3A_81, %sub3A_81 : vector<2000x128xf32>
    %add3A_82 = vector.broadcast %custom_jvp_call3A : f32 to vector<2000x128xf32>
    %add3A_83 = arith.addf %add3A_73, %add3A_82 : vector<2000x128xf32>
    %abs3A = math.absf %sub3A_81 : vector<2000x128xf32>
    %neg3A = arith.constant 0.000000e+00 : f32
    %neg3A_84 = vector.broadcast %neg3A : f32 to vector<2000x128xf32>
    %neg3A_85 = arith.subf %neg3A_84, %abs3A : vector<2000x128xf32>
    %exp3A = math.exp %neg3A_85 : vector<2000x128xf32>
    %log1p3A = math.log1p %exp3A : vector<2000x128xf32>
    %add3A_86 = arith.addf %max3A_79, %log1p3A : vector<2000x128xf32>
    %select_n3A = arith.select %ne3A, %add3A_83, %add3A_86 : vector<2000x128xi1>, vector<2000x128xf32>
    %mul3A_87 = arith.mulf %logistic3A_78, %select_n3A : vector<2000x128xf32>
    %swap3A = arith.constant 0 : index
    %swap3A_88 = arith.constant 0 : index
    %swap3A_89 = vector.load %arg10[%swap3A, %swap3A_88] : memref<2000x128xf32, #tpu.memory_space<vmem>>, vector<2000x128xf32>
    tpu.vector_store %arg10[%swap3A, %swap3A_88], %mul3A_87 {strides = array<i32>} : memref<2000x128xf32, #tpu.memory_space<vmem>>, vector<2000x128xf32>,
    return
  }
  func.func @transform_0(%arg0: i32) -> (i32, i32) {
    %c0_i32 = arith.constant 0 : i32
    %c0_i32_0 = arith.constant 0 : i32
    return %arg0, %c0_i32 : i32, i32
  }
  func.func @transform_1(%arg0: i32) -> (i32, i32) {
    %add3A = arith.constant 0 : i32
    %add3A_0 = arith.addi %arg0, %add3A : i32
    %c0_i32 = arith.constant 0 : i32
    %c0_i32_1 = arith.constant 0 : i32
    return %add3A_0, %c0_i32 : i32, i32
  }
  func.func @transform_2(%arg0: i32) -> (i32, i32) {
    %c0_i32 = arith.constant 0 : i32
    %c0_i32_0 = arith.constant 0 : i32
    %c0_i32_1 = arith.constant 0 : i32
    return %c0_i32, %c0_i32_0 : i32, i32
  }
  func.func @transform_3(%arg0: i32) -> (i32, i32) {
    %c0_i32 = arith.constant 0 : i32
    %c0_i32_0 = arith.constant 0 : i32
    %c0_i32_1 = arith.constant 0 : i32
    return %c0_i32, %c0_i32_0 : i32, i32
  }
  func.func @transform_4(%arg0: i32) -> (i32, i32) {
    %c0_i32 = arith.constant 0 : i32
    %c0_i32_0 = arith.constant 0 : i32
    %c0_i32_1 = arith.constant 0 : i32
    return %c0_i32, %c0_i32_0 : i32, i32
  }
  func.func @transform_5(%arg0: i32) -> (i32, i32) {
    %c0_i32 = arith.constant 0 : i32
    %c0_i32_0 = arith.constant 0 : i32
    %c0_i32_1 = arith.constant 0 : i32
    return %c0_i32, %c0_i32_0 : i32, i32
  }
  func.func @transform_6(%arg0: i32) -> (i32, i32) {
    %c0_i32 = arith.constant 0 : i32
    %c0_i32_0 = arith.constant 0 : i32
    %c0_i32_1 = arith.constant 0 : i32
    return %c0_i32, %c0_i32_0 : i32, i32
  }
  func.func @transform_7(%arg0: i32) -> (i32, i32) {
    %c0_i32 = arith.constant 0 : i32
    %c0_i32_0 = arith.constant 0 : i32
    %c0_i32_1 = arith.constant 0 : i32
    return %c0_i32, %c0_i32_0 : i32, i32
  }
  func.func @transform_8(%arg0: i32) -> (i32, i32) {
    %c0_i32 = arith.constant 0 : i32
    %c0_i32_0 = arith.constant 0 : i32
    %c0_i32_1 = arith.constant 0 : i32
    return %c0_i32, %c0_i32_0 : i32, i32
  }
  func.func @transform_9(%arg0: i32) -> (i32, i32) {
    %c0_i32 = arith.constant 0 : i32
    %c0_i32_0 = arith.constant 0 : i32
    return %arg0, %c0_i32 : i32, i32
  }
}

module attributes {stable_mosaic.version = 14 : i64} {
  func.func @_final_body(%arg0: memref<20000x128xf32, #tpu.memory_space<vmem>>, %arg1: memref<20000x128xf32, #tpu.memory_space<vmem>>, %arg2: memref<10000x128xf32, #tpu.memory_space<vmem>>, %arg3: memref<1x128xf32, #tpu.memory_space<vmem>>, %arg4: memref<1x128xf32, #tpu.memory_space<vmem>>, %arg5: memref<10000x128xf32, #tpu.memory_space<vmem>>) attributes {dimension_semantics = [], scalar_prefetch = 0 : i64, scratch_operands = 0 : i64, tpu.core_type = #tpu.core_type<tc>} {
    %get3A = arith.constant 0 : index
    %get3A_0 = arith.constant 0 : index
    %get3A_1 = vector.load %arg0[%get3A, %get3A_0] : memref<20000x128xf32, #tpu.memory_space<vmem>>, vector<10000x128xf32>
    %get3A_2 = arith.constant 10000 : index
    %get3A_3 = arith.constant 0 : index
    %get3A_4 = vector.load %arg0[%get3A_2, %get3A_3] : memref<20000x128xf32, #tpu.memory_space<vmem>>, vector<10000x128xf32>
    %add3A = arith.addf %get3A_1, %get3A_4 : vector<10000x128xf32>
    %get3A_5 = arith.constant 0 : index
    %get3A_6 = arith.constant 0 : index
    %get3A_7 = vector.load %arg1[%get3A_5, %get3A_6] : memref<20000x128xf32, #tpu.memory_space<vmem>>, vector<10000x128xf32>
    %add3A_8 = arith.addf %add3A, %get3A_7 : vector<10000x128xf32>
    %get3A_9 = arith.constant 10000 : index
    %get3A_10 = arith.constant 0 : index
    %get3A_11 = vector.load %arg1[%get3A_9, %get3A_10] : memref<20000x128xf32, #tpu.memory_space<vmem>>, vector<10000x128xf32>
    %add3A_12 = arith.addf %add3A_8, %get3A_11 : vector<10000x128xf32>
    %reduce_sum3A = arith.constant dense<0.000000e+00> : vector<128xf32>
    %reduce_sum3A_13 = vector.multi_reduction <add>, %add3A_12, %reduce_sum3A [0] : vector<10000x128xf32> to vector<128xf32>
    %broadcast_in_dim3A = vector.shape_cast %reduce_sum3A_13 : vector<128xf32> to vector<1x128xf32>
    %div3A = arith.constant 1.000000e+04 : f32
    %div3A_14 = vector.broadcast %div3A : f32 to vector<1x128xf32>
    %div3A_15 = arith.divf %broadcast_in_dim3A, %div3A_14 : vector<1x128xf32>
    %sub3A = vector.broadcast %div3A_15 : vector<1x128xf32> to vector<10000x128xf32>
    %sub3A_16 = arith.subf %add3A_12, %sub3A : vector<10000x128xf32>
    %mul3A = arith.mulf %sub3A_16, %sub3A_16 : vector<10000x128xf32>
    %reduce_sum3A_17 = arith.constant dense<0.000000e+00> : vector<128xf32>
    %reduce_sum3A_18 = vector.multi_reduction <add>, %mul3A, %reduce_sum3A_17 [0] : vector<10000x128xf32> to vector<128xf32>
    %broadcast_in_dim3A_19 = vector.shape_cast %reduce_sum3A_18 : vector<128xf32> to vector<1x128xf32>
    %div3A_20 = arith.constant 1.000000e+04 : f32
    %div3A_21 = vector.broadcast %div3A_20 : f32 to vector<1x128xf32>
    %div3A_22 = arith.divf %broadcast_in_dim3A_19, %div3A_21 : vector<1x128xf32>
    %add3A_23 = arith.constant 9.99999974E-6 : f32
    %add3A_24 = vector.broadcast %add3A_23 : f32 to vector<1x128xf32>
    %add3A_25 = arith.addf %div3A_22, %add3A_24 : vector<1x128xf32>
    %rsqrt3A = math.rsqrt %add3A_25 : vector<1x128xf32>
    %mul3A_26 = vector.broadcast %rsqrt3A : vector<1x128xf32> to vector<10000x128xf32>
    %mul3A_27 = arith.mulf %sub3A_16, %mul3A_26 : vector<10000x128xf32>
    %get3A_28 = arith.constant 0 : index
    %get3A_29 = arith.constant 0 : index
    %get3A_30 = vector.load %arg3[%get3A_28, %get3A_29] : memref<1x128xf32, #tpu.memory_space<vmem>>, vector<1x128xf32>
    %mul3A_31 = vector.broadcast %get3A_30 : vector<1x128xf32> to vector<10000x128xf32>
    %mul3A_32 = arith.mulf %mul3A_27, %mul3A_31 : vector<10000x128xf32>
    %get3A_33 = arith.constant 0 : index
    %get3A_34 = arith.constant 0 : index
    %get3A_35 = vector.load %arg4[%get3A_33, %get3A_34] : memref<1x128xf32, #tpu.memory_space<vmem>>, vector<1x128xf32>
    %add3A_36 = vector.broadcast %get3A_35 : vector<1x128xf32> to vector<10000x128xf32>
    %add3A_37 = arith.addf %mul3A_32, %add3A_36 : vector<10000x128xf32>
    %get3A_38 = arith.constant 0 : index
    %get3A_39 = arith.constant 0 : index
    %get3A_40 = vector.load %arg2[%get3A_38, %get3A_39] : memref<10000x128xf32, #tpu.memory_space<vmem>>, vector<10000x128xf32>
    %add3A_41 = arith.addf %add3A_37, %get3A_40 : vector<10000x128xf32>
    %custom_jvp_call3A = arith.constant 0.000000e+00 : f32
    %max3A = vector.broadcast %custom_jvp_call3A : f32 to vector<10000x128xf32>
    %max3A_42 = arith.maximumf %add3A_41, %max3A : vector<10000x128xf32>
    %sub3A_43 = vector.broadcast %custom_jvp_call3A : f32 to vector<10000x128xf32>
    %sub3A_44 = arith.subf %add3A_41, %sub3A_43 : vector<10000x128xf32>
    %ne3A = arith.cmpf one, %sub3A_44, %sub3A_44 : vector<10000x128xf32>
    %add3A_45 = vector.broadcast %custom_jvp_call3A : f32 to vector<10000x128xf32>
    %add3A_46 = arith.addf %add3A_41, %add3A_45 : vector<10000x128xf32>
    %abs3A = math.absf %sub3A_44 : vector<10000x128xf32>
    %neg3A = arith.constant 0.000000e+00 : f32
    %neg3A_47 = vector.broadcast %neg3A : f32 to vector<10000x128xf32>
    %neg3A_48 = arith.subf %neg3A_47, %abs3A : vector<10000x128xf32>
    %exp3A = math.exp %neg3A_48 : vector<10000x128xf32>
    %log1p3A = math.log1p %exp3A : vector<10000x128xf32>
    %add3A_49 = arith.addf %max3A_42, %log1p3A : vector<10000x128xf32>
    %select_n3A = arith.select %ne3A, %add3A_46, %add3A_49 : vector<10000x128xi1>, vector<10000x128xf32>
    %swap3A = arith.constant 0 : index
    %swap3A_50 = arith.constant 0 : index
    %swap3A_51 = vector.load %arg5[%swap3A, %swap3A_50] : memref<10000x128xf32, #tpu.memory_space<vmem>>, vector<10000x128xf32>
    tpu.vector_store %arg5[%swap3A, %swap3A_50], %select_n3A {strides = array<i32>} : memref<10000x128xf32, #tpu.memory_space<vmem>>, vector<10000x128xf32>,
    return
  }
}

</mosaic_0001>

<sc_bundles>
// kernel: kernel.12.cloned.1.call-start
scs
__scs_entry_jumppad:
0x0: {  	(pc) =	sbr.rel $0x88, $3  }
0x1: {  	(tag) =	ssettag $0x0;
	lr =	simm.s32 $0x1  }
0x2: {  	[smem:$0x3F99] =	sst lr;
	_ =	strace $0xD0000000  }
0x3: {  	_ = 	snop  }
0x4: {  	_ = 	snop  }
0x5: {  	_ = 	snop  }
0x6: {  	_ = 	snop  }
0x7: {  	_ = 	snop  }
__scs_overlays_trampoline_lowered:
0x8: {  	[smem:$0x3FA8] =	sst s0  }
0x9: {  	[smem:$0x3FA9] =	sst s1  }
0xa: {  	[smem:$0x3FAA] =	sst s2  }
0xb: {  	[smem:$0x3FAB] =	sst s3  }
0xc: {  	[smem:$0x3FAC] =	sst s4  }
0xd: {  	[smem:$0x3FAD] =	sst s5  }
0xe: {  	[smem:$0x3FAE] =	sst s6  }
0xf: {  	[smem:$0x3FAF] =	sst s7  }
0x10: {  	[smem:$0x3FB0] =	sst s8  }
0x11: {  	[smem:$0x3FB1] =	sst s9;
	s0 =	simm.s32 @!p0 $0x0  }
0x12: {  	s1 =	sld [smem:$0x3F97];
	s0 =	simm.s32 @p0 $0x1  }
0x13: {  	[smem:$0x3FB2] =	sst s0;
	s0 =	simm.s32 @!p1 $0x0  }
0x14: {  	s2 =	sld [smem:$0x3F96];
	s0 =	simm.s32 @p1 $0x1  }
0x15: {  	[smem:$0x3FB3] =	sst s0;
	s0 =	simm.s32 @!p2 $0x0  }
0x16: {  	s3 =	sld [smem:$0x3FDB];
	s0 =	simm.s32 @p2 $0x1  }
0x17: {  	s4 =	simm.s32 $0x1BF5;
	[smem:$0x3FB5] =	sst s0  }
0x18: {  	s0 =	sld [smem:$0x3F98];
	_ =	swait.ge [sflag:s4], $0x0  }
0x19: {  	s7 =	sld [smem:$0x3F99]  }
0x1a: {  	s8 =	sadd.s32 $0xFFFFE003, lr  }
0x1b: {  	s9 =	sadd.s32 $0xFFFFFEF7, lr;
	s5 =	simm.s32 $0xFFFFFFFF;
	p2 =	slt.u32 s8, $0xFFFFF086  }
0x1c: {  	p1 =	slt.u32 s9, $0xF7A;
	s5 =	simm.s32 @!p2 $0x0  }
0x1d: {  	s5 =	simm.s32 @p1 $0x1;
	p0 =	seq.s32 s7, s2  }
0x1e: {  	s7 =	smul.u32 @!p0 $0xF7A, s2;
	p2 =	seq.s32 @!p0 s5, $0x0  }
0x1f: {  	s9 =	smul.u32 $0xF7A, s1;
	s8 =	simm.s32 @!p0 $0x1BF5;
	p2 =	por !p2, p0  }
0x20: {  	[sflag:s8] =	ssyncset.s32 @!p0 $0xFFFFF086;
	s6 =	sadd.s32 @!p0 s3, s7;
	s7 =	simm.s32 @!p0 $0x108  }
0x21: {  	s3 =	sadd.s32 s3, s9;
	s6 =	sadd.s32 @!p0 $0x88, s6;
	s7 =	simm.s32 @p2 $0x1082  }
0x22: {  	[simem:s7], [sflag:s8] =	dma.local @!p0 [hbm:s6], $0xF7A  }
0x23: {  	s9 =	sor.u32 $0xD0000000, s2;
	s6 =	simm.s32 $0x108;
	_ =	swait.ge @!p0 [sflag:s8], $0x0  }
0x24: {  	s3 =	sadd.s32 $0x88, s3;
	s6 =	simm.s32 @!p1 $0x1082;
	[sflag:s4] =	ssyncset.s32 $0xFFFFF086  }
0x25: {  	[simem:s6], [sflag:s4] =	dma.local [hbm:s3], $0xF7A  }
0x26: {  	[smem:$0x3F99] =	sst s1;
	(tag) =	ssettag s2;
	_ =	strace s9  }
0x27: {  	s1 =	sld [smem:$0x3FA9]  }
0x28: {  	s2 =	sld [smem:$0x3FAA]  }
0x29: {  	s4 =	sld [smem:$0x3FAC]  }
0x2a: {  	p0 =	seq.s32 s5, $0x0;
	s5 =	sld [smem:$0x3FAD]  }
0x2b: {  	s6 =	sld [smem:$0x3FAE]  }
0x2c: {  	s7 =	sld [smem:$0x3FAF]  }
0x2d: {  	s3 =	simm.s32 $0x108;
	s8 =	sld [smem:$0x3FB0]  }
0x2e: {  	s3 =	simm.s32 @!p0 $0x1082;
	s9 =	sld [smem:$0x3FB1]  }
0x2f: {  	lr =	sadd.s32 s0, s3;
	s0 =	sld [smem:$0x3FA8]  }
0x30: {  	s3 =	sld [smem:$0x3FAB]  }
0x31: {  	[smem:$0x3FB4] =	sst s10  }
0x32: {  	s10 =	sld [smem:$0x3FB2];
	_ =	sdelay $0x3  }
0x33: {  	p0 =	seq.s32 s10, $0x1;
	s10 =	sld [smem:$0x3FB4];
	_ =	sdelay $0x3  }
0x34: {  	[smem:$0x3FB4] =	sst s10  }
0x35: {  	s10 =	sld [smem:$0x3FB3];
	_ =	sdelay $0x3  }
0x36: {  	p1 =	seq.s32 s10, $0x1;
	s10 =	sld [smem:$0x3FB4];
	_ =	sdelay $0x3  }
0x37: {  	[smem:$0x3FB4] =	sst s10  }
0x38: {  	s10 =	sld [smem:$0x3FB5]  }
0x39: {  	_ = 	snop;
	(pc) =	sbr.ind lr, $3  }
0x3a: {  	_ = 	snop  }
0x3b: {  	_ = 	snop  }
0x3c: {  	p2 =	seq.s32 s10, $0x1;
	s10 =	sld [smem:$0x3FB4]  }
0x3d: {  	_ =	shalt  }
0x3e: {  	_ =	shalt  }
0x3f: {  	_ =	shalt  }
0x40: {  	_ =	shalt  }
0x41: {  	_ =	shalt  }
0x42: {  	_ =	shalt  }
0x43: {  	_ =	shalt  }
0x44: {  	_ =	shalt  }
0x45: {  	_ =	shalt  }
0x46: {  	_ =	shalt  }
0x47: {  	_ =	shalt  }
0x48: {  	_ =	shalt  }
0x49: {  	_ =	shalt  }
0x4a: {  	_ =	shalt  }
0x4b: {  	_ =	shalt  }
0x4c: {  	_ =	shalt  }
0x4d: {  	_ =	shalt  }
0x4e: {  	_ =	shalt  }
0x4f: {  	_ =	shalt  }
0x50: {  	_ =	shalt  }
0x51: {  	_ =	shalt  }
0x52: {  	_ =	shalt  }
0x53: {  	_ =	shalt  }
0x54: {  	_ =	shalt  }
0x55: {  	_ =	shalt  }
0x56: {  	_ =	shalt  }
0x57: {  	_ =	shalt  }
0x58: {  	_ =	shalt  }
0x59: {  	_ =	shalt  }
0x5a: {  	_ =	shalt  }
0x5b: {  	_ =	shalt  }
0x5c: {  	_ =	shalt  }
0x5d: {  	_ =	shalt  }
0x5e: {  	_ =	shalt  }
0x5f: {  	_ =	shalt  }
0x60: {  	_ =	shalt  }
0x61: {  	_ =	shalt  }
0x62: {  	_ =	shalt  }
0x63: {  	_ =	shalt  }
0x64: {  	_ =	shalt  }
0x65: {  	_ =	shalt  }
0x66: {  	_ =	shalt  }
0x67: {  	_ =	shalt  }
0x68: {  	_ =	shalt  }
0x69: {  	_ =	shalt  }
0x6a: {  	_ =	shalt  }
0x6b: {  	_ =	shalt  }
0x6c: {  	_ =	shalt  }
0x6d: {  	_ =	shalt  }
0x6e: {  	_ =	shalt  }
0x6f: {  	_ =	shalt  }
0x70: {  	_ =	shalt  }
0x71: {  	_ =	shalt  }
0x72: {  	_ =	shalt  }
0x73: {  	_ =	shalt  }
0x74: {  	_ =	shalt  }
0x75: {  	_ =	shalt  }
0x76: {  	_ =	shalt  }
0x77: {  	_ =	shalt  }
0x78: {  	_ =	shalt  }
0x79: {  	_ =	shalt  }
0x7a: {  	_ =	shalt  }
0x7b: {  	_ =	shalt  }
0x7c: {  	_ =	shalt  }
0x7d: {  	_ =	shalt  }
0x7e: {  	_ =	shalt  }
0x7f: {  	_ =	shalt  }
0x80: {  	_ =	shalt  }
0x81: {  	_ =	shalt  }
0x82: {  	_ =	shalt  }
0x83: {  	_ =	shalt  }
0x84: {  	_ =	shalt  }
0x85: {  	_ =	shalt  }
0x86: {  	_ =	shalt  }
0x87: {  	_ =	shalt  }
.Lfunc_end0:
.L_simem_size_0:
called_computation_lowered:
.L_overlay_start_0:
0x88: {  	s2 =	sld [smem:$0x3FD9]  }
0x89: {  	s3 =	sld [smem:$0x3FFE];
	_ =	sdelay $0x1  }
0x8a: {  	s1 =	srdreg.scid  }
0x8b: {  	s0 =	sand.u32 $0x1, s1  }
0x8c: {  	s17 =	sshll.u32 s0, $0xA;
	s2 =	sadd.s32 s3, s2  }
0x8d: {  	s2 =	sadd.s32 s2, s17  }
0x8e: {  	[smem:$0x3FC0] =	sst s2  }
0x8f: {  	_ = 	snop  }
0x90: {  	s18 =	sld [smem:$0x3FD0];
	(tm) =	ssettm $0x1  }
0x91: {  	s19 =	sld [smem:$0x3FFB];
	_ =	sdelay $0x3  }
0x92: {  	_ =	strace s19  }
0x93: {  	s2 =	sld [smem:$0x3FFC];
	_ =	sdelay $0x3  }
0x94: {  	_ =	strace s2  }
0x95: {  	s2 =	sld [smem:$0x3FFD];
	_ =	sdelay $0x3  }
0x96: {  	_ =	strace s2  }
0x97: {  	_ =	strace $0x8FFFFFFF  }
0x98: {  	s20 =	sld [smem:$0x3FDB];
	_ =	sdelay $0x1  }
0x99: {  	s4 =	simm.s32 $_scs_section_size  }
0x9a: {  	s5 =	simm.s32 $_size__tile_overlayer_lowered;
	s6 =	simm.s32 $_tile_overlayer_lowered  }
0x9b: {  	s7 =	simm.s32 $0x1BFF;
	s21 =	sshll.u32 s6, $0x1;
	s4 =	sadd.s32 s4, s20  }
0x9c: {  	s22 =	simm.s32 $0x0;
	s5 =	sshll.u32 s5, $0x1;
	s6 =	sadd.s32 s21, s4  }
0x9d: {  	[timem:s22], [sflag:s7] =	dma.local [hbm:s6], s5  }
0x9e: {  	_ =	swait.ge [sflag:s7], s5  }
0x9f: {  	s5 =	ssub.s32 $0x0, s5;
	[sflag:s7] =	ssyncset.done $0x0  }
0xa0: {  	[sflag:s7] =	ssyncadd.s32 s5;
	_ =	sdelay $0x1  }
0xa1: {  	s23 =	simm.s32 $0x1B8B  }
0xa2: {  	_ =	swait.ge [sflag:s23], $0x1  }
0xa3: {  	[sflag:s23] =	ssyncset.done $0x0  }
0xa4: {  	[sflag:s23] =	ssyncadd.s32 $0xFFFFFFFF  }
0xa5: {  	s5 =	sld [smem:$0x0]  }
0xa6: {  	s6 =	sand.u32 $0xFFFFFFFE, s1  }
0xa7: {  	p0 =	sne.s32 s1, s6  }
0xa8: {  	s6 =	sshll.u32 @p0 s6, $0xE  }
0xa9: {  	s6 =	sadd.s32 @p0 $0x11B8D, s6;
	s7 =	sshll.u32 @p0 s5, $0x11  }
0xaa: {  	s6 =	sor.u32 @p0 s7, s6  }
0xab: {  	[sflag:s6] =	ssyncadd.remote.s32 @p0 $0x1;
	_ =	sdelay $0x1  }
0xac: {  	s6 =	simm.s32 @p0 $0x1B8D  }
0xad: {  	_ =	swait.eq @p0 [sflag:s6], $0x1  }
0xae: {  	[sflag:s6] =	ssyncadd.s32 @p0 $0xFFFFFFFF  }
0xaf: {  	s7 =	sshll.u32 @!p0 s1, $0xE  }
0xb0: {  	s7 =	sor.u32 @!p0 $0x4000, s7;
	s6 =	simm.s32 @!p0 $0x1B8D  }
0xb1: {  	s5 =	sshll.u32 @!p0 s5, $0x11;
	s7 =	sadd.s32 @!p0 $0x11B8D, s7;
	_ =	swait.eq @!p0 [sflag:s6], $0x1  }
0xb2: {  	s5 =	sor.u32 @!p0 s5, s7;
	[sflag:s6] =	ssyncadd.s32 @!p0 $0xFFFFFFFF  }
0xb3: {  	s25 =	simm.s32 $0x1B8E;
	s24 =	sld [smem:$0x3FFE];
	[sflag:s5] =	ssyncadd.remote.s32 @!p0 $0x1  }
0xb4: {  	s26 =	simm.s32 $execute0_lowered;
	[smem:$0x3FD2] =	sst s25  }
0xb5: {  	s6 =	sshll.u32 s26, $0x1;
	_ =	strace $0x80000049;
	[dreg:$0x1] =	wrdreg $0xFFFFFFFF  }
0xb6: {  	s28 =	simm.s32 $_size_execute0_lowered;
	s4 =	sadd.s32 s4, s6;
	[dreg:$0x0] =	wrdreg $0x0  }
0xb7: {  	s6 =	sshll.u32 s28, $0x1;
	[dreg:$0x2] =	wrdreg s4  }
0xb8: {  	[dreg:$0x3] =	wrdreg s6  }
0xb9: {  	[dreg:$0x4] =	wrdreg $0xC0  }
0xba: {  	_ =	task [dreg:s22], $0x5FFFF  }
0xbb: {  	[dreg:$0x1] =	wrdreg $0xFFFFFFFF  }
0xbc: {  	[dreg:$0x0] =	wrdreg $0x60  }
0xbd: {  	[dreg:$0x2] =	wrdreg s24  }
0xbe: {  	[dreg:$0x3] =	wrdreg s18  }
0xbf: {  	[dreg:$0x4] =	wrdreg $0x9  }
0xc0: {  	_ =	task.clear_ibuf [dreg:s22], $0x5FFFF;
	_ =	strace $0x90000049  }
0xc1: {  	s29 =	simm.s32 $0x9;
	_ =	strace $0x8000004B  }
0xc2: {  	_ =	swait.ge [sflag:s29], $0x1  }
0xc3: {  	[sflag:s29] =	ssyncadd.s32 $0xFFFFFFFF  }
0xc4: {  	_ =	strace $0x9000004B  }
0xc5: {  	_ =	sfence  }
0xc6: {  	s30 =	sld [smem:$0x0];
	_ =	sdelay $0x2  }
0xc7: {  	s31 =	sshll.u32 s1, $0xD;
	s1 =	sshrl.u32 s1, $0x2  }
0xc8: {  	s4 =	sand.u32 $0x4000, s31;
	s1 =	sadd.s32 s1, s30  }
0xc9: {  	s0 =	sor.u32 s4, s0;
	s1 =	sshll.u32 s1, $0x11  }
0xca: {  	s0 =	sor.u32 s1, s0  }
0xcb: {  	s0 =	sadd.s32 $0x8F2B, s0  }
0xcc: {  	[sflag:s0] =	ssyncadd.remote.s32 $0x1  }
0xcd: {  	_ =	sfence.sel $0xFFFF  }
0xce: {  	[dreg:$0x0] =	wrdreg $0xFFFFFFFF;
	(pc) =	sbr.abs _section_cstart, $3  }
0xcf: {  	[dreg:$0x1] =	wrdreg $0xFFFFFFFF  }
0xd0: {  	_ =	task.clear_ibuf [dreg:s22], $0x2FFFF;
	_ =	strace $0x9FFFFFFF  }
0xd1: {  	(tm) =	ssettm $0x7FFFFFFF  }
tec
execute0_lowered:
.L_overlay_start_1:
0x0: {  	(tag) =	ssettag $0x1  }
0x1: {  	s1 =	srdreg.scid;
	s6 =	rddreg [dreg:$0x0]  }
0x2: {  	s0 =	stileid.u32;
	s2 =	rddreg [dreg:$0x1];
	s4 =	simm.s32 $0x0  }
0x3: {  	s11 =	simm.s32 $0x1400;
	s12 =	simm.s32 $0x28;
	s13 =	simm.s32 $0x2800  }
0x4: {  	s14 =	simm.s32 $0x5000;
	s15 =	simm.s32 $0x3C00;
	s16 =	simm.s32 $0x1428  }
0x5: {  	s17 =	simm.s32 $0x6400;
	s18 =	simm.s32 $0x1;
	s19 =	simm.s32 $0x7800  }
0x6: {  	s20 =	simm.s32 $0x3;
	s5 =	sand.u32 $0x1, s1;
	s30 =	sshll.u32 s0, $0x1  }
0x7: {  	s21 =	simm.s32 $0x4;
	s22 =	simm.s32 $0x2;
	s1 =	sor.u32 s5, s30  }
0x8: {  	s23 =	simm.s32 $0x8C00;
	s24 =	simm.s32 $0x0;
	s3 =	smul.u32 $0x1388, s1  }
.Ltmp0:
0x9: {  	[smem:$0x7FF] =	sst s4;
	s8 =	ssub.s32 $0x2, s5;
	(pc) =	sbr.rel .LBB2_1-.Ltmp0, $4  }
0xa: {  	s5 =	sadd.s32 $0x19200, s6;
	s1 =	rddreg [dreg:$0x2];
	s7 =	sshrl.u32 s3, $0x3  }
0xb: {  	_ =	strace $0x8000004A;
	s31 =	sshrl.u32 s8, $0x1;
	s9 =	sadd.s32 s7, s6  }
0xc: {  	s10 =	ssub.s32 s8, s31;
	s6 =	sadd.s32 $0x2B1400, s6;
	s7 =	sadd.s32 $0xF400, s9  }
0xd: {  	s8 =	sadd.s32 $0x5600, s9;
	s9 =	smax.u32 s10, $0x1;
	s10 =	simm.s32 $0x5  }
.LBB2_10:
0xe: {  	s24 =	sadd.s32 $0x1, s24  }
0xf: {  	_ =	swait.ge [sflag:s20], $0x1400;
	p0 =	sne.s32 s24, s9  }
.Ltmp1:
0x10: {  	[sflag:s20] =	ssyncset.done $0x0;
	(pc) =	sbr.rel @!p0 .LBB2_11-.Ltmp1, $4  }
0x11: {  	[sflag:s20] =	ssyncadd.s32 $0xFFFFEC00  }
0x12: {  	_ =	swait.ge [sflag:s21], $0x1400  }
0x13: {  	[sflag:s21] =	ssyncset.done $0x0  }
0x14: {  	[sflag:s21] =	ssyncadd.s32 $0xFFFFEC00  }
.LBB2_1:
0x15: {  	[tilespmem:s4], [sflag:$0x5] =	stream.linear.gather [hbm4b:s7+s4], $0x1388, $0x38;
	[tilespmem:$0xA000] =	vst v63  }
0x16: {  	_ =	swait.ge [sflag:s10], $0x1388  }
0x17: {  	[sflag:s10] =	ssyncset.done $0x0  }
0x18: {  	[sflag:s10] =	ssyncadd.s32 $0xFFFFEC78  }
0x19: {  	[tilespmem:s11], [sflag:$0x5] =	stream.linear.gather [hbm4b:s8+s4], $0x1388, $0x38;
	[tilespmem:$0xA000] =	vst v63  }
0x1a: {  	_ =	swait.ge [sflag:s10], $0x1388  }
0x1b: {  	[sflag:s10] =	ssyncset.done $0x0  }
0x1c: {  	[sflag:s10] =	ssyncadd.s32 $0xFFFFEC78  }
0x1d: {  	[tilespmem:s13], [sflag:$0x1] =	stream.indirect.gather [hbm4b:s2+s12], $0x80, s4, s12, $0xb8;
	[tilespmem:$0xA000] =	vst v63  }
0x1e: {  	_ = 	snop  }
0x1f: {  	[tilespmem:s14], [sflag:$0x1] =	stream.indirect.gather [hbm4b:s5+s12], $0x80, s11, s12, $0xb8;
	[tilespmem:$0xA000] =	vst v63  }
.Ltmp2:
0x20: {  	_ = 	snop;
	(pc) =	sbr.rel .LBB2_2-.Ltmp2, $4  }
0x21: {  	_ = 	snop  }
0x22: {  	[tilespmem:s15], [sflag:$0x2] =	stream.indirect.gather [hbm4b:s2+s12], $0x80, s12, s12, $0xb8;
	[tilespmem:$0xA000] =	vst v63  }
0x23: {  	s25 =	simm.s32 $0x0  }
0x24: {  	[tilespmem:s17], [sflag:$0x2] =	stream.indirect.gather [hbm4b:s5+s12], $0x80, s16, s12, $0xb8;
	[tilespmem:$0xA000] =	vst v63  }
.LBB2_9:
0x25: {  	s25 =	sadd.s32 $0x1, s25  }
0x26: {  	p0 =	sne.s32 s25, $0x3F  }
.Ltmp3:
0x27: {  	_ = 	snop;
	(pc) =	sbr.rel @!p0 .LBB2_10-.Ltmp3, $1  }
0x28: {  	_ =	sdelay $0x3  }
.LBB2_2:
0x29: {  	_ =	swait.ge [sflag:s18], $0x1400  }
0x2a: {  	[sflag:s18] =	ssyncset.done $0x0  }
0x2b: {  	[sflag:s18] =	ssyncadd.s32 $0xFFFFEC00  }
0x2c: {  	_ =	swait.ge [sflag:s18], $0x1400  }
0x2d: {  	p0 =	seq.s32 s25, $0x0;
	[sflag:s18] =	ssyncset.done $0x0  }
0x2e: {  	s26 =	simm.s32 @!p0 $0x3;
	[sflag:s18] =	ssyncadd.s32 $0xFFFFEC00  }
0x2f: {  	_ =	swait.ge @!p0 [sflag:s26], $0x1400  }
0x30: {  	[sflag:s26] =	ssyncset.done @!p0 $0x0  }
0x31: {  	[sflag:s26] =	ssyncadd.s32 @!p0 $0xFFFFEC00;
	s26 =	simm.s32 $0x0  }
0x32: {  	v0 =	vld [tilespmem:s26+$0x2870]  }
0x33: {  	v1 =	vld [tilespmem:s26+$0x5070]  }
0x34: {  	v2 =	vld [tilespmem:s26+$0x2800]  }
0x35: {  	v4 =	vld [tilespmem:s26+$0x2810]  }
0x36: {  	v5 =	vld [tilespmem:s26+$0x5010]  }
0x37: {  	v7 =	vld [tilespmem:s26+$0x2820]  }
0x38: {  	v9 =	vld [tilespmem:s26+$0x5020]  }
0x39: {  	v18 =	vld [tilespmem:s26+$0x5050];
	v6 =	vshll.u32 v0, $0x10  }
0x3a: {  	v3 =	vld [tilespmem:s26+$0x5000];
	v8 =	vshll.u32 v1, $0x10;
	v0 =	vand.u32 $0xFFFF0000, v0;
	v1 =	vand.u32 $0xFFFF0000, v1  }
0x3b: {  	v15 =	vld [tilespmem:s26+$0x5040];
	v10 =	vshll.u32 v2, $0x10;
	v2 =	vand.u32 $0xFFFF0000, v2;
	v12 =	vshll.u32 v4, $0x10  }
0x3c: {  	v14 =	vshll.u32 v5, $0x10;
	v4 =	vand.u32 $0xFFFF0000, v4;
	v5 =	vand.u32 $0xFFFF0000, v5  }
0x3d: {  	v11 =	vld [tilespmem:s26+$0x5030];
	v16 =	vshll.u32 v7, $0x10;
	v17 =	vshll.u32 v9, $0x10;
	v7 =	vand.u32 $0xFFFF0000, v7  }
0x3e: {  	v13 =	vld [tilespmem:s26+$0x2840];
	v60 =	vshll.u32 v18, $0x10;
	v18 =	vand.u32 $0xFFFF0000, v18;
	v6 =	vadd.f32 v8, v6  }
0x3f: {  	v0 =	vadd.f32 v1, v0;
	v8 =	vshll.u32 v3, $0x10;
	v3 =	vand.u32 $0xFFFF0000, v3  }
0x40: {  	v12 =	vadd.f32 v14, v12;
	v14 =	vshll.u32 v15, $0x10;
	v4 =	vadd.f32 v5, v4  }
0x41: {  	v15 =	vand.u32 $0xFFFF0000, v15;
	v16 =	vadd.f32 v17, v16;
	v8 =	vadd.f32 v8, v10  }
0x42: {  	v1 =	vld [tilespmem:s26+$0x2830];
	v10 =	vshll.u32 v11, $0x10;
	v11 =	vand.u32 $0xFFFF0000, v11;
	v2 =	vadd.f32 v3, v2  }
0x43: {  	v19 =	vld [tilespmem:s26+$0x2860];
	v3 =	vshll.u32 v13, $0x10;
	v13 =	vand.u32 $0xFFFF0000, v13;
	v6 =	vadd.s32 $0x8000, v6  }
0x44: {  	v20 =	vld [tilespmem:s26+$0x5060];
	v0 =	vadd.s32 $0x8000, v0;
	v3 =	vadd.f32 v14, v3;
	v14 =	vadd.s32 $0x8000, v12  }
0x45: {  	v6 =	vshrl.u32 v6, $0x10;
	v0 =	vand.u32 $0xFFFF0000, v0;
	v8 =	vadd.s32 $0x8000, v8  }
0x46: {  	v0 =	vor.u32 v0, v6;
	v63 =	vadd.s32 $0x8000, v3;
	v8 =	vshrl.u32 v8, $0x10  }
0x47: {  	[tilespmem:s26+$0x7870] =	vst v0;
	v0 =	vand.u32 $0xFFFF0000, v9;
	v9 =	vshll.u32 v1, $0x10;
	v1 =	vand.u32 $0xFFFF0000, v1  }
0x48: {  	v6 =	vld [tilespmem:s26+$0x2850];
	v0 =	vadd.f32 v0, v7;
	v7 =	vshll.u32 v19, $0x10;
	v19 =	vand.u32 $0xFFFF0000, v19  }
0x49: {  	v9 =	vadd.f32 v10, v9;
	v10 =	vshll.u32 v20, $0x10;
	v20 =	vand.u32 $0xFFFF0000, v20  }
0x4a: {  	v1 =	vadd.f32 v11, v1;
	v11 =	vadd.s32 $0x8000, v2;
	v2 =	vadd.f32 v15, v13  }
0x4b: {  	v15 =	vadd.s32 $0x8000, v16;
	v7 =	vadd.f32 v10, v7;
	v10 =	vadd.s32 $0x8000, v4  }
0x4c: {  	v12 =	vadd.f32 v20, v19;
	v0 =	vadd.s32 $0x8000, v0;
	v61 =	vadd.s32 $0x8000, v9  }
0x4d: {  	v62 =	vadd.s32 $0x8000, v1;
	v9 =	vand.u32 $0xFFFF0000, v10;
	v5 =	vshll.u32 v6, $0x10  }
0x4e: {  	v6 =	vand.u32 $0xFFFF0000, v6;
	v1 =	vadd.s32 $0x8000, v12;
	v12 =	vand.u32 $0xFFFF0000, v11  }
0x4f: {  	v10 =	vand.u32 $0xFFFF0000, v0;
	v13 =	vadd.f32 v60, v5;
	v6 =	vadd.f32 v18, v6  }
0x50: {  	v11 =	vshrl.u32 v63, $0x10;
	v5 =	vadd.s32 $0x8000, v2;
	v2 =	vadd.s32 $0x8000, v7  }
0x51: {  	s29 =	simm.s32 $0x80;
	v7 =	vshrl.u32 v15, $0x10;
	v3 =	vadd.s32 $0x8000, v13;
	v4 =	vadd.s32 $0x8000, v6  }
0x52: {  	s28 =	sshll.u32 s25, $0x1;
	s30 =	simm.s32 $0x400;
	v0 =	vld [tilespmem:s29+$0x2870];
	v6 =	vshrl.u32 v14, $0x10;
	v13 =	vshrl.u32 v61, $0x10;
	v14 =	vand.u32 $0xFFFF0000, v62  }
.LBB2_3:
0x53: {  	p1 =	sne.s32 s30, $0x4E00;
	v15 =	vld [tilespmem:s29+$0x5070];
	v5 =	vand.u32 $0xFFFF0000, v5;
	v3 =	vshrl.u32 v3, $0x10;
	v4 =	vand.u32 $0xFFFF0000, v4  }
0x54: {  	v8 =	vor.u32 v12, v8;
	v2 =	vshrl.u32 v2, $0x10;
	v1 =	vand.u32 $0xFFFF0000, v1;
	v16 =	vld [tilespmem:s29+$0x2800]  }
0x55: {  	v6 =	vor.u32 v9, v6;
	v7 =	vor.u32 v10, v7;
	v12 =	vld [tilespmem:s29+$0x5000];
	[tilespmem:s26+$0x7800] =	vst v8;
	v8 =	vor.u32 v14, v13  }
0x56: {  	v5 =	vor.u32 v5, v11;
	v3 =	vor.u32 v4, v3;
	v1 =	vor.u32 v1, v2;
	v9 =	vld [tilespmem:s29+$0x2810];
	[tilespmem:s26+$0x7810] =	vst v6  }
0x57: {  	v2 =	vld [tilespmem:s29+$0x5010];
	v4 =	vshll.u32 v0, $0x10;
	[tilespmem:s26+$0x7820] =	vst v7  }
0x58: {  	v0 =	vand.u32 $0xFFFF0000, v0;
	v6 =	vld [tilespmem:s29+$0x2820];
	v7 =	vshll.u32 v15, $0x10;
	v10 =	vand.u32 $0xFFFF0000, v15;
	[tilespmem:s26+$0x7830] =	vst v8  }
0x59: {  	v8 =	vshll.u32 v16, $0x10;
	v11 =	vld [tilespmem:s29+$0x5020];
	v4 =	vadd.f32 v7, v4;
	v0 =	vadd.f32 v10, v0;
	[tilespmem:s26+$0x7840] =	vst v5  }
0x5a: {  	v7 =	vand.u32 $0xFFFF0000, v16;
	v5 =	vshll.u32 v12, $0x10;
	v10 =	vand.u32 $0xFFFF0000, v12;
	v12 =	vld [tilespmem:s29+$0x2830];
	[tilespmem:s26+$0x7850] =	vst v3  }
0x5b: {  	v3 =	vshll.u32 v9, $0x10;
	v13 =	vld [tilespmem:s29+$0x5030];
	v4 =	vadd.s32 $0x8000, v4;
	v0 =	vadd.s32 $0x8000, v0;
	[tilespmem:s26+$0x7860] =	vst v1;
	s26 =	smov.u32 s29  }
0x5c: {  	v1 =	vshll.u32 v2, $0x10;
	v14 =	vld [tilespmem:s26+$0x2840];
	v4 =	vshrl.u32 v4, $0x10;
	v0 =	vand.u32 $0xFFFF0000, v0  }
0x5d: {  	v9 =	vand.u32 $0xFFFF0000, v9;
	v2 =	vand.u32 $0xFFFF0000, v2;
	v15 =	vld [tilespmem:s26+$0x5040];
	v0 =	vor.u32 v0, v4  }
0x5e: {  	v4 =	vshll.u32 v6, $0x10;
	v6 =	vand.u32 $0xFFFF0000, v6;
	v16 =	vshll.u32 v11, $0x10;
	v17 =	vld [tilespmem:s26+$0x2850];
	[tilespmem:s26+$0x7870] =	vst v0  }
0x5f: {  	v0 =	vand.u32 $0xFFFF0000, v11;
	v11 =	vshll.u32 v12, $0x10;
	v12 =	vand.u32 $0xFFFF0000, v12;
	v18 =	vld [tilespmem:s26+$0x5050]  }
0x60: {  	v5 =	vadd.f32 v5, v8;
	v8 =	vshll.u32 v13, $0x10;
	v13 =	vand.u32 $0xFFFF0000, v13;
	v19 =	vld [tilespmem:s26+$0x2860]  }
0x61: {  	v7 =	vadd.f32 v10, v7;
	v10 =	vshll.u32 v14, $0x10;
	v14 =	vand.u32 $0xFFFF0000, v14;
	v20 =	vld [tilespmem:s26+$0x5060]  }
0x62: {  	v1 =	vadd.f32 v1, v3;
	v3 =	vshll.u32 v15, $0x10;
	v15 =	vand.u32 $0xFFFF0000, v15  }
0x63: {  	v2 =	vadd.f32 v2, v9;
	v9 =	vshll.u32 v17, $0x10;
	v17 =	vand.u32 $0xFFFF0000, v17  }
0x64: {  	v4 =	vadd.f32 v16, v4;
	v16 =	vshll.u32 v18, $0x10;
	v18 =	vand.u32 $0xFFFF0000, v18  }
0x65: {  	v0 =	vadd.f32 v0, v6;
	v6 =	vshll.u32 v19, $0x10;
	v19 =	vand.u32 $0xFFFF0000, v19  }
0x66: {  	v8 =	vadd.f32 v8, v11;
	v11 =	vshll.u32 v20, $0x10;
	v20 =	vand.u32 $0xFFFF0000, v20  }
0x67: {  	v21 =	vadd.s32 $0x8000, v5;
	v5 =	vadd.f32 v13, v12;
	v3 =	vadd.f32 v3, v10  }
0x68: {  	v7 =	vadd.s32 $0x8000, v7;
	v10 =	vadd.f32 v15, v14;
	v9 =	vadd.f32 v16, v9  }
0x69: {  	v13 =	vadd.s32 $0x8000, v1;
	v1 =	vadd.f32 v18, v17;
	v6 =	vadd.f32 v11, v6  }
0x6a: {  	v14 =	vadd.s32 $0x8000, v4;
	v11 =	vadd.s32 $0x8000, v2;
	v12 =	vadd.f32 v20, v19  }
0x6b: {  	v0 =	vadd.s32 $0x8000, v0;
	v15 =	vadd.s32 $0x8000, v8;
	v16 =	vadd.s32 $0x8000, v5  }
.Ltmp4:
0x6c: {  	v17 =	vadd.s32 $0x8000, v3;
	v5 =	vadd.s32 $0x8000, v10;
	v3 =	vadd.s32 $0x8000, v9;
	(pc) =	sbr.rel @p1 .LBB2_3-.Ltmp4, $4  }
0x6d: {  	v4 =	vadd.s32 $0x8000, v1;
	v2 =	vadd.s32 $0x8000, v6;
	v1 =	vadd.s32 $0x8000, v12  }
0x6e: {  	v8 =	vshrl.u32 v21, $0x10;
	v12 =	vand.u32 $0xFFFF0000, v7;
	v6 =	vshrl.u32 v13, $0x10  }
0x6f: {  	s29 =	sshra.s32 s30, $0x2;
	v10 =	vand.u32 $0xFFFF0000, v0;
	v9 =	vand.u32 $0xFFFF0000, v11;
	v7 =	vshrl.u32 v14, $0x10  }
0x70: {  	s30 =	sadd.s32 $0x200, s30;
	v11 =	vshrl.u32 v17, $0x10;
	v13 =	vshrl.u32 v15, $0x10;
	v14 =	vand.u32 $0xFFFF0000, v16;
	v0 =	vld [tilespmem:s29+$0x2870]  }
0x71: {  	v15 =	vld [tilespmem:s29+$0x5070]  }
0x72: {  	v16 =	vld [tilespmem:s29+$0x2800]  }
0x73: {  	v8 =	vor.u32 v12, v8;
	v21 =	vld [tilespmem:s29+$0x5000];
	v6 =	vor.u32 v9, v6;
	v22 =	vor.u32 v10, v7  }
0x74: {  	v24 =	vor.u32 v14, v13;
	v5 =	vand.u32 $0xFFFF0000, v5;
	v3 =	vshrl.u32 v3, $0x10;
	[tilespmem:s26+$0x7800] =	vst v8  }
0x75: {  	v4 =	vand.u32 $0xFFFF0000, v4;
	v2 =	vshrl.u32 v2, $0x10;
	v1 =	vand.u32 $0xFFFF0000, v1;
	v8 =	vld [tilespmem:s29+$0x2810]  }
0x76: {  	v5 =	vor.u32 v5, v11;
	v3 =	vor.u32 v4, v3;
	v1 =	vor.u32 v1, v2;
	[tilespmem:s26+$0x7810] =	vst v6  }
0x77: {  	v23 =	vld [tilespmem:s29+$0x5010];
	[tilespmem:s26+$0x7820] =	vst v22;
	v26 =	vshll.u32 v0, $0x10;
	v28 =	vand.u32 $0xFFFF0000, v0;
	v27 =	vshll.u32 v15, $0x10  }
0x78: {  	v25 =	vld [tilespmem:s29+$0x2820];
	[tilespmem:s26+$0x7830] =	vst v24;
	v29 =	vand.u32 $0xFFFF0000, v15;
	v31 =	vshll.u32 v16, $0x10;
	v32 =	vshll.u32 v21, $0x10  }
0x79: {  	v6 =	vld [tilespmem:s29+$0x5020];
	[tilespmem:s26+$0x7840] =	vst v5;
	v33 =	vand.u32 $0xFFFF0000, v16;
	v34 =	vand.u32 $0xFFFF0000, v21;
	v30 =	vadd.f32 v27, v26  }
0x7a: {  	v5 =	vld [tilespmem:s29+$0x2830];
	[tilespmem:s26+$0x7850] =	vst v3;
	v0 =	vadd.f32 v29, v28;
	v4 =	vadd.f32 v32, v31;
	v36 =	vshll.u32 v8, $0x10  }
0x7b: {  	v3 =	vld [tilespmem:s29+$0x5030];
	[tilespmem:s26+$0x7860] =	vst v1;
	v8 =	vand.u32 $0xFFFF0000, v8;
	v1 =	vadd.f32 v34, v33;
	v2 =	vadd.s32 $0x8000, v30  }
0x7c: {  	v0 =	vadd.s32 $0x8000, v0;
	v38 =	vshll.u32 v23, $0x10;
	v7 =	vand.u32 $0xFFFF0000, v23  }
0x7d: {  	v4 =	vadd.s32 $0x8000, v4;
	v2 =	vshrl.u32 v2, $0x10;
	v0 =	vand.u32 $0xFFFF0000, v0  }
0x7e: {  	v35 =	vld [tilespmem:s29+$0x2840];
	v40 =	vshll.u32 v25, $0x10;
	v41 =	vand.u32 $0xFFFF0000, v25;
	v13 =	vadd.f32 v38, v36  }
0x7f: {  	v37 =	vld [tilespmem:s29+$0x5040];
	v7 =	vadd.f32 v7, v8;
	v1 =	vadd.s32 $0x8000, v1;
	v4 =	vshrl.u32 v4, $0x10  }
0x80: {  	v39 =	vld [tilespmem:s29+$0x2850];
	v0 =	vor.u32 v0, v2;
	v17 =	vshll.u32 v6, $0x10;
	v6 =	vand.u32 $0xFFFF0000, v6  }
0x81: {  	v18 =	vld [tilespmem:s29+$0x5050];
	v1 =	vand.u32 $0xFFFF0000, v1;
	v42 =	vshll.u32 v5, $0x10;
	v5 =	vand.u32 $0xFFFF0000, v5  }
0x82: {  	v19 =	vld [tilespmem:s29+$0x2860];
	[tilespmem:s29+$0x7870] =	vst v0;
	v16 =	vadd.f32 v17, v40;
	v0 =	vadd.f32 v6, v41;
	v52 =	vadd.s32 $0x8000, v13  }
0x83: {  	v20 =	vld [tilespmem:s29+$0x5060];
	v7 =	vadd.s32 $0x8000, v7;
	v1 =	vor.u32 v1, v4;
	v43 =	vshll.u32 v3, $0x10  }
0x84: {  	v3 =	vand.u32 $0xFFFF0000, v3;
	v7 =	vand.u32 $0xFFFF0000, v7;
	v44 =	vshll.u32 v35, $0x10  }
0x85: {  	v12 =	vand.u32 $0xFFFF0000, v35;
	v45 =	vshll.u32 v37, $0x10;
	v14 =	vand.u32 $0xFFFF0000, v37  }
0x86: {  	v46 =	vshll.u32 v39, $0x10;
	v2 =	vand.u32 $0xFFFF0000, v39;
	v47 =	vshll.u32 v18, $0x10  }
0x87: {  	v18 =	vand.u32 $0xFFFF0000, v18;
	v48 =	vshll.u32 v19, $0x10;
	v19 =	vand.u32 $0xFFFF0000, v19  }
0x88: {  	v9 =	vadd.f32 v43, v42;
	v49 =	vshll.u32 v20, $0x10;
	v3 =	vadd.f32 v3, v5  }
0x89: {  	v20 =	vand.u32 $0xFFFF0000, v20;
	v50 =	vadd.f32 v45, v44;
	v51 =	vadd.f32 v14, v12  }
0x8a: {  	v53 =	vadd.s32 $0x8000, v16;
	v8 =	vadd.f32 v47, v46;
	v2 =	vadd.f32 v18, v2  }
0x8b: {  	v0 =	vadd.s32 $0x8000, v0;
	v6 =	vadd.f32 v49, v48;
	v54 =	vadd.f32 v20, v19  }
0x8c: {  	v12 =	vshrl.u32 v52, $0x10;
	v55 =	vshrl.u32 v53, $0x10;
	v0 =	vand.u32 $0xFFFF0000, v0  }
0x8d: {  	v9 =	vadd.s32 $0x8000, v9;
	v3 =	vadd.s32 $0x8000, v3;
	v56 =	vor.u32 v7, v12  }
0x8e: {  	v0 =	vor.u32 v0, v55;
	v5 =	vadd.s32 $0x8000, v50;
	v11 =	vadd.s32 $0x8000, v51  }
0x8f: {  	[tilespmem:s29+$0x7800] =	vst v1;
	v8 =	vadd.s32 $0x8000, v8;
	v2 =	vadd.s32 $0x8000, v2;
	v6 =	vadd.s32 $0x8000, v6  }
0x90: {  	v13 =	vadd.s32 $0x8000, v54;
	v57 =	vshrl.u32 v9, $0x10;
	v3 =	vand.u32 $0xFFFF0000, v3;
	[tilespmem:s29+$0x7810] =	vst v56  }
0x91: {  	p1 =	seq.s32 s25, $0x3E;
	s26 =	smul.u32 $0x50, s25;
	[tilespmem:s29+$0x7820] =	vst v0;
	v58 =	vshrl.u32 v5, $0x10;
	v59 =	vand.u32 $0xFFFF0000, v11;
	v3 =	vor.u32 v3, v57  }
.Ltmp5:
0x92: {  	v60 =	vshrl.u32 v8, $0x10;
	v2 =	vand.u32 $0xFFFF0000, v2;
	v1 =	vor.u32 v59, v58;
	[tilespmem:s29+$0x7830] =	vst v3;
	(pc) =	sbr.rel @p1 .LBB2_10-.Ltmp5, $4  }
0x93: {  	s30 =	sadd.s32 s3, s26;
	v61 =	vshrl.u32 v6, $0x10;
	v62 =	vand.u32 $0xFFFF0000, v13;
	v0 =	vor.u32 v2, v60;
	[tilespmem:s29+$0x7840] =	vst v1  }
0x94: {  	s30 =	sshll.u32 s30, $0x4;
	v63 =	vor.u32 v62, v61;
	[tilespmem:s29+$0x7850] =	vst v0  }
0x95: {  	s31 =	sadd.s32 s6, s30;
	[tilespmem:s29+$0x7860] =	vst v63  }
0x96: {  	[hbm4b:s31+s4] =	stream.linear.scatter [tilespmem:s19], [sflag:$0x3], $0x1400, $0x38;
	[tilespmem:$0xA000] =	vst v63  }
0x97: {  	s28 =	sor.u32 $0x1, s28  }
0x98: {  	p1 =	sgt.u32 s28, $0x7C  }
.Ltmp6:
0x99: {  	_ = 	snop;
	(pc) =	sbr.rel @p1 .LBB2_9-.Ltmp6, $4  }
0x9a: {  	s29 =	sadd.s32 $0x50, s26  }
0x9b: {  	[tilespmem:s13], [sflag:$0x1] =	stream.indirect.gather [hbm4b:s2+s12], $0x80, s29, s12, $0xb8;
	[tilespmem:$0xA000] =	vst v63  }
0x9c: {  	s31 =	sadd.s32 $0x1450, s26  }
0x9d: {  	[tilespmem:s14], [sflag:$0x1] =	stream.indirect.gather [hbm4b:s5+s12], $0x80, s31, s12, $0xb8;
	[tilespmem:$0xA000] =	vst v63  }
0x9e: {  	_ =	swait.ge [sflag:s22], $0x1400  }
0x9f: {  	[sflag:s22] =	ssyncset.done $0x0  }
0xa0: {  	[sflag:s22] =	ssyncadd.s32 $0xFFFFEC00  }
0xa1: {  	_ =	swait.ge [sflag:s22], $0x1400  }
0xa2: {  	[sflag:s22] =	ssyncset.done $0x0  }
0xa3: {  	s29 =	simm.s32 @!p0 $0x4;
	[sflag:s22] =	ssyncadd.s32 $0xFFFFEC00  }
0xa4: {  	_ =	swait.ge @!p0 [sflag:s29], $0x1400  }
0xa5: {  	[sflag:s29] =	ssyncset.done @!p0 $0x0  }
0xa6: {  	[sflag:s29] =	ssyncadd.s32 @!p0 $0xFFFFEC00;
	s29 =	simm.s32 $0x0  }
0xa7: {  	v0 =	vld [tilespmem:s29+$0x3C70]  }
0xa8: {  	v1 =	vld [tilespmem:s29+$0x6470]  }
0xa9: {  	v2 =	vld [tilespmem:s29+$0x3C00]  }
0xaa: {  	v4 =	vld [tilespmem:s29+$0x3C10]  }
0xab: {  	v5 =	vld [tilespmem:s29+$0x6410]  }
0xac: {  	v7 =	vld [tilespmem:s29+$0x3C20]  }
0xad: {  	v9 =	vld [tilespmem:s29+$0x6420]  }
0xae: {  	v18 =	vld [tilespmem:s29+$0x6450];
	v6 =	vshll.u32 v0, $0x10  }
0xaf: {  	v3 =	vld [tilespmem:s29+$0x6400];
	v8 =	vshll.u32 v1, $0x10;
	v0 =	vand.u32 $0xFFFF0000, v0;
	v1 =	vand.u32 $0xFFFF0000, v1  }
0xb0: {  	v15 =	vld [tilespmem:s29+$0x6440];
	v10 =	vshll.u32 v2, $0x10;
	v2 =	vand.u32 $0xFFFF0000, v2;
	v12 =	vshll.u32 v4, $0x10  }
0xb1: {  	v14 =	vshll.u32 v5, $0x10;
	v4 =	vand.u32 $0xFFFF0000, v4;
	v5 =	vand.u32 $0xFFFF0000, v5  }
0xb2: {  	v11 =	vld [tilespmem:s29+$0x6430];
	v16 =	vshll.u32 v7, $0x10;
	v17 =	vshll.u32 v9, $0x10;
	v7 =	vand.u32 $0xFFFF0000, v7  }
0xb3: {  	v13 =	vld [tilespmem:s29+$0x3C40];
	v60 =	vshll.u32 v18, $0x10;
	v18 =	vand.u32 $0xFFFF0000, v18;
	v6 =	vadd.f32 v8, v6  }
0xb4: {  	v0 =	vadd.f32 v1, v0;
	v8 =	vshll.u32 v3, $0x10;
	v3 =	vand.u32 $0xFFFF0000, v3  }
0xb5: {  	v12 =	vadd.f32 v14, v12;
	v14 =	vshll.u32 v15, $0x10;
	v4 =	vadd.f32 v5, v4  }
0xb6: {  	v15 =	vand.u32 $0xFFFF0000, v15;
	v16 =	vadd.f32 v17, v16;
	v8 =	vadd.f32 v8, v10  }
0xb7: {  	v1 =	vld [tilespmem:s29+$0x3C30];
	v10 =	vshll.u32 v11, $0x10;
	v11 =	vand.u32 $0xFFFF0000, v11;
	v2 =	vadd.f32 v3, v2  }
0xb8: {  	v19 =	vld [tilespmem:s29+$0x3C60];
	v3 =	vshll.u32 v13, $0x10;
	v6 =	vadd.s32 $0x8000, v6;
	v0 =	vadd.s32 $0x8000, v0  }
0xb9: {  	v20 =	vld [tilespmem:s29+$0x6460];
	v3 =	vadd.f32 v14, v3;
	v6 =	vshrl.u32 v6, $0x10;
	v0 =	vand.u32 $0xFFFF0000, v0  }
0xba: {  	v13 =	vand.u32 $0xFFFF0000, v13;
	v14 =	vadd.s32 $0x8000, v12;
	v0 =	vor.u32 v0, v6  }
0xbb: {  	v8 =	vadd.s32 $0x8000, v8;
	v63 =	vadd.s32 $0x8000, v3;
	[tilespmem:s29+$0x8C70] =	vst v0;
	v0 =	vand.u32 $0xFFFF0000, v9  }
0xbc: {  	v9 =	vshll.u32 v1, $0x10;
	v1 =	vand.u32 $0xFFFF0000, v1;
	v0 =	vadd.f32 v0, v7  }
0xbd: {  	v7 =	vshll.u32 v19, $0x10;
	v19 =	vand.u32 $0xFFFF0000, v19;
	v9 =	vadd.f32 v10, v9  }
0xbe: {  	v6 =	vld [tilespmem:s29+$0x3C50];
	v10 =	vshll.u32 v20, $0x10;
	v20 =	vand.u32 $0xFFFF0000, v20;
	v1 =	vadd.f32 v11, v1  }
0xbf: {  	v11 =	vadd.s32 $0x8000, v2;
	v2 =	vadd.f32 v15, v13;
	v15 =	vadd.s32 $0x8000, v16  }
0xc0: {  	v7 =	vadd.f32 v10, v7;
	v10 =	vadd.s32 $0x8000, v4;
	v12 =	vadd.f32 v20, v19  }
0xc1: {  	v0 =	vadd.s32 $0x8000, v0;
	v61 =	vadd.s32 $0x8000, v9;
	v62 =	vadd.s32 $0x8000, v1  }
0xc2: {  	v9 =	vshrl.u32 v8, $0x10;
	v10 =	vand.u32 $0xFFFF0000, v10;
	v8 =	vshrl.u32 v63, $0x10  }
0xc3: {  	v5 =	vshll.u32 v6, $0x10;
	v6 =	vand.u32 $0xFFFF0000, v6;
	v1 =	vadd.s32 $0x8000, v12  }
0xc4: {  	v12 =	vand.u32 $0xFFFF0000, v11;
	v13 =	vadd.f32 v60, v5;
	v6 =	vadd.f32 v18, v6  }
0xc5: {  	v11 =	vand.u32 $0xFFFF0000, v0;
	v5 =	vadd.s32 $0x8000, v2;
	v2 =	vadd.s32 $0x8000, v7  }
0xc6: {  	s30 =	simm.s32 $0x80;
	v7 =	vshrl.u32 v15, $0x10;
	v3 =	vadd.s32 $0x8000, v13;
	v4 =	vadd.s32 $0x8000, v6  }
0xc7: {  	s31 =	simm.s32 $0x400;
	v0 =	vld [tilespmem:s30+$0x3C70];
	v6 =	vshrl.u32 v14, $0x10;
	v13 =	vshrl.u32 v61, $0x10;
	v14 =	vand.u32 $0xFFFF0000, v62  }
.LBB2_7:
0xc8: {  	p0 =	sne.s32 s31, $0x4E00;
	v15 =	vld [tilespmem:s30+$0x6470];
	v5 =	vand.u32 $0xFFFF0000, v5;
	v3 =	vshrl.u32 v3, $0x10;
	v4 =	vand.u32 $0xFFFF0000, v4  }
0xc9: {  	v9 =	vor.u32 v12, v9;
	v2 =	vshrl.u32 v2, $0x10;
	v1 =	vand.u32 $0xFFFF0000, v1;
	v16 =	vld [tilespmem:s30+$0x3C00]  }
0xca: {  	v6 =	vor.u32 v10, v6;
	v7 =	vor.u32 v11, v7;
	v12 =	vld [tilespmem:s30+$0x6400];
	[tilespmem:s29+$0x8C00] =	vst v9;
	v9 =	vor.u32 v14, v13  }
0xcb: {  	v5 =	vor.u32 v5, v8;
	v3 =	vor.u32 v4, v3;
	v1 =	vor.u32 v1, v2;
	v10 =	vld [tilespmem:s30+$0x3C10];
	[tilespmem:s29+$0x8C10] =	vst v6  }
0xcc: {  	v2 =	vld [tilespmem:s30+$0x6410];
	v4 =	vshll.u32 v0, $0x10;
	[tilespmem:s29+$0x8C20] =	vst v7  }
0xcd: {  	v0 =	vand.u32 $0xFFFF0000, v0;
	v6 =	vld [tilespmem:s30+$0x3C20];
	v7 =	vshll.u32 v15, $0x10;
	v8 =	vand.u32 $0xFFFF0000, v15;
	[tilespmem:s29+$0x8C30] =	vst v9  }
0xce: {  	v9 =	vshll.u32 v16, $0x10;
	v11 =	vld [tilespmem:s30+$0x6420];
	v4 =	vadd.f32 v7, v4;
	v0 =	vadd.f32 v8, v0;
	[tilespmem:s29+$0x8C40] =	vst v5  }
0xcf: {  	v7 =	vand.u32 $0xFFFF0000, v16;
	v5 =	vshll.u32 v12, $0x10;
	v8 =	vand.u32 $0xFFFF0000, v12;
	v12 =	vld [tilespmem:s30+$0x3C30];
	[tilespmem:s29+$0x8C50] =	vst v3  }
0xd0: {  	v3 =	vshll.u32 v10, $0x10;
	v13 =	vld [tilespmem:s30+$0x6430];
	v4 =	vadd.s32 $0x8000, v4;
	v0 =	vadd.s32 $0x8000, v0;
	[tilespmem:s29+$0x8C60] =	vst v1;
	s29 =	smov.u32 s30  }
0xd1: {  	v1 =	vshll.u32 v2, $0x10;
	v14 =	vld [tilespmem:s29+$0x3C40];
	v4 =	vshrl.u32 v4, $0x10;
	v0 =	vand.u32 $0xFFFF0000, v0  }
0xd2: {  	v10 =	vand.u32 $0xFFFF0000, v10;
	v2 =	vand.u32 $0xFFFF0000, v2;
	v15 =	vld [tilespmem:s29+$0x6440];
	v0 =	vor.u32 v0, v4  }
0xd3: {  	v4 =	vshll.u32 v6, $0x10;
	v6 =	vand.u32 $0xFFFF0000, v6;
	v16 =	vshll.u32 v11, $0x10;
	v17 =	vld [tilespmem:s29+$0x3C50];
	[tilespmem:s29+$0x8C70] =	vst v0  }
0xd4: {  	v0 =	vand.u32 $0xFFFF0000, v11;
	v11 =	vshll.u32 v12, $0x10;
	v12 =	vand.u32 $0xFFFF0000, v12;
	v18 =	vld [tilespmem:s29+$0x6450]  }
0xd5: {  	v5 =	vadd.f32 v5, v9;
	v9 =	vshll.u32 v13, $0x10;
	v13 =	vand.u32 $0xFFFF0000, v13;
	v19 =	vld [tilespmem:s29+$0x3C60]  }
0xd6: {  	v7 =	vadd.f32 v8, v7;
	v8 =	vshll.u32 v14, $0x10;
	v14 =	vand.u32 $0xFFFF0000, v14;
	v20 =	vld [tilespmem:s29+$0x6460]  }
0xd7: {  	v1 =	vadd.f32 v1, v3;
	v3 =	vshll.u32 v15, $0x10;
	v15 =	vand.u32 $0xFFFF0000, v15  }
0xd8: {  	v2 =	vadd.f32 v2, v10;
	v10 =	vshll.u32 v17, $0x10;
	v17 =	vand.u32 $0xFFFF0000, v17  }
0xd9: {  	v4 =	vadd.f32 v16, v4;
	v16 =	vshll.u32 v18, $0x10;
	v18 =	vand.u32 $0xFFFF0000, v18  }
0xda: {  	v0 =	vadd.f32 v0, v6;
	v6 =	vshll.u32 v19, $0x10;
	v19 =	vand.u32 $0xFFFF0000, v19  }
0xdb: {  	v9 =	vadd.f32 v9, v11;
	v11 =	vshll.u32 v20, $0x10;
	v20 =	vand.u32 $0xFFFF0000, v20  }
0xdc: {  	v21 =	vadd.s32 $0x8000, v5;
	v5 =	vadd.f32 v13, v12;
	v3 =	vadd.f32 v3, v8  }
0xdd: {  	v7 =	vadd.s32 $0x8000, v7;
	v8 =	vadd.f32 v15, v14;
	v10 =	vadd.f32 v16, v10  }
0xde: {  	v13 =	vadd.s32 $0x8000, v1;
	v1 =	vadd.f32 v18, v17;
	v6 =	vadd.f32 v11, v6  }
0xdf: {  	v14 =	vadd.s32 $0x8000, v4;
	v11 =	vadd.s32 $0x8000, v2;
	v12 =	vadd.f32 v20, v19  }
0xe0: {  	v0 =	vadd.s32 $0x8000, v0;
	v15 =	vadd.s32 $0x8000, v9;
	v16 =	vadd.s32 $0x8000, v5  }
.Ltmp7:
0xe1: {  	v17 =	vadd.s32 $0x8000, v3;
	v5 =	vadd.s32 $0x8000, v8;
	v3 =	vadd.s32 $0x8000, v10;
	(pc) =	sbr.rel @p0 .LBB2_7-.Ltmp7, $4  }
0xe2: {  	v4 =	vadd.s32 $0x8000, v1;
	v2 =	vadd.s32 $0x8000, v6;
	v1 =	vadd.s32 $0x8000, v12  }
0xe3: {  	v9 =	vshrl.u32 v21, $0x10;
	v12 =	vand.u32 $0xFFFF0000, v7;
	v6 =	vshrl.u32 v13, $0x10  }
0xe4: {  	s30 =	sshra.s32 s31, $0x2;
	v10 =	vand.u32 $0xFFFF0000, v11;
	v11 =	vand.u32 $0xFFFF0000, v0;
	v7 =	vshrl.u32 v14, $0x10  }
0xe5: {  	s31 =	sadd.s32 $0x200, s31;
	v8 =	vshrl.u32 v17, $0x10;
	v13 =	vshrl.u32 v15, $0x10;
	v14 =	vand.u32 $0xFFFF0000, v16;
	v0 =	vld [tilespmem:s30+$0x3C70]  }
0xe6: {  	v15 =	vld [tilespmem:s30+$0x6470]  }
0xe7: {  	v16 =	vld [tilespmem:s30+$0x3C00]  }
0xe8: {  	v9 =	vor.u32 v12, v9;
	v21 =	vld [tilespmem:s30+$0x6400];
	v6 =	vor.u32 v10, v6;
	v22 =	vor.u32 v11, v7  }
0xe9: {  	v24 =	vor.u32 v14, v13;
	v5 =	vand.u32 $0xFFFF0000, v5;
	v3 =	vshrl.u32 v3, $0x10;
	[tilespmem:s29+$0x8C00] =	vst v9  }
0xea: {  	v4 =	vand.u32 $0xFFFF0000, v4;
	v2 =	vshrl.u32 v2, $0x10;
	v1 =	vand.u32 $0xFFFF0000, v1;
	v9 =	vld [tilespmem:s30+$0x3C10]  }
0xeb: {  	v5 =	vor.u32 v5, v8;
	v3 =	vor.u32 v4, v3;
	v1 =	vor.u32 v1, v2;
	[tilespmem:s29+$0x8C10] =	vst v6  }
0xec: {  	v23 =	vld [tilespmem:s30+$0x6410];
	[tilespmem:s29+$0x8C20] =	vst v22;
	v26 =	vshll.u32 v0, $0x10;
	v28 =	vand.u32 $0xFFFF0000, v0;
	v27 =	vshll.u32 v15, $0x10  }
0xed: {  	v25 =	vld [tilespmem:s30+$0x3C20];
	[tilespmem:s29+$0x8C30] =	vst v24;
	v29 =	vand.u32 $0xFFFF0000, v15;
	v31 =	vshll.u32 v16, $0x10;
	v32 =	vshll.u32 v21, $0x10  }
0xee: {  	v6 =	vld [tilespmem:s30+$0x6420];
	[tilespmem:s29+$0x8C40] =	vst v5;
	v33 =	vand.u32 $0xFFFF0000, v16;
	v34 =	vand.u32 $0xFFFF0000, v21;
	v30 =	vadd.f32 v27, v26  }
0xef: {  	v5 =	vld [tilespmem:s30+$0x3C30];
	[tilespmem:s29+$0x8C50] =	vst v3;
	v0 =	vadd.f32 v29, v28;
	v4 =	vadd.f32 v32, v31;
	v36 =	vshll.u32 v9, $0x10  }
0xf0: {  	v3 =	vld [tilespmem:s30+$0x6430];
	[tilespmem:s29+$0x8C60] =	vst v1;
	v9 =	vand.u32 $0xFFFF0000, v9;
	v1 =	vadd.f32 v34, v33;
	v2 =	vadd.s32 $0x8000, v30  }
0xf1: {  	v0 =	vadd.s32 $0x8000, v0;
	v38 =	vshll.u32 v23, $0x10;
	v7 =	vand.u32 $0xFFFF0000, v23  }
0xf2: {  	v4 =	vadd.s32 $0x8000, v4;
	v2 =	vshrl.u32 v2, $0x10;
	v0 =	vand.u32 $0xFFFF0000, v0  }
0xf3: {  	v35 =	vld [tilespmem:s30+$0x3C40];
	v40 =	vshll.u32 v25, $0x10;
	v41 =	vand.u32 $0xFFFF0000, v25;
	v13 =	vadd.f32 v38, v36  }
0xf4: {  	v37 =	vld [tilespmem:s30+$0x6440];
	v7 =	vadd.f32 v7, v9;
	v1 =	vadd.s32 $0x8000, v1;
	v4 =	vshrl.u32 v4, $0x10  }
0xf5: {  	v39 =	vld [tilespmem:s30+$0x3C50];
	v0 =	vor.u32 v0, v2;
	v17 =	vshll.u32 v6, $0x10;
	v6 =	vand.u32 $0xFFFF0000, v6  }
0xf6: {  	v18 =	vld [tilespmem:s30+$0x6450];
	v1 =	vand.u32 $0xFFFF0000, v1;
	v42 =	vshll.u32 v5, $0x10;
	v5 =	vand.u32 $0xFFFF0000, v5  }
0xf7: {  	v19 =	vld [tilespmem:s30+$0x3C60];
	[tilespmem:s30+$0x8C70] =	vst v0;
	v16 =	vadd.f32 v17, v40;
	v0 =	vadd.f32 v6, v41;
	v52 =	vadd.s32 $0x8000, v13  }
0xf8: {  	v20 =	vld [tilespmem:s30+$0x6460];
	v7 =	vadd.s32 $0x8000, v7;
	v1 =	vor.u32 v1, v4;
	v43 =	vshll.u32 v3, $0x10  }
0xf9: {  	v3 =	vand.u32 $0xFFFF0000, v3;
	v7 =	vand.u32 $0xFFFF0000, v7;
	v44 =	vshll.u32 v35, $0x10  }
0xfa: {  	v12 =	vand.u32 $0xFFFF0000, v35;
	v45 =	vshll.u32 v37, $0x10;
	v14 =	vand.u32 $0xFFFF0000, v37  }
0xfb: {  	v46 =	vshll.u32 v39, $0x10;
	v2 =	vand.u32 $0xFFFF0000, v39;
	v47 =	vshll.u32 v18, $0x10  }
0xfc: {  	v18 =	vand.u32 $0xFFFF0000, v18;
	v48 =	vshll.u32 v19, $0x10;
	v19 =	vand.u32 $0xFFFF0000, v19  }
0xfd: {  	v8 =	vadd.f32 v43, v42;
	v49 =	vshll.u32 v20, $0x10;
	v3 =	vadd.f32 v3, v5  }
0xfe: {  	v20 =	vand.u32 $0xFFFF0000, v20;
	v50 =	vadd.f32 v45, v44;
	v51 =	vadd.f32 v14, v12  }
0xff: {  	v53 =	vadd.s32 $0x8000, v16;
	v9 =	vadd.f32 v47, v46;
	v2 =	vadd.f32 v18, v2  }
0x100: {  	v0 =	vadd.s32 $0x8000, v0;
	v6 =	vadd.f32 v49, v48;
	v54 =	vadd.f32 v20, v19  }
0x101: {  	v12 =	vshrl.u32 v52, $0x10;
	v55 =	vshrl.u32 v53, $0x10;
	v0 =	vand.u32 $0xFFFF0000, v0  }
0x102: {  	v8 =	vadd.s32 $0x8000, v8;
	v3 =	vadd.s32 $0x8000, v3;
	v56 =	vor.u32 v7, v12  }
0x103: {  	v0 =	vor.u32 v0, v55;
	v5 =	vadd.s32 $0x8000, v50;
	v11 =	vadd.s32 $0x8000, v51  }
0x104: {  	[tilespmem:s30+$0x8C00] =	vst v1;
	v9 =	vadd.s32 $0x8000, v9;
	v2 =	vadd.s32 $0x8000, v2;
	v6 =	vadd.s32 $0x8000, v6  }
0x105: {  	v13 =	vadd.s32 $0x8000, v54;
	v57 =	vshrl.u32 v8, $0x10;
	v3 =	vand.u32 $0xFFFF0000, v3;
	[tilespmem:s30+$0x8C10] =	vst v56  }
0x106: {  	s28 =	smul.u32 $0x28, s28;
	[tilespmem:s30+$0x8C20] =	vst v0;
	v58 =	vshrl.u32 v5, $0x10;
	v59 =	vand.u32 $0xFFFF0000, v11;
	v3 =	vor.u32 v3, v57  }
0x107: {  	v60 =	vshrl.u32 v9, $0x10;
	v2 =	vand.u32 $0xFFFF0000, v2;
	v1 =	vor.u32 v59, v58;
	[tilespmem:s30+$0x8C30] =	vst v3  }
0x108: {  	s28 =	sadd.s32 s3, s28;
	v61 =	vshrl.u32 v6, $0x10;
	v62 =	vand.u32 $0xFFFF0000, v13;
	v0 =	vor.u32 v2, v60;
	[tilespmem:s30+$0x8C40] =	vst v1  }
0x109: {  	s28 =	sshll.u32 s28, $0x4;
	v63 =	vor.u32 v62, v61;
	[tilespmem:s30+$0x8C50] =	vst v0  }
0x10a: {  	s28 =	sadd.s32 s6, s28;
	[tilespmem:s30+$0x8C60] =	vst v63  }
0x10b: {  	[hbm4b:s28+s4] =	stream.linear.scatter [tilespmem:s23], [sflag:$0x4], $0x1400, $0x38;
	[tilespmem:$0xA000] =	vst v63  }
.Ltmp8:
0x10c: {  	p0 =	sgt.u32 s25, $0x3C;
	(pc) =	sbr.rel .LBB2_9-.Ltmp8, $4  }
0x10d: {  	s29 =	simm.s32 @!p0 $0x28;
	s30 =	simm.s32 @!p0 $0x3C00;
	s28 =	sadd.s32 @!p0 $0x78, s26  }
0x10e: {  	[tilespmem:s30], [sflag:$0x2] =	stream.indirect.gather @!p0 [hbm4b:s2+s29], $0x80, s28, s29, $0xb8;
	[tilespmem:$0xA000] =	vst v63  }
0x10f: {  	s26 =	sadd.s32 @!p0 $0x1478, s26;
	s28 =	simm.s32 @!p0 $0x6400  }
0x110: {  	[tilespmem:s28], [sflag:$0x2] =	stream.indirect.gather @!p0 [hbm4b:s5+s29], $0x80, s26, s29, $0xb8;
	[tilespmem:$0xA000] =	vst v63  }
.LBB2_11:
0x111: {  	_ =	sfence.sel $0x180000  }
0x112: {  	[bflag:$0x0] =	sbarrier.arrive $0xFFFF  }
0x113: {  	p0 =	sne.s32 s0, $0x0;
	_ =	strace $0x9000004A  }
0x114: {  	s0 =	sadd.s32 @!p0 $0x100000, s1;
	[bflag:$0x2] =	sbarrier.arrive $0xFFFF  }
0x115: {  	[sflag:s0] =	ssyncadd.tile.s32 @!p0 $0x1;
	_ =	shalt  }
.Lfunc_end2:
_tile_overlayer_lowered:
.L_overlay_start_2:
0x116: {  	(tag) =	ssettag $0x2  }
0x117: {  	s0 =	rddreg [dreg:$0x0];
	s2 =	stileid.u32  }
0x118: {  	s1 =	rddreg [dreg:$0x1];
	p0 =	sne.s32 s2, $0x0  }
0x119: {  	s3 =	rddreg [dreg:$0x2];
	[bflag:$0x3] =	sbarrier.arrive $0xFFFF;
	s2 =	simm.s32 @!p0 $0x1C05  }
0x11a: {  	[timem:s3], [sflag:s2] =	dma.local @!p0 [hbm:s0], s1  }
0x11b: {  	s0 =	simm.s32 @!p0 $0x5  }
0x11c: {  	_ =	swait.ge @!p0 [sflag:s0], s1  }
0x11d: {  	s1 =	ssub.s32 @!p0 $0x0, s1;
	[sflag:s0] =	ssyncset.done @!p0 $0x0  }
0x11e: {  	[sflag:s0] =	ssyncadd.s32 @!p0 s1  }
0x11f: {  	[bflag:$0x3] =	sbarrier.arrive $0xFFFF  }
0x120: {  	_ =	shalt  }

// kernel: kernel.15.cloned.1.call-start
scs
__scs_entry_jumppad:
0x0: {  	(pc) =	sbr.rel $0x88, $3  }
0x1: {  	(tag) =	ssettag $0x0;
	lr =	simm.s32 $0x1  }
0x2: {  	[smem:$0x3F99] =	sst lr;
	_ =	strace $0xD0000000  }
0x3: {  	_ = 	snop  }
0x4: {  	_ = 	snop  }
0x5: {  	_ = 	snop  }
0x6: {  	_ = 	snop  }
0x7: {  	_ = 	snop  }
__scs_overlays_trampoline_lowered:
0x8: {  	[smem:$0x3FA8] =	sst s0  }
0x9: {  	[smem:$0x3FA9] =	sst s1  }
0xa: {  	[smem:$0x3FAA] =	sst s2  }
0xb: {  	[smem:$0x3FAB] =	sst s3  }
0xc: {  	[smem:$0x3FAC] =	sst s4  }
0xd: {  	[smem:$0x3FAD] =	sst s5  }
0xe: {  	[smem:$0x3FAE] =	sst s6  }
0xf: {  	[smem:$0x3FAF] =	sst s7  }
0x10: {  	[smem:$0x3FB0] =	sst s8  }
0x11: {  	[smem:$0x3FB1] =	sst s9;
	s0 =	simm.s32 @!p0 $0x0  }
0x12: {  	s1 =	sld [smem:$0x3F97];
	s0 =	simm.s32 @p0 $0x1  }
0x13: {  	[smem:$0x3FB2] =	sst s0;
	s0 =	simm.s32 @!p1 $0x0  }
0x14: {  	s2 =	sld [smem:$0x3F96];
	s0 =	simm.s32 @p1 $0x1  }
0x15: {  	[smem:$0x3FB3] =	sst s0;
	s0 =	simm.s32 @!p2 $0x0  }
0x16: {  	s3 =	sld [smem:$0x3FDB];
	s0 =	simm.s32 @p2 $0x1  }
0x17: {  	s4 =	simm.s32 $0x1BF5;
	[smem:$0x3FB5] =	sst s0  }
0x18: {  	s0 =	sld [smem:$0x3F98];
	_ =	swait.ge [sflag:s4], $0x0  }
0x19: {  	s7 =	sld [smem:$0x3F99]  }
0x1a: {  	s8 =	sadd.s32 $0xFFFFE003, lr  }
0x1b: {  	s9 =	sadd.s32 $0xFFFFFEF7, lr;
	s5 =	simm.s32 $0xFFFFFFFF;
	p2 =	slt.u32 s8, $0xFFFFF086  }
0x1c: {  	p1 =	slt.u32 s9, $0xF7A;
	s5 =	simm.s32 @!p2 $0x0  }
0x1d: {  	s5 =	simm.s32 @p1 $0x1;
	p0 =	seq.s32 s7, s2  }
0x1e: {  	s7 =	smul.u32 @!p0 $0xF7A, s2;
	p2 =	seq.s32 @!p0 s5, $0x0  }
0x1f: {  	s9 =	smul.u32 $0xF7A, s1;
	s8 =	simm.s32 @!p0 $0x1BF5;
	p2 =	por !p2, p0  }
0x20: {  	[sflag:s8] =	ssyncset.s32 @!p0 $0xFFFFF086;
	s6 =	sadd.s32 @!p0 s3, s7;
	s7 =	simm.s32 @!p0 $0x108  }
0x21: {  	s3 =	sadd.s32 s3, s9;
	s6 =	sadd.s32 @!p0 $0x88, s6;
	s7 =	simm.s32 @p2 $0x1082  }
0x22: {  	[simem:s7], [sflag:s8] =	dma.local @!p0 [hbm:s6], $0xF7A  }
0x23: {  	s9 =	sor.u32 $0xD0000000, s2;
	s6 =	simm.s32 $0x108;
	_ =	swait.ge @!p0 [sflag:s8], $0x0  }
0x24: {  	s3 =	sadd.s32 $0x88, s3;
	s6 =	simm.s32 @!p1 $0x1082;
	[sflag:s4] =	ssyncset.s32 $0xFFFFF086  }
0x25: {  	[simem:s6], [sflag:s4] =	dma.local [hbm:s3], $0xF7A  }
0x26: {  	[smem:$0x3F99] =	sst s1;
	(tag) =	ssettag s2;
	_ =	strace s9  }
0x27: {  	s1 =	sld [smem:$0x3FA9]  }
0x28: {  	s2 =	sld [smem:$0x3FAA]  }
0x29: {  	s4 =	sld [smem:$0x3FAC]  }
0x2a: {  	p0 =	seq.s32 s5, $0x0;
	s5 =	sld [smem:$0x3FAD]  }
0x2b: {  	s6 =	sld [smem:$0x3FAE]  }
0x2c: {  	s7 =	sld [smem:$0x3FAF]  }
0x2d: {  	s3 =	simm.s32 $0x108;
	s8 =	sld [smem:$0x3FB0]  }
0x2e: {  	s3 =	simm.s32 @!p0 $0x1082;
	s9 =	sld [smem:$0x3FB1]  }
0x2f: {  	lr =	sadd.s32 s0, s3;
	s0 =	sld [smem:$0x3FA8]  }
0x30: {  	s3 =	sld [smem:$0x3FAB]  }
0x31: {  	[smem:$0x3FB4] =	sst s10  }
0x32: {  	s10 =	sld [smem:$0x3FB2];
	_ =	sdelay $0x3  }
0x33: {  	p0 =	seq.s32 s10, $0x1;
	s10 =	sld [smem:$0x3FB4];
	_ =	sdelay $0x3  }
0x34: {  	[smem:$0x3FB4] =	sst s10  }
0x35: {  	s10 =	sld [smem:$0x3FB3];
	_ =	sdelay $0x3  }
0x36: {  	p1 =	seq.s32 s10, $0x1;
	s10 =	sld [smem:$0x3FB4];
	_ =	sdelay $0x3  }
0x37: {  	[smem:$0x3FB4] =	sst s10  }
0x38: {  	s10 =	sld [smem:$0x3FB5]  }
0x39: {  	_ = 	snop;
	(pc) =	sbr.ind lr, $3  }
0x3a: {  	_ = 	snop  }
0x3b: {  	_ = 	snop  }
0x3c: {  	p2 =	seq.s32 s10, $0x1;
	s10 =	sld [smem:$0x3FB4]  }
0x3d: {  	_ =	shalt  }
0x3e: {  	_ =	shalt  }
0x3f: {  	_ =	shalt  }
0x40: {  	_ =	shalt  }
0x41: {  	_ =	shalt  }
0x42: {  	_ =	shalt  }
0x43: {  	_ =	shalt  }
0x44: {  	_ =	shalt  }
0x45: {  	_ =	shalt  }
0x46: {  	_ =	shalt  }
0x47: {  	_ =	shalt  }
0x48: {  	_ =	shalt  }
0x49: {  	_ =	shalt  }
0x4a: {  	_ =	shalt  }
0x4b: {  	_ =	shalt  }
0x4c: {  	_ =	shalt  }
0x4d: {  	_ =	shalt  }
0x4e: {  	_ =	shalt  }
0x4f: {  	_ =	shalt  }
0x50: {  	_ =	shalt  }
0x51: {  	_ =	shalt  }
0x52: {  	_ =	shalt  }
0x53: {  	_ =	shalt  }
0x54: {  	_ =	shalt  }
0x55: {  	_ =	shalt  }
0x56: {  	_ =	shalt  }
0x57: {  	_ =	shalt  }
0x58: {  	_ =	shalt  }
0x59: {  	_ =	shalt  }
0x5a: {  	_ =	shalt  }
0x5b: {  	_ =	shalt  }
0x5c: {  	_ =	shalt  }
0x5d: {  	_ =	shalt  }
0x5e: {  	_ =	shalt  }
0x5f: {  	_ =	shalt  }
0x60: {  	_ =	shalt  }
0x61: {  	_ =	shalt  }
0x62: {  	_ =	shalt  }
0x63: {  	_ =	shalt  }
0x64: {  	_ =	shalt  }
0x65: {  	_ =	shalt  }
0x66: {  	_ =	shalt  }
0x67: {  	_ =	shalt  }
0x68: {  	_ =	shalt  }
0x69: {  	_ =	shalt  }
0x6a: {  	_ =	shalt  }
0x6b: {  	_ =	shalt  }
0x6c: {  	_ =	shalt  }
0x6d: {  	_ =	shalt  }
0x6e: {  	_ =	shalt  }
0x6f: {  	_ =	shalt  }
0x70: {  	_ =	shalt  }
0x71: {  	_ =	shalt  }
0x72: {  	_ =	shalt  }
0x73: {  	_ =	shalt  }
0x74: {  	_ =	shalt  }
0x75: {  	_ =	shalt  }
0x76: {  	_ =	shalt  }
0x77: {  	_ =	shalt  }
0x78: {  	_ =	shalt  }
0x79: {  	_ =	shalt  }
0x7a: {  	_ =	shalt  }
0x7b: {  	_ =	shalt  }
0x7c: {  	_ =	shalt  }
0x7d: {  	_ =	shalt  }
0x7e: {  	_ =	shalt  }
0x7f: {  	_ =	shalt  }
0x80: {  	_ =	shalt  }
0x81: {  	_ =	shalt  }
0x82: {  	_ =	shalt  }
0x83: {  	_ =	shalt  }
0x84: {  	_ =	shalt  }
0x85: {  	_ =	shalt  }
0x86: {  	_ =	shalt  }
0x87: {  	_ =	shalt  }
.Lfunc_end0:
.L_simem_size_0:
called_computation.1_lowered:
.L_overlay_start_0:
0x88: {  	s2 =	sld [smem:$0x3FD9]  }
0x89: {  	s3 =	sld [smem:$0x3FFE];
	_ =	sdelay $0x1  }
0x8a: {  	s1 =	srdreg.scid  }
0x8b: {  	s0 =	sand.u32 $0x1, s1  }
0x8c: {  	s17 =	sshll.u32 s0, $0xA;
	s2 =	sadd.s32 s3, s2  }
0x8d: {  	s2 =	sadd.s32 s2, s17  }
0x8e: {  	[smem:$0x3FC0] =	sst s2  }
0x8f: {  	_ = 	snop  }
0x90: {  	s2 =	sld [smem:$0x3FD0];
	(tm) =	ssettm $0x1  }
0x91: {  	s18 =	sld [smem:$0x3FFB];
	_ =	sdelay $0x3  }
0x92: {  	_ =	strace s18  }
0x93: {  	s3 =	sld [smem:$0x3FFC];
	_ =	sdelay $0x3  }
0x94: {  	_ =	strace s3  }
0x95: {  	s3 =	sld [smem:$0x3FFD];
	_ =	sdelay $0x3  }
0x96: {  	_ =	strace s3  }
0x97: {  	_ =	strace $0x8FFFFFFF  }
0x98: {  	s19 =	sld [smem:$0x3FDB];
	_ =	sdelay $0x1  }
0x99: {  	s4 =	simm.s32 $_scs_section_size  }
0x9a: {  	s5 =	simm.s32 $_size__tile_overlayer_lowered;
	s6 =	simm.s32 $_tile_overlayer_lowered  }
0x9b: {  	s22 =	simm.s32 $0x1BFF;
	s21 =	sshll.u32 s6, $0x1;
	s3 =	sadd.s32 s4, s19  }
0x9c: {  	s7 =	simm.s32 $0x0;
	s20 =	sshll.u32 s5, $0x1;
	s5 =	sadd.s32 s21, s3  }
0x9d: {  	[timem:s7], [sflag:s22] =	dma.local [hbm:s5], s20  }
0x9e: {  	_ =	swait.ge [sflag:s22], s20  }
0x9f: {  	s4 =	ssub.s32 $0x0, s20;
	[sflag:s22] =	ssyncset.done $0x0  }
0xa0: {  	[sflag:s22] =	ssyncadd.s32 s4;
	_ =	sdelay $0x1  }
0xa1: {  	s23 =	simm.s32 $0x1B8B  }
0xa2: {  	_ =	swait.ge [sflag:s23], $0x1  }
0xa3: {  	[sflag:s23] =	ssyncset.done $0x0  }
0xa4: {  	s25 =	simm.s32 $0x1B8E;
	s24 =	sld [smem:$0x3FFE];
	[sflag:s23] =	ssyncadd.s32 $0xFFFFFFFF  }
0xa5: {  	s26 =	simm.s32 $execute0_lowered;
	[smem:$0x3FD2] =	sst s25  }
0xa6: {  	s5 =	sshll.u32 s26, $0x1;
	_ =	strace $0x80000046;
	[dreg:$0x1] =	wrdreg $0xFFFFFFFF  }
0xa7: {  	s28 =	simm.s32 $_size_execute0_lowered;
	s3 =	sadd.s32 s3, s5;
	[dreg:$0x0] =	wrdreg $0x0  }
0xa8: {  	s5 =	sshll.u32 s28, $0x1;
	[dreg:$0x2] =	wrdreg s3  }
0xa9: {  	[dreg:$0x3] =	wrdreg s5  }
0xaa: {  	[dreg:$0x4] =	wrdreg $0xC0  }
0xab: {  	_ =	task [dreg:s7], $0x5FFFF  }
0xac: {  	[dreg:$0x1] =	wrdreg $0xFFFFFFFF  }
0xad: {  	[dreg:$0x0] =	wrdreg $0x60  }
0xae: {  	[dreg:$0x2] =	wrdreg s24  }
0xaf: {  	[dreg:$0x3] =	wrdreg s2  }
0xb0: {  	[dreg:$0x4] =	wrdreg $0xA  }
0xb1: {  	_ =	task.clear_ibuf [dreg:s7], $0x5FFFF;
	_ =	strace $0x90000046  }
0xb2: {  	s29 =	simm.s32 $0xA;
	_ =	strace $0x80000048  }
0xb3: {  	_ =	swait.ge [sflag:s29], $0x1  }
0xb4: {  	[sflag:s29] =	ssyncadd.s32 $0xFFFFFFFF  }
0xb5: {  	_ =	strace $0x90000048  }
0xb6: {  	_ =	sfence  }
0xb7: {  	s30 =	sld [smem:$0x0];
	_ =	sdelay $0x2  }
0xb8: {  	s31 =	sshll.u32 s1, $0xD;
	s1 =	sshrl.u32 s1, $0x2  }
0xb9: {  	s3 =	sand.u32 $0x4000, s31;
	s1 =	sadd.s32 s1, s30  }
0xba: {  	s0 =	sor.u32 s3, s0;
	s1 =	sshll.u32 s1, $0x11  }
0xbb: {  	s0 =	sor.u32 s1, s0  }
0xbc: {  	s0 =	sadd.s32 $0x8F2B, s0  }
0xbd: {  	[sflag:s0] =	ssyncadd.remote.s32 $0x1  }
0xbe: {  	_ =	sfence.sel $0xFFFF  }
0xbf: {  	[dreg:$0x0] =	wrdreg $0xFFFFFFFF;
	(pc) =	sbr.abs _section_cstart, $3  }
0xc0: {  	[dreg:$0x1] =	wrdreg $0xFFFFFFFF  }
0xc1: {  	_ =	task.clear_ibuf [dreg:s7], $0x2FFFF;
	_ =	strace $0x9FFFFFFF  }
0xc2: {  	(tm) =	ssettm $0x7FFFFFFF  }
0xc3: {  	_ =	shalt  }
tec
execute0_lowered:
.L_overlay_start_1:
0x0: {  	(tag) =	ssettag $0x1  }
0x1: {  	s7 =	rddreg [dreg:$0x0];
	s1 =	srdreg.scid  }
0x2: {  	s0 =	stileid.u32;
	s2 =	rddreg [dreg:$0x1];
	s3 =	simm.s32 $0x0  }
0x3: {  	s11 =	simm.s32 $0x1400;
	s12 =	simm.s32 $0x28;
	s13 =	simm.s32 $0x2800  }
0x4: {  	s14 =	simm.s32 $0x5000;
	s15 =	simm.s32 $0x3C00;
	s16 =	simm.s32 $0x1428  }
0x5: {  	s17 =	simm.s32 $0x6400;
	s18 =	simm.s32 $0x1;
	s19 =	simm.s32 $0x7800  }
0x6: {  	s20 =	simm.s32 $0x3;
	s5 =	sand.u32 $0x1, s1;
	s4 =	sshll.u32 s0, $0x1  }
0x7: {  	s21 =	simm.s32 $0x4;
	s22 =	simm.s32 $0x2;
	s4 =	sor.u32 s5, s4  }
0x8: {  	s23 =	simm.s32 $0x8C00;
	s24 =	simm.s32 $0x0;
	s4 =	smul.u32 $0x1388, s4  }
.Ltmp0:
0x9: {  	s1 =	rddreg [dreg:$0x2];
	s8 =	ssub.s32 $0x2, s5;
	(pc) =	sbr.rel .LBB2_1-.Ltmp0, $4  }
0xa: {  	[smem:$0x7FF] =	sst s3;
	s6 =	sadd.s32 $0x40400, s7;
	s9 =	sshrl.u32 s8, $0x1  }
0xb: {  	_ =	strace $0x80000047;
	s9 =	ssub.s32 s8, s9;
	s10 =	sshrl.u32 s4, $0x3  }
0xc: {  	s5 =	sadd.s32 $0x19200, s7;
	s9 =	smax.u32 s9, $0x1;
	s31 =	sadd.s32 s7, s10  }
0xd: {  	s10 =	simm.s32 $0x5;
	s7 =	sadd.s32 $0x14220, s31;
	s8 =	sadd.s32 $0xA420, s31  }
.LBB2_10:
0xe: {  	s24 =	sadd.s32 $0x1, s24  }
0xf: {  	_ =	swait.ge [sflag:s20], $0x1400;
	p0 =	sne.s32 s24, s9  }
.Ltmp1:
0x10: {  	[sflag:s20] =	ssyncset.done $0x0;
	(pc) =	sbr.rel @!p0 .LBB2_11-.Ltmp1, $4  }
0x11: {  	[sflag:s20] =	ssyncadd.s32 $0xFFFFEC00  }
0x12: {  	_ =	swait.ge [sflag:s21], $0x1400  }
0x13: {  	[sflag:s21] =	ssyncset.done $0x0  }
0x14: {  	[sflag:s21] =	ssyncadd.s32 $0xFFFFEC00  }
.LBB2_1:
0x15: {  	[tilespmem:s3], [sflag:$0x5] =	stream.linear.gather [hbm4b:s7+s3], $0x1388, $0x38;
	[tilespmem:$0xA000] =	vst v63  }
0x16: {  	_ =	swait.ge [sflag:s10], $0x1388  }
0x17: {  	[sflag:s10] =	ssyncset.done $0x0  }
0x18: {  	[sflag:s10] =	ssyncadd.s32 $0xFFFFEC78  }
0x19: {  	[tilespmem:s11], [sflag:$0x5] =	stream.linear.gather [hbm4b:s8+s3], $0x1388, $0x38;
	[tilespmem:$0xA000] =	vst v63  }
0x1a: {  	_ =	swait.ge [sflag:s10], $0x1388  }
0x1b: {  	[sflag:s10] =	ssyncset.done $0x0  }
0x1c: {  	[sflag:s10] =	ssyncadd.s32 $0xFFFFEC78  }
0x1d: {  	[tilespmem:s13], [sflag:$0x1] =	stream.indirect.gather [hbm4b:s2+s12], $0x80, s3, s12, $0xb8;
	[tilespmem:$0xA000] =	vst v63  }
0x1e: {  	_ = 	snop  }
0x1f: {  	[tilespmem:s14], [sflag:$0x1] =	stream.indirect.gather [hbm4b:s5+s12], $0x80, s11, s12, $0xb8;
	[tilespmem:$0xA000] =	vst v63  }
.Ltmp2:
0x20: {  	_ = 	snop;
	(pc) =	sbr.rel .LBB2_2-.Ltmp2, $4  }
0x21: {  	_ = 	snop  }
0x22: {  	[tilespmem:s15], [sflag:$0x2] =	stream.indirect.gather [hbm4b:s2+s12], $0x80, s12, s12, $0xb8;
	[tilespmem:$0xA000] =	vst v63  }
0x23: {  	s25 =	simm.s32 $0x0  }
0x24: {  	[tilespmem:s17], [sflag:$0x2] =	stream.indirect.gather [hbm4b:s5+s12], $0x80, s16, s12, $0xb8;
	[tilespmem:$0xA000] =	vst v63  }
.LBB2_9:
0x25: {  	s25 =	sadd.s32 $0x1, s25  }
0x26: {  	p0 =	sne.s32 s25, $0x3F  }
.Ltmp3:
0x27: {  	_ = 	snop;
	(pc) =	sbr.rel @!p0 .LBB2_10-.Ltmp3, $1  }
0x28: {  	_ =	sdelay $0x3  }
.LBB2_2:
0x29: {  	_ =	swait.ge [sflag:s18], $0x1400  }
0x2a: {  	[sflag:s18] =	ssyncset.done $0x0  }
0x2b: {  	[sflag:s18] =	ssyncadd.s32 $0xFFFFEC00  }
0x2c: {  	_ =	swait.ge [sflag:s18], $0x1400  }
0x2d: {  	p0 =	seq.s32 s25, $0x0;
	[sflag:s18] =	ssyncset.done $0x0  }
0x2e: {  	s26 =	simm.s32 @!p0 $0x3;
	[sflag:s18] =	ssyncadd.s32 $0xFFFFEC00  }
0x2f: {  	_ =	swait.ge @!p0 [sflag:s26], $0x1400  }
0x30: {  	[sflag:s26] =	ssyncset.done @!p0 $0x0  }
0x31: {  	[sflag:s26] =	ssyncadd.s32 @!p0 $0xFFFFEC00;
	s26 =	simm.s32 $0x0  }
0x32: {  	v0 =	vld [tilespmem:s26+$0x2870]  }
0x33: {  	v1 =	vld [tilespmem:s26+$0x5070]  }
0x34: {  	v2 =	vld [tilespmem:s26+$0x2800]  }
0x35: {  	v4 =	vld [tilespmem:s26+$0x2810]  }
0x36: {  	v5 =	vld [tilespmem:s26+$0x5010]  }
0x37: {  	v7 =	vld [tilespmem:s26+$0x2820]  }
0x38: {  	v9 =	vld [tilespmem:s26+$0x5020]  }
0x39: {  	v18 =	vld [tilespmem:s26+$0x5050];
	v6 =	vshll.u32 v0, $0x10  }
0x3a: {  	v3 =	vld [tilespmem:s26+$0x5000];
	v8 =	vshll.u32 v1, $0x10;
	v0 =	vand.u32 $0xFFFF0000, v0;
	v1 =	vand.u32 $0xFFFF0000, v1  }
0x3b: {  	v15 =	vld [tilespmem:s26+$0x5040];
	v10 =	vshll.u32 v2, $0x10;
	v2 =	vand.u32 $0xFFFF0000, v2;
	v12 =	vshll.u32 v4, $0x10  }
0x3c: {  	v14 =	vshll.u32 v5, $0x10;
	v4 =	vand.u32 $0xFFFF0000, v4;
	v5 =	vand.u32 $0xFFFF0000, v5  }
0x3d: {  	v11 =	vld [tilespmem:s26+$0x5030];
	v16 =	vshll.u32 v7, $0x10;
	v17 =	vshll.u32 v9, $0x10;
	v7 =	vand.u32 $0xFFFF0000, v7  }
0x3e: {  	v13 =	vld [tilespmem:s26+$0x2840];
	v60 =	vshll.u32 v18, $0x10;
	v18 =	vand.u32 $0xFFFF0000, v18;
	v6 =	vadd.f32 v8, v6  }
0x3f: {  	v0 =	vadd.f32 v1, v0;
	v8 =	vshll.u32 v3, $0x10;
	v3 =	vand.u32 $0xFFFF0000, v3  }
0x40: {  	v12 =	vadd.f32 v14, v12;
	v14 =	vshll.u32 v15, $0x10;
	v4 =	vadd.f32 v5, v4  }
0x41: {  	v15 =	vand.u32 $0xFFFF0000, v15;
	v16 =	vadd.f32 v17, v16;
	v8 =	vadd.f32 v8, v10  }
0x42: {  	v1 =	vld [tilespmem:s26+$0x2830];
	v10 =	vshll.u32 v11, $0x10;
	v11 =	vand.u32 $0xFFFF0000, v11;
	v2 =	vadd.f32 v3, v2  }
0x43: {  	v19 =	vld [tilespmem:s26+$0x2860];
	v3 =	vshll.u32 v13, $0x10;
	v13 =	vand.u32 $0xFFFF0000, v13;
	v6 =	vadd.s32 $0x8000, v6  }
0x44: {  	v20 =	vld [tilespmem:s26+$0x5060];
	v0 =	vadd.s32 $0x8000, v0;
	v3 =	vadd.f32 v14, v3;
	v14 =	vadd.s32 $0x8000, v12  }
0x45: {  	v6 =	vshrl.u32 v6, $0x10;
	v0 =	vand.u32 $0xFFFF0000, v0;
	v8 =	vadd.s32 $0x8000, v8  }
0x46: {  	v0 =	vor.u32 v0, v6;
	v63 =	vadd.s32 $0x8000, v3;
	v8 =	vshrl.u32 v8, $0x10  }
0x47: {  	[tilespmem:s26+$0x7870] =	vst v0;
	v0 =	vand.u32 $0xFFFF0000, v9;
	v9 =	vshll.u32 v1, $0x10;
	v1 =	vand.u32 $0xFFFF0000, v1  }
0x48: {  	v6 =	vld [tilespmem:s26+$0x2850];
	v0 =	vadd.f32 v0, v7;
	v7 =	vshll.u32 v19, $0x10;
	v19 =	vand.u32 $0xFFFF0000, v19  }
0x49: {  	v9 =	vadd.f32 v10, v9;
	v10 =	vshll.u32 v20, $0x10;
	v20 =	vand.u32 $0xFFFF0000, v20  }
0x4a: {  	v1 =	vadd.f32 v11, v1;
	v11 =	vadd.s32 $0x8000, v2;
	v2 =	vadd.f32 v15, v13  }
0x4b: {  	v15 =	vadd.s32 $0x8000, v16;
	v7 =	vadd.f32 v10, v7;
	v10 =	vadd.s32 $0x8000, v4  }
0x4c: {  	v12 =	vadd.f32 v20, v19;
	v0 =	vadd.s32 $0x8000, v0;
	v61 =	vadd.s32 $0x8000, v9  }
0x4d: {  	v62 =	vadd.s32 $0x8000, v1;
	v9 =	vand.u32 $0xFFFF0000, v10;
	v5 =	vshll.u32 v6, $0x10  }
0x4e: {  	v6 =	vand.u32 $0xFFFF0000, v6;
	v1 =	vadd.s32 $0x8000, v12;
	v12 =	vand.u32 $0xFFFF0000, v11  }
0x4f: {  	v10 =	vand.u32 $0xFFFF0000, v0;
	v13 =	vadd.f32 v60, v5;
	v6 =	vadd.f32 v18, v6  }
0x50: {  	v11 =	vshrl.u32 v63, $0x10;
	v5 =	vadd.s32 $0x8000, v2;
	v2 =	vadd.s32 $0x8000, v7  }
0x51: {  	s29 =	simm.s32 $0x80;
	v7 =	vshrl.u32 v15, $0x10;
	v3 =	vadd.s32 $0x8000, v13;
	v4 =	vadd.s32 $0x8000, v6  }
0x52: {  	s28 =	sshll.u32 s25, $0x1;
	s30 =	simm.s32 $0x400;
	v0 =	vld [tilespmem:s29+$0x2870];
	v6 =	vshrl.u32 v14, $0x10;
	v13 =	vshrl.u32 v61, $0x10;
	v14 =	vand.u32 $0xFFFF0000, v62  }
.LBB2_3:
0x53: {  	p1 =	sne.s32 s30, $0x4E00;
	v15 =	vld [tilespmem:s29+$0x5070];
	v5 =	vand.u32 $0xFFFF0000, v5;
	v3 =	vshrl.u32 v3, $0x10;
	v4 =	vand.u32 $0xFFFF0000, v4  }
0x54: {  	v8 =	vor.u32 v12, v8;
	v2 =	vshrl.u32 v2, $0x10;
	v1 =	vand.u32 $0xFFFF0000, v1;
	v16 =	vld [tilespmem:s29+$0x2800]  }
0x55: {  	v6 =	vor.u32 v9, v6;
	v7 =	vor.u32 v10, v7;
	v12 =	vld [tilespmem:s29+$0x5000];
	[tilespmem:s26+$0x7800] =	vst v8;
	v8 =	vor.u32 v14, v13  }
0x56: {  	v5 =	vor.u32 v5, v11;
	v3 =	vor.u32 v4, v3;
	v1 =	vor.u32 v1, v2;
	v9 =	vld [tilespmem:s29+$0x2810];
	[tilespmem:s26+$0x7810] =	vst v6  }
0x57: {  	v2 =	vld [tilespmem:s29+$0x5010];
	v4 =	vshll.u32 v0, $0x10;
	[tilespmem:s26+$0x7820] =	vst v7  }
0x58: {  	v0 =	vand.u32 $0xFFFF0000, v0;
	v6 =	vld [tilespmem:s29+$0x2820];
	v7 =	vshll.u32 v15, $0x10;
	v10 =	vand.u32 $0xFFFF0000, v15;
	[tilespmem:s26+$0x7830] =	vst v8  }
0x59: {  	v8 =	vshll.u32 v16, $0x10;
	v11 =	vld [tilespmem:s29+$0x5020];
	v4 =	vadd.f32 v7, v4;
	v0 =	vadd.f32 v10, v0;
	[tilespmem:s26+$0x7840] =	vst v5  }
0x5a: {  	v7 =	vand.u32 $0xFFFF0000, v16;
	v5 =	vshll.u32 v12, $0x10;
	v10 =	vand.u32 $0xFFFF0000, v12;
	v12 =	vld [tilespmem:s29+$0x2830];
	[tilespmem:s26+$0x7850] =	vst v3  }
0x5b: {  	v3 =	vshll.u32 v9, $0x10;
	v13 =	vld [tilespmem:s29+$0x5030];
	v4 =	vadd.s32 $0x8000, v4;
	v0 =	vadd.s32 $0x8000, v0;
	[tilespmem:s26+$0x7860] =	vst v1;
	s26 =	smov.u32 s29  }
0x5c: {  	v1 =	vshll.u32 v2, $0x10;
	v14 =	vld [tilespmem:s26+$0x2840];
	v4 =	vshrl.u32 v4, $0x10;
	v0 =	vand.u32 $0xFFFF0000, v0  }
0x5d: {  	v9 =	vand.u32 $0xFFFF0000, v9;
	v2 =	vand.u32 $0xFFFF0000, v2;
	v15 =	vld [tilespmem:s26+$0x5040];
	v0 =	vor.u32 v0, v4  }
0x5e: {  	v4 =	vshll.u32 v6, $0x10;
	v6 =	vand.u32 $0xFFFF0000, v6;
	v16 =	vshll.u32 v11, $0x10;
	v17 =	vld [tilespmem:s26+$0x2850];
	[tilespmem:s26+$0x7870] =	vst v0  }
0x5f: {  	v0 =	vand.u32 $0xFFFF0000, v11;
	v11 =	vshll.u32 v12, $0x10;
	v12 =	vand.u32 $0xFFFF0000, v12;
	v18 =	vld [tilespmem:s26+$0x5050]  }
0x60: {  	v5 =	vadd.f32 v5, v8;
	v8 =	vshll.u32 v13, $0x10;
	v13 =	vand.u32 $0xFFFF0000, v13;
	v19 =	vld [tilespmem:s26+$0x2860]  }
0x61: {  	v7 =	vadd.f32 v10, v7;
	v10 =	vshll.u32 v14, $0x10;
	v14 =	vand.u32 $0xFFFF0000, v14;
	v20 =	vld [tilespmem:s26+$0x5060]  }
0x62: {  	v1 =	vadd.f32 v1, v3;
	v3 =	vshll.u32 v15, $0x10;
	v15 =	vand.u32 $0xFFFF0000, v15  }
0x63: {  	v2 =	vadd.f32 v2, v9;
	v9 =	vshll.u32 v17, $0x10;
	v17 =	vand.u32 $0xFFFF0000, v17  }
0x64: {  	v4 =	vadd.f32 v16, v4;
	v16 =	vshll.u32 v18, $0x10;
	v18 =	vand.u32 $0xFFFF0000, v18  }
0x65: {  	v0 =	vadd.f32 v0, v6;
	v6 =	vshll.u32 v19, $0x10;
	v19 =	vand.u32 $0xFFFF0000, v19  }
0x66: {  	v8 =	vadd.f32 v8, v11;
	v11 =	vshll.u32 v20, $0x10;
	v20 =	vand.u32 $0xFFFF0000, v20  }
0x67: {  	v21 =	vadd.s32 $0x8000, v5;
	v5 =	vadd.f32 v13, v12;
	v3 =	vadd.f32 v3, v10  }
0x68: {  	v7 =	vadd.s32 $0x8000, v7;
	v10 =	vadd.f32 v15, v14;
	v9 =	vadd.f32 v16, v9  }
0x69: {  	v13 =	vadd.s32 $0x8000, v1;
	v1 =	vadd.f32 v18, v17;
	v6 =	vadd.f32 v11, v6  }
0x6a: {  	v14 =	vadd.s32 $0x8000, v4;
	v11 =	vadd.s32 $0x8000, v2;
	v12 =	vadd.f32 v20, v19  }
0x6b: {  	v0 =	vadd.s32 $0x8000, v0;
	v15 =	vadd.s32 $0x8000, v8;
	v16 =	vadd.s32 $0x8000, v5  }
.Ltmp4:
0x6c: {  	v17 =	vadd.s32 $0x8000, v3;
	v5 =	vadd.s32 $0x8000, v10;
	v3 =	vadd.s32 $0x8000, v9;
	(pc) =	sbr.rel @p1 .LBB2_3-.Ltmp4, $4  }
0x6d: {  	v4 =	vadd.s32 $0x8000, v1;
	v2 =	vadd.s32 $0x8000, v6;
	v1 =	vadd.s32 $0x8000, v12  }
0x6e: {  	v8 =	vshrl.u32 v21, $0x10;
	v12 =	vand.u32 $0xFFFF0000, v7;
	v6 =	vshrl.u32 v13, $0x10  }
0x6f: {  	s29 =	sshra.s32 s30, $0x2;
	v10 =	vand.u32 $0xFFFF0000, v0;
	v9 =	vand.u32 $0xFFFF0000, v11;
	v7 =	vshrl.u32 v14, $0x10  }
0x70: {  	s30 =	sadd.s32 $0x200, s30;
	v11 =	vshrl.u32 v17, $0x10;
	v13 =	vshrl.u32 v15, $0x10;
	v14 =	vand.u32 $0xFFFF0000, v16;
	v0 =	vld [tilespmem:s29+$0x2870]  }
0x71: {  	v15 =	vld [tilespmem:s29+$0x5070]  }
0x72: {  	v16 =	vld [tilespmem:s29+$0x2800]  }
0x73: {  	v8 =	vor.u32 v12, v8;
	v21 =	vld [tilespmem:s29+$0x5000];
	v6 =	vor.u32 v9, v6;
	v22 =	vor.u32 v10, v7  }
0x74: {  	v24 =	vor.u32 v14, v13;
	v5 =	vand.u32 $0xFFFF0000, v5;
	v3 =	vshrl.u32 v3, $0x10;
	[tilespmem:s26+$0x7800] =	vst v8  }
0x75: {  	v4 =	vand.u32 $0xFFFF0000, v4;
	v2 =	vshrl.u32 v2, $0x10;
	v1 =	vand.u32 $0xFFFF0000, v1;
	v8 =	vld [tilespmem:s29+$0x2810]  }
0x76: {  	v5 =	vor.u32 v5, v11;
	v3 =	vor.u32 v4, v3;
	v1 =	vor.u32 v1, v2;
	[tilespmem:s26+$0x7810] =	vst v6  }
0x77: {  	v23 =	vld [tilespmem:s29+$0x5010];
	[tilespmem:s26+$0x7820] =	vst v22;
	v26 =	vshll.u32 v0, $0x10;
	v28 =	vand.u32 $0xFFFF0000, v0;
	v27 =	vshll.u32 v15, $0x10  }
0x78: {  	v25 =	vld [tilespmem:s29+$0x2820];
	[tilespmem:s26+$0x7830] =	vst v24;
	v29 =	vand.u32 $0xFFFF0000, v15;
	v31 =	vshll.u32 v16, $0x10;
	v32 =	vshll.u32 v21, $0x10  }
0x79: {  	v6 =	vld [tilespmem:s29+$0x5020];
	[tilespmem:s26+$0x7840] =	vst v5;
	v33 =	vand.u32 $0xFFFF0000, v16;
	v34 =	vand.u32 $0xFFFF0000, v21;
	v30 =	vadd.f32 v27, v26  }
0x7a: {  	v5 =	vld [tilespmem:s29+$0x2830];
	[tilespmem:s26+$0x7850] =	vst v3;
	v0 =	vadd.f32 v29, v28;
	v4 =	vadd.f32 v32, v31;
	v36 =	vshll.u32 v8, $0x10  }
0x7b: {  	v3 =	vld [tilespmem:s29+$0x5030];
	[tilespmem:s26+$0x7860] =	vst v1;
	v8 =	vand.u32 $0xFFFF0000, v8;
	v1 =	vadd.f32 v34, v33;
	v2 =	vadd.s32 $0x8000, v30  }
0x7c: {  	v0 =	vadd.s32 $0x8000, v0;
	v38 =	vshll.u32 v23, $0x10;
	v7 =	vand.u32 $0xFFFF0000, v23  }
0x7d: {  	v4 =	vadd.s32 $0x8000, v4;
	v2 =	vshrl.u32 v2, $0x10;
	v0 =	vand.u32 $0xFFFF0000, v0  }
0x7e: {  	v35 =	vld [tilespmem:s29+$0x2840];
	v40 =	vshll.u32 v25, $0x10;
	v41 =	vand.u32 $0xFFFF0000, v25;
	v13 =	vadd.f32 v38, v36  }
0x7f: {  	v37 =	vld [tilespmem:s29+$0x5040];
	v7 =	vadd.f32 v7, v8;
	v1 =	vadd.s32 $0x8000, v1;
	v4 =	vshrl.u32 v4, $0x10  }
0x80: {  	v39 =	vld [tilespmem:s29+$0x2850];
	v0 =	vor.u32 v0, v2;
	v17 =	vshll.u32 v6, $0x10;
	v6 =	vand.u32 $0xFFFF0000, v6  }
0x81: {  	v18 =	vld [tilespmem:s29+$0x5050];
	v1 =	vand.u32 $0xFFFF0000, v1;
	v42 =	vshll.u32 v5, $0x10;
	v5 =	vand.u32 $0xFFFF0000, v5  }
0x82: {  	v19 =	vld [tilespmem:s29+$0x2860];
	[tilespmem:s29+$0x7870] =	vst v0;
	v16 =	vadd.f32 v17, v40;
	v0 =	vadd.f32 v6, v41;
	v52 =	vadd.s32 $0x8000, v13  }
0x83: {  	v20 =	vld [tilespmem:s29+$0x5060];
	v7 =	vadd.s32 $0x8000, v7;
	v1 =	vor.u32 v1, v4;
	v43 =	vshll.u32 v3, $0x10  }
0x84: {  	v3 =	vand.u32 $0xFFFF0000, v3;
	v7 =	vand.u32 $0xFFFF0000, v7;
	v44 =	vshll.u32 v35, $0x10  }
0x85: {  	v12 =	vand.u32 $0xFFFF0000, v35;
	v45 =	vshll.u32 v37, $0x10;
	v14 =	vand.u32 $0xFFFF0000, v37  }
0x86: {  	v46 =	vshll.u32 v39, $0x10;
	v2 =	vand.u32 $0xFFFF0000, v39;
	v47 =	vshll.u32 v18, $0x10  }
0x87: {  	v18 =	vand.u32 $0xFFFF0000, v18;
	v48 =	vshll.u32 v19, $0x10;
	v19 =	vand.u32 $0xFFFF0000, v19  }
0x88: {  	v9 =	vadd.f32 v43, v42;
	v49 =	vshll.u32 v20, $0x10;
	v3 =	vadd.f32 v3, v5  }
0x89: {  	v20 =	vand.u32 $0xFFFF0000, v20;
	v50 =	vadd.f32 v45, v44;
	v51 =	vadd.f32 v14, v12  }
0x8a: {  	v53 =	vadd.s32 $0x8000, v16;
	v8 =	vadd.f32 v47, v46;
	v2 =	vadd.f32 v18, v2  }
0x8b: {  	v0 =	vadd.s32 $0x8000, v0;
	v6 =	vadd.f32 v49, v48;
	v54 =	vadd.f32 v20, v19  }
0x8c: {  	v12 =	vshrl.u32 v52, $0x10;
	v55 =	vshrl.u32 v53, $0x10;
	v0 =	vand.u32 $0xFFFF0000, v0  }
0x8d: {  	v9 =	vadd.s32 $0x8000, v9;
	v3 =	vadd.s32 $0x8000, v3;
	v56 =	vor.u32 v7, v12  }
0x8e: {  	v0 =	vor.u32 v0, v55;
	v5 =	vadd.s32 $0x8000, v50;
	v11 =	vadd.s32 $0x8000, v51  }
0x8f: {  	[tilespmem:s29+$0x7800] =	vst v1;
	v8 =	vadd.s32 $0x8000, v8;
	v2 =	vadd.s32 $0x8000, v2;
	v6 =	vadd.s32 $0x8000, v6  }
0x90: {  	v13 =	vadd.s32 $0x8000, v54;
	v57 =	vshrl.u32 v9, $0x10;
	v3 =	vand.u32 $0xFFFF0000, v3;
	[tilespmem:s29+$0x7810] =	vst v56  }
0x91: {  	p1 =	seq.s32 s25, $0x3E;
	s26 =	smul.u32 $0x50, s25;
	[tilespmem:s29+$0x7820] =	vst v0;
	v58 =	vshrl.u32 v5, $0x10;
	v59 =	vand.u32 $0xFFFF0000, v11;
	v3 =	vor.u32 v3, v57  }
.Ltmp5:
0x92: {  	v60 =	vshrl.u32 v8, $0x10;
	v2 =	vand.u32 $0xFFFF0000, v2;
	v1 =	vor.u32 v59, v58;
	[tilespmem:s29+$0x7830] =	vst v3;
	(pc) =	sbr.rel @p1 .LBB2_10-.Ltmp5, $4  }
0x93: {  	s30 =	sadd.s32 s4, s26;
	v61 =	vshrl.u32 v6, $0x10;
	v62 =	vand.u32 $0xFFFF0000, v13;
	v0 =	vor.u32 v2, v60;
	[tilespmem:s29+$0x7840] =	vst v1  }
0x94: {  	s30 =	sshll.u32 s30, $0x4;
	v63 =	vor.u32 v62, v61;
	[tilespmem:s29+$0x7850] =	vst v0  }
0x95: {  	s31 =	sadd.s32 s6, s30;
	[tilespmem:s29+$0x7860] =	vst v63  }
0x96: {  	[hbm4b:s31+s3] =	stream.linear.scatter [tilespmem:s19], [sflag:$0x3], $0x1400, $0x38;
	[tilespmem:$0xA000] =	vst v63  }
0x97: {  	s28 =	sor.u32 $0x1, s28  }
0x98: {  	p1 =	sgt.u32 s28, $0x7C  }
.Ltmp6:
0x99: {  	_ = 	snop;
	(pc) =	sbr.rel @p1 .LBB2_9-.Ltmp6, $4  }
0x9a: {  	s29 =	sadd.s32 $0x50, s26  }
0x9b: {  	[tilespmem:s13], [sflag:$0x1] =	stream.indirect.gather [hbm4b:s2+s12], $0x80, s29, s12, $0xb8;
	[tilespmem:$0xA000] =	vst v63  }
0x9c: {  	s31 =	sadd.s32 $0x1450, s26  }
0x9d: {  	[tilespmem:s14], [sflag:$0x1] =	stream.indirect.gather [hbm4b:s5+s12], $0x80, s31, s12, $0xb8;
	[tilespmem:$0xA000] =	vst v63  }
0x9e: {  	_ =	swait.ge [sflag:s22], $0x1400  }
0x9f: {  	[sflag:s22] =	ssyncset.done $0x0  }
0xa0: {  	[sflag:s22] =	ssyncadd.s32 $0xFFFFEC00  }
0xa1: {  	_ =	swait.ge [sflag:s22], $0x1400  }
0xa2: {  	[sflag:s22] =	ssyncset.done $0x0  }
0xa3: {  	s29 =	simm.s32 @!p0 $0x4;
	[sflag:s22] =	ssyncadd.s32 $0xFFFFEC00  }
0xa4: {  	_ =	swait.ge @!p0 [sflag:s29], $0x1400  }
0xa5: {  	[sflag:s29] =	ssyncset.done @!p0 $0x0  }
0xa6: {  	[sflag:s29] =	ssyncadd.s32 @!p0 $0xFFFFEC00;
	s29 =	simm.s32 $0x0  }
0xa7: {  	v0 =	vld [tilespmem:s29+$0x3C70]  }
0xa8: {  	v1 =	vld [tilespmem:s29+$0x6470]  }
0xa9: {  	v2 =	vld [tilespmem:s29+$0x3C00]  }
0xaa: {  	v4 =	vld [tilespmem:s29+$0x3C10]  }
0xab: {  	v5 =	vld [tilespmem:s29+$0x6410]  }
0xac: {  	v7 =	vld [tilespmem:s29+$0x3C20]  }
0xad: {  	v9 =	vld [tilespmem:s29+$0x6420]  }
0xae: {  	v18 =	vld [tilespmem:s29+$0x6450];
	v6 =	vshll.u32 v0, $0x10  }
0xaf: {  	v3 =	vld [tilespmem:s29+$0x6400];
	v8 =	vshll.u32 v1, $0x10;
	v0 =	vand.u32 $0xFFFF0000, v0;
	v1 =	vand.u32 $0xFFFF0000, v1  }
0xb0: {  	v15 =	vld [tilespmem:s29+$0x6440];
	v10 =	vshll.u32 v2, $0x10;
	v2 =	vand.u32 $0xFFFF0000, v2;
	v12 =	vshll.u32 v4, $0x10  }
0xb1: {  	v14 =	vshll.u32 v5, $0x10;
	v4 =	vand.u32 $0xFFFF0000, v4;
	v5 =	vand.u32 $0xFFFF0000, v5  }
0xb2: {  	v11 =	vld [tilespmem:s29+$0x6430];
	v16 =	vshll.u32 v7, $0x10;
	v17 =	vshll.u32 v9, $0x10;
	v7 =	vand.u32 $0xFFFF0000, v7  }
0xb3: {  	v13 =	vld [tilespmem:s29+$0x3C40];
	v60 =	vshll.u32 v18, $0x10;
	v18 =	vand.u32 $0xFFFF0000, v18;
	v6 =	vadd.f32 v8, v6  }
0xb4: {  	v0 =	vadd.f32 v1, v0;
	v8 =	vshll.u32 v3, $0x10;
	v3 =	vand.u32 $0xFFFF0000, v3  }
0xb5: {  	v12 =	vadd.f32 v14, v12;
	v14 =	vshll.u32 v15, $0x10;
	v4 =	vadd.f32 v5, v4  }
0xb6: {  	v15 =	vand.u32 $0xFFFF0000, v15;
	v16 =	vadd.f32 v17, v16;
	v8 =	vadd.f32 v8, v10  }
0xb7: {  	v1 =	vld [tilespmem:s29+$0x3C30];
	v10 =	vshll.u32 v11, $0x10;
	v11 =	vand.u32 $0xFFFF0000, v11;
	v2 =	vadd.f32 v3, v2  }
0xb8: {  	v19 =	vld [tilespmem:s29+$0x3C60];
	v3 =	vshll.u32 v13, $0x10;
	v6 =	vadd.s32 $0x8000, v6;
	v0 =	vadd.s32 $0x8000, v0  }
0xb9: {  	v20 =	vld [tilespmem:s29+$0x6460];
	v3 =	vadd.f32 v14, v3;
	v6 =	vshrl.u32 v6, $0x10;
	v0 =	vand.u32 $0xFFFF0000, v0  }
0xba: {  	v13 =	vand.u32 $0xFFFF0000, v13;
	v14 =	vadd.s32 $0x8000, v12;
	v0 =	vor.u32 v0, v6  }
0xbb: {  	v8 =	vadd.s32 $0x8000, v8;
	v63 =	vadd.s32 $0x8000, v3;
	[tilespmem:s29+$0x8C70] =	vst v0;
	v0 =	vand.u32 $0xFFFF0000, v9  }
0xbc: {  	v9 =	vshll.u32 v1, $0x10;
	v1 =	vand.u32 $0xFFFF0000, v1;
	v0 =	vadd.f32 v0, v7  }
0xbd: {  	v7 =	vshll.u32 v19, $0x10;
	v19 =	vand.u32 $0xFFFF0000, v19;
	v9 =	vadd.f32 v10, v9  }
0xbe: {  	v6 =	vld [tilespmem:s29+$0x3C50];
	v10 =	vshll.u32 v20, $0x10;
	v20 =	vand.u32 $0xFFFF0000, v20;
	v1 =	vadd.f32 v11, v1  }
0xbf: {  	v11 =	vadd.s32 $0x8000, v2;
	v2 =	vadd.f32 v15, v13;
	v15 =	vadd.s32 $0x8000, v16  }
0xc0: {  	v7 =	vadd.f32 v10, v7;
	v10 =	vadd.s32 $0x8000, v4;
	v12 =	vadd.f32 v20, v19  }
0xc1: {  	v0 =	vadd.s32 $0x8000, v0;
	v61 =	vadd.s32 $0x8000, v9;
	v62 =	vadd.s32 $0x8000, v1  }
0xc2: {  	v9 =	vshrl.u32 v8, $0x10;
	v10 =	vand.u32 $0xFFFF0000, v10;
	v8 =	vshrl.u32 v63, $0x10  }
0xc3: {  	v5 =	vshll.u32 v6, $0x10;
	v6 =	vand.u32 $0xFFFF0000, v6;
	v1 =	vadd.s32 $0x8000, v12  }
0xc4: {  	v12 =	vand.u32 $0xFFFF0000, v11;
	v13 =	vadd.f32 v60, v5;
	v6 =	vadd.f32 v18, v6  }
0xc5: {  	v11 =	vand.u32 $0xFFFF0000, v0;
	v5 =	vadd.s32 $0x8000, v2;
	v2 =	vadd.s32 $0x8000, v7  }
0xc6: {  	s30 =	simm.s32 $0x80;
	v7 =	vshrl.u32 v15, $0x10;
	v3 =	vadd.s32 $0x8000, v13;
	v4 =	vadd.s32 $0x8000, v6  }
0xc7: {  	s31 =	simm.s32 $0x400;
	v0 =	vld [tilespmem:s30+$0x3C70];
	v6 =	vshrl.u32 v14, $0x10;
	v13 =	vshrl.u32 v61, $0x10;
	v14 =	vand.u32 $0xFFFF0000, v62  }
.LBB2_7:
0xc8: {  	p0 =	sne.s32 s31, $0x4E00;
	v15 =	vld [tilespmem:s30+$0x6470];
	v5 =	vand.u32 $0xFFFF0000, v5;
	v3 =	vshrl.u32 v3, $0x10;
	v4 =	vand.u32 $0xFFFF0000, v4  }
0xc9: {  	v9 =	vor.u32 v12, v9;
	v2 =	vshrl.u32 v2, $0x10;
	v1 =	vand.u32 $0xFFFF0000, v1;
	v16 =	vld [tilespmem:s30+$0x3C00]  }
0xca: {  	v6 =	vor.u32 v10, v6;
	v7 =	vor.u32 v11, v7;
	v12 =	vld [tilespmem:s30+$0x6400];
	[tilespmem:s29+$0x8C00] =	vst v9;
	v9 =	vor.u32 v14, v13  }
0xcb: {  	v5 =	vor.u32 v5, v8;
	v3 =	vor.u32 v4, v3;
	v1 =	vor.u32 v1, v2;
	v10 =	vld [tilespmem:s30+$0x3C10];
	[tilespmem:s29+$0x8C10] =	vst v6  }
0xcc: {  	v2 =	vld [tilespmem:s30+$0x6410];
	v4 =	vshll.u32 v0, $0x10;
	[tilespmem:s29+$0x8C20] =	vst v7  }
0xcd: {  	v0 =	vand.u32 $0xFFFF0000, v0;
	v6 =	vld [tilespmem:s30+$0x3C20];
	v7 =	vshll.u32 v15, $0x10;
	v8 =	vand.u32 $0xFFFF0000, v15;
	[tilespmem:s29+$0x8C30] =	vst v9  }
0xce: {  	v9 =	vshll.u32 v16, $0x10;
	v11 =	vld [tilespmem:s30+$0x6420];
	v4 =	vadd.f32 v7, v4;
	v0 =	vadd.f32 v8, v0;
	[tilespmem:s29+$0x8C40] =	vst v5  }
0xcf: {  	v7 =	vand.u32 $0xFFFF0000, v16;
	v5 =	vshll.u32 v12, $0x10;
	v8 =	vand.u32 $0xFFFF0000, v12;
	v12 =	vld [tilespmem:s30+$0x3C30];
	[tilespmem:s29+$0x8C50] =	vst v3  }
0xd0: {  	v3 =	vshll.u32 v10, $0x10;
	v13 =	vld [tilespmem:s30+$0x6430];
	v4 =	vadd.s32 $0x8000, v4;
	v0 =	vadd.s32 $0x8000, v0;
	[tilespmem:s29+$0x8C60] =	vst v1;
	s29 =	smov.u32 s30  }
0xd1: {  	v1 =	vshll.u32 v2, $0x10;
	v14 =	vld [tilespmem:s29+$0x3C40];
	v4 =	vshrl.u32 v4, $0x10;
	v0 =	vand.u32 $0xFFFF0000, v0  }
0xd2: {  	v10 =	vand.u32 $0xFFFF0000, v10;
	v2 =	vand.u32 $0xFFFF0000, v2;
	v15 =	vld [tilespmem:s29+$0x6440];
	v0 =	vor.u32 v0, v4  }
0xd3: {  	v4 =	vshll.u32 v6, $0x10;
	v6 =	vand.u32 $0xFFFF0000, v6;
	v16 =	vshll.u32 v11, $0x10;
	v17 =	vld [tilespmem:s29+$0x3C50];
	[tilespmem:s29+$0x8C70] =	vst v0  }
0xd4: {  	v0 =	vand.u32 $0xFFFF0000, v11;
	v11 =	vshll.u32 v12, $0x10;
	v12 =	vand.u32 $0xFFFF0000, v12;
	v18 =	vld [tilespmem:s29+$0x6450]  }
0xd5: {  	v5 =	vadd.f32 v5, v9;
	v9 =	vshll.u32 v13, $0x10;
	v13 =	vand.u32 $0xFFFF0000, v13;
	v19 =	vld [tilespmem:s29+$0x3C60]  }
0xd6: {  	v7 =	vadd.f32 v8, v7;
	v8 =	vshll.u32 v14, $0x10;
	v14 =	vand.u32 $0xFFFF0000, v14;
	v20 =	vld [tilespmem:s29+$0x6460]  }
0xd7: {  	v1 =	vadd.f32 v1, v3;
	v3 =	vshll.u32 v15, $0x10;
	v15 =	vand.u32 $0xFFFF0000, v15  }
0xd8: {  	v2 =	vadd.f32 v2, v10;
	v10 =	vshll.u32 v17, $0x10;
	v17 =	vand.u32 $0xFFFF0000, v17  }
0xd9: {  	v4 =	vadd.f32 v16, v4;
	v16 =	vshll.u32 v18, $0x10;
	v18 =	vand.u32 $0xFFFF0000, v18  }
0xda: {  	v0 =	vadd.f32 v0, v6;
	v6 =	vshll.u32 v19, $0x10;
	v19 =	vand.u32 $0xFFFF0000, v19  }
0xdb: {  	v9 =	vadd.f32 v9, v11;
	v11 =	vshll.u32 v20, $0x10;
	v20 =	vand.u32 $0xFFFF0000, v20  }
0xdc: {  	v21 =	vadd.s32 $0x8000, v5;
	v5 =	vadd.f32 v13, v12;
	v3 =	vadd.f32 v3, v8  }
0xdd: {  	v7 =	vadd.s32 $0x8000, v7;
	v8 =	vadd.f32 v15, v14;
	v10 =	vadd.f32 v16, v10  }
0xde: {  	v13 =	vadd.s32 $0x8000, v1;
	v1 =	vadd.f32 v18, v17;
	v6 =	vadd.f32 v11, v6  }
0xdf: {  	v14 =	vadd.s32 $0x8000, v4;
	v11 =	vadd.s32 $0x8000, v2;
	v12 =	vadd.f32 v20, v19  }
0xe0: {  	v0 =	vadd.s32 $0x8000, v0;
	v15 =	vadd.s32 $0x8000, v9;
	v16 =	vadd.s32 $0x8000, v5  }
.Ltmp7:
0xe1: {  	v17 =	vadd.s32 $0x8000, v3;
	v5 =	vadd.s32 $0x8000, v8;
	v3 =	vadd.s32 $0x8000, v10;
	(pc) =	sbr.rel @p0 .LBB2_7-.Ltmp7, $4  }
0xe2: {  	v4 =	vadd.s32 $0x8000, v1;
	v2 =	vadd.s32 $0x8000, v6;
	v1 =	vadd.s32 $0x8000, v12  }
0xe3: {  	v9 =	vshrl.u32 v21, $0x10;
	v12 =	vand.u32 $0xFFFF0000, v7;
	v6 =	vshrl.u32 v13, $0x10  }
0xe4: {  	s30 =	sshra.s32 s31, $0x2;
	v10 =	vand.u32 $0xFFFF0000, v11;
	v11 =	vand.u32 $0xFFFF0000, v0;
	v7 =	vshrl.u32 v14, $0x10  }
0xe5: {  	s31 =	sadd.s32 $0x200, s31;
	v8 =	vshrl.u32 v17, $0x10;
	v13 =	vshrl.u32 v15, $0x10;
	v14 =	vand.u32 $0xFFFF0000, v16;
	v0 =	vld [tilespmem:s30+$0x3C70]  }
0xe6: {  	v15 =	vld [tilespmem:s30+$0x6470]  }
0xe7: {  	v16 =	vld [tilespmem:s30+$0x3C00]  }
0xe8: {  	v9 =	vor.u32 v12, v9;
	v21 =	vld [tilespmem:s30+$0x6400];
	v6 =	vor.u32 v10, v6;
	v22 =	vor.u32 v11, v7  }
0xe9: {  	v24 =	vor.u32 v14, v13;
	v5 =	vand.u32 $0xFFFF0000, v5;
	v3 =	vshrl.u32 v3, $0x10;
	[tilespmem:s29+$0x8C00] =	vst v9  }
0xea: {  	v4 =	vand.u32 $0xFFFF0000, v4;
	v2 =	vshrl.u32 v2, $0x10;
	v1 =	vand.u32 $0xFFFF0000, v1;
	v9 =	vld [tilespmem:s30+$0x3C10]  }
0xeb: {  	v5 =	vor.u32 v5, v8;
	v3 =	vor.u32 v4, v3;
	v1 =	vor.u32 v1, v2;
	[tilespmem:s29+$0x8C10] =	vst v6  }
0xec: {  	v23 =	vld [tilespmem:s30+$0x6410];
	[tilespmem:s29+$0x8C20] =	vst v22;
	v26 =	vshll.u32 v0, $0x10;
	v28 =	vand.u32 $0xFFFF0000, v0;
	v27 =	vshll.u32 v15, $0x10  }
0xed: {  	v25 =	vld [tilespmem:s30+$0x3C20];
	[tilespmem:s29+$0x8C30] =	vst v24;
	v29 =	vand.u32 $0xFFFF0000, v15;
	v31 =	vshll.u32 v16, $0x10;
	v32 =	vshll.u32 v21, $0x10  }
0xee: {  	v6 =	vld [tilespmem:s30+$0x6420];
	[tilespmem:s29+$0x8C40] =	vst v5;
	v33 =	vand.u32 $0xFFFF0000, v16;
	v34 =	vand.u32 $0xFFFF0000, v21;
	v30 =	vadd.f32 v27, v26  }
0xef: {  	v5 =	vld [tilespmem:s30+$0x3C30];
	[tilespmem:s29+$0x8C50] =	vst v3;
	v0 =	vadd.f32 v29, v28;
	v4 =	vadd.f32 v32, v31;
	v36 =	vshll.u32 v9, $0x10  }
0xf0: {  	v3 =	vld [tilespmem:s30+$0x6430];
	[tilespmem:s29+$0x8C60] =	vst v1;
	v9 =	vand.u32 $0xFFFF0000, v9;
	v1 =	vadd.f32 v34, v33;
	v2 =	vadd.s32 $0x8000, v30  }
0xf1: {  	v0 =	vadd.s32 $0x8000, v0;
	v38 =	vshll.u32 v23, $0x10;
	v7 =	vand.u32 $0xFFFF0000, v23  }
0xf2: {  	v4 =	vadd.s32 $0x8000, v4;
	v2 =	vshrl.u32 v2, $0x10;
	v0 =	vand.u32 $0xFFFF0000, v0  }
0xf3: {  	v35 =	vld [tilespmem:s30+$0x3C40];
	v40 =	vshll.u32 v25, $0x10;
	v41 =	vand.u32 $0xFFFF0000, v25;
	v13 =	vadd.f32 v38, v36  }
0xf4: {  	v37 =	vld [tilespmem:s30+$0x6440];
	v7 =	vadd.f32 v7, v9;
	v1 =	vadd.s32 $0x8000, v1;
	v4 =	vshrl.u32 v4, $0x10  }
0xf5: {  	v39 =	vld [tilespmem:s30+$0x3C50];
	v0 =	vor.u32 v0, v2;
	v17 =	vshll.u32 v6, $0x10;
	v6 =	vand.u32 $0xFFFF0000, v6  }
0xf6: {  	v18 =	vld [tilespmem:s30+$0x6450];
	v1 =	vand.u32 $0xFFFF0000, v1;
	v42 =	vshll.u32 v5, $0x10;
	v5 =	vand.u32 $0xFFFF0000, v5  }
0xf7: {  	v19 =	vld [tilespmem:s30+$0x3C60];
	[tilespmem:s30+$0x8C70] =	vst v0;
	v16 =	vadd.f32 v17, v40;
	v0 =	vadd.f32 v6, v41;
	v52 =	vadd.s32 $0x8000, v13  }
0xf8: {  	v20 =	vld [tilespmem:s30+$0x6460];
	v7 =	vadd.s32 $0x8000, v7;
	v1 =	vor.u32 v1, v4;
	v43 =	vshll.u32 v3, $0x10  }
0xf9: {  	v3 =	vand.u32 $0xFFFF0000, v3;
	v7 =	vand.u32 $0xFFFF0000, v7;
	v44 =	vshll.u32 v35, $0x10  }
0xfa: {  	v12 =	vand.u32 $0xFFFF0000, v35;
	v45 =	vshll.u32 v37, $0x10;
	v14 =	vand.u32 $0xFFFF0000, v37  }
0xfb: {  	v46 =	vshll.u32 v39, $0x10;
	v2 =	vand.u32 $0xFFFF0000, v39;
	v47 =	vshll.u32 v18, $0x10  }
0xfc: {  	v18 =	vand.u32 $0xFFFF0000, v18;
	v48 =	vshll.u32 v19, $0x10;
	v19 =	vand.u32 $0xFFFF0000, v19  }
0xfd: {  	v8 =	vadd.f32 v43, v42;
	v49 =	vshll.u32 v20, $0x10;
	v3 =	vadd.f32 v3, v5  }
0xfe: {  	v20 =	vand.u32 $0xFFFF0000, v20;
	v50 =	vadd.f32 v45, v44;
	v51 =	vadd.f32 v14, v12  }
0xff: {  	v53 =	vadd.s32 $0x8000, v16;
	v9 =	vadd.f32 v47, v46;
	v2 =	vadd.f32 v18, v2  }
0x100: {  	v0 =	vadd.s32 $0x8000, v0;
	v6 =	vadd.f32 v49, v48;
	v54 =	vadd.f32 v20, v19  }
0x101: {  	v12 =	vshrl.u32 v52, $0x10;
	v55 =	vshrl.u32 v53, $0x10;
	v0 =	vand.u32 $0xFFFF0000, v0  }
0x102: {  	v8 =	vadd.s32 $0x8000, v8;
	v3 =	vadd.s32 $0x8000, v3;
	v56 =	vor.u32 v7, v12  }
0x103: {  	v0 =	vor.u32 v0, v55;
	v5 =	vadd.s32 $0x8000, v50;
	v11 =	vadd.s32 $0x8000, v51  }
0x104: {  	[tilespmem:s30+$0x8C00] =	vst v1;
	v9 =	vadd.s32 $0x8000, v9;
	v2 =	vadd.s32 $0x8000, v2;
	v6 =	vadd.s32 $0x8000, v6  }
0x105: {  	v13 =	vadd.s32 $0x8000, v54;
	v57 =	vshrl.u32 v8, $0x10;
	v3 =	vand.u32 $0xFFFF0000, v3;
	[tilespmem:s30+$0x8C10] =	vst v56  }
0x106: {  	s28 =	smul.u32 $0x28, s28;
	[tilespmem:s30+$0x8C20] =	vst v0;
	v58 =	vshrl.u32 v5, $0x10;
	v59 =	vand.u32 $0xFFFF0000, v11;
	v3 =	vor.u32 v3, v57  }
0x107: {  	v60 =	vshrl.u32 v9, $0x10;
	v2 =	vand.u32 $0xFFFF0000, v2;
	v1 =	vor.u32 v59, v58;
	[tilespmem:s30+$0x8C30] =	vst v3  }
0x108: {  	s28 =	sadd.s32 s4, s28;
	v61 =	vshrl.u32 v6, $0x10;
	v62 =	vand.u32 $0xFFFF0000, v13;
	v0 =	vor.u32 v2, v60;
	[tilespmem:s30+$0x8C40] =	vst v1  }
0x109: {  	s28 =	sshll.u32 s28, $0x4;
	v63 =	vor.u32 v62, v61;
	[tilespmem:s30+$0x8C50] =	vst v0  }
0x10a: {  	s28 =	sadd.s32 s6, s28;
	[tilespmem:s30+$0x8C60] =	vst v63  }
0x10b: {  	[hbm4b:s28+s3] =	stream.linear.scatter [tilespmem:s23], [sflag:$0x4], $0x1400, $0x38;
	[tilespmem:$0xA000] =	vst v63  }
.Ltmp8:
0x10c: {  	p0 =	sgt.u32 s25, $0x3C;
	(pc) =	sbr.rel .LBB2_9-.Ltmp8, $4  }
0x10d: {  	s29 =	simm.s32 @!p0 $0x28;
	s30 =	simm.s32 @!p0 $0x3C00;
	s28 =	sadd.s32 @!p0 $0x78, s26  }
0x10e: {  	[tilespmem:s30], [sflag:$0x2] =	stream.indirect.gather @!p0 [hbm4b:s2+s29], $0x80, s28, s29, $0xb8;
	[tilespmem:$0xA000] =	vst v63  }
0x10f: {  	s26 =	sadd.s32 @!p0 $0x1478, s26;
	s28 =	simm.s32 @!p0 $0x6400  }
0x110: {  	[tilespmem:s28], [sflag:$0x2] =	stream.indirect.gather @!p0 [hbm4b:s5+s29], $0x80, s26, s29, $0xb8;
	[tilespmem:$0xA000] =	vst v63  }
.LBB2_11:
0x111: {  	_ =	sfence.sel $0x180000  }
0x112: {  	[bflag:$0x0] =	sbarrier.arrive $0xFFFF  }
0x113: {  	p0 =	sne.s32 s0, $0x0;
	_ =	strace $0x90000047  }
0x114: {  	s0 =	sadd.s32 @!p0 $0x100000, s1;
	[bflag:$0x2] =	sbarrier.arrive $0xFFFF  }
0x115: {  	[sflag:s0] =	ssyncadd.tile.s32 @!p0 $0x1;
	_ =	shalt  }
.Lfunc_end2:
_tile_overlayer_lowered:
.L_overlay_start_2:
0x116: {  	(tag) =	ssettag $0x2  }
0x117: {  	s0 =	rddreg [dreg:$0x0];
	s2 =	stileid.u32  }
0x118: {  	s1 =	rddreg [dreg:$0x1];
	p0 =	sne.s32 s2, $0x0  }
0x119: {  	s3 =	rddreg [dreg:$0x2];
	[bflag:$0x3] =	sbarrier.arrive $0xFFFF;
	s2 =	simm.s32 @!p0 $0x1C05  }
0x11a: {  	[timem:s3], [sflag:s2] =	dma.local @!p0 [hbm:s0], s1  }
0x11b: {  	s0 =	simm.s32 @!p0 $0x5  }
0x11c: {  	_ =	swait.ge @!p0 [sflag:s0], s1  }
0x11d: {  	s1 =	ssub.s32 @!p0 $0x0, s1;
	[sflag:s0] =	ssyncset.done @!p0 $0x0  }
0x11e: {  	[sflag:s0] =	ssyncadd.s32 @!p0 s1  }
0x11f: {  	[bflag:$0x3] =	sbarrier.arrive $0xFFFF  }
0x120: {  	_ =	shalt  }

// kernel: kernel.18.cloned.1.call-start
scs
__scs_entry_jumppad:
0x0: {  	(pc) =	sbr.rel $0x88, $3  }
0x1: {  	(tag) =	ssettag $0x0;
	lr =	simm.s32 $0x1  }
0x2: {  	[smem:$0x3F99] =	sst lr;
	_ =	strace $0xD0000000  }
0x3: {  	_ = 	snop  }
0x4: {  	_ = 	snop  }
0x5: {  	_ = 	snop  }
0x6: {  	_ = 	snop  }
0x7: {  	_ = 	snop  }
__scs_overlays_trampoline_lowered:
0x8: {  	[smem:$0x3FA8] =	sst s0  }
0x9: {  	[smem:$0x3FA9] =	sst s1  }
0xa: {  	[smem:$0x3FAA] =	sst s2  }
0xb: {  	[smem:$0x3FAB] =	sst s3  }
0xc: {  	[smem:$0x3FAC] =	sst s4  }
0xd: {  	[smem:$0x3FAD] =	sst s5  }
0xe: {  	[smem:$0x3FAE] =	sst s6  }
0xf: {  	[smem:$0x3FAF] =	sst s7  }
0x10: {  	[smem:$0x3FB0] =	sst s8  }
0x11: {  	[smem:$0x3FB1] =	sst s9;
	s0 =	simm.s32 @!p0 $0x0  }
0x12: {  	s1 =	sld [smem:$0x3F97];
	s0 =	simm.s32 @p0 $0x1  }
0x13: {  	[smem:$0x3FB2] =	sst s0;
	s0 =	simm.s32 @!p1 $0x0  }
0x14: {  	s2 =	sld [smem:$0x3F96];
	s0 =	simm.s32 @p1 $0x1  }
0x15: {  	[smem:$0x3FB3] =	sst s0;
	s0 =	simm.s32 @!p2 $0x0  }
0x16: {  	s3 =	sld [smem:$0x3FDB];
	s0 =	simm.s32 @p2 $0x1  }
0x17: {  	s4 =	simm.s32 $0x1BF5;
	[smem:$0x3FB5] =	sst s0  }
0x18: {  	s0 =	sld [smem:$0x3F98];
	_ =	swait.ge [sflag:s4], $0x0  }
0x19: {  	s7 =	sld [smem:$0x3F99]  }
0x1a: {  	s8 =	sadd.s32 $0xFFFFE003, lr  }
0x1b: {  	s9 =	sadd.s32 $0xFFFFFEF7, lr;
	s5 =	simm.s32 $0xFFFFFFFF;
	p2 =	slt.u32 s8, $0xFFFFF086  }
0x1c: {  	p1 =	slt.u32 s9, $0xF7A;
	s5 =	simm.s32 @!p2 $0x0  }
0x1d: {  	s5 =	simm.s32 @p1 $0x1;
	p0 =	seq.s32 s7, s2  }
0x1e: {  	s7 =	smul.u32 @!p0 $0xF7A, s2;
	p2 =	seq.s32 @!p0 s5, $0x0  }
0x1f: {  	s9 =	smul.u32 $0xF7A, s1;
	s8 =	simm.s32 @!p0 $0x1BF5;
	p2 =	por !p2, p0  }
0x20: {  	[sflag:s8] =	ssyncset.s32 @!p0 $0xFFFFF086;
	s6 =	sadd.s32 @!p0 s3, s7;
	s7 =	simm.s32 @!p0 $0x108  }
0x21: {  	s3 =	sadd.s32 s3, s9;
	s6 =	sadd.s32 @!p0 $0x88, s6;
	s7 =	simm.s32 @p2 $0x1082  }
0x22: {  	[simem:s7], [sflag:s8] =	dma.local @!p0 [hbm:s6], $0xF7A  }
0x23: {  	s9 =	sor.u32 $0xD0000000, s2;
	s6 =	simm.s32 $0x108;
	_ =	swait.ge @!p0 [sflag:s8], $0x0  }
0x24: {  	s3 =	sadd.s32 $0x88, s3;
	s6 =	simm.s32 @!p1 $0x1082;
	[sflag:s4] =	ssyncset.s32 $0xFFFFF086  }
0x25: {  	[simem:s6], [sflag:s4] =	dma.local [hbm:s3], $0xF7A  }
0x26: {  	[smem:$0x3F99] =	sst s1;
	(tag) =	ssettag s2;
	_ =	strace s9  }
0x27: {  	s1 =	sld [smem:$0x3FA9]  }
0x28: {  	s2 =	sld [smem:$0x3FAA]  }
0x29: {  	s4 =	sld [smem:$0x3FAC]  }
0x2a: {  	p0 =	seq.s32 s5, $0x0;
	s5 =	sld [smem:$0x3FAD]  }
0x2b: {  	s6 =	sld [smem:$0x3FAE]  }
0x2c: {  	s7 =	sld [smem:$0x3FAF]  }
0x2d: {  	s3 =	simm.s32 $0x108;
	s8 =	sld [smem:$0x3FB0]  }
0x2e: {  	s3 =	simm.s32 @!p0 $0x1082;
	s9 =	sld [smem:$0x3FB1]  }
0x2f: {  	lr =	sadd.s32 s0, s3;
	s0 =	sld [smem:$0x3FA8]  }
0x30: {  	s3 =	sld [smem:$0x3FAB]  }
0x31: {  	[smem:$0x3FB4] =	sst s10  }
0x32: {  	s10 =	sld [smem:$0x3FB2];
	_ =	sdelay $0x3  }
0x33: {  	p0 =	seq.s32 s10, $0x1;
	s10 =	sld [smem:$0x3FB4];
	_ =	sdelay $0x3  }
0x34: {  	[smem:$0x3FB4] =	sst s10  }
0x35: {  	s10 =	sld [smem:$0x3FB3];
	_ =	sdelay $0x3  }
0x36: {  	p1 =	seq.s32 s10, $0x1;
	s10 =	sld [smem:$0x3FB4];
	_ =	sdelay $0x3  }
0x37: {  	[smem:$0x3FB4] =	sst s10  }
0x38: {  	s10 =	sld [smem:$0x3FB5]  }
0x39: {  	_ = 	snop;
	(pc) =	sbr.ind lr, $3  }
0x3a: {  	_ = 	snop  }
0x3b: {  	_ = 	snop  }
0x3c: {  	p2 =	seq.s32 s10, $0x1;
	s10 =	sld [smem:$0x3FB4]  }
0x3d: {  	_ =	shalt  }
0x3e: {  	_ =	shalt  }
0x3f: {  	_ =	shalt  }
0x40: {  	_ =	shalt  }
0x41: {  	_ =	shalt  }
0x42: {  	_ =	shalt  }
0x43: {  	_ =	shalt  }
0x44: {  	_ =	shalt  }
0x45: {  	_ =	shalt  }
0x46: {  	_ =	shalt  }
0x47: {  	_ =	shalt  }
0x48: {  	_ =	shalt  }
0x49: {  	_ =	shalt  }
0x4a: {  	_ =	shalt  }
0x4b: {  	_ =	shalt  }
0x4c: {  	_ =	shalt  }
0x4d: {  	_ =	shalt  }
0x4e: {  	_ =	shalt  }
0x4f: {  	_ =	shalt  }
0x50: {  	_ =	shalt  }
0x51: {  	_ =	shalt  }
0x52: {  	_ =	shalt  }
0x53: {  	_ =	shalt  }
0x54: {  	_ =	shalt  }
0x55: {  	_ =	shalt  }
0x56: {  	_ =	shalt  }
0x57: {  	_ =	shalt  }
0x58: {  	_ =	shalt  }
0x59: {  	_ =	shalt  }
0x5a: {  	_ =	shalt  }
0x5b: {  	_ =	shalt  }
0x5c: {  	_ =	shalt  }
0x5d: {  	_ =	shalt  }
0x5e: {  	_ =	shalt  }
0x5f: {  	_ =	shalt  }
0x60: {  	_ =	shalt  }
0x61: {  	_ =	shalt  }
0x62: {  	_ =	shalt  }
0x63: {  	_ =	shalt  }
0x64: {  	_ =	shalt  }
0x65: {  	_ =	shalt  }
0x66: {  	_ =	shalt  }
0x67: {  	_ =	shalt  }
0x68: {  	_ =	shalt  }
0x69: {  	_ =	shalt  }
0x6a: {  	_ =	shalt  }
0x6b: {  	_ =	shalt  }
0x6c: {  	_ =	shalt  }
0x6d: {  	_ =	shalt  }
0x6e: {  	_ =	shalt  }
0x6f: {  	_ =	shalt  }
0x70: {  	_ =	shalt  }
0x71: {  	_ =	shalt  }
0x72: {  	_ =	shalt  }
0x73: {  	_ =	shalt  }
0x74: {  	_ =	shalt  }
0x75: {  	_ =	shalt  }
0x76: {  	_ =	shalt  }
0x77: {  	_ =	shalt  }
0x78: {  	_ =	shalt  }
0x79: {  	_ =	shalt  }
0x7a: {  	_ =	shalt  }
0x7b: {  	_ =	shalt  }
0x7c: {  	_ =	shalt  }
0x7d: {  	_ =	shalt  }
0x7e: {  	_ =	shalt  }
0x7f: {  	_ =	shalt  }
0x80: {  	_ =	shalt  }
0x81: {  	_ =	shalt  }
0x82: {  	_ =	shalt  }
0x83: {  	_ =	shalt  }
0x84: {  	_ =	shalt  }
0x85: {  	_ =	shalt  }
0x86: {  	_ =	shalt  }
0x87: {  	_ =	shalt  }
.Lfunc_end0:
.L_simem_size_0:
called_computation.2_lowered:
.L_overlay_start_0:
0x88: {  	s2 =	sld [smem:$0x3FD9]  }
0x89: {  	s3 =	sld [smem:$0x3FFE];
	_ =	sdelay $0x1  }
0x8a: {  	s1 =	srdreg.scid  }
0x8b: {  	s0 =	sand.u32 $0x1, s1  }
0x8c: {  	s17 =	sshll.u32 s0, $0xA;
	s2 =	sadd.s32 s3, s2  }
0x8d: {  	s2 =	sadd.s32 s2, s17  }
0x8e: {  	[smem:$0x3FC0] =	sst s2  }
0x8f: {  	_ = 	snop  }
0x90: {  	s18 =	sld [smem:$0x3FD0];
	(tm) =	ssettm $0x1  }
0x91: {  	s19 =	sld [smem:$0x3FFB];
	_ =	sdelay $0x3  }
0x92: {  	_ =	strace s19  }
0x93: {  	s2 =	sld [smem:$0x3FFC];
	_ =	sdelay $0x3  }
0x94: {  	_ =	strace s2  }
0x95: {  	s2 =	sld [smem:$0x3FFD];
	_ =	sdelay $0x3  }
0x96: {  	_ =	strace s2  }
0x97: {  	_ =	strace $0x8FFFFFFF  }
0x98: {  	s20 =	sld [smem:$0x3FDB];
	_ =	sdelay $0x1  }
0x99: {  	s4 =	simm.s32 $_scs_section_size  }
0x9a: {  	s5 =	simm.s32 $_size__tile_overlayer_lowered;
	s6 =	simm.s32 $_tile_overlayer_lowered  }
0x9b: {  	s7 =	simm.s32 $0x1BFF;
	s21 =	sshll.u32 s6, $0x1;
	s4 =	sadd.s32 s4, s20  }
0x9c: {  	s22 =	simm.s32 $0x0;
	s5 =	sshll.u32 s5, $0x1;
	s6 =	sadd.s32 s21, s4  }
0x9d: {  	[timem:s22], [sflag:s7] =	dma.local [hbm:s6], s5  }
0x9e: {  	_ =	swait.ge [sflag:s7], s5  }
0x9f: {  	s5 =	ssub.s32 $0x0, s5;
	[sflag:s7] =	ssyncset.done $0x0  }
0xa0: {  	[sflag:s7] =	ssyncadd.s32 s5;
	_ =	sdelay $0x1  }
0xa1: {  	s23 =	simm.s32 $0x1B8B  }
0xa2: {  	_ =	swait.ge [sflag:s23], $0x1  }
0xa3: {  	[sflag:s23] =	ssyncset.done $0x0  }
0xa4: {  	[sflag:s23] =	ssyncadd.s32 $0xFFFFFFFF  }
0xa5: {  	s5 =	sld [smem:$0x0]  }
0xa6: {  	s6 =	sand.u32 $0xFFFFFFFE, s1  }
0xa7: {  	p0 =	sne.s32 s1, s6  }
0xa8: {  	s6 =	sshll.u32 @p0 s6, $0xE  }
0xa9: {  	s6 =	sadd.s32 @p0 $0x11B8D, s6;
	s7 =	sshll.u32 @p0 s5, $0x11  }
0xaa: {  	s6 =	sor.u32 @p0 s7, s6  }
0xab: {  	[sflag:s6] =	ssyncadd.remote.s32 @p0 $0x1;
	_ =	sdelay $0x1  }
0xac: {  	s6 =	simm.s32 @p0 $0x1B8D  }
0xad: {  	_ =	swait.eq @p0 [sflag:s6], $0x1  }
0xae: {  	[sflag:s6] =	ssyncadd.s32 @p0 $0xFFFFFFFF  }
0xaf: {  	s7 =	sshll.u32 @!p0 s1, $0xE  }
0xb0: {  	s7 =	sor.u32 @!p0 $0x4000, s7;
	s6 =	simm.s32 @!p0 $0x1B8D  }
0xb1: {  	s5 =	sshll.u32 @!p0 s5, $0x11;
	s7 =	sadd.s32 @!p0 $0x11B8D, s7;
	_ =	swait.eq @!p0 [sflag:s6], $0x1  }
0xb2: {  	s5 =	sor.u32 @!p0 s5, s7;
	[sflag:s6] =	ssyncadd.s32 @!p0 $0xFFFFFFFF  }
0xb3: {  	s25 =	simm.s32 $0x1B8E;
	s24 =	sld [smem:$0x3FFE];
	[sflag:s5] =	ssyncadd.remote.s32 @!p0 $0x1  }
0xb4: {  	s26 =	simm.s32 $execute0_lowered;
	[smem:$0x3FD2] =	sst s25  }
0xb5: {  	s6 =	sshll.u32 s26, $0x1;
	_ =	strace $0x8000004F;
	[dreg:$0x1] =	wrdreg $0xFFFFFFFF  }
0xb6: {  	s28 =	simm.s32 $_size_execute0_lowered;
	s4 =	sadd.s32 s4, s6;
	[dreg:$0x0] =	wrdreg $0x0  }
0xb7: {  	s6 =	sshll.u32 s28, $0x1;
	[dreg:$0x2] =	wrdreg s4  }
0xb8: {  	[dreg:$0x3] =	wrdreg s6  }
0xb9: {  	[dreg:$0x4] =	wrdreg $0xC0  }
0xba: {  	_ =	task [dreg:s22], $0x5FFFF  }
0xbb: {  	[dreg:$0x1] =	wrdreg $0xFFFFFFFF  }
0xbc: {  	[dreg:$0x0] =	wrdreg $0x60  }
0xbd: {  	[dreg:$0x2] =	wrdreg s24  }
0xbe: {  	[dreg:$0x3] =	wrdreg s18  }
0xbf: {  	[dreg:$0x4] =	wrdreg $0x81000  }
0xc0: {  	[dreg:$0x5] =	wrdreg $0x9  }
0xc1: {  	_ =	task.clear_ibuf [dreg:s22], $0x6FFFF;
	_ =	strace $0x9000004F  }
0xc2: {  	s29 =	simm.s32 $0x9;
	_ =	strace $0x80000051  }
0xc3: {  	_ =	swait.ge [sflag:s29], $0x1  }
0xc4: {  	[sflag:s29] =	ssyncadd.s32 $0xFFFFFFFF  }
0xc5: {  	_ =	strace $0x90000051  }
0xc6: {  	_ =	sfence  }
0xc7: {  	s30 =	sld [smem:$0x0];
	_ =	sdelay $0x2  }
0xc8: {  	s31 =	sshll.u32 s1, $0xD;
	s1 =	sshrl.u32 s1, $0x2  }
0xc9: {  	s4 =	sand.u32 $0x4000, s31;
	s1 =	sadd.s32 s1, s30  }
0xca: {  	s0 =	sor.u32 s4, s0;
	s1 =	sshll.u32 s1, $0x11  }
0xcb: {  	s0 =	sor.u32 s1, s0  }
0xcc: {  	s0 =	sadd.s32 $0x8F2B, s0  }
0xcd: {  	[sflag:s0] =	ssyncadd.remote.s32 $0x1  }
0xce: {  	_ =	sfence.sel $0xFFFF  }
0xcf: {  	[dreg:$0x0] =	wrdreg $0xFFFFFFFF;
	(pc) =	sbr.abs _section_cstart, $3  }
0xd0: {  	[dreg:$0x1] =	wrdreg $0xFFFFFFFF  }
0xd1: {  	_ =	task.clear_ibuf [dreg:s22], $0x2FFFF;
	_ =	strace $0x9FFFFFFF  }
0xd2: {  	(tm) =	ssettm $0x7FFFFFFF  }
0xd3: {  	_ =	shalt  }
tec
execute0_lowered:
.L_overlay_start_1:
0x0: {  	(tag) =	ssettag $0x1  }
0x1: {  	s0 =	rddreg [dreg:$0x0]  }
0x2: {  	s5 =	rddreg [dreg:$0x1]  }
0x3: {  	s2 =	rddreg [dreg:$0x2];
	s3 =	simm.s32 $0x0;
	s4 =	srdreg.scid  }
0x4: {  	s1 =	stileid.u32;
	s20 =	simm.s32 $0x0;
	[smem:$0x7FF] =	sst s3  }
0x5: {  	s4 =	sand.u32 $0x1, s4;
	s6 =	smul.u32 $0x3E80, s1;
	s9 =	sadd.s32 $0xF400, s0  }
0x6: {  	s10 =	sadd.s32 $0xC75400, s0;
	s8 =	smul.u32 $0x7D000, s1;
	p0 =	sgt.u32 s1, $0x9  }
0x7: {  	_ =	strace $0x80000050;
	s7 =	smul.u32 $0x27100, s4;
	s11 =	ssub.s32 $0x2, s4  }
0x8: {  	s12 =	smul.u32 $0x271, s4;
	s24 =	sshrl.u32 s11, $0x1;
	s25 =	sshrl.u32 s8, $0x2  }
0x9: {  	s26 =	sadd.s32 s5, s6;
	s7 =	sadd.s32 s6, s7;
	s13 =	ssub.s32 s11, s24  }
0xa: {  	s18 =	sadd.s32 s25, s2;
	s4 =	sadd.s32 s1, s12;
	[dreg:$0x4] =	wrdreg s26  }
0xb: {  	s6 =	sadd.s32 $0x271, s12;
	s0 =	sadd.s32 s7, s0;
	s28 =	sshll.u32 s4, $0x4  }
0xc: {  	s29 =	sshll.u32 s4, $0xB;
	s19 =	sadd.s32 $0x10, s4;
	s12 =	smax.u32 s13, $0x1  }
0xd: {  	s18 =	sshrl.u32 @!p0 s18, $0x3;
	s7 =	sadd.s32 s9, s28;
	s8 =	sadd.s32 s10, s29  }
0xe: {  	s30 =	sshll.u32 s19, $0x4;
	s31 =	sshll.u32 s19, $0xB;
	s11 =	sadd.s32 $0x67400, s0  }
0xf: {  	s0 =	sshll.u32 @!p0 s1, $0x6;
	p1 =	sge.u32 s19, s6;
	s9 =	sadd.s32 s9, s30  }
0x10: {  	s10 =	sadd.s32 s10, s31;
	s13 =	sadd.s32 $0x300, s7;
	s14 =	sadd.s32 $0x18000, s8  }
0x11: {  	s15 =	sadd.s32 $0x200, s7;
	s16 =	sadd.s32 $0x10000, s8;
	s17 =	sor.u32 @!p0 $0x1C03, s0  }
.LBB2_1:
0x12: {  	s0 =	rddreg [dreg:$0x4]  }
0x13: {  	[spmem:s18], [sflag:s17] =	dma.local @!p0 [hbm:s0], $0x3E80  }
0x14: {  	s0 =	simm.s32 @!p0 $0x3  }
0x15: {  	_ =	swait.ge @!p0 [sflag:s0], $0x3E80  }
0x16: {  	[sflag:s0] =	ssyncset.done @!p0 $0x0  }
0x17: {  	[sflag:s0] =	ssyncadd.s32 @!p0 $0xFFFFC180  }
0x18: {  	s5 =	simm.s32 $0x0;
	[bflag:$0x0] =	sbarrier.arrive $0xFFFF  }
0x19: {  	[tilespmem:s5], [sflag:$0x1] =	stream.linear.gather [hbm4b:s7+s5], $0x80, $0x38;
	[tilespmem:$0x1B980] =	vst v63  }
0x1a: {  	s1 =	simm.s32 $0x100  }
0x1b: {  	[tilespmem:s1], [sflag:$0x1] =	stream.linear.gather [hbm4b:s8+s5], $0x4000, $0x38;
	[tilespmem:$0x1B980] =	vst v63  }
0x1c: {  	s21 =	simm.s32 @!p1 $0x80;
	s19 =	sadd.s32 $0x0, s4;
	s0 =	simm.s32 @!p1 $0x0  }
0x1d: {  	[tilespmem:s21], [sflag:$0x2] =	stream.linear.gather @!p1 [hbm4b:s9+s0], $0x80, $0x38;
	[tilespmem:$0x1B980] =	vst v63  }
0x1e: {  	p2 =	sge.u32 s19, s6;
	s21 =	simm.s32 @!p1 $0x4100  }
0x1f: {  	[tilespmem:s21], [sflag:$0x2] =	stream.linear.gather @!p1 [hbm4b:s10+s0], $0x4000, $0x38;
	[tilespmem:$0x1B980] =	vst v63  }
0x20: {  	s21 =	simm.s32 @!p2 $0x1  }
0x21: {  	_ =	swait.ge @!p2 [sflag:s21], $0x80  }
0x22: {  	[sflag:s21] =	ssyncset.done @!p2 $0x0  }
0x23: {  	[sflag:s21] =	ssyncadd.s32 @!p2 $0xFFFFFF80  }
0x24: {  	s22 =	sadd.s32 @!p2 $0x0, s4;
	s23 =	simm.s32 @!p2 $0x100;
	_ =	swait.ge @!p2 [sflag:s21], $0x4000  }
0x25: {  	s24 =	simm.s32 @!p2 $0x3;
	s25 =	simm.s32 @!p2 $0x80;
	[sflag:s21] =	ssyncset.done @!p2 $0x0  }
0x26: {  	s26 =	simm.s32 @!p2 $0x0;
	s22 =	sadd.s32 @!p2 $0x20, s22;
	[sflag:s21] =	ssyncadd.s32 @!p2 $0xFFFFC000  }
0x27: {  	[spmem:s2] =	stream.indirect.scatter.add.f32 @!p2 [tilespmem:s23], [sflag:$0x3], $0x80, s26, s25, $0xb8;
	[tilespmem:$0x1B980] =	vst v63  }
0x28: {  	p3 =	sge.u32 @!p2 s22, s6;
	_ =	swait.ge @!p2 [sflag:s24], $0x4000  }
0x29: {  	p3 =	por p3, p2;
	s0 =	sadd.s32 $0x10, s19;
	[sflag:s24] =	ssyncset.done @!p2 $0x0  }
0x2a: {  	s21 =	simm.s32 @!p3 $0x0;
	[sflag:s24] =	ssyncadd.s32 @!p2 $0xFFFFC000;
	p2 =	sge.u32 s0, s6  }
0x2b: {  	[tilespmem:s21], [sflag:$0x1] =	stream.linear.gather @!p3 [hbm4b:s15+s21], $0x80, $0x38;
	[tilespmem:$0x1B980] =	vst v63  }
0x2c: {  	s30 =	sadd.s32 $0x20, s4;
	s0 =	simm.s32 @!p3 $0x100;
	s22 =	simm.s32 @!p2 $0x2  }
0x2d: {  	[tilespmem:s0], [sflag:$0x1] =	stream.linear.gather @!p3 [hbm4b:s16+s21], $0x4000, $0x38;
	[tilespmem:$0x1B980] =	vst v63  }
0x2e: {  	s29 =	smov.u32 s13;
	s23 =	simm.s32 $0x20;
	_ =	swait.ge @!p2 [sflag:s22], $0x80  }
0x2f: {  	s26 =	simm.s32 $0x40;
	s25 =	sadd.s32 $0x200, s15;
	[sflag:s22] =	ssyncset.done @!p2 $0x0  }
0x30: {  	s24 =	sadd.s32 $0x10000, s16;
	s0 =	sadd.s32 @!p2 $0x0, s4;
	[sflag:s22] =	ssyncadd.s32 @!p2 $0xFFFFFF80  }
0x31: {  	s28 =	simm.s32 @!p2 $0x4100;
	s0 =	sadd.s32 @!p2 $0x30, s0;
	_ =	swait.ge @!p2 [sflag:s22], $0x4000  }
0x32: {  	s21 =	sadd.s32 $0x10000, s14;
	p3 =	sge.u32 @!p2 s0, s6;
	[sflag:s22] =	ssyncset.done @!p2 $0x0  }
0x33: {  	s0 =	simm.s32 @!p2 $0x80;
	p5 =	por p3, p2;
	[sflag:s22] =	ssyncadd.s32 @!p2 $0xFFFFC000  }
0x34: {  	[spmem:s2] =	stream.indirect.scatter.add.f32 @!p2 [tilespmem:s28], [sflag:$0x3], $0x80, s0, s0, $0xb8;
	[tilespmem:$0x1B980] =	vst v63  }
0x35: {  	p3 =	sge.u32 s30, s6;
	s31 =	simm.s32 @!p5 $0x0;
	s0 =	simm.s32 @!p2 $0x3  }
0x36: {  	s22 =	sadd.s32 $0x200, s13;
	s28 =	smov.u32 s14;
	_ =	swait.ge @!p2 [sflag:s0], $0x4000  }
.LBB2_2:
0x37: {  	s30 =	sadd.s32 $0x10, s30  }
0x38: {  	[sflag:s0] =	ssyncset.done @!p2 $0x0;
	s1 =	simm.s32 @!p5 $0x80;
	s19 =	smov.u32 s26  }
0x39: {  	s26 =	sadd.s32 $0x20, s26;
	s3 =	sadd.s32 @!p3 s23, s4;
	[sflag:s0] =	ssyncadd.s32 @!p2 $0xFFFFC000  }
0x3a: {  	[tilespmem:s1], [sflag:$0x2] =	stream.linear.gather @!p5 [hbm4b:s29+s31], $0x80, $0x38;
	[tilespmem:$0x1B980] =	vst v63  }
0x3b: {  	s0 =	simm.s32 @!p3 $0x1;
	s1 =	sadd.s32 @!p3 $0x20, s3;
	s3 =	simm.s32 @!p5 $0x4100  }
0x3c: {  	[tilespmem:s3], [sflag:$0x2] =	stream.linear.gather @!p5 [hbm4b:s28+s31], $0x4000, $0x38;
	[tilespmem:$0x1B980] =	vst v63  }
0x3d: {  	p4 =	sne.s32 s26, $0x280;
	p2 =	sge.u32 @!p3 s1, s6;
	_ =	swait.ge @!p3 [sflag:s0], $0x80  }
0x3e: {  	s29 =	smov.u32 s22;
	s28 =	smov.u32 s21;
	[sflag:s0] =	ssyncset.done @!p3 $0x0  }
0x3f: {  	s1 =	simm.s32 @!p3 $0x100;
	s3 =	simm.s32 @!p3 $0x3;
	[sflag:s0] =	ssyncadd.s32 @!p3 $0xFFFFFF80  }
0x40: {  	s5 =	simm.s32 @!p3 $0x0;
	s31 =	simm.s32 @!p3 $0x80;
	_ =	swait.ge @!p3 [sflag:s0], $0x4000  }
0x41: {  	[sflag:s0] =	ssyncset.done @!p3 $0x0  }
0x42: {  	p5 =	por p2, p3;
	[sflag:s0] =	ssyncadd.s32 @!p3 $0xFFFFC000  }
0x43: {  	[spmem:s2] =	stream.indirect.scatter.add.f32 @!p3 [tilespmem:s1], [sflag:$0x3], $0x80, s5, s31, $0xb8;
	[tilespmem:$0x1B980] =	vst v63  }
0x44: {  	s0 =	simm.s32 @!p5 $0x0;
	_ =	swait.ge @!p3 [sflag:s3], $0x4000  }
0x45: {  	[sflag:s3] =	ssyncset.done @!p3 $0x0  }
0x46: {  	p2 =	sge.u32 s30, s6;
	[sflag:s3] =	ssyncadd.s32 @!p3 $0xFFFFC000  }
0x47: {  	[tilespmem:s0], [sflag:$0x1] =	stream.linear.gather @!p5 [hbm4b:s25+s0], $0x80, $0x38;
	[tilespmem:$0x1B980] =	vst v63  }
0x48: {  	s1 =	simm.s32 @!p5 $0x100;
	s3 =	sadd.s32 @!p2 s23, s4;
	s23 =	smov.u32 s19  }
0x49: {  	s5 =	simm.s32 @!p2 $0x2;
	s3 =	sadd.s32 @!p2 $0x30, s3  }
0x4a: {  	[tilespmem:s1], [sflag:$0x1] =	stream.linear.gather @!p5 [hbm4b:s24+s0], $0x4000, $0x38;
	[tilespmem:$0x1B980] =	vst v63  }
0x4b: {  	p3 =	sge.u32 @!p2 s3, s6;
	_ =	swait.ge @!p2 [sflag:s5], $0x80  }
0x4c: {  	s21 =	sadd.s32 $0x10000, s21;
	s24 =	sadd.s32 $0x10000, s24;
	[sflag:s5] =	ssyncset.done @!p2 $0x0  }
0x4d: {  	s25 =	sadd.s32 $0x200, s25;
	s3 =	simm.s32 @!p2 $0x4100;
	[sflag:s5] =	ssyncadd.s32 @!p2 $0xFFFFFF80  }
.Ltmp0:
0x4e: {  	s1 =	simm.s32 @!p2 $0x80;
	_ =	swait.ge @!p2 [sflag:s5], $0x4000;
	(pc) =	sbr.rel @p4 .LBB2_2-.Ltmp0, $4  }
0x4f: {  	s22 =	sadd.s32 $0x200, s22;
	s30 =	sadd.s32 s23, s4;
	[sflag:s5] =	ssyncset.done @!p2 $0x0  }
0x50: {  	s0 =	simm.s32 @!p2 $0x3;
	p5 =	por p3, p2;
	[sflag:s5] =	ssyncadd.s32 @!p2 $0xFFFFC000  }
0x51: {  	[spmem:s2] =	stream.indirect.scatter.add.f32 @!p2 [tilespmem:s3], [sflag:$0x3], $0x80, s1, s1, $0xb8;
	[tilespmem:$0x1B980] =	vst v63  }
0x52: {  	p3 =	sge.u32 s30, s6;
	s31 =	simm.s32 @!p5 $0x0;
	_ =	swait.ge @!p2 [sflag:s0], $0x4000  }
0x53: {  	[sflag:s0] =	ssyncset.done @!p2 $0x0  }
0x54: {  	s1 =	simm.s32 @!p5 $0x80;
	[sflag:s0] =	ssyncadd.s32 @!p2 $0xFFFFC000  }
0x55: {  	[tilespmem:s1], [sflag:$0x2] =	stream.linear.gather @!p5 [hbm4b:s29+s31], $0x80, $0x38;
	[tilespmem:$0x1B980] =	vst v63  }
0x56: {  	s0 =	simm.s32 @!p3 $0x1;
	s1 =	simm.s32 @!p5 $0x4100  }
0x57: {  	[tilespmem:s1], [sflag:$0x2] =	stream.linear.gather @!p5 [hbm4b:s28+s31], $0x4000, $0x38;
	[tilespmem:$0x1B980] =	vst v63  }
0x58: {  	_ =	swait.ge @!p3 [sflag:s0], $0x80  }
0x59: {  	[sflag:s0] =	ssyncset.done @!p3 $0x0  }
0x5a: {  	[sflag:s0] =	ssyncadd.s32 @!p3 $0xFFFFFF80  }
0x5b: {  	s3 =	simm.s32 @!p3 $0x100;
	s5 =	simm.s32 @!p3 $0x3;
	_ =	swait.ge @!p3 [sflag:s0], $0x4000  }
0x5c: {  	s19 =	simm.s32 @!p3 $0x80;
	s1 =	sadd.s32 @!p3 s23, s4;
	[sflag:s0] =	ssyncset.done @!p3 $0x0  }
0x5d: {  	s26 =	simm.s32 @!p3 $0x0;
	s1 =	sadd.s32 @!p3 $0x20, s1;
	[sflag:s0] =	ssyncadd.s32 @!p3 $0xFFFFC000  }
0x5e: {  	[spmem:s2] =	stream.indirect.scatter.add.f32 @!p3 [tilespmem:s3], [sflag:$0x3], $0x80, s26, s19, $0xb8;
	[tilespmem:$0x1B980] =	vst v63  }
0x5f: {  	p2 =	sge.u32 @!p3 s1, s6;
	_ =	swait.ge @!p3 [sflag:s5], $0x4000  }
0x60: {  	s31 =	sadd.s32 $0x10, s30;
	p4 =	por p2, p3;
	[sflag:s5] =	ssyncset.done @!p3 $0x0  }
0x61: {  	p2 =	sge.u32 s31, s6;
	s1 =	simm.s32 @!p4 $0x0;
	[sflag:s5] =	ssyncadd.s32 @!p3 $0xFFFFC000  }
0x62: {  	[tilespmem:s1], [sflag:$0x1] =	stream.linear.gather @!p4 [hbm4b:s25+s1], $0x80, $0x38;
	[tilespmem:$0x1B980] =	vst v63  }
0x63: {  	s0 =	simm.s32 @!p4 $0x100;
	s3 =	simm.s32 @!p2 $0x2  }
0x64: {  	[tilespmem:s0], [sflag:$0x1] =	stream.linear.gather @!p4 [hbm4b:s24+s1], $0x4000, $0x38;
	[tilespmem:$0x1B980] =	vst v63  }
0x65: {  	_ =	swait.ge @!p2 [sflag:s3], $0x80  }
0x66: {  	[sflag:s3] =	ssyncset.done @!p2 $0x0  }
0x67: {  	[sflag:s3] =	ssyncadd.s32 @!p2 $0xFFFFFF80  }
0x68: {  	s5 =	simm.s32 @!p2 $0x4100;
	_ =	swait.ge @!p2 [sflag:s3], $0x4000  }
0x69: {  	s0 =	sadd.s32 @!p2 s23, s4;
	s1 =	simm.s32 @!p2 $0x80;
	[sflag:s3] =	ssyncset.done @!p2 $0x0  }
0x6a: {  	s0 =	sadd.s32 @!p2 $0x30, s0;
	[sflag:s3] =	ssyncadd.s32 @!p2 $0xFFFFC000;
	s3 =	simm.s32 @!p2 $0x3  }
0x6b: {  	[spmem:s2] =	stream.indirect.scatter.add.f32 @!p2 [tilespmem:s5], [sflag:$0x3], $0x80, s1, s1, $0xb8;
	[tilespmem:$0x1B980] =	vst v63  }
0x6c: {  	p3 =	sge.u32 @!p2 s0, s6;
	_ =	swait.ge @!p2 [sflag:s3], $0x4000  }
0x6d: {  	s20 =	sadd.s32 $0x1, s20;
	p3 =	por p3, p2;
	[sflag:s3] =	ssyncset.done @!p2 $0x0  }
0x6e: {  	s0 =	simm.s32 @!p3 $0x0;
	s1 =	simm.s32 @!p3 $0x80;
	[sflag:s3] =	ssyncadd.s32 @!p2 $0xFFFFC000  }
0x6f: {  	[tilespmem:s1], [sflag:$0x2] =	stream.linear.gather @!p3 [hbm4b:s22+s0], $0x80, $0x38;
	[tilespmem:$0x1B980] =	vst v63  }
0x70: {  	p2 =	sne.s32 s20, s12;
	s1 =	simm.s32 @!p3 $0x4100  }
0x71: {  	[tilespmem:s1], [sflag:$0x2] =	stream.linear.gather @!p3 [hbm4b:s21+s0], $0x4000, $0x38;
	[tilespmem:$0x1B980] =	vst v63  }
.Ltmp1:
0x72: {  	s0 =	simm.s32 @!p0 $0x3;
	[bflag:$0x0] =	sbarrier.arrive $0xFFFF;
	(pc) =	sbr.rel @p2 .LBB2_1-.Ltmp1, $4  }
0x73: {  	[hbm:s11], [sflag:s17] =	dma.local @!p0 [spmem:s18], $0x3E80  }
0x74: {  	_ =	swait.ge @!p0 [sflag:s0], $0x3E80  }
0x75: {  	[sflag:s0] =	ssyncset.done @!p0 $0x0  }
0x76: {  	[sflag:s0] =	ssyncadd.s32 @!p0 $0xFFFFC180  }
0x77: {  	_ =	sfence.sel $0x180000  }
0x78: {  	[bflag:$0x0] =	sbarrier.arrive $0xFFFF  }
0x79: {  	_ =	strace $0x90000050  }
0x7a: {  	s0 =	stileid.u32;
	[bflag:$0x2] =	sbarrier.arrive $0xFFFF  }
0x7b: {  	p0 =	sne.s32 s0, $0x0;
	s0 =	rddreg [dreg:$0x3]  }
0x7c: {  	s0 =	sadd.s32 @!p0 $0x100000, s0  }
0x7d: {  	[sflag:s0] =	ssyncadd.tile.s32 @!p0 $0x1;
	_ =	shalt  }
.Lfunc_end2:
_tile_overlayer_lowered:
.L_overlay_start_2:
0x7e: {  	(tag) =	ssettag $0x2  }
0x7f: {  	s0 =	rddreg [dreg:$0x0];
	s2 =	stileid.u32  }
0x80: {  	s1 =	rddreg [dreg:$0x1];
	p0 =	sne.s32 s2, $0x0  }
0x81: {  	s3 =	rddreg [dreg:$0x2];
	[bflag:$0x3] =	sbarrier.arrive $0xFFFF;
	s2 =	simm.s32 @!p0 $0x1C03  }
0x82: {  	[timem:s3], [sflag:s2] =	dma.local @!p0 [hbm:s0], s1  }
0x83: {  	s0 =	simm.s32 @!p0 $0x3  }
0x84: {  	_ =	swait.ge @!p0 [sflag:s0], s1  }
0x85: {  	s1 =	ssub.s32 @!p0 $0x0, s1;
	[sflag:s0] =	ssyncset.done @!p0 $0x0  }
0x86: {  	[sflag:s0] =	ssyncadd.s32 @!p0 s1  }
0x87: {  	[bflag:$0x3] =	sbarrier.arrive $0xFFFF  }
0x88: {  	_ =	shalt  }

// kernel: kernel.21.cloned.1.call-start
scs
__scs_entry_jumppad:
0x0: {  	(pc) =	sbr.rel $0x88, $3  }
0x1: {  	(tag) =	ssettag $0x0;
	lr =	simm.s32 $0x1  }
0x2: {  	[smem:$0x3F99] =	sst lr;
	_ =	strace $0xD0000000  }
0x3: {  	_ = 	snop  }
0x4: {  	_ = 	snop  }
0x5: {  	_ = 	snop  }
0x6: {  	_ = 	snop  }
0x7: {  	_ = 	snop  }
__scs_overlays_trampoline_lowered:
0x8: {  	[smem:$0x3FA8] =	sst s0  }
0x9: {  	[smem:$0x3FA9] =	sst s1  }
0xa: {  	[smem:$0x3FAA] =	sst s2  }
0xb: {  	[smem:$0x3FAB] =	sst s3  }
0xc: {  	[smem:$0x3FAC] =	sst s4  }
0xd: {  	[smem:$0x3FAD] =	sst s5  }
0xe: {  	[smem:$0x3FAE] =	sst s6  }
0xf: {  	[smem:$0x3FAF] =	sst s7  }
0x10: {  	[smem:$0x3FB0] =	sst s8  }
0x11: {  	[smem:$0x3FB1] =	sst s9;
	s0 =	simm.s32 @!p0 $0x0  }
0x12: {  	s1 =	sld [smem:$0x3F97];
	s0 =	simm.s32 @p0 $0x1  }
0x13: {  	[smem:$0x3FB2] =	sst s0;
	s0 =	simm.s32 @!p1 $0x0  }
0x14: {  	s2 =	sld [smem:$0x3F96];
	s0 =	simm.s32 @p1 $0x1  }
0x15: {  	[smem:$0x3FB3] =	sst s0;
	s0 =	simm.s32 @!p2 $0x0  }
0x16: {  	s3 =	sld [smem:$0x3FDB];
	s0 =	simm.s32 @p2 $0x1  }
0x17: {  	s4 =	simm.s32 $0x1BF5;
	[smem:$0x3FB5] =	sst s0  }
0x18: {  	s0 =	sld [smem:$0x3F98];
	_ =	swait.ge [sflag:s4], $0x0  }
0x19: {  	s7 =	sld [smem:$0x3F99]  }
0x1a: {  	s8 =	sadd.s32 $0xFFFFE003, lr  }
0x1b: {  	s9 =	sadd.s32 $0xFFFFFEF7, lr;
	s5 =	simm.s32 $0xFFFFFFFF;
	p2 =	slt.u32 s8, $0xFFFFF086  }
0x1c: {  	p1 =	slt.u32 s9, $0xF7A;
	s5 =	simm.s32 @!p2 $0x0  }
0x1d: {  	s5 =	simm.s32 @p1 $0x1;
	p0 =	seq.s32 s7, s2  }
0x1e: {  	s7 =	smul.u32 @!p0 $0xF7A, s2;
	p2 =	seq.s32 @!p0 s5, $0x0  }
0x1f: {  	s9 =	smul.u32 $0xF7A, s1;
	s8 =	simm.s32 @!p0 $0x1BF5;
	p2 =	por !p2, p0  }
0x20: {  	[sflag:s8] =	ssyncset.s32 @!p0 $0xFFFFF086;
	s6 =	sadd.s32 @!p0 s3, s7;
	s7 =	simm.s32 @!p0 $0x108  }
0x21: {  	s3 =	sadd.s32 s3, s9;
	s6 =	sadd.s32 @!p0 $0x88, s6;
	s7 =	simm.s32 @p2 $0x1082  }
0x22: {  	[simem:s7], [sflag:s8] =	dma.local @!p0 [hbm:s6], $0xF7A  }
0x23: {  	s9 =	sor.u32 $0xD0000000, s2;
	s6 =	simm.s32 $0x108;
	_ =	swait.ge @!p0 [sflag:s8], $0x0  }
0x24: {  	s3 =	sadd.s32 $0x88, s3;
	s6 =	simm.s32 @!p1 $0x1082;
	[sflag:s4] =	ssyncset.s32 $0xFFFFF086  }
0x25: {  	[simem:s6], [sflag:s4] =	dma.local [hbm:s3], $0xF7A  }
0x26: {  	[smem:$0x3F99] =	sst s1;
	(tag) =	ssettag s2;
	_ =	strace s9  }
0x27: {  	s1 =	sld [smem:$0x3FA9]  }
0x28: {  	s2 =	sld [smem:$0x3FAA]  }
0x29: {  	s4 =	sld [smem:$0x3FAC]  }
0x2a: {  	p0 =	seq.s32 s5, $0x0;
	s5 =	sld [smem:$0x3FAD]  }
0x2b: {  	s6 =	sld [smem:$0x3FAE]  }
0x2c: {  	s7 =	sld [smem:$0x3FAF]  }
0x2d: {  	s3 =	simm.s32 $0x108;
	s8 =	sld [smem:$0x3FB0]  }
0x2e: {  	s3 =	simm.s32 @!p0 $0x1082;
	s9 =	sld [smem:$0x3FB1]  }
0x2f: {  	lr =	sadd.s32 s0, s3;
	s0 =	sld [smem:$0x3FA8]  }
0x30: {  	s3 =	sld [smem:$0x3FAB]  }
0x31: {  	[smem:$0x3FB4] =	sst s10  }
0x32: {  	s10 =	sld [smem:$0x3FB2];
	_ =	sdelay $0x3  }
0x33: {  	p0 =	seq.s32 s10, $0x1;
	s10 =	sld [smem:$0x3FB4];
	_ =	sdelay $0x3  }
0x34: {  	[smem:$0x3FB4] =	sst s10  }
0x35: {  	s10 =	sld [smem:$0x3FB3];
	_ =	sdelay $0x3  }
0x36: {  	p1 =	seq.s32 s10, $0x1;
	s10 =	sld [smem:$0x3FB4];
	_ =	sdelay $0x3  }
0x37: {  	[smem:$0x3FB4] =	sst s10  }
0x38: {  	s10 =	sld [smem:$0x3FB5]  }
0x39: {  	_ = 	snop;
	(pc) =	sbr.ind lr, $3  }
0x3a: {  	_ = 	snop  }
0x3b: {  	_ = 	snop  }
0x3c: {  	p2 =	seq.s32 s10, $0x1;
	s10 =	sld [smem:$0x3FB4]  }
0x3d: {  	_ =	shalt  }
0x3e: {  	_ =	shalt  }
0x3f: {  	_ =	shalt  }
0x40: {  	_ =	shalt  }
0x41: {  	_ =	shalt  }
0x42: {  	_ =	shalt  }
0x43: {  	_ =	shalt  }
0x44: {  	_ =	shalt  }
0x45: {  	_ =	shalt  }
0x46: {  	_ =	shalt  }
0x47: {  	_ =	shalt  }
0x48: {  	_ =	shalt  }
0x49: {  	_ =	shalt  }
0x4a: {  	_ =	shalt  }
0x4b: {  	_ =	shalt  }
0x4c: {  	_ =	shalt  }
0x4d: {  	_ =	shalt  }
0x4e: {  	_ =	shalt  }
0x4f: {  	_ =	shalt  }
0x50: {  	_ =	shalt  }
0x51: {  	_ =	shalt  }
0x52: {  	_ =	shalt  }
0x53: {  	_ =	shalt  }
0x54: {  	_ =	shalt  }
0x55: {  	_ =	shalt  }
0x56: {  	_ =	shalt  }
0x57: {  	_ =	shalt  }
0x58: {  	_ =	shalt  }
0x59: {  	_ =	shalt  }
0x5a: {  	_ =	shalt  }
0x5b: {  	_ =	shalt  }
0x5c: {  	_ =	shalt  }
0x5d: {  	_ =	shalt  }
0x5e: {  	_ =	shalt  }
0x5f: {  	_ =	shalt  }
0x60: {  	_ =	shalt  }
0x61: {  	_ =	shalt  }
0x62: {  	_ =	shalt  }
0x63: {  	_ =	shalt  }
0x64: {  	_ =	shalt  }
0x65: {  	_ =	shalt  }
0x66: {  	_ =	shalt  }
0x67: {  	_ =	shalt  }
0x68: {  	_ =	shalt  }
0x69: {  	_ =	shalt  }
0x6a: {  	_ =	shalt  }
0x6b: {  	_ =	shalt  }
0x6c: {  	_ =	shalt  }
0x6d: {  	_ =	shalt  }
0x6e: {  	_ =	shalt  }
0x6f: {  	_ =	shalt  }
0x70: {  	_ =	shalt  }
0x71: {  	_ =	shalt  }
0x72: {  	_ =	shalt  }
0x73: {  	_ =	shalt  }
0x74: {  	_ =	shalt  }
0x75: {  	_ =	shalt  }
0x76: {  	_ =	shalt  }
0x77: {  	_ =	shalt  }
0x78: {  	_ =	shalt  }
0x79: {  	_ =	shalt  }
0x7a: {  	_ =	shalt  }
0x7b: {  	_ =	shalt  }
0x7c: {  	_ =	shalt  }
0x7d: {  	_ =	shalt  }
0x7e: {  	_ =	shalt  }
0x7f: {  	_ =	shalt  }
0x80: {  	_ =	shalt  }
0x81: {  	_ =	shalt  }
0x82: {  	_ =	shalt  }
0x83: {  	_ =	shalt  }
0x84: {  	_ =	shalt  }
0x85: {  	_ =	shalt  }
0x86: {  	_ =	shalt  }
0x87: {  	_ =	shalt  }
.Lfunc_end0:
.L_simem_size_0:
called_computation.3_lowered:
.L_overlay_start_0:
0x88: {  	s2 =	sld [smem:$0x3FD9]  }
0x89: {  	s3 =	sld [smem:$0x3FFE];
	_ =	sdelay $0x1  }
0x8a: {  	s1 =	srdreg.scid  }
0x8b: {  	s0 =	sand.u32 $0x1, s1  }
0x8c: {  	s17 =	sshll.u32 s0, $0xA;
	s2 =	sadd.s32 s3, s2  }
0x8d: {  	s2 =	sadd.s32 s2, s17  }
0x8e: {  	[smem:$0x3FC0] =	sst s2  }
0x8f: {  	_ = 	snop  }
0x90: {  	s2 =	sld [smem:$0x3FD0];
	(tm) =	ssettm $0x1  }
0x91: {  	s18 =	sld [smem:$0x3FFB];
	_ =	sdelay $0x3  }
0x92: {  	_ =	strace s18  }
0x93: {  	s3 =	sld [smem:$0x3FFC];
	_ =	sdelay $0x3  }
0x94: {  	_ =	strace s3  }
0x95: {  	s3 =	sld [smem:$0x3FFD];
	_ =	sdelay $0x3  }
0x96: {  	_ =	strace s3  }
0x97: {  	_ =	strace $0x8FFFFFFF  }
0x98: {  	s19 =	sld [smem:$0x3FDB];
	_ =	sdelay $0x1  }
0x99: {  	s4 =	simm.s32 $_scs_section_size  }
0x9a: {  	s5 =	simm.s32 $_size__tile_overlayer_lowered;
	s6 =	simm.s32 $_tile_overlayer_lowered  }
0x9b: {  	s22 =	simm.s32 $0x1BFF;
	s21 =	sshll.u32 s6, $0x1;
	s3 =	sadd.s32 s4, s19  }
0x9c: {  	s7 =	simm.s32 $0x0;
	s20 =	sshll.u32 s5, $0x1;
	s5 =	sadd.s32 s21, s3  }
0x9d: {  	[timem:s7], [sflag:s22] =	dma.local [hbm:s5], s20  }
0x9e: {  	_ =	swait.ge [sflag:s22], s20  }
0x9f: {  	s4 =	ssub.s32 $0x0, s20;
	[sflag:s22] =	ssyncset.done $0x0  }
0xa0: {  	[sflag:s22] =	ssyncadd.s32 s4;
	_ =	sdelay $0x1  }
0xa1: {  	s23 =	simm.s32 $0x1B8B  }
0xa2: {  	_ =	swait.ge [sflag:s23], $0x1  }
0xa3: {  	[sflag:s23] =	ssyncset.done $0x0  }
0xa4: {  	s25 =	simm.s32 $0x1B8E;
	s24 =	sld [smem:$0x3FFE];
	[sflag:s23] =	ssyncadd.s32 $0xFFFFFFFF  }
0xa5: {  	s26 =	simm.s32 $execute0_lowered;
	[smem:$0x3FD2] =	sst s25  }
0xa6: {  	s5 =	sshll.u32 s26, $0x1;
	_ =	strace $0x8000004C;
	[dreg:$0x1] =	wrdreg $0xFFFFFFFF  }
0xa7: {  	s28 =	simm.s32 $_size_execute0_lowered;
	s3 =	sadd.s32 s3, s5;
	[dreg:$0x0] =	wrdreg $0x0  }
0xa8: {  	s5 =	sshll.u32 s28, $0x1;
	[dreg:$0x2] =	wrdreg s3  }
0xa9: {  	[dreg:$0x3] =	wrdreg s5  }
0xaa: {  	[dreg:$0x4] =	wrdreg $0xC0  }
0xab: {  	_ =	task [dreg:s7], $0x5FFFF  }
0xac: {  	[dreg:$0x1] =	wrdreg $0xFFFFFFFF  }
0xad: {  	[dreg:$0x0] =	wrdreg $0x60  }
0xae: {  	[dreg:$0x2] =	wrdreg s24  }
0xaf: {  	[dreg:$0x3] =	wrdreg s2  }
0xb0: {  	[dreg:$0x4] =	wrdreg $0x81000  }
0xb1: {  	[dreg:$0x5] =	wrdreg $0xA  }
0xb2: {  	_ =	task.clear_ibuf [dreg:s7], $0x6FFFF;
	_ =	strace $0x9000004C  }
0xb3: {  	s29 =	simm.s32 $0xA;
	_ =	strace $0x8000004E  }
0xb4: {  	_ =	swait.ge [sflag:s29], $0x1  }
0xb5: {  	[sflag:s29] =	ssyncadd.s32 $0xFFFFFFFF  }
0xb6: {  	_ =	strace $0x9000004E  }
0xb7: {  	_ =	sfence  }
0xb8: {  	s30 =	sld [smem:$0x0];
	_ =	sdelay $0x2  }
0xb9: {  	s31 =	sshll.u32 s1, $0xD;
	s1 =	sshrl.u32 s1, $0x2  }
0xba: {  	s3 =	sand.u32 $0x4000, s31;
	s1 =	sadd.s32 s1, s30  }
0xbb: {  	s0 =	sor.u32 s3, s0;
	s1 =	sshll.u32 s1, $0x11  }
0xbc: {  	s0 =	sor.u32 s1, s0  }
0xbd: {  	s0 =	sadd.s32 $0x8F2B, s0  }
0xbe: {  	[sflag:s0] =	ssyncadd.remote.s32 $0x1  }
0xbf: {  	_ =	sfence.sel $0xFFFF  }
0xc0: {  	[dreg:$0x0] =	wrdreg $0xFFFFFFFF;
	(pc) =	sbr.abs _section_cstart, $3  }
0xc1: {  	[dreg:$0x1] =	wrdreg $0xFFFFFFFF  }
0xc2: {  	_ =	task.clear_ibuf [dreg:s7], $0x2FFFF;
	_ =	strace $0x9FFFFFFF  }
0xc3: {  	(tm) =	ssettm $0x7FFFFFFF  }
tec
execute0_lowered:
.L_overlay_start_1:
0x0: {  	(tag) =	ssettag $0x1  }
0x1: {  	s7 =	rddreg [dreg:$0x0]  }
0x2: {  	s4 =	rddreg [dreg:$0x1];
	s0 =	srdreg.scid  }
0x3: {  	s2 =	rddreg [dreg:$0x2];
	s5 =	sand.u32 $0x1, s0  }
0x4: {  	s0 =	stileid.u32;
	s6 =	smul.u32 $0x2710, s5  }
0x5: {  	s3 =	simm.s32 $0x0;
	s19 =	simm.s32 $0x0;
	s8 =	smul.u32 $0x3E80, s0  }
0x6: {  	[smem:$0x7FF] =	sst s3;
	s10 =	sadd.s32 $0xA04400, s7;
	s9 =	smul.u32 $0x27100, s5  }
0x7: {  	s26 =	sadd.s32 $0x14220, s7;
	_ =	strace $0x8000004D;
	s24 =	smul.u32 $0x7D000, s0  }
0x8: {  	s11 =	ssub.s32 $0x2, s5;
	s14 =	smul.u32 $0x271, s5;
	p0 =	sgt.u32 s0, $0x9  }
0x9: {  	s31 =	sshll.u32 s0, $0x4;
	s12 =	sshrl.u32 s11, $0x1;
	s16 =	sshll.u32 @!p0 s0, $0x6  }
0xa: {  	s13 =	sadd.s32 s6, s7;
	s9 =	sadd.s32 s8, s9;
	s6 =	sshrl.u32 s24, $0x2  }
0xb: {  	s12 =	ssub.s32 s11, s12;
	s4 =	sadd.s32 s4, s8;
	s5 =	sadd.s32 $0x271, s14  }
0xc: {  	s16 =	sor.u32 @!p0 $0x1C03, s16;
	s15 =	sadd.s32 s9, s7;
	s17 =	sadd.s32 s6, s2  }
0xd: {  	s6 =	sadd.s32 s0, s14;
	s12 =	smax.u32 s12, $0x1;
	s13 =	sadd.s32 s31, s13  }
0xe: {  	s25 =	sshll.u32 s6, $0x4;
	s18 =	sadd.s32 $0x10, s6;
	s28 =	sshll.u32 s6, $0xB  }
0xf: {  	s11 =	sadd.s32 $0x19200, s15;
	s13 =	sadd.s32 $0x14520, s13;
	s17 =	sshrl.u32 @!p0 s17, $0x3  }
0x10: {  	s7 =	sadd.s32 s25, s26;
	s29 =	sshll.u32 s18, $0x4;
	s8 =	sadd.s32 s10, s28  }
0x11: {  	s30 =	sshll.u32 s18, $0xB;
	p1 =	sge.u32 s18, s5;
	s9 =	sadd.s32 s29, s26  }
0x12: {  	s10 =	sadd.s32 s10, s30;
	s14 =	sadd.s32 $0x18000, s8;
	s15 =	sadd.s32 $0x10000, s8  }
.LBB2_1:
0x13: {  	[spmem:s17], [sflag:s16] =	dma.local @!p0 [hbm:s4], $0x3E80  }
0x14: {  	s20 =	simm.s32 @!p0 $0x3  }
0x15: {  	_ =	swait.ge @!p0 [sflag:s20], $0x3E80  }
0x16: {  	[sflag:s20] =	ssyncset.done @!p0 $0x0  }
0x17: {  	[sflag:s20] =	ssyncadd.s32 @!p0 $0xFFFFC180  }
0x18: {  	[bflag:$0x0] =	sbarrier.arrive $0xFFFF  }
0x19: {  	[tilespmem:s3], [sflag:$0x1] =	stream.linear.gather [hbm4b:s7+s3], $0x80, $0x38;
	[tilespmem:$0x1B980] =	vst v63  }
0x1a: {  	s0 =	simm.s32 $0x100  }
0x1b: {  	[tilespmem:s0], [sflag:$0x1] =	stream.linear.gather [hbm4b:s8+s3], $0x4000, $0x38;
	[tilespmem:$0x1B980] =	vst v63  }
0x1c: {  	s21 =	simm.s32 @!p1 $0x80;
	s31 =	sadd.s32 $0x0, s6;
	s20 =	simm.s32 @!p1 $0x0  }
0x1d: {  	[tilespmem:s21], [sflag:$0x2] =	stream.linear.gather @!p1 [hbm4b:s9+s20], $0x80, $0x38;
	[tilespmem:$0x1B980] =	vst v63  }
0x1e: {  	p2 =	sge.u32 s31, s5;
	s21 =	simm.s32 @!p1 $0x4100  }
0x1f: {  	[tilespmem:s21], [sflag:$0x2] =	stream.linear.gather @!p1 [hbm4b:s10+s20], $0x4000, $0x38;
	[tilespmem:$0x1B980] =	vst v63  }
0x20: {  	s21 =	simm.s32 @!p2 $0x1  }
0x21: {  	_ =	swait.ge @!p2 [sflag:s21], $0x80  }
0x22: {  	[sflag:s21] =	ssyncset.done @!p2 $0x0  }
0x23: {  	s28 =	sadd.s32 $0x20, s6;
	s22 =	sadd.s32 @!p2 $0x0, s6;
	[sflag:s21] =	ssyncadd.s32 @!p2 $0xFFFFFF80  }
0x24: {  	s23 =	simm.s32 @!p2 $0x3;
	s24 =	simm.s32 @!p2 $0x80;
	_ =	swait.ge @!p2 [sflag:s21], $0x4000  }
0x25: {  	s25 =	simm.s32 @!p2 $0x0;
	s22 =	sadd.s32 @!p2 $0x20, s22;
	[sflag:s21] =	ssyncset.done @!p2 $0x0  }
0x26: {  	p3 =	sge.u32 @!p2 s22, s5;
	s22 =	simm.s32 @!p2 $0x100;
	[sflag:s21] =	ssyncadd.s32 @!p2 $0xFFFFC000  }
0x27: {  	[spmem:s2] =	stream.indirect.scatter.add.f32 @!p2 [tilespmem:s22], [sflag:$0x3], $0x80, s25, s24, $0xb8;
	[tilespmem:$0x1B980] =	vst v63  }
0x28: {  	p4 =	por p3, p2;
	s20 =	sadd.s32 $0x10, s31;
	_ =	swait.ge @!p2 [sflag:s23], $0x4000  }
0x29: {  	p3 =	sge.u32 s20, s5;
	s20 =	simm.s32 @!p4 $0x100;
	[sflag:s23] =	ssyncset.done @!p2 $0x0  }
0x2a: {  	s21 =	sadd.s32 @!p4 $0xFFFFFF00, s13;
	s22 =	simm.s32 @!p4 $0x0;
	[sflag:s23] =	ssyncadd.s32 @!p2 $0xFFFFC000  }
0x2b: {  	[tilespmem:s22], [sflag:$0x1] =	stream.linear.gather @!p4 [hbm4b:s21+s22], $0x80, $0x38;
	[tilespmem:$0x1B980] =	vst v63  }
0x2c: {  	s26 =	simm.s32 @!p3 $0x4100;
	s30 =	simm.s32 @!p3 $0x3;
	s21 =	simm.s32 @!p3 $0x2  }
0x2d: {  	[tilespmem:s20], [sflag:$0x1] =	stream.linear.gather @!p4 [hbm4b:s15+s22], $0x4000, $0x38;
	[tilespmem:$0x1B980] =	vst v63  }
0x2e: {  	s24 =	simm.s32 $0x40;
	s25 =	simm.s32 @!p3 $0x80;
	_ =	swait.ge @!p3 [sflag:s21], $0x80  }
0x2f: {  	s23 =	sadd.s32 $0x10000, s15;
	s20 =	sadd.s32 @!p3 $0x0, s6;
	[sflag:s21] =	ssyncset.done @!p3 $0x0  }
0x30: {  	s22 =	simm.s32 $0x20;
	s20 =	sadd.s32 @!p3 $0x30, s20;
	[sflag:s21] =	ssyncadd.s32 @!p3 $0xFFFFFF80  }
0x31: {  	p2 =	sge.u32 @!p3 s20, s5;
	s20 =	sadd.s32 $0x10000, s14;
	_ =	swait.ge @!p3 [sflag:s21], $0x4000  }
0x32: {  	p5 =	por p2, p3;
	p2 =	sge.u32 s28, s5;
	[sflag:s21] =	ssyncset.done @!p3 $0x0  }
0x33: {  	s29 =	simm.s32 @!p5 $0x0;
	[sflag:s21] =	ssyncadd.s32 @!p3 $0xFFFFC000;
	s21 =	sadd.s32 $0x200, s13  }
0x34: {  	[spmem:s2] =	stream.indirect.scatter.add.f32 @!p3 [tilespmem:s26], [sflag:$0x3], $0x80, s25, s25, $0xb8;
	[tilespmem:$0x1B980] =	vst v63  }
0x35: {  	s26 =	smov.u32 s13;
	s25 =	smov.u32 s14;
	_ =	swait.ge @!p3 [sflag:s30], $0x4000  }
.LBB2_2:
0x36: {  	s28 =	sadd.s32 $0x10, s28  }
0x37: {  	[sflag:s30] =	ssyncset.done @!p3 $0x0;
	s31 =	simm.s32 @!p5 $0x80;
	s0 =	smov.u32 s24  }
0x38: {  	s24 =	sadd.s32 $0x20, s24;
	s1 =	sadd.s32 @!p2 s22, s6;
	[sflag:s30] =	ssyncadd.s32 @!p3 $0xFFFFC000  }
0x39: {  	[tilespmem:s31], [sflag:$0x2] =	stream.linear.gather @!p5 [hbm4b:s26+s29], $0x80, $0x38;
	[tilespmem:$0x1B980] =	vst v63  }
0x3a: {  	s30 =	simm.s32 @!p2 $0x1;
	s1 =	sadd.s32 @!p2 $0x20, s1;
	s26 =	simm.s32 @!p5 $0x4100  }
0x3b: {  	[tilespmem:s26], [sflag:$0x2] =	stream.linear.gather @!p5 [hbm4b:s25+s29], $0x4000, $0x38;
	[tilespmem:$0x1B980] =	vst v63  }
0x3c: {  	p4 =	sne.s32 s24, $0x280;
	p3 =	sge.u32 @!p2 s1, s5;
	_ =	swait.ge @!p2 [sflag:s30], $0x80  }
0x3d: {  	s25 =	smov.u32 s20;
	s26 =	smov.u32 s21;
	[sflag:s30] =	ssyncset.done @!p2 $0x0  }
0x3e: {  	s1 =	simm.s32 @!p2 $0x100;
	s29 =	simm.s32 @!p2 $0x3;
	[sflag:s30] =	ssyncadd.s32 @!p2 $0xFFFFFF80  }
0x3f: {  	s18 =	simm.s32 @!p2 $0x0;
	s31 =	simm.s32 @!p2 $0x80;
	_ =	swait.ge @!p2 [sflag:s30], $0x4000  }
0x40: {  	[sflag:s30] =	ssyncset.done @!p2 $0x0  }
0x41: {  	p5 =	por p3, p2;
	[sflag:s30] =	ssyncadd.s32 @!p2 $0xFFFFC000  }
0x42: {  	[spmem:s2] =	stream.indirect.scatter.add.f32 @!p2 [tilespmem:s1], [sflag:$0x3], $0x80, s18, s31, $0xb8;
	[tilespmem:$0x1B980] =	vst v63  }
0x43: {  	s1 =	sadd.s32 @!p5 $0xFFFFFF00, s21;
	s18 =	simm.s32 @!p5 $0x0;
	_ =	swait.ge @!p2 [sflag:s29], $0x4000  }
0x44: {  	[sflag:s29] =	ssyncset.done @!p2 $0x0  }
0x45: {  	p3 =	sge.u32 s28, s5;
	[sflag:s29] =	ssyncadd.s32 @!p2 $0xFFFFC000  }
0x46: {  	[tilespmem:s18], [sflag:$0x1] =	stream.linear.gather @!p5 [hbm4b:s1+s18], $0x80, $0x38;
	[tilespmem:$0x1B980] =	vst v63  }
0x47: {  	s28 =	sadd.s32 @!p3 s22, s6;
	s22 =	smov.u32 s0;
	s1 =	simm.s32 @!p5 $0x100  }
0x48: {  	s0 =	simm.s32 @!p3 $0x2;
	s28 =	sadd.s32 @!p3 $0x30, s28  }
0x49: {  	[tilespmem:s1], [sflag:$0x1] =	stream.linear.gather @!p5 [hbm4b:s23+s18], $0x4000, $0x38;
	[tilespmem:$0x1B980] =	vst v63  }
0x4a: {  	p2 =	sge.u32 @!p3 s28, s5;
	_ =	swait.ge @!p3 [sflag:s0], $0x80  }
0x4b: {  	s20 =	sadd.s32 $0x10000, s20;
	[sflag:s0] =	ssyncset.done @!p3 $0x0  }
0x4c: {  	s23 =	sadd.s32 $0x10000, s23;
	s1 =	simm.s32 @!p3 $0x80;
	[sflag:s0] =	ssyncadd.s32 @!p3 $0xFFFFFF80  }
.Ltmp0:
0x4d: {  	s18 =	simm.s32 @!p3 $0x4100;
	_ =	swait.ge @!p3 [sflag:s0], $0x4000;
	(pc) =	sbr.rel @p4 .LBB2_2-.Ltmp0, $4  }
0x4e: {  	s21 =	sadd.s32 $0x200, s21;
	s28 =	sadd.s32 s22, s6;
	[sflag:s0] =	ssyncset.done @!p3 $0x0  }
0x4f: {  	s30 =	simm.s32 @!p3 $0x3;
	p5 =	por p2, p3;
	[sflag:s0] =	ssyncadd.s32 @!p3 $0xFFFFC000  }
0x50: {  	[spmem:s2] =	stream.indirect.scatter.add.f32 @!p3 [tilespmem:s18], [sflag:$0x3], $0x80, s1, s1, $0xb8;
	[tilespmem:$0x1B980] =	vst v63  }
0x51: {  	p2 =	sge.u32 s28, s5;
	s29 =	simm.s32 @!p5 $0x0;
	_ =	swait.ge @!p3 [sflag:s30], $0x4000  }
0x52: {  	[sflag:s30] =	ssyncset.done @!p3 $0x0  }
0x53: {  	s0 =	simm.s32 @!p5 $0x80;
	[sflag:s30] =	ssyncadd.s32 @!p3 $0xFFFFC000  }
0x54: {  	[tilespmem:s0], [sflag:$0x2] =	stream.linear.gather @!p5 [hbm4b:s26+s29], $0x80, $0x38;
	[tilespmem:$0x1B980] =	vst v63  }
0x55: {  	s1 =	simm.s32 @!p5 $0x4100;
	s0 =	simm.s32 @!p2 $0x1  }
0x56: {  	[tilespmem:s1], [sflag:$0x2] =	stream.linear.gather @!p5 [hbm4b:s25+s29], $0x4000, $0x38;
	[tilespmem:$0x1B980] =	vst v63  }
0x57: {  	_ =	swait.ge @!p2 [sflag:s0], $0x80  }
0x58: {  	[sflag:s0] =	ssyncset.done @!p2 $0x0  }
0x59: {  	s18 =	simm.s32 @!p2 $0x3;
	[sflag:s0] =	ssyncadd.s32 @!p2 $0xFFFFFF80  }
0x5a: {  	s24 =	simm.s32 @!p2 $0x80;
	s1 =	sadd.s32 @!p2 s22, s6;
	_ =	swait.ge @!p2 [sflag:s0], $0x4000  }
0x5b: {  	s25 =	simm.s32 @!p2 $0x0;
	s1 =	sadd.s32 @!p2 $0x20, s1;
	[sflag:s0] =	ssyncset.done @!p2 $0x0  }
0x5c: {  	p3 =	sge.u32 @!p2 s1, s5;
	s1 =	simm.s32 @!p2 $0x100;
	[sflag:s0] =	ssyncadd.s32 @!p2 $0xFFFFC000  }
0x5d: {  	[spmem:s2] =	stream.indirect.scatter.add.f32 @!p2 [tilespmem:s1], [sflag:$0x3], $0x80, s25, s24, $0xb8;
	[tilespmem:$0x1B980] =	vst v63  }
0x5e: {  	p3 =	por p3, p2;
	_ =	swait.ge @!p2 [sflag:s18], $0x4000  }
0x5f: {  	s31 =	sadd.s32 $0x10, s28;
	s1 =	sadd.s32 @!p3 $0xFFFFFF00, s21;
	[sflag:s18] =	ssyncset.done @!p2 $0x0  }
0x60: {  	s24 =	simm.s32 @!p3 $0x0;
	[sflag:s18] =	ssyncadd.s32 @!p2 $0xFFFFC000;
	p2 =	sge.u32 s31, s5  }
0x61: {  	[tilespmem:s24], [sflag:$0x1] =	stream.linear.gather @!p3 [hbm4b:s1+s24], $0x80, $0x38;
	[tilespmem:$0x1B980] =	vst v63  }
0x62: {  	s0 =	simm.s32 @!p3 $0x100;
	s1 =	simm.s32 @!p2 $0x2  }
0x63: {  	[tilespmem:s0], [sflag:$0x1] =	stream.linear.gather @!p3 [hbm4b:s23+s24], $0x4000, $0x38;
	[tilespmem:$0x1B980] =	vst v63  }
0x64: {  	_ =	swait.ge @!p2 [sflag:s1], $0x80  }
0x65: {  	[sflag:s1] =	ssyncset.done @!p2 $0x0  }
0x66: {  	[sflag:s1] =	ssyncadd.s32 @!p2 $0xFFFFFF80  }
0x67: {  	s18 =	simm.s32 @!p2 $0x80;
	_ =	swait.ge @!p2 [sflag:s1], $0x4000  }
0x68: {  	s0 =	sadd.s32 @!p2 s22, s6;
	s22 =	simm.s32 @!p2 $0x4100;
	[sflag:s1] =	ssyncset.done @!p2 $0x0  }
0x69: {  	s0 =	sadd.s32 @!p2 $0x30, s0;
	[sflag:s1] =	ssyncadd.s32 @!p2 $0xFFFFC000;
	s1 =	simm.s32 @!p2 $0x3  }
0x6a: {  	[spmem:s2] =	stream.indirect.scatter.add.f32 @!p2 [tilespmem:s22], [sflag:$0x3], $0x80, s18, s18, $0xb8;
	[tilespmem:$0x1B980] =	vst v63  }
0x6b: {  	p3 =	sge.u32 @!p2 s0, s5;
	_ =	swait.ge @!p2 [sflag:s1], $0x4000  }
0x6c: {  	s19 =	sadd.s32 $0x1, s19;
	p3 =	por p3, p2;
	[sflag:s1] =	ssyncset.done @!p2 $0x0  }
0x6d: {  	s0 =	simm.s32 @!p3 $0x0;
	s18 =	simm.s32 @!p3 $0x80;
	[sflag:s1] =	ssyncadd.s32 @!p2 $0xFFFFC000  }
0x6e: {  	[tilespmem:s18], [sflag:$0x2] =	stream.linear.gather @!p3 [hbm4b:s21+s0], $0x80, $0x38;
	[tilespmem:$0x1B980] =	vst v63  }
0x6f: {  	s1 =	simm.s32 @!p3 $0x4100;
	p2 =	sne.s32 s19, s12  }
0x70: {  	[tilespmem:s1], [sflag:$0x2] =	stream.linear.gather @!p3 [hbm4b:s20+s0], $0x4000, $0x38;
	[tilespmem:$0x1B980] =	vst v63  }
.Ltmp1:
0x71: {  	s0 =	simm.s32 @!p0 $0x3;
	[bflag:$0x0] =	sbarrier.arrive $0xFFFF;
	(pc) =	sbr.rel @p2 .LBB2_1-.Ltmp1, $4  }
0x72: {  	[hbm:s11], [sflag:s16] =	dma.local @!p0 [spmem:s17], $0x3E80  }
0x73: {  	_ =	swait.ge @!p0 [sflag:s0], $0x3E80  }
0x74: {  	[sflag:s0] =	ssyncset.done @!p0 $0x0  }
0x75: {  	[sflag:s0] =	ssyncadd.s32 @!p0 $0xFFFFC180  }
0x76: {  	_ =	sfence.sel $0x180000  }
0x77: {  	[bflag:$0x0] =	sbarrier.arrive $0xFFFF  }
0x78: {  	_ =	strace $0x9000004D  }
0x79: {  	s0 =	stileid.u32;
	[bflag:$0x2] =	sbarrier.arrive $0xFFFF  }
0x7a: {  	p0 =	sne.s32 s0, $0x0;
	s0 =	rddreg [dreg:$0x3]  }
0x7b: {  	s0 =	sadd.s32 @!p0 $0x100000, s0  }
0x7c: {  	[sflag:s0] =	ssyncadd.tile.s32 @!p0 $0x1;
	_ =	shalt  }
.Lfunc_end2:
_tile_overlayer_lowered:
.L_overlay_start_2:
0x7d: {  	(tag) =	ssettag $0x2  }
0x7e: {  	s0 =	rddreg [dreg:$0x0];
	s2 =	stileid.u32  }
0x7f: {  	s1 =	rddreg [dreg:$0x1];
	p0 =	sne.s32 s2, $0x0  }
0x80: {  	s3 =	rddreg [dreg:$0x2];
	[bflag:$0x3] =	sbarrier.arrive $0xFFFF;
	s2 =	simm.s32 @!p0 $0x1C03  }
0x81: {  	[timem:s3], [sflag:s2] =	dma.local @!p0 [hbm:s0], s1  }
0x82: {  	s0 =	simm.s32 @!p0 $0x3  }
0x83: {  	_ =	swait.ge @!p0 [sflag:s0], s1  }
0x84: {  	s1 =	ssub.s32 @!p0 $0x0, s1;
	[sflag:s0] =	ssyncset.done @!p0 $0x0  }
0x85: {  	[sflag:s0] =	ssyncadd.s32 @!p0 s1  }
0x86: {  	[bflag:$0x3] =	sbarrier.arrive $0xFFFF  }
0x87: {  	_ =	shalt  }

</sc_bundles>
